<compile_context>
chip_gen: v7x
topology: tpu7x:2x2x1
jax: 0.10.2.dev20260603
libtpu: 0.0.44.dev20260713+nightly
codegen_flags: <defaults>
</compile_context>

<pallas_src>
import functools

import jax
import jax.numpy as jnp
from jax import lax
from jax.experimental import pallas as pl
from jax.experimental.pallas import tpu as pltpu
from jax.experimental.pallas import tpu_sc as plsc

B = 4
N = 8192
M = 1024
S = 16
R2 = 1.0
BM = B * M
P = BM * S



_NR = 8
_NC = N // _NR


def _fps_body(pts_ref, idx_ref, np_ref):
    pts = pts_ref[...]
    iota = (lax.broadcasted_iota(jnp.int32, (_NR, _NC), 0) * _NC
            + lax.broadcasted_iota(jnp.int32, (_NR, _NC), 1))

    def coords_of(last):
        onehot = iota[None] == last[:, None, None]
        return jnp.sum(jnp.where(onehot[:, None], pts, 0.0), axis=(2, 3))

    def dist_to(c):
        d0 = pts[:, 0] - c[:, 0, None, None]
        d1 = pts[:, 1] - c[:, 1, None, None]
        d2 = pts[:, 2] - c[:, 2, None, None]
        return (d0 * d0 + d1 * d1) + d2 * d2

    idx_ref[pl.ds(0, 1), :] = jnp.zeros((1, B), jnp.int32)

    def body(i, carry):
        dists, last = carry
        c = coords_of(last)
        np_ref[pl.ds(i - 1, 1)] = c[None]
        dists = jnp.minimum(dists, dist_to(c))
        mx = jnp.max(dists, axis=(1, 2))
        eq = dists == mx[:, None, None]
        nxt = jnp.min(jnp.where(eq, iota[None], N), axis=(1, 2)).astype(jnp.int32)
        idx_ref[pl.ds(i, 1), :] = nxt[None, :]
        return dists, nxt

    dists0 = jnp.full((B, _NR, _NC), 1e10, jnp.float32)
    last0 = jnp.zeros((B,), jnp.int32)
    _, last = lax.fori_loop(1, M, body, (dists0, last0))
    np_ref[pl.ds(M - 1, 1)] = coords_of(last)[None]


def _run_fps(points):
    idx_mb, np_mb = pl.pallas_call(
        _fps_body,
        out_shape=(
            jax.ShapeDtypeStruct((M, B), jnp.int32),
            jax.ShapeDtypeStruct((M, B, 3), jnp.float32),
        ),
    )(points.reshape(B, 3, _NR, _NC))
    return idx_mb, np_mb



_MBLK = 256


def _ballq_body(pts_ref, np_ref, ind_ref):
    pts = pts_ref[0]
    npb = np_ref[0]
    xx = jnp.sum(npb * npb, axis=1, keepdims=True)
    yy = jnp.sum(pts * pts, axis=0, keepdims=True)
    cross = jnp.dot(npb, pts, preferred_element_type=jnp.float32)
    d2 = jnp.maximum(xx + yy - 2.0 * cross, 0.0)
    iota = lax.broadcasted_iota(jnp.int32, (_MBLK, N), 1)
    cand = jnp.where(d2 < R2, iota, N)
    sels = []
    for s in range(S):
        m = jnp.min(cand, axis=1)
        sels.append(m[:, None])
        if s < S - 1:
            cand = jnp.where(cand == m[:, None], N, cand)
    sel = jnp.concatenate(sels, axis=1)
    first = sel[:, 0:1]
    first = jnp.where(first >= N, 0, first)
    sel = jnp.where(sel >= N, first, sel)
    ind_ref[0] = sel


def _run_ballq(points, new_points_bm3):
    return pl.pallas_call(
        _ballq_body,
        grid=(B, M // _MBLK),
        in_specs=[
            pl.BlockSpec((1, 3, N), lambda b, m: (b, 0, 0)),
            pl.BlockSpec((1, _MBLK, 3), lambda b, m: (b, m, 0)),
        ],
        out_specs=pl.BlockSpec((1, _MBLK, S), lambda b, m: (b, m, 0)),
        out_shape=jax.ShapeDtypeStruct((B, M, S), jnp.int32),
    )(points, new_points_bm3)



_NW = 32
_RPW = P // _NW
_CH = 128
_NCH = _RPW // _CH


def _sc_gather_body(table_hbm, ind_hbm, out_hbm, idx_v, rows_v, sem):
    wid = lax.axis_index("s") * 2 + lax.axis_index("c")
    base = wid * _NCH
    pltpu.sync_copy(ind_hbm.at[pl.ds(base, _NCH)], idx_v)
    boff = (wid // (_NW // B)) * N
    for j in range(_NCH):
        for k in range(_CH // 16):
            sl = pl.ds(k * 16, 16)
            idx_v[j, sl] = idx_v[j, sl] + boff
    copies = [
        pltpu.async_copy(table_hbm.at[idx_v.at[j]], rows_v.at[j], sem)
        for j in range(_NCH)
    ]
    for c in copies:
        c.wait()
    pltpu.sync_copy(rows_v, out_hbm.at[pl.ds(base, _NCH)])


def _run_sc_gather(table, ind_flat2d):
    mesh = plsc.VectorSubcoreMesh(core_axis_name="c", subcore_axis_name="s")
    f = functools.partial(
        pl.kernel,
        mesh=mesh,
        compiler_params=pltpu.CompilerParams(use_tc_tiling_on_sc=False),
        out_type=jax.ShapeDtypeStruct((P // _CH, _CH, 8), jnp.float32),
        scratch_types=[
            pltpu.VMEM((_NCH, _CH), jnp.int32),
            pltpu.VMEM((_NCH, _CH, 8), jnp.float32),
            pltpu.SemaphoreType.DMA,
        ],
    )(_sc_gather_body)
    return f(table, ind_flat2d)



def _mlp_body(g_ref, c_ref, w0_ref, w1_ref, w2_ref, p0_ref, p1_ref, p2_ref,
              out_ref):
    x = g_ref[...] - c_ref[...]

    def layer(x, w_ref, p_ref, cout):
        y = jnp.dot(x, w_ref[...], preferred_element_type=jnp.float32)
        y = y + p_ref[0, 0:S * cout][None, :]
        tot = jnp.zeros((1, cout), jnp.float32)
        sq = jnp.zeros((1, cout), jnp.float32)
        for s in range(S):
            blk = y[:, s * cout:(s + 1) * cout]
            tot = tot + jnp.sum(blk, axis=0, keepdims=True)
            sq = sq + jnp.sum(blk * blk, axis=0, keepdims=True)
        cnt = jnp.float32(P)
        mean = tot / cnt
        var = sq / cnt - mean * mean
        scale = p_ref[1][None, 0:cout] / jnp.sqrt(var + 1e-3)
        shift = p_ref[2][None, 0:cout] - mean * scale
        outs = []
        for s in range(S):
            blk = y[:, s * cout:(s + 1) * cout]
            outs.append(jnp.maximum(blk * scale + shift, 0.0))
        return jnp.concatenate(outs, axis=1)

    x = layer(x, w0_ref, p0_ref, 32)
    x = layer(x, w1_ref, p1_ref, 32)
    x = layer(x, w2_ref, p2_ref, 64)
    red = x[:, 0:64]
    for s in range(1, S):
        red = jnp.maximum(red, x[:, s * 64:(s + 1) * 64])
    out_ref[...] = red


def _run_mlp(g128, c128, w0bd, w1bd, w2bd, p0, p1, p2):
    return pl.pallas_call(
        _mlp_body,
        out_shape=jax.ShapeDtypeStruct((BM, 64), jnp.float32),
    )(g128, c128, w0bd, w1bd, w2bd, p0, p1, p2)



def kernel(points, features, W0, b0, gamma0, beta0, W1, b1, gamma1, beta1,
           W2, b2, gamma2, beta2):
    idx_mb, np_mb3 = _run_fps(points)
    new_points = jnp.transpose(np_mb3, (1, 2, 0))
    np_bm3 = jnp.transpose(np_mb3, (1, 0, 2))

    ind = _run_ballq(points, np_bm3)

    table = jnp.concatenate(
        [jnp.transpose(points, (0, 2, 1)),
         jnp.transpose(features, (0, 2, 1)),
         jnp.zeros((B, N, 2), jnp.float32)], axis=2).reshape(B * N, 8)
    gathered = _run_sc_gather(table, ind.reshape(P // _CH, _CH))
    g128 = gathered.reshape(BM, S * 8)

    c8 = jnp.concatenate(
        [np_bm3.reshape(BM, 3), jnp.zeros((BM, 5), jnp.float32)], axis=1)
    c128 = jnp.tile(c8, (1, S))

    eye = jnp.eye(S, dtype=jnp.float32)
    w0p = jnp.concatenate([W0, jnp.zeros((2, 32), jnp.float32)], axis=0)
    w0bd = jnp.kron(eye, w0p)
    w1bd = jnp.kron(eye, W1)
    w2bd = jnp.kron(eye, W2)

    def params(bias, gamma, beta, cout):
        biasr = jnp.tile(bias, S)
        biasr = jnp.pad(biasr, (0, S * 64 - S * cout))
        g = jnp.pad(gamma, (0, 64 - cout))
        be = jnp.pad(beta, (0, 64 - cout))
        g = jnp.pad(g[None, :], ((0, 0), (0, S * 64 - 64)))[0]
        be = jnp.pad(be[None, :], ((0, 0), (0, S * 64 - 64)))[0]
        return jnp.stack([biasr, g, be], axis=0)

    p0 = params(b0, gamma0, beta0, 32)
    p1 = params(b1, gamma1, beta1, 32)
    p2 = params(b2, gamma2, beta2, 64)

    pooled = _run_mlp(g128, c128, w0bd, w1bd, w2bd, p0, p1, p2)
    new_features = jnp.transpose(pooled.reshape(B, M, 64), (0, 2, 1))
    return new_points, new_features

# --- scband reference (transcript-rebuilt; emitter-appended) ---
"""Pipeline reference for scband-set-conv-11802570130411 (READ-ONLY COPY).

The authoritative reference and input builder live on the scoring server;
editing this copy changes nothing except your own understanding.
"""

import jax, jax.numpy as jnp
import numpy as np

NUM_POINTS = 1024
RADIUS = 1.0
NUM_SAMPLES = 16
B, N, C_IN = 4, 8192, 3
CHANS = [C_IN + 3, 32, 32, 64]


def setup_inputs(seed: int = 0):
    key = jax.random.key(seed)
    ks = jax.random.split(key, 8)
    inp = {}
    inp["points"] = jax.random.normal(ks[0], (B, 3, N), dtype=jnp.float32)
    inp["features"] = jax.random.normal(ks[1], (B, C_IN, N), dtype=jnp.float32)
    for i in range(3):
        cin, cout = CHANS[i], CHANS[i + 1]
        inp[f"W{i}"] = jax.random.normal(ks[2 + i], (cin, cout), dtype=jnp.float32) / np.sqrt(cin)
        inp[f"b{i}"] = jnp.zeros((cout,), jnp.float32)
        inp[f"gamma{i}"] = jnp.ones((cout,), jnp.float32)
        inp[f"beta{i}"] = jnp.zeros((cout,), jnp.float32)
    return inp


def _fps_single(pts):
    n = pts.shape[0]

    def body(i, state):
        idxs, dists, last = state
        diff = pts - pts[last]
        d = jnp.sum(diff * diff, axis=1)
        dists = jnp.minimum(dists, d)
        nxt = jnp.argmax(dists).astype(jnp.int32)
        idxs = idxs.at[i].set(nxt)
        return (idxs, dists, nxt)

    idxs = jnp.zeros((NUM_POINTS,), jnp.int32)
    dists = jnp.full((n,), 1e10, jnp.float32)
    idxs, _, _ = jax.lax.fori_loop(1, NUM_POINTS, body, (idxs, dists, jnp.int32(0)))
    return idxs


def _gather(x, ind):
    # x: [B, C, N], ind: [B, ...] -> [B, C, ...]
    return jax.vmap(lambda xb, ib: xb[:, ib])(x, ind)


def _forward(points, features, params):
    pts_sg = jax.lax.stop_gradient(points)
    fps_idx = jax.vmap(_fps_single)(jnp.transpose(pts_sg, (0, 2, 1)))
    new_points = _gather(points, fps_idx)  # [B, 3, M]
    new_sg = jax.lax.stop_gradient(new_points)
    xx = jnp.sum(new_sg ** 2, axis=1)[:, :, None]
    yy = jnp.sum(pts_sg ** 2, axis=1)[:, None, :]
    cross = jnp.einsum('bcm,bcn->bmn', new_sg, pts_sg)
    dist2 = jnp.clip(xx + yy - 2.0 * cross, 0.0, None)  # [B, M, N]
    mask = dist2 < RADIUS * RADIUS
    n = dist2.shape[-1]
    cand = jnp.where(mask, jnp.arange(n, dtype=jnp.int32)[None, None, :], jnp.int32(n))
    sel = jnp.sort(cand, axis=-1)[..., :NUM_SAMPLES]
    first = sel[..., :1]
    first = jnp.where(first >= n, 0, first)
    ind = jnp.where(sel >= n, first, sel)  # [B, M, S] ball-query indices
    grouped_pts = _gather(points, ind) - new_points[:, :, :, None]  # [B, 3, M, S]
    grouped_feat = _gather(features, ind)  # [B, C, M, S]
    x = jnp.concatenate([grouped_pts, grouped_feat], axis=1)
    for (W, b, g, be) in params:
        x = jnp.einsum('bcms,co->boms', x, W) + b[None, :, None, None]
        mean = jnp.mean(x, axis=(0, 2, 3), keepdims=True)
        var = jnp.var(x, axis=(0, 2, 3), keepdims=True)
        x = (x - mean) / jnp.sqrt(var + 1e-3)
        x = x * g[None, :, None, None] + be[None, :, None, None]
        x = jnp.maximum(x, 0.0)
    new_features = jnp.max(x, axis=3)  # [B, 64, M]
    return (new_points, new_features)


def reference(points, features, W0, b0, gamma0, beta0, W1, b1, gamma1, beta1, W2, b2, gamma2, beta2):
    params = [(W0, b0, gamma0, beta0), (W1, b1, gamma1, beta1), (W2, b2, gamma2, beta2)]
    return _forward(points, features, params)

if __name__ == "__main__":
    import jax
    _d = setup_inputs()
    print(jax.jit(kernel)(*tuple(_d.values())))

</pallas_src>

<mosaic_0001>
#map = affine_map<(d0, d1) -> (0, 0)>
#map1 = affine_map<(d0, d1) -> (0, 0, 0)>
module attributes {stable_mosaic.version = 14 : i64} {
  func.func @_sc_gather_body(%arg0: i32, %arg1: i32, %arg2: memref<32768x8xf32, #tpu.memory_space<hbm>>, %arg3: memref<512x128xi32, #tpu.memory_space<hbm>>, %arg4: memref<512x128x8xf32, #tpu.memory_space<hbm>>, %arg5: memref<16x128xi32, #tpu.memory_space<vmem>>, %arg6: memref<16x128x8xf32, #tpu.memory_space<vmem>>, %arg7: memref<!tpu.dma_semaphore, #tpu.memory_space<semaphore_mem>>) attributes {dimension_semantics = [#tpu.dimension_semantics<core_parallel>, #tpu.dimension_semantics<subcore_parallel>], iteration_bounds = array<i64: 2, 16>, scalar_prefetch = 0 : i64, scratch_operands = 3 : i64, tpu.core_type = #tpu.core_type<sc_vector_subcore>, window_params = [{transform_indices = #map}, {transform_indices = #map}, {transform_indices = #map1}]} {
    %mul3A = arith.constant 2 : i32
    %mul3A_0 = arith.muli %arg1, %mul3A : i32
    %add3A = arith.addi %mul3A_0, %arg0 : i32
    %mul3A_1 = arith.constant 16 : i32
    %mul3A_2 = arith.muli %add3A, %mul3A_1 : i32
    "tpu.region"() ({
      %run_scoped3A = tpu.sem_alloc : memref<!tpu.dma_semaphore, #tpu.memory_space<semaphore_mem>>
      %dma_start3A_2065 = arith.constant 0 : i32
      %dma_start3A_2066 = tpu.memref_slice %arg3[%mul3A_2, %dma_start3A_2065] : memref<512x128xi32, #tpu.memory_space<hbm>> -> memref<16x128xi32, #tpu.memory_space<hbm>>
      %dma_start3A_2067 = arith.constant 0 : i32
      %dma_start3A_2068 = tpu.memref_slice %arg3[%mul3A_2, %dma_start3A_2067] : memref<512x128xi32, #tpu.memory_space<hbm>> -> memref<16x128xi32, #tpu.memory_space<hbm>>
      tpu.enqueue_dma source(%dma_start3A_2068 : memref<16x128xi32, #tpu.memory_space<hbm>>) target(%arg5 : memref<16x128xi32, #tpu.memory_space<vmem>>) target_semaphore(%run_scoped3A : memref<!tpu.dma_semaphore, #tpu.memory_space<semaphore_mem>>)
      %dma_wait3A_2069 = arith.constant 0 : i32
      %dma_wait3A_2070 = tpu.memref_slice %arg3[%mul3A_2, %dma_wait3A_2069] : memref<512x128xi32, #tpu.memory_space<hbm>> -> memref<16x128xi32, #tpu.memory_space<hbm>>
      %dma_wait3A_2071 = arith.constant 0 : i32
      %dma_wait3A_2072 = tpu.memref_slice %arg3[%mul3A_2, %dma_wait3A_2071] : memref<512x128xi32, #tpu.memory_space<hbm>> -> memref<16x128xi32, #tpu.memory_space<hbm>>
      tpu.wait_dma2 semaphore(%run_scoped3A : memref<!tpu.dma_semaphore, #tpu.memory_space<semaphore_mem>>) src(%dma_wait3A_2072 : memref<16x128xi32, #tpu.memory_space<hbm>>) dst(%arg5 : memref<16x128xi32, #tpu.memory_space<vmem>>)
      tpu.yield
    }) : () -> ()
    %jit3A = arith.constant 8 : i32
    %div3A = arith.divsi %add3A, %jit3A : i32
    %sign3A = arith.constant 0 : i32
    %sign3A_3 = arith.cmpi sgt, %add3A, %sign3A : i32
    %sign3A_4 = arith.extui %sign3A_3 : i1 to i32
    %sign3A_5 = arith.constant 0 : i32
    %sign3A_6 = arith.cmpi slt, %add3A, %sign3A_5 : i32
    %sign3A_7 = arith.extui %sign3A_6 : i1 to i32
    %sign3A_8 = arith.subi %sign3A_4, %sign3A_7 : i32
    %sign3A_9 = arith.constant 0 : i32
    %sign3A_10 = arith.cmpi sgt, %jit3A, %sign3A_9 : i32
    %sign3A_11 = arith.extui %sign3A_10 : i1 to i32
    %sign3A_12 = arith.constant 0 : i32
    %sign3A_13 = arith.cmpi slt, %jit3A, %sign3A_12 : i32
    %sign3A_14 = arith.extui %sign3A_13 : i1 to i32
    %sign3A_15 = arith.subi %sign3A_11, %sign3A_14 : i32
    %ne3A = arith.cmpi ne, %sign3A_8, %sign3A_15 : i32
    %rem3A = arith.remsi %add3A, %jit3A : i32
    %ne3A_16 = arith.constant 0 : i32
    %ne3A_17 = arith.cmpi ne, %rem3A, %ne3A_16 : i32
    %and3A = arith.andi %ne3A, %ne3A_17 : i1
    %sub3A = arith.constant 1 : i32
    %sub3A_18 = arith.subi %div3A, %sub3A : i32
    %select_n3A = arith.select %and3A, %sub3A_18, %div3A : i32
    %mul3A_19 = arith.constant 8192 : i32
    %mul3A_20 = arith.muli %select_n3A, %mul3A_19 : i32
    %get3A = arith.constant 0 : i32
    %get3A_21 = arith.index_cast %get3A : i32 to index
    %get3A_22 = arith.constant 0 : index
    %get3A_23 = tpu.vector_load %arg5[%get3A_21, %get3A_22] {strides = array<i32>} : memref<16x128xi32, #tpu.memory_space<vmem>>, vector<1x16xi32>,
    %get3A_24 = vector.shape_cast %get3A_23 : vector<1x16xi32> to vector<16xi32>
    %add3A_25 = vector.broadcast %mul3A_20 : i32 to vector<16xi32>
    %add3A_26 = arith.addi %get3A_24, %add3A_25 : vector<16xi32>
    %swap3A = arith.constant 0 : i32
    %swap3A_27 = arith.index_cast %swap3A : i32 to index
    %swap3A_28 = arith.constant 0 : index
    %swap3A_29 = tpu.vector_load %arg5[%swap3A_27, %swap3A_28] {strides = array<i32>} : memref<16x128xi32, #tpu.memory_space<vmem>>, vector<1x16xi32>,
    %swap3A_30 = vector.shape_cast %swap3A_29 : vector<1x16xi32> to vector<16xi32>
    %swap3A_31 = vector.shape_cast %add3A_26 : vector<16xi32> to vector<1x16xi32>
    tpu.vector_store %arg5[%swap3A_27, %swap3A_28], %swap3A_31 {strides = array<i32>} : memref<16x128xi32, #tpu.memory_space<vmem>>, vector<1x16xi32>,
    %get3A_32 = arith.constant 0 : i32
    %get3A_33 = arith.index_cast %get3A_32 : i32 to index
    %get3A_34 = arith.constant 16 : index
    %get3A_35 = tpu.vector_load %arg5[%get3A_33, %get3A_34] {strides = array<i32>} : memref<16x128xi32, #tpu.memory_space<vmem>>, vector<1x16xi32>,
    %get3A_36 = vector.shape_cast %get3A_35 : vector<1x16xi32> to vector<16xi32>
    %add3A_37 = vector.broadcast %mul3A_20 : i32 to vector<16xi32>
    %add3A_38 = arith.addi %get3A_36, %add3A_37 : vector<16xi32>
    %swap3A_39 = arith.constant 0 : i32
    %swap3A_40 = arith.index_cast %swap3A_39 : i32 to index
    %swap3A_41 = arith.constant 16 : index
    %swap3A_42 = tpu.vector_load %arg5[%swap3A_40, %swap3A_41] {strides = array<i32>} : memref<16x128xi32, #tpu.memory_space<vmem>>, vector<1x16xi32>,
    %swap3A_43 = vector.shape_cast %swap3A_42 : vector<1x16xi32> to vector<16xi32>
    %swap3A_44 = vector.shape_cast %add3A_38 : vector<16xi32> to vector<1x16xi32>
    tpu.vector_store %arg5[%swap3A_40, %swap3A_41], %swap3A_44 {strides = array<i32>} : memref<16x128xi32, #tpu.memory_space<vmem>>, vector<1x16xi32>,
    %get3A_45 = arith.constant 0 : i32
    %get3A_46 = arith.index_cast %get3A_45 : i32 to index
    %get3A_47 = arith.constant 32 : index
    %get3A_48 = tpu.vector_load %arg5[%get3A_46, %get3A_47] {strides = array<i32>} : memref<16x128xi32, #tpu.memory_space<vmem>>, vector<1x16xi32>,
    %get3A_49 = vector.shape_cast %get3A_48 : vector<1x16xi32> to vector<16xi32>
    %add3A_50 = vector.broadcast %mul3A_20 : i32 to vector<16xi32>
    %add3A_51 = arith.addi %get3A_49, %add3A_50 : vector<16xi32>
    %swap3A_52 = arith.constant 0 : i32
    %swap3A_53 = arith.index_cast %swap3A_52 : i32 to index
    %swap3A_54 = arith.constant 32 : index
    %swap3A_55 = tpu.vector_load %arg5[%swap3A_53, %swap3A_54] {strides = array<i32>} : memref<16x128xi32, #tpu.memory_space<vmem>>, vector<1x16xi32>,
    %swap3A_56 = vector.shape_cast %swap3A_55 : vector<1x16xi32> to vector<16xi32>
    %swap3A_57 = vector.shape_cast %add3A_51 : vector<16xi32> to vector<1x16xi32>
    tpu.vector_store %arg5[%swap3A_53, %swap3A_54], %swap3A_57 {strides = array<i32>} : memref<16x128xi32, #tpu.memory_space<vmem>>, vector<1x16xi32>,
    %get3A_58 = arith.constant 0 : i32
    %get3A_59 = arith.index_cast %get3A_58 : i32 to index
    %get3A_60 = arith.constant 48 : index
    %get3A_61 = tpu.vector_load %arg5[%get3A_59, %get3A_60] {strides = array<i32>} : memref<16x128xi32, #tpu.memory_space<vmem>>, vector<1x16xi32>,
    %get3A_62 = vector.shape_cast %get3A_61 : vector<1x16xi32> to vector<16xi32>
    %add3A_63 = vector.broadcast %mul3A_20 : i32 to vector<16xi32>
    %add3A_64 = arith.addi %get3A_62, %add3A_63 : vector<16xi32>
    %swap3A_65 = arith.constant 0 : i32
    %swap3A_66 = arith.index_cast %swap3A_65 : i32 to index
    %swap3A_67 = arith.constant 48 : index
    %swap3A_68 = tpu.vector_load %arg5[%swap3A_66, %swap3A_67] {strides = array<i32>} : memref<16x128xi32, #tpu.memory_space<vmem>>, vector<1x16xi32>,
    %swap3A_69 = vector.shape_cast %swap3A_68 : vector<1x16xi32> to vector<16xi32>
    %swap3A_70 = vector.shape_cast %add3A_64 : vector<16xi32> to vector<1x16xi32>
    tpu.vector_store %arg5[%swap3A_66, %swap3A_67], %swap3A_70 {strides = array<i32>} : memref<16x128xi32, #tpu.memory_space<vmem>>, vector<1x16xi32>,
    %get3A_71 = arith.constant 0 : i32
    %get3A_72 = arith.index_cast %get3A_71 : i32 to index
    %get3A_73 = arith.constant 64 : index
    %get3A_74 = tpu.vector_load %arg5[%get3A_72, %get3A_73] {strides = array<i32>} : memref<16x128xi32, #tpu.memory_space<vmem>>, vector<1x16xi32>,
    %get3A_75 = vector.shape_cast %get3A_74 : vector<1x16xi32> to vector<16xi32>
    %add3A_76 = vector.broadcast %mul3A_20 : i32 to vector<16xi32>
    %add3A_77 = arith.addi %get3A_75, %add3A_76 : vector<16xi32>
    %swap3A_78 = arith.constant 0 : i32
    %swap3A_79 = arith.index_cast %swap3A_78 : i32 to index
    %swap3A_80 = arith.constant 64 : index
    %swap3A_81 = tpu.vector_load %arg5[%swap3A_79, %swap3A_80] {strides = array<i32>} : memref<16x128xi32, #tpu.memory_space<vmem>>, vector<1x16xi32>,
    %swap3A_82 = vector.shape_cast %swap3A_81 : vector<1x16xi32> to vector<16xi32>
    %swap3A_83 = vector.shape_cast %add3A_77 : vector<16xi32> to vector<1x16xi32>
    tpu.vector_store %arg5[%swap3A_79, %swap3A_80], %swap3A_83 {strides = array<i32>} : memref<16x128xi32, #tpu.memory_space<vmem>>, vector<1x16xi32>,
    %get3A_84 = arith.constant 0 : i32
    %get3A_85 = arith.index_cast %get3A_84 : i32 to index
    %get3A_86 = arith.constant 80 : index
    %get3A_87 = tpu.vector_load %arg5[%get3A_85, %get3A_86] {strides = array<i32>} : memref<16x128xi32, #tpu.memory_space<vmem>>, vector<1x16xi32>,
    %get3A_88 = vector.shape_cast %get3A_87 : vector<1x16xi32> to vector<16xi32>
    %add3A_89 = vector.broadcast %mul3A_20 : i32 to vector<16xi32>
    %add3A_90 = arith.addi %get3A_88, %add3A_89 : vector<16xi32>
    %swap3A_91 = arith.constant 0 : i32
    %swap3A_92 = arith.index_cast %swap3A_91 : i32 to index
    %swap3A_93 = arith.constant 80 : index
    %swap3A_94 = tpu.vector_load %arg5[%swap3A_92, %swap3A_93] {strides = array<i32>} : memref<16x128xi32, #tpu.memory_space<vmem>>, vector<1x16xi32>,
    %swap3A_95 = vector.shape_cast %swap3A_94 : vector<1x16xi32> to vector<16xi32>
    %swap3A_96 = vector.shape_cast %add3A_90 : vector<16xi32> to vector<1x16xi32>
    tpu.vector_store %arg5[%swap3A_92, %swap3A_93], %swap3A_96 {strides = array<i32>} : memref<16x128xi32, #tpu.memory_space<vmem>>, vector<1x16xi32>,
    %get3A_97 = arith.constant 0 : i32
    %get3A_98 = arith.index_cast %get3A_97 : i32 to index
    %get3A_99 = arith.constant 96 : index
    %get3A_100 = tpu.vector_load %arg5[%get3A_98, %get3A_99] {strides = array<i32>} : memref<16x128xi32, #tpu.memory_space<vmem>>, vector<1x16xi32>,
    %get3A_101 = vector.shape_cast %get3A_100 : vector<1x16xi32> to vector<16xi32>
    %add3A_102 = vector.broadcast %mul3A_20 : i32 to vector<16xi32>
    %add3A_103 = arith.addi %get3A_101, %add3A_102 : vector<16xi32>
    %swap3A_104 = arith.constant 0 : i32
    %swap3A_105 = arith.index_cast %swap3A_104 : i32 to index
    %swap3A_106 = arith.constant 96 : index
    %swap3A_107 = tpu.vector_load %arg5[%swap3A_105, %swap3A_106] {strides = array<i32>} : memref<16x128xi32, #tpu.memory_space<vmem>>, vector<1x16xi32>,
    %swap3A_108 = vector.shape_cast %swap3A_107 : vector<1x16xi32> to vector<16xi32>
    %swap3A_109 = vector.shape_cast %add3A_103 : vector<16xi32> to vector<1x16xi32>
    tpu.vector_store %arg5[%swap3A_105, %swap3A_106], %swap3A_109 {strides = array<i32>} : memref<16x128xi32, #tpu.memory_space<vmem>>, vector<1x16xi32>,
    %get3A_110 = arith.constant 0 : i32
    %get3A_111 = arith.index_cast %get3A_110 : i32 to index
    %get3A_112 = arith.constant 112 : index
    %get3A_113 = tpu.vector_load %arg5[%get3A_111, %get3A_112] {strides = array<i32>} : memref<16x128xi32, #tpu.memory_space<vmem>>, vector<1x16xi32>,
    %get3A_114 = vector.shape_cast %get3A_113 : vector<1x16xi32> to vector<16xi32>
    %add3A_115 = vector.broadcast %mul3A_20 : i32 to vector<16xi32>
    %add3A_116 = arith.addi %get3A_114, %add3A_115 : vector<16xi32>
    %swap3A_117 = arith.constant 0 : i32
    %swap3A_118 = arith.index_cast %swap3A_117 : i32 to index
    %swap3A_119 = arith.constant 112 : index
    %swap3A_120 = tpu.vector_load %arg5[%swap3A_118, %swap3A_119] {strides = array<i32>} : memref<16x128xi32, #tpu.memory_space<vmem>>, vector<1x16xi32>,
    %swap3A_121 = vector.shape_cast %swap3A_120 : vector<1x16xi32> to vector<16xi32>
    %swap3A_122 = vector.shape_cast %add3A_116 : vector<16xi32> to vector<1x16xi32>
    tpu.vector_store %arg5[%swap3A_118, %swap3A_119], %swap3A_122 {strides = array<i32>} : memref<16x128xi32, #tpu.memory_space<vmem>>, vector<1x16xi32>,
    %get3A_123 = arith.constant 1 : i32
    %get3A_124 = arith.index_cast %get3A_123 : i32 to index
    %get3A_125 = arith.constant 0 : index
    %get3A_126 = tpu.vector_load %arg5[%get3A_124, %get3A_125] {strides = array<i32>} : memref<16x128xi32, #tpu.memory_space<vmem>>, vector<1x16xi32>,
    %get3A_127 = vector.shape_cast %get3A_126 : vector<1x16xi32> to vector<16xi32>
    %add3A_128 = vector.broadcast %mul3A_20 : i32 to vector<16xi32>
    %add3A_129 = arith.addi %get3A_127, %add3A_128 : vector<16xi32>
    %swap3A_130 = arith.constant 1 : i32
    %swap3A_131 = arith.index_cast %swap3A_130 : i32 to index
    %swap3A_132 = arith.constant 0 : index
    %swap3A_133 = tpu.vector_load %arg5[%swap3A_131, %swap3A_132] {strides = array<i32>} : memref<16x128xi32, #tpu.memory_space<vmem>>, vector<1x16xi32>,
    %swap3A_134 = vector.shape_cast %swap3A_133 : vector<1x16xi32> to vector<16xi32>
    %swap3A_135 = vector.shape_cast %add3A_129 : vector<16xi32> to vector<1x16xi32>
    tpu.vector_store %arg5[%swap3A_131, %swap3A_132], %swap3A_135 {strides = array<i32>} : memref<16x128xi32, #tpu.memory_space<vmem>>, vector<1x16xi32>,
    %get3A_136 = arith.constant 1 : i32
    %get3A_137 = arith.index_cast %get3A_136 : i32 to index
    %get3A_138 = arith.constant 16 : index
    %get3A_139 = tpu.vector_load %arg5[%get3A_137, %get3A_138] {strides = array<i32>} : memref<16x128xi32, #tpu.memory_space<vmem>>, vector<1x16xi32>,
    %get3A_140 = vector.shape_cast %get3A_139 : vector<1x16xi32> to vector<16xi32>
    %add3A_141 = vector.broadcast %mul3A_20 : i32 to vector<16xi32>
    %add3A_142 = arith.addi %get3A_140, %add3A_141 : vector<16xi32>
    %swap3A_143 = arith.constant 1 : i32
    %swap3A_144 = arith.index_cast %swap3A_143 : i32 to index
    %swap3A_145 = arith.constant 16 : index
    %swap3A_146 = tpu.vector_load %arg5[%swap3A_144, %swap3A_145] {strides = array<i32>} : memref<16x128xi32, #tpu.memory_space<vmem>>, vector<1x16xi32>,
    %swap3A_147 = vector.shape_cast %swap3A_146 : vector<1x16xi32> to vector<16xi32>
    %swap3A_148 = vector.shape_cast %add3A_142 : vector<16xi32> to vector<1x16xi32>
    tpu.vector_store %arg5[%swap3A_144, %swap3A_145], %swap3A_148 {strides = array<i32>} : memref<16x128xi32, #tpu.memory_space<vmem>>, vector<1x16xi32>,
    %get3A_149 = arith.constant 1 : i32
    %get3A_150 = arith.index_cast %get3A_149 : i32 to index
    %get3A_151 = arith.constant 32 : index
    %get3A_152 = tpu.vector_load %arg5[%get3A_150, %get3A_151] {strides = array<i32>} : memref<16x128xi32, #tpu.memory_space<vmem>>, vector<1x16xi32>,
    %get3A_153 = vector.shape_cast %get3A_152 : vector<1x16xi32> to vector<16xi32>
    %add3A_154 = vector.broadcast %mul3A_20 : i32 to vector<16xi32>
    %add3A_155 = arith.addi %get3A_153, %add3A_154 : vector<16xi32>
    %swap3A_156 = arith.constant 1 : i32
    %swap3A_157 = arith.index_cast %swap3A_156 : i32 to index
    %swap3A_158 = arith.constant 32 : index
    %swap3A_159 = tpu.vector_load %arg5[%swap3A_157, %swap3A_158] {strides = array<i32>} : memref<16x128xi32, #tpu.memory_space<vmem>>, vector<1x16xi32>,
    %swap3A_160 = vector.shape_cast %swap3A_159 : vector<1x16xi32> to vector<16xi32>
    %swap3A_161 = vector.shape_cast %add3A_155 : vector<16xi32> to vector<1x16xi32>
    tpu.vector_store %arg5[%swap3A_157, %swap3A_158], %swap3A_161 {strides = array<i32>} : memref<16x128xi32, #tpu.memory_space<vmem>>, vector<1x16xi32>,
    %get3A_162 = arith.constant 1 : i32
    %get3A_163 = arith.index_cast %get3A_162 : i32 to index
    %get3A_164 = arith.constant 48 : index
    %get3A_165 = tpu.vector_load %arg5[%get3A_163, %get3A_164] {strides = array<i32>} : memref<16x128xi32, #tpu.memory_space<vmem>>, vector<1x16xi32>,
    %get3A_166 = vector.shape_cast %get3A_165 : vector<1x16xi32> to vector<16xi32>
    %add3A_167 = vector.broadcast %mul3A_20 : i32 to vector<16xi32>
    %add3A_168 = arith.addi %get3A_166, %add3A_167 : vector<16xi32>
    %swap3A_169 = arith.constant 1 : i32
    %swap3A_170 = arith.index_cast %swap3A_169 : i32 to index
    %swap3A_171 = arith.constant 48 : index
    %swap3A_172 = tpu.vector_load %arg5[%swap3A_170, %swap3A_171] {strides = array<i32>} : memref<16x128xi32, #tpu.memory_space<vmem>>, vector<1x16xi32>,
    %swap3A_173 = vector.shape_cast %swap3A_172 : vector<1x16xi32> to vector<16xi32>
    %swap3A_174 = vector.shape_cast %add3A_168 : vector<16xi32> to vector<1x16xi32>
    tpu.vector_store %arg5[%swap3A_170, %swap3A_171], %swap3A_174 {strides = array<i32>} : memref<16x128xi32, #tpu.memory_space<vmem>>, vector<1x16xi32>,
    %get3A_175 = arith.constant 1 : i32
    %get3A_176 = arith.index_cast %get3A_175 : i32 to index
    %get3A_177 = arith.constant 64 : index
    %get3A_178 = tpu.vector_load %arg5[%get3A_176, %get3A_177] {strides = array<i32>} : memref<16x128xi32, #tpu.memory_space<vmem>>, vector<1x16xi32>,
    %get3A_179 = vector.shape_cast %get3A_178 : vector<1x16xi32> to vector<16xi32>
    %add3A_180 = vector.broadcast %mul3A_20 : i32 to vector<16xi32>
    %add3A_181 = arith.addi %get3A_179, %add3A_180 : vector<16xi32>
    %swap3A_182 = arith.constant 1 : i32
    %swap3A_183 = arith.index_cast %swap3A_182 : i32 to index
    %swap3A_184 = arith.constant 64 : index
    %swap3A_185 = tpu.vector_load %arg5[%swap3A_183, %swap3A_184] {strides = array<i32>} : memref<16x128xi32, #tpu.memory_space<vmem>>, vector<1x16xi32>,
    %swap3A_186 = vector.shape_cast %swap3A_185 : vector<1x16xi32> to vector<16xi32>
    %swap3A_187 = vector.shape_cast %add3A_181 : vector<16xi32> to vector<1x16xi32>
    tpu.vector_store %arg5[%swap3A_183, %swap3A_184], %swap3A_187 {strides = array<i32>} : memref<16x128xi32, #tpu.memory_space<vmem>>, vector<1x16xi32>,
    %get3A_188 = arith.constant 1 : i32
    %get3A_189 = arith.index_cast %get3A_188 : i32 to index
    %get3A_190 = arith.constant 80 : index
    %get3A_191 = tpu.vector_load %arg5[%get3A_189, %get3A_190] {strides = array<i32>} : memref<16x128xi32, #tpu.memory_space<vmem>>, vector<1x16xi32>,
    %get3A_192 = vector.shape_cast %get3A_191 : vector<1x16xi32> to vector<16xi32>
    %add3A_193 = vector.broadcast %mul3A_20 : i32 to vector<16xi32>
    %add3A_194 = arith.addi %get3A_192, %add3A_193 : vector<16xi32>
    %swap3A_195 = arith.constant 1 : i32
    %swap3A_196 = arith.index_cast %swap3A_195 : i32 to index
    %swap3A_197 = arith.constant 80 : index
    %swap3A_198 = tpu.vector_load %arg5[%swap3A_196, %swap3A_197] {strides = array<i32>} : memref<16x128xi32, #tpu.memory_space<vmem>>, vector<1x16xi32>,
    %swap3A_199 = vector.shape_cast %swap3A_198 : vector<1x16xi32> to vector<16xi32>
    %swap3A_200 = vector.shape_cast %add3A_194 : vector<16xi32> to vector<1x16xi32>
    tpu.vector_store %arg5[%swap3A_196, %swap3A_197], %swap3A_200 {strides = array<i32>} : memref<16x128xi32, #tpu.memory_space<vmem>>, vector<1x16xi32>,
    %get3A_201 = arith.constant 1 : i32
    %get3A_202 = arith.index_cast %get3A_201 : i32 to index
    %get3A_203 = arith.constant 96 : index
    %get3A_204 = tpu.vector_load %arg5[%get3A_202, %get3A_203] {strides = array<i32>} : memref<16x128xi32, #tpu.memory_space<vmem>>, vector<1x16xi32>,
    %get3A_205 = vector.shape_cast %get3A_204 : vector<1x16xi32> to vector<16xi32>
    %add3A_206 = vector.broadcast %mul3A_20 : i32 to vector<16xi32>
    %add3A_207 = arith.addi %get3A_205, %add3A_206 : vector<16xi32>
    %swap3A_208 = arith.constant 1 : i32
    %swap3A_209 = arith.index_cast %swap3A_208 : i32 to index
    %swap3A_210 = arith.constant 96 : index
    %swap3A_211 = tpu.vector_load %arg5[%swap3A_209, %swap3A_210] {strides = array<i32>} : memref<16x128xi32, #tpu.memory_space<vmem>>, vector<1x16xi32>,
    %swap3A_212 = vector.shape_cast %swap3A_211 : vector<1x16xi32> to vector<16xi32>
    %swap3A_213 = vector.shape_cast %add3A_207 : vector<16xi32> to vector<1x16xi32>
    tpu.vector_store %arg5[%swap3A_209, %swap3A_210], %swap3A_213 {strides = array<i32>} : memref<16x128xi32, #tpu.memory_space<vmem>>, vector<1x16xi32>,
    %get3A_214 = arith.constant 1 : i32
    %get3A_215 = arith.index_cast %get3A_214 : i32 to index
    %get3A_216 = arith.constant 112 : index
    %get3A_217 = tpu.vector_load %arg5[%get3A_215, %get3A_216] {strides = array<i32>} : memref<16x128xi32, #tpu.memory_space<vmem>>, vector<1x16xi32>,
    %get3A_218 = vector.shape_cast %get3A_217 : vector<1x16xi32> to vector<16xi32>
    %add3A_219 = vector.broadcast %mul3A_20 : i32 to vector<16xi32>
    %add3A_220 = arith.addi %get3A_218, %add3A_219 : vector<16xi32>
    %swap3A_221 = arith.constant 1 : i32
    %swap3A_222 = arith.index_cast %swap3A_221 : i32 to index
    %swap3A_223 = arith.constant 112 : index
    %swap3A_224 = tpu.vector_load %arg5[%swap3A_222, %swap3A_223] {strides = array<i32>} : memref<16x128xi32, #tpu.memory_space<vmem>>, vector<1x16xi32>,
    %swap3A_225 = vector.shape_cast %swap3A_224 : vector<1x16xi32> to vector<16xi32>
    %swap3A_226 = vector.shape_cast %add3A_220 : vector<16xi32> to vector<1x16xi32>
    tpu.vector_store %arg5[%swap3A_222, %swap3A_223], %swap3A_226 {strides = array<i32>} : memref<16x128xi32, #tpu.memory_space<vmem>>, vector<1x16xi32>,
    %get3A_227 = arith.constant 2 : i32
    %get3A_228 = arith.index_cast %get3A_227 : i32 to index
    %get3A_229 = arith.constant 0 : index
    %get3A_230 = tpu.vector_load %arg5[%get3A_228, %get3A_229] {strides = array<i32>} : memref<16x128xi32, #tpu.memory_space<vmem>>, vector<1x16xi32>,
    %get3A_231 = vector.shape_cast %get3A_230 : vector<1x16xi32> to vector<16xi32>
    %add3A_232 = vector.broadcast %mul3A_20 : i32 to vector<16xi32>
    %add3A_233 = arith.addi %get3A_231, %add3A_232 : vector<16xi32>
    %swap3A_234 = arith.constant 2 : i32
    %swap3A_235 = arith.index_cast %swap3A_234 : i32 to index
    %swap3A_236 = arith.constant 0 : index
    %swap3A_237 = tpu.vector_load %arg5[%swap3A_235, %swap3A_236] {strides = array<i32>} : memref<16x128xi32, #tpu.memory_space<vmem>>, vector<1x16xi32>,
    %swap3A_238 = vector.shape_cast %swap3A_237 : vector<1x16xi32> to vector<16xi32>
    %swap3A_239 = vector.shape_cast %add3A_233 : vector<16xi32> to vector<1x16xi32>
    tpu.vector_store %arg5[%swap3A_235, %swap3A_236], %swap3A_239 {strides = array<i32>} : memref<16x128xi32, #tpu.memory_space<vmem>>, vector<1x16xi32>,
    %get3A_240 = arith.constant 2 : i32
    %get3A_241 = arith.index_cast %get3A_240 : i32 to index
    %get3A_242 = arith.constant 16 : index
    %get3A_243 = tpu.vector_load %arg5[%get3A_241, %get3A_242] {strides = array<i32>} : memref<16x128xi32, #tpu.memory_space<vmem>>, vector<1x16xi32>,
    %get3A_244 = vector.shape_cast %get3A_243 : vector<1x16xi32> to vector<16xi32>
    %add3A_245 = vector.broadcast %mul3A_20 : i32 to vector<16xi32>
    %add3A_246 = arith.addi %get3A_244, %add3A_245 : vector<16xi32>
    %swap3A_247 = arith.constant 2 : i32
    %swap3A_248 = arith.index_cast %swap3A_247 : i32 to index
    %swap3A_249 = arith.constant 16 : index
    %swap3A_250 = tpu.vector_load %arg5[%swap3A_248, %swap3A_249] {strides = array<i32>} : memref<16x128xi32, #tpu.memory_space<vmem>>, vector<1x16xi32>,
    %swap3A_251 = vector.shape_cast %swap3A_250 : vector<1x16xi32> to vector<16xi32>
    %swap3A_252 = vector.shape_cast %add3A_246 : vector<16xi32> to vector<1x16xi32>
    tpu.vector_store %arg5[%swap3A_248, %swap3A_249], %swap3A_252 {strides = array<i32>} : memref<16x128xi32, #tpu.memory_space<vmem>>, vector<1x16xi32>,
    %get3A_253 = arith.constant 2 : i32
    %get3A_254 = arith.index_cast %get3A_253 : i32 to index
    %get3A_255 = arith.constant 32 : index
    %get3A_256 = tpu.vector_load %arg5[%get3A_254, %get3A_255] {strides = array<i32>} : memref<16x128xi32, #tpu.memory_space<vmem>>, vector<1x16xi32>,
    %get3A_257 = vector.shape_cast %get3A_256 : vector<1x16xi32> to vector<16xi32>
    %add3A_258 = vector.broadcast %mul3A_20 : i32 to vector<16xi32>
    %add3A_259 = arith.addi %get3A_257, %add3A_258 : vector<16xi32>
    %swap3A_260 = arith.constant 2 : i32
    %swap3A_261 = arith.index_cast %swap3A_260 : i32 to index
    %swap3A_262 = arith.constant 32 : index
    %swap3A_263 = tpu.vector_load %arg5[%swap3A_261, %swap3A_262] {strides = array<i32>} : memref<16x128xi32, #tpu.memory_space<vmem>>, vector<1x16xi32>,
    %swap3A_264 = vector.shape_cast %swap3A_263 : vector<1x16xi32> to vector<16xi32>
    %swap3A_265 = vector.shape_cast %add3A_259 : vector<16xi32> to vector<1x16xi32>
    tpu.vector_store %arg5[%swap3A_261, %swap3A_262], %swap3A_265 {strides = array<i32>} : memref<16x128xi32, #tpu.memory_space<vmem>>, vector<1x16xi32>,
    %get3A_266 = arith.constant 2 : i32
    %get3A_267 = arith.index_cast %get3A_266 : i32 to index
    %get3A_268 = arith.constant 48 : index
    %get3A_269 = tpu.vector_load %arg5[%get3A_267, %get3A_268] {strides = array<i32>} : memref<16x128xi32, #tpu.memory_space<vmem>>, vector<1x16xi32>,
    %get3A_270 = vector.shape_cast %get3A_269 : vector<1x16xi32> to vector<16xi32>
    %add3A_271 = vector.broadcast %mul3A_20 : i32 to vector<16xi32>
    %add3A_272 = arith.addi %get3A_270, %add3A_271 : vector<16xi32>
    %swap3A_273 = arith.constant 2 : i32
    %swap3A_274 = arith.index_cast %swap3A_273 : i32 to index
    %swap3A_275 = arith.constant 48 : index
    %swap3A_276 = tpu.vector_load %arg5[%swap3A_274, %swap3A_275] {strides = array<i32>} : memref<16x128xi32, #tpu.memory_space<vmem>>, vector<1x16xi32>,
    %swap3A_277 = vector.shape_cast %swap3A_276 : vector<1x16xi32> to vector<16xi32>
    %swap3A_278 = vector.shape_cast %add3A_272 : vector<16xi32> to vector<1x16xi32>
    tpu.vector_store %arg5[%swap3A_274, %swap3A_275], %swap3A_278 {strides = array<i32>} : memref<16x128xi32, #tpu.memory_space<vmem>>, vector<1x16xi32>,
    %get3A_279 = arith.constant 2 : i32
    %get3A_280 = arith.index_cast %get3A_279 : i32 to index
    %get3A_281 = arith.constant 64 : index
    %get3A_282 = tpu.vector_load %arg5[%get3A_280, %get3A_281] {strides = array<i32>} : memref<16x128xi32, #tpu.memory_space<vmem>>, vector<1x16xi32>,
    %get3A_283 = vector.shape_cast %get3A_282 : vector<1x16xi32> to vector<16xi32>
    %add3A_284 = vector.broadcast %mul3A_20 : i32 to vector<16xi32>
    %add3A_285 = arith.addi %get3A_283, %add3A_284 : vector<16xi32>
    %swap3A_286 = arith.constant 2 : i32
    %swap3A_287 = arith.index_cast %swap3A_286 : i32 to index
    %swap3A_288 = arith.constant 64 : index
    %swap3A_289 = tpu.vector_load %arg5[%swap3A_287, %swap3A_288] {strides = array<i32>} : memref<16x128xi32, #tpu.memory_space<vmem>>, vector<1x16xi32>,
    %swap3A_290 = vector.shape_cast %swap3A_289 : vector<1x16xi32> to vector<16xi32>
    %swap3A_291 = vector.shape_cast %add3A_285 : vector<16xi32> to vector<1x16xi32>
    tpu.vector_store %arg5[%swap3A_287, %swap3A_288], %swap3A_291 {strides = array<i32>} : memref<16x128xi32, #tpu.memory_space<vmem>>, vector<1x16xi32>,
    %get3A_292 = arith.constant 2 : i32
    %get3A_293 = arith.index_cast %get3A_292 : i32 to index
    %get3A_294 = arith.constant 80 : index
    %get3A_295 = tpu.vector_load %arg5[%get3A_293, %get3A_294] {strides = array<i32>} : memref<16x128xi32, #tpu.memory_space<vmem>>, vector<1x16xi32>,
    %get3A_296 = vector.shape_cast %get3A_295 : vector<1x16xi32> to vector<16xi32>
    %add3A_297 = vector.broadcast %mul3A_20 : i32 to vector<16xi32>
    %add3A_298 = arith.addi %get3A_296, %add3A_297 : vector<16xi32>
    %swap3A_299 = arith.constant 2 : i32
    %swap3A_300 = arith.index_cast %swap3A_299 : i32 to index
    %swap3A_301 = arith.constant 80 : index
    %swap3A_302 = tpu.vector_load %arg5[%swap3A_300, %swap3A_301] {strides = array<i32>} : memref<16x128xi32, #tpu.memory_space<vmem>>, vector<1x16xi32>,
    %swap3A_303 = vector.shape_cast %swap3A_302 : vector<1x16xi32> to vector<16xi32>
    %swap3A_304 = vector.shape_cast %add3A_298 : vector<16xi32> to vector<1x16xi32>
    tpu.vector_store %arg5[%swap3A_300, %swap3A_301], %swap3A_304 {strides = array<i32>} : memref<16x128xi32, #tpu.memory_space<vmem>>, vector<1x16xi32>,
    %get3A_305 = arith.constant 2 : i32
    %get3A_306 = arith.index_cast %get3A_305 : i32 to index
    %get3A_307 = arith.constant 96 : index
    %get3A_308 = tpu.vector_load %arg5[%get3A_306, %get3A_307] {strides = array<i32>} : memref<16x128xi32, #tpu.memory_space<vmem>>, vector<1x16xi32>,
    %get3A_309 = vector.shape_cast %get3A_308 : vector<1x16xi32> to vector<16xi32>
    %add3A_310 = vector.broadcast %mul3A_20 : i32 to vector<16xi32>
    %add3A_311 = arith.addi %get3A_309, %add3A_310 : vector<16xi32>
    %swap3A_312 = arith.constant 2 : i32
    %swap3A_313 = arith.index_cast %swap3A_312 : i32 to index
    %swap3A_314 = arith.constant 96 : index
    %swap3A_315 = tpu.vector_load %arg5[%swap3A_313, %swap3A_314] {strides = array<i32>} : memref<16x128xi32, #tpu.memory_space<vmem>>, vector<1x16xi32>,
    %swap3A_316 = vector.shape_cast %swap3A_315 : vector<1x16xi32> to vector<16xi32>
    %swap3A_317 = vector.shape_cast %add3A_311 : vector<16xi32> to vector<1x16xi32>
    tpu.vector_store %arg5[%swap3A_313, %swap3A_314], %swap3A_317 {strides = array<i32>} : memref<16x128xi32, #tpu.memory_space<vmem>>, vector<1x16xi32>,
    %get3A_318 = arith.constant 2 : i32
    %get3A_319 = arith.index_cast %get3A_318 : i32 to index
    %get3A_320 = arith.constant 112 : index
    %get3A_321 = tpu.vector_load %arg5[%get3A_319, %get3A_320] {strides = array<i32>} : memref<16x128xi32, #tpu.memory_space<vmem>>, vector<1x16xi32>,
    %get3A_322 = vector.shape_cast %get3A_321 : vector<1x16xi32> to vector<16xi32>
    %add3A_323 = vector.broadcast %mul3A_20 : i32 to vector<16xi32>
    %add3A_324 = arith.addi %get3A_322, %add3A_323 : vector<16xi32>
    %swap3A_325 = arith.constant 2 : i32
    %swap3A_326 = arith.index_cast %swap3A_325 : i32 to index
    %swap3A_327 = arith.constant 112 : index
    %swap3A_328 = tpu.vector_load %arg5[%swap3A_326, %swap3A_327] {strides = array<i32>} : memref<16x128xi32, #tpu.memory_space<vmem>>, vector<1x16xi32>,
    %swap3A_329 = vector.shape_cast %swap3A_328 : vector<1x16xi32> to vector<16xi32>
    %swap3A_330 = vector.shape_cast %add3A_324 : vector<16xi32> to vector<1x16xi32>
    tpu.vector_store %arg5[%swap3A_326, %swap3A_327], %swap3A_330 {strides = array<i32>} : memref<16x128xi32, #tpu.memory_space<vmem>>, vector<1x16xi32>,
    %get3A_331 = arith.constant 3 : i32
    %get3A_332 = arith.index_cast %get3A_331 : i32 to index
    %get3A_333 = arith.constant 0 : index
    %get3A_334 = tpu.vector_load %arg5[%get3A_332, %get3A_333] {strides = array<i32>} : memref<16x128xi32, #tpu.memory_space<vmem>>, vector<1x16xi32>,
    %get3A_335 = vector.shape_cast %get3A_334 : vector<1x16xi32> to vector<16xi32>
    %add3A_336 = vector.broadcast %mul3A_20 : i32 to vector<16xi32>
    %add3A_337 = arith.addi %get3A_335, %add3A_336 : vector<16xi32>
    %swap3A_338 = arith.constant 3 : i32
    %swap3A_339 = arith.index_cast %swap3A_338 : i32 to index
    %swap3A_340 = arith.constant 0 : index
    %swap3A_341 = tpu.vector_load %arg5[%swap3A_339, %swap3A_340] {strides = array<i32>} : memref<16x128xi32, #tpu.memory_space<vmem>>, vector<1x16xi32>,
    %swap3A_342 = vector.shape_cast %swap3A_341 : vector<1x16xi32> to vector<16xi32>
    %swap3A_343 = vector.shape_cast %add3A_337 : vector<16xi32> to vector<1x16xi32>
    tpu.vector_store %arg5[%swap3A_339, %swap3A_340], %swap3A_343 {strides = array<i32>} : memref<16x128xi32, #tpu.memory_space<vmem>>, vector<1x16xi32>,
    %get3A_344 = arith.constant 3 : i32
    %get3A_345 = arith.index_cast %get3A_344 : i32 to index
    %get3A_346 = arith.constant 16 : index
    %get3A_347 = tpu.vector_load %arg5[%get3A_345, %get3A_346] {strides = array<i32>} : memref<16x128xi32, #tpu.memory_space<vmem>>, vector<1x16xi32>,
    %get3A_348 = vector.shape_cast %get3A_347 : vector<1x16xi32> to vector<16xi32>
    %add3A_349 = vector.broadcast %mul3A_20 : i32 to vector<16xi32>
    %add3A_350 = arith.addi %get3A_348, %add3A_349 : vector<16xi32>
    %swap3A_351 = arith.constant 3 : i32
    %swap3A_352 = arith.index_cast %swap3A_351 : i32 to index
    %swap3A_353 = arith.constant 16 : index
    %swap3A_354 = tpu.vector_load %arg5[%swap3A_352, %swap3A_353] {strides = array<i32>} : memref<16x128xi32, #tpu.memory_space<vmem>>, vector<1x16xi32>,
    %swap3A_355 = vector.shape_cast %swap3A_354 : vector<1x16xi32> to vector<16xi32>
    %swap3A_356 = vector.shape_cast %add3A_350 : vector<16xi32> to vector<1x16xi32>
    tpu.vector_store %arg5[%swap3A_352, %swap3A_353], %swap3A_356 {strides = array<i32>} : memref<16x128xi32, #tpu.memory_space<vmem>>, vector<1x16xi32>,
    %get3A_357 = arith.constant 3 : i32
    %get3A_358 = arith.index_cast %get3A_357 : i32 to index
    %get3A_359 = arith.constant 32 : index
    %get3A_360 = tpu.vector_load %arg5[%get3A_358, %get3A_359] {strides = array<i32>} : memref<16x128xi32, #tpu.memory_space<vmem>>, vector<1x16xi32>,
    %get3A_361 = vector.shape_cast %get3A_360 : vector<1x16xi32> to vector<16xi32>
    %add3A_362 = vector.broadcast %mul3A_20 : i32 to vector<16xi32>
    %add3A_363 = arith.addi %get3A_361, %add3A_362 : vector<16xi32>
    %swap3A_364 = arith.constant 3 : i32
    %swap3A_365 = arith.index_cast %swap3A_364 : i32 to index
    %swap3A_366 = arith.constant 32 : index
    %swap3A_367 = tpu.vector_load %arg5[%swap3A_365, %swap3A_366] {strides = array<i32>} : memref<16x128xi32, #tpu.memory_space<vmem>>, vector<1x16xi32>,
    %swap3A_368 = vector.shape_cast %swap3A_367 : vector<1x16xi32> to vector<16xi32>
    %swap3A_369 = vector.shape_cast %add3A_363 : vector<16xi32> to vector<1x16xi32>
    tpu.vector_store %arg5[%swap3A_365, %swap3A_366], %swap3A_369 {strides = array<i32>} : memref<16x128xi32, #tpu.memory_space<vmem>>, vector<1x16xi32>,
    %get3A_370 = arith.constant 3 : i32
    %get3A_371 = arith.index_cast %get3A_370 : i32 to index
    %get3A_372 = arith.constant 48 : index
    %get3A_373 = tpu.vector_load %arg5[%get3A_371, %get3A_372] {strides = array<i32>} : memref<16x128xi32, #tpu.memory_space<vmem>>, vector<1x16xi32>,
    %get3A_374 = vector.shape_cast %get3A_373 : vector<1x16xi32> to vector<16xi32>
    %add3A_375 = vector.broadcast %mul3A_20 : i32 to vector<16xi32>
    %add3A_376 = arith.addi %get3A_374, %add3A_375 : vector<16xi32>
    %swap3A_377 = arith.constant 3 : i32
    %swap3A_378 = arith.index_cast %swap3A_377 : i32 to index
    %swap3A_379 = arith.constant 48 : index
    %swap3A_380 = tpu.vector_load %arg5[%swap3A_378, %swap3A_379] {strides = array<i32>} : memref<16x128xi32, #tpu.memory_space<vmem>>, vector<1x16xi32>,
    %swap3A_381 = vector.shape_cast %swap3A_380 : vector<1x16xi32> to vector<16xi32>
    %swap3A_382 = vector.shape_cast %add3A_376 : vector<16xi32> to vector<1x16xi32>
    tpu.vector_store %arg5[%swap3A_378, %swap3A_379], %swap3A_382 {strides = array<i32>} : memref<16x128xi32, #tpu.memory_space<vmem>>, vector<1x16xi32>,
    %get3A_383 = arith.constant 3 : i32
    %get3A_384 = arith.index_cast %get3A_383 : i32 to index
    %get3A_385 = arith.constant 64 : index
    %get3A_386 = tpu.vector_load %arg5[%get3A_384, %get3A_385] {strides = array<i32>} : memref<16x128xi32, #tpu.memory_space<vmem>>, vector<1x16xi32>,
    %get3A_387 = vector.shape_cast %get3A_386 : vector<1x16xi32> to vector<16xi32>
    %add3A_388 = vector.broadcast %mul3A_20 : i32 to vector<16xi32>
    %add3A_389 = arith.addi %get3A_387, %add3A_388 : vector<16xi32>
    %swap3A_390 = arith.constant 3 : i32
    %swap3A_391 = arith.index_cast %swap3A_390 : i32 to index
    %swap3A_392 = arith.constant 64 : index
    %swap3A_393 = tpu.vector_load %arg5[%swap3A_391, %swap3A_392] {strides = array<i32>} : memref<16x128xi32, #tpu.memory_space<vmem>>, vector<1x16xi32>,
    %swap3A_394 = vector.shape_cast %swap3A_393 : vector<1x16xi32> to vector<16xi32>
    %swap3A_395 = vector.shape_cast %add3A_389 : vector<16xi32> to vector<1x16xi32>
    tpu.vector_store %arg5[%swap3A_391, %swap3A_392], %swap3A_395 {strides = array<i32>} : memref<16x128xi32, #tpu.memory_space<vmem>>, vector<1x16xi32>,
    %get3A_396 = arith.constant 3 : i32
    %get3A_397 = arith.index_cast %get3A_396 : i32 to index
    %get3A_398 = arith.constant 80 : index
    %get3A_399 = tpu.vector_load %arg5[%get3A_397, %get3A_398] {strides = array<i32>} : memref<16x128xi32, #tpu.memory_space<vmem>>, vector<1x16xi32>,
    %get3A_400 = vector.shape_cast %get3A_399 : vector<1x16xi32> to vector<16xi32>
    %add3A_401 = vector.broadcast %mul3A_20 : i32 to vector<16xi32>
    %add3A_402 = arith.addi %get3A_400, %add3A_401 : vector<16xi32>
    %swap3A_403 = arith.constant 3 : i32
    %swap3A_404 = arith.index_cast %swap3A_403 : i32 to index
    %swap3A_405 = arith.constant 80 : index
    %swap3A_406 = tpu.vector_load %arg5[%swap3A_404, %swap3A_405] {strides = array<i32>} : memref<16x128xi32, #tpu.memory_space<vmem>>, vector<1x16xi32>,
    %swap3A_407 = vector.shape_cast %swap3A_406 : vector<1x16xi32> to vector<16xi32>
    %swap3A_408 = vector.shape_cast %add3A_402 : vector<16xi32> to vector<1x16xi32>
    tpu.vector_store %arg5[%swap3A_404, %swap3A_405], %swap3A_408 {strides = array<i32>} : memref<16x128xi32, #tpu.memory_space<vmem>>, vector<1x16xi32>,
    %get3A_409 = arith.constant 3 : i32
    %get3A_410 = arith.index_cast %get3A_409 : i32 to index
    %get3A_411 = arith.constant 96 : index
    %get3A_412 = tpu.vector_load %arg5[%get3A_410, %get3A_411] {strides = array<i32>} : memref<16x128xi32, #tpu.memory_space<vmem>>, vector<1x16xi32>,
    %get3A_413 = vector.shape_cast %get3A_412 : vector<1x16xi32> to vector<16xi32>
    %add3A_414 = vector.broadcast %mul3A_20 : i32 to vector<16xi32>
    %add3A_415 = arith.addi %get3A_413, %add3A_414 : vector<16xi32>
    %swap3A_416 = arith.constant 3 : i32
    %swap3A_417 = arith.index_cast %swap3A_416 : i32 to index
    %swap3A_418 = arith.constant 96 : index
    %swap3A_419 = tpu.vector_load %arg5[%swap3A_417, %swap3A_418] {strides = array<i32>} : memref<16x128xi32, #tpu.memory_space<vmem>>, vector<1x16xi32>,
    %swap3A_420 = vector.shape_cast %swap3A_419 : vector<1x16xi32> to vector<16xi32>
    %swap3A_421 = vector.shape_cast %add3A_415 : vector<16xi32> to vector<1x16xi32>
    tpu.vector_store %arg5[%swap3A_417, %swap3A_418], %swap3A_421 {strides = array<i32>} : memref<16x128xi32, #tpu.memory_space<vmem>>, vector<1x16xi32>,
    %get3A_422 = arith.constant 3 : i32
    %get3A_423 = arith.index_cast %get3A_422 : i32 to index
    %get3A_424 = arith.constant 112 : index
    %get3A_425 = tpu.vector_load %arg5[%get3A_423, %get3A_424] {strides = array<i32>} : memref<16x128xi32, #tpu.memory_space<vmem>>, vector<1x16xi32>,
    %get3A_426 = vector.shape_cast %get3A_425 : vector<1x16xi32> to vector<16xi32>
    %add3A_427 = vector.broadcast %mul3A_20 : i32 to vector<16xi32>
    %add3A_428 = arith.addi %get3A_426, %add3A_427 : vector<16xi32>
    %swap3A_429 = arith.constant 3 : i32
    %swap3A_430 = arith.index_cast %swap3A_429 : i32 to index
    %swap3A_431 = arith.constant 112 : index
    %swap3A_432 = tpu.vector_load %arg5[%swap3A_430, %swap3A_431] {strides = array<i32>} : memref<16x128xi32, #tpu.memory_space<vmem>>, vector<1x16xi32>,
    %swap3A_433 = vector.shape_cast %swap3A_432 : vector<1x16xi32> to vector<16xi32>
    %swap3A_434 = vector.shape_cast %add3A_428 : vector<16xi32> to vector<1x16xi32>
    tpu.vector_store %arg5[%swap3A_430, %swap3A_431], %swap3A_434 {strides = array<i32>} : memref<16x128xi32, #tpu.memory_space<vmem>>, vector<1x16xi32>,
    %get3A_435 = arith.constant 4 : i32
    %get3A_436 = arith.index_cast %get3A_435 : i32 to index
    %get3A_437 = arith.constant 0 : index
    %get3A_438 = tpu.vector_load %arg5[%get3A_436, %get3A_437] {strides = array<i32>} : memref<16x128xi32, #tpu.memory_space<vmem>>, vector<1x16xi32>,
    %get3A_439 = vector.shape_cast %get3A_438 : vector<1x16xi32> to vector<16xi32>
    %add3A_440 = vector.broadcast %mul3A_20 : i32 to vector<16xi32>
    %add3A_441 = arith.addi %get3A_439, %add3A_440 : vector<16xi32>
    %swap3A_442 = arith.constant 4 : i32
    %swap3A_443 = arith.index_cast %swap3A_442 : i32 to index
    %swap3A_444 = arith.constant 0 : index
    %swap3A_445 = tpu.vector_load %arg5[%swap3A_443, %swap3A_444] {strides = array<i32>} : memref<16x128xi32, #tpu.memory_space<vmem>>, vector<1x16xi32>,
    %swap3A_446 = vector.shape_cast %swap3A_445 : vector<1x16xi32> to vector<16xi32>
    %swap3A_447 = vector.shape_cast %add3A_441 : vector<16xi32> to vector<1x16xi32>
    tpu.vector_store %arg5[%swap3A_443, %swap3A_444], %swap3A_447 {strides = array<i32>} : memref<16x128xi32, #tpu.memory_space<vmem>>, vector<1x16xi32>,
    %get3A_448 = arith.constant 4 : i32
    %get3A_449 = arith.index_cast %get3A_448 : i32 to index
    %get3A_450 = arith.constant 16 : index
    %get3A_451 = tpu.vector_load %arg5[%get3A_449, %get3A_450] {strides = array<i32>} : memref<16x128xi32, #tpu.memory_space<vmem>>, vector<1x16xi32>,
    %get3A_452 = vector.shape_cast %get3A_451 : vector<1x16xi32> to vector<16xi32>
    %add3A_453 = vector.broadcast %mul3A_20 : i32 to vector<16xi32>
    %add3A_454 = arith.addi %get3A_452, %add3A_453 : vector<16xi32>
    %swap3A_455 = arith.constant 4 : i32
    %swap3A_456 = arith.index_cast %swap3A_455 : i32 to index
    %swap3A_457 = arith.constant 16 : index
    %swap3A_458 = tpu.vector_load %arg5[%swap3A_456, %swap3A_457] {strides = array<i32>} : memref<16x128xi32, #tpu.memory_space<vmem>>, vector<1x16xi32>,
    %swap3A_459 = vector.shape_cast %swap3A_458 : vector<1x16xi32> to vector<16xi32>
    %swap3A_460 = vector.shape_cast %add3A_454 : vector<16xi32> to vector<1x16xi32>
    tpu.vector_store %arg5[%swap3A_456, %swap3A_457], %swap3A_460 {strides = array<i32>} : memref<16x128xi32, #tpu.memory_space<vmem>>, vector<1x16xi32>,
    %get3A_461 = arith.constant 4 : i32
    %get3A_462 = arith.index_cast %get3A_461 : i32 to index
    %get3A_463 = arith.constant 32 : index
    %get3A_464 = tpu.vector_load %arg5[%get3A_462, %get3A_463] {strides = array<i32>} : memref<16x128xi32, #tpu.memory_space<vmem>>, vector<1x16xi32>,
    %get3A_465 = vector.shape_cast %get3A_464 : vector<1x16xi32> to vector<16xi32>
    %add3A_466 = vector.broadcast %mul3A_20 : i32 to vector<16xi32>
    %add3A_467 = arith.addi %get3A_465, %add3A_466 : vector<16xi32>
    %swap3A_468 = arith.constant 4 : i32
    %swap3A_469 = arith.index_cast %swap3A_468 : i32 to index
    %swap3A_470 = arith.constant 32 : index
    %swap3A_471 = tpu.vector_load %arg5[%swap3A_469, %swap3A_470] {strides = array<i32>} : memref<16x128xi32, #tpu.memory_space<vmem>>, vector<1x16xi32>,
    %swap3A_472 = vector.shape_cast %swap3A_471 : vector<1x16xi32> to vector<16xi32>
    %swap3A_473 = vector.shape_cast %add3A_467 : vector<16xi32> to vector<1x16xi32>
    tpu.vector_store %arg5[%swap3A_469, %swap3A_470], %swap3A_473 {strides = array<i32>} : memref<16x128xi32, #tpu.memory_space<vmem>>, vector<1x16xi32>,
    %get3A_474 = arith.constant 4 : i32
    %get3A_475 = arith.index_cast %get3A_474 : i32 to index
    %get3A_476 = arith.constant 48 : index
    %get3A_477 = tpu.vector_load %arg5[%get3A_475, %get3A_476] {strides = array<i32>} : memref<16x128xi32, #tpu.memory_space<vmem>>, vector<1x16xi32>,
    %get3A_478 = vector.shape_cast %get3A_477 : vector<1x16xi32> to vector<16xi32>
    %add3A_479 = vector.broadcast %mul3A_20 : i32 to vector<16xi32>
    %add3A_480 = arith.addi %get3A_478, %add3A_479 : vector<16xi32>
    %swap3A_481 = arith.constant 4 : i32
    %swap3A_482 = arith.index_cast %swap3A_481 : i32 to index
    %swap3A_483 = arith.constant 48 : index
    %swap3A_484 = tpu.vector_load %arg5[%swap3A_482, %swap3A_483] {strides = array<i32>} : memref<16x128xi32, #tpu.memory_space<vmem>>, vector<1x16xi32>,
    %swap3A_485 = vector.shape_cast %swap3A_484 : vector<1x16xi32> to vector<16xi32>
    %swap3A_486 = vector.shape_cast %add3A_480 : vector<16xi32> to vector<1x16xi32>
    tpu.vector_store %arg5[%swap3A_482, %swap3A_483], %swap3A_486 {strides = array<i32>} : memref<16x128xi32, #tpu.memory_space<vmem>>, vector<1x16xi32>,
    %get3A_487 = arith.constant 4 : i32
    %get3A_488 = arith.index_cast %get3A_487 : i32 to index
    %get3A_489 = arith.constant 64 : index
    %get3A_490 = tpu.vector_load %arg5[%get3A_488, %get3A_489] {strides = array<i32>} : memref<16x128xi32, #tpu.memory_space<vmem>>, vector<1x16xi32>,
    %get3A_491 = vector.shape_cast %get3A_490 : vector<1x16xi32> to vector<16xi32>
    %add3A_492 = vector.broadcast %mul3A_20 : i32 to vector<16xi32>
    %add3A_493 = arith.addi %get3A_491, %add3A_492 : vector<16xi32>
    %swap3A_494 = arith.constant 4 : i32
    %swap3A_495 = arith.index_cast %swap3A_494 : i32 to index
    %swap3A_496 = arith.constant 64 : index
    %swap3A_497 = tpu.vector_load %arg5[%swap3A_495, %swap3A_496] {strides = array<i32>} : memref<16x128xi32, #tpu.memory_space<vmem>>, vector<1x16xi32>,
    %swap3A_498 = vector.shape_cast %swap3A_497 : vector<1x16xi32> to vector<16xi32>
    %swap3A_499 = vector.shape_cast %add3A_493 : vector<16xi32> to vector<1x16xi32>
    tpu.vector_store %arg5[%swap3A_495, %swap3A_496], %swap3A_499 {strides = array<i32>} : memref<16x128xi32, #tpu.memory_space<vmem>>, vector<1x16xi32>,
    %get3A_500 = arith.constant 4 : i32
    %get3A_501 = arith.index_cast %get3A_500 : i32 to index
    %get3A_502 = arith.constant 80 : index
    %get3A_503 = tpu.vector_load %arg5[%get3A_501, %get3A_502] {strides = array<i32>} : memref<16x128xi32, #tpu.memory_space<vmem>>, vector<1x16xi32>,
    %get3A_504 = vector.shape_cast %get3A_503 : vector<1x16xi32> to vector<16xi32>
    %add3A_505 = vector.broadcast %mul3A_20 : i32 to vector<16xi32>
    %add3A_506 = arith.addi %get3A_504, %add3A_505 : vector<16xi32>
    %swap3A_507 = arith.constant 4 : i32
    %swap3A_508 = arith.index_cast %swap3A_507 : i32 to index
    %swap3A_509 = arith.constant 80 : index
    %swap3A_510 = tpu.vector_load %arg5[%swap3A_508, %swap3A_509] {strides = array<i32>} : memref<16x128xi32, #tpu.memory_space<vmem>>, vector<1x16xi32>,
    %swap3A_511 = vector.shape_cast %swap3A_510 : vector<1x16xi32> to vector<16xi32>
    %swap3A_512 = vector.shape_cast %add3A_506 : vector<16xi32> to vector<1x16xi32>
    tpu.vector_store %arg5[%swap3A_508, %swap3A_509], %swap3A_512 {strides = array<i32>} : memref<16x128xi32, #tpu.memory_space<vmem>>, vector<1x16xi32>,
    %get3A_513 = arith.constant 4 : i32
    %get3A_514 = arith.index_cast %get3A_513 : i32 to index
    %get3A_515 = arith.constant 96 : index
    %get3A_516 = tpu.vector_load %arg5[%get3A_514, %get3A_515] {strides = array<i32>} : memref<16x128xi32, #tpu.memory_space<vmem>>, vector<1x16xi32>,
    %get3A_517 = vector.shape_cast %get3A_516 : vector<1x16xi32> to vector<16xi32>
    %add3A_518 = vector.broadcast %mul3A_20 : i32 to vector<16xi32>
    %add3A_519 = arith.addi %get3A_517, %add3A_518 : vector<16xi32>
    %swap3A_520 = arith.constant 4 : i32
    %swap3A_521 = arith.index_cast %swap3A_520 : i32 to index
    %swap3A_522 = arith.constant 96 : index
    %swap3A_523 = tpu.vector_load %arg5[%swap3A_521, %swap3A_522] {strides = array<i32>} : memref<16x128xi32, #tpu.memory_space<vmem>>, vector<1x16xi32>,
    %swap3A_524 = vector.shape_cast %swap3A_523 : vector<1x16xi32> to vector<16xi32>
    %swap3A_525 = vector.shape_cast %add3A_519 : vector<16xi32> to vector<1x16xi32>
    tpu.vector_store %arg5[%swap3A_521, %swap3A_522], %swap3A_525 {strides = array<i32>} : memref<16x128xi32, #tpu.memory_space<vmem>>, vector<1x16xi32>,
    %get3A_526 = arith.constant 4 : i32
    %get3A_527 = arith.index_cast %get3A_526 : i32 to index
    %get3A_528 = arith.constant 112 : index
    %get3A_529 = tpu.vector_load %arg5[%get3A_527, %get3A_528] {strides = array<i32>} : memref<16x128xi32, #tpu.memory_space<vmem>>, vector<1x16xi32>,
    %get3A_530 = vector.shape_cast %get3A_529 : vector<1x16xi32> to vector<16xi32>
    %add3A_531 = vector.broadcast %mul3A_20 : i32 to vector<16xi32>
    %add3A_532 = arith.addi %get3A_530, %add3A_531 : vector<16xi32>
    %swap3A_533 = arith.constant 4 : i32
    %swap3A_534 = arith.index_cast %swap3A_533 : i32 to index
    %swap3A_535 = arith.constant 112 : index
    %swap3A_536 = tpu.vector_load %arg5[%swap3A_534, %swap3A_535] {strides = array<i32>} : memref<16x128xi32, #tpu.memory_space<vmem>>, vector<1x16xi32>,
    %swap3A_537 = vector.shape_cast %swap3A_536 : vector<1x16xi32> to vector<16xi32>
    %swap3A_538 = vector.shape_cast %add3A_532 : vector<16xi32> to vector<1x16xi32>
    tpu.vector_store %arg5[%swap3A_534, %swap3A_535], %swap3A_538 {strides = array<i32>} : memref<16x128xi32, #tpu.memory_space<vmem>>, vector<1x16xi32>,
    %get3A_539 = arith.constant 5 : i32
    %get3A_540 = arith.index_cast %get3A_539 : i32 to index
    %get3A_541 = arith.constant 0 : index
    %get3A_542 = tpu.vector_load %arg5[%get3A_540, %get3A_541] {strides = array<i32>} : memref<16x128xi32, #tpu.memory_space<vmem>>, vector<1x16xi32>,
    %get3A_543 = vector.shape_cast %get3A_542 : vector<1x16xi32> to vector<16xi32>
    %add3A_544 = vector.broadcast %mul3A_20 : i32 to vector<16xi32>
    %add3A_545 = arith.addi %get3A_543, %add3A_544 : vector<16xi32>
    %swap3A_546 = arith.constant 5 : i32
    %swap3A_547 = arith.index_cast %swap3A_546 : i32 to index
    %swap3A_548 = arith.constant 0 : index
    %swap3A_549 = tpu.vector_load %arg5[%swap3A_547, %swap3A_548] {strides = array<i32>} : memref<16x128xi32, #tpu.memory_space<vmem>>, vector<1x16xi32>,
    %swap3A_550 = vector.shape_cast %swap3A_549 : vector<1x16xi32> to vector<16xi32>
    %swap3A_551 = vector.shape_cast %add3A_545 : vector<16xi32> to vector<1x16xi32>
    tpu.vector_store %arg5[%swap3A_547, %swap3A_548], %swap3A_551 {strides = array<i32>} : memref<16x128xi32, #tpu.memory_space<vmem>>, vector<1x16xi32>,
    %get3A_552 = arith.constant 5 : i32
    %get3A_553 = arith.index_cast %get3A_552 : i32 to index
    %get3A_554 = arith.constant 16 : index
    %get3A_555 = tpu.vector_load %arg5[%get3A_553, %get3A_554] {strides = array<i32>} : memref<16x128xi32, #tpu.memory_space<vmem>>, vector<1x16xi32>,
    %get3A_556 = vector.shape_cast %get3A_555 : vector<1x16xi32> to vector<16xi32>
    %add3A_557 = vector.broadcast %mul3A_20 : i32 to vector<16xi32>
    %add3A_558 = arith.addi %get3A_556, %add3A_557 : vector<16xi32>
    %swap3A_559 = arith.constant 5 : i32
    %swap3A_560 = arith.index_cast %swap3A_559 : i32 to index
    %swap3A_561 = arith.constant 16 : index
    %swap3A_562 = tpu.vector_load %arg5[%swap3A_560, %swap3A_561] {strides = array<i32>} : memref<16x128xi32, #tpu.memory_space<vmem>>, vector<1x16xi32>,
    %swap3A_563 = vector.shape_cast %swap3A_562 : vector<1x16xi32> to vector<16xi32>
    %swap3A_564 = vector.shape_cast %add3A_558 : vector<16xi32> to vector<1x16xi32>
    tpu.vector_store %arg5[%swap3A_560, %swap3A_561], %swap3A_564 {strides = array<i32>} : memref<16x128xi32, #tpu.memory_space<vmem>>, vector<1x16xi32>,
    %get3A_565 = arith.constant 5 : i32
    %get3A_566 = arith.index_cast %get3A_565 : i32 to index
    %get3A_567 = arith.constant 32 : index
    %get3A_568 = tpu.vector_load %arg5[%get3A_566, %get3A_567] {strides = array<i32>} : memref<16x128xi32, #tpu.memory_space<vmem>>, vector<1x16xi32>,
    %get3A_569 = vector.shape_cast %get3A_568 : vector<1x16xi32> to vector<16xi32>
    %add3A_570 = vector.broadcast %mul3A_20 : i32 to vector<16xi32>
    %add3A_571 = arith.addi %get3A_569, %add3A_570 : vector<16xi32>
    %swap3A_572 = arith.constant 5 : i32
    %swap3A_573 = arith.index_cast %swap3A_572 : i32 to index
    %swap3A_574 = arith.constant 32 : index
    %swap3A_575 = tpu.vector_load %arg5[%swap3A_573, %swap3A_574] {strides = array<i32>} : memref<16x128xi32, #tpu.memory_space<vmem>>, vector<1x16xi32>,
    %swap3A_576 = vector.shape_cast %swap3A_575 : vector<1x16xi32> to vector<16xi32>
    %swap3A_577 = vector.shape_cast %add3A_571 : vector<16xi32> to vector<1x16xi32>
    tpu.vector_store %arg5[%swap3A_573, %swap3A_574], %swap3A_577 {strides = array<i32>} : memref<16x128xi32, #tpu.memory_space<vmem>>, vector<1x16xi32>,
    %get3A_578 = arith.constant 5 : i32
    %get3A_579 = arith.index_cast %get3A_578 : i32 to index
    %get3A_580 = arith.constant 48 : index
    %get3A_581 = tpu.vector_load %arg5[%get3A_579, %get3A_580] {strides = array<i32>} : memref<16x128xi32, #tpu.memory_space<vmem>>, vector<1x16xi32>,
    %get3A_582 = vector.shape_cast %get3A_581 : vector<1x16xi32> to vector<16xi32>
    %add3A_583 = vector.broadcast %mul3A_20 : i32 to vector<16xi32>
    %add3A_584 = arith.addi %get3A_582, %add3A_583 : vector<16xi32>
    %swap3A_585 = arith.constant 5 : i32
    %swap3A_586 = arith.index_cast %swap3A_585 : i32 to index
    %swap3A_587 = arith.constant 48 : index
    %swap3A_588 = tpu.vector_load %arg5[%swap3A_586, %swap3A_587] {strides = array<i32>} : memref<16x128xi32, #tpu.memory_space<vmem>>, vector<1x16xi32>,
    %swap3A_589 = vector.shape_cast %swap3A_588 : vector<1x16xi32> to vector<16xi32>
    %swap3A_590 = vector.shape_cast %add3A_584 : vector<16xi32> to vector<1x16xi32>
    tpu.vector_store %arg5[%swap3A_586, %swap3A_587], %swap3A_590 {strides = array<i32>} : memref<16x128xi32, #tpu.memory_space<vmem>>, vector<1x16xi32>,
    %get3A_591 = arith.constant 5 : i32
    %get3A_592 = arith.index_cast %get3A_591 : i32 to index
    %get3A_593 = arith.constant 64 : index
    %get3A_594 = tpu.vector_load %arg5[%get3A_592, %get3A_593] {strides = array<i32>} : memref<16x128xi32, #tpu.memory_space<vmem>>, vector<1x16xi32>,
    %get3A_595 = vector.shape_cast %get3A_594 : vector<1x16xi32> to vector<16xi32>
    %add3A_596 = vector.broadcast %mul3A_20 : i32 to vector<16xi32>
    %add3A_597 = arith.addi %get3A_595, %add3A_596 : vector<16xi32>
    %swap3A_598 = arith.constant 5 : i32
    %swap3A_599 = arith.index_cast %swap3A_598 : i32 to index
    %swap3A_600 = arith.constant 64 : index
    %swap3A_601 = tpu.vector_load %arg5[%swap3A_599, %swap3A_600] {strides = array<i32>} : memref<16x128xi32, #tpu.memory_space<vmem>>, vector<1x16xi32>,
    %swap3A_602 = vector.shape_cast %swap3A_601 : vector<1x16xi32> to vector<16xi32>
    %swap3A_603 = vector.shape_cast %add3A_597 : vector<16xi32> to vector<1x16xi32>
    tpu.vector_store %arg5[%swap3A_599, %swap3A_600], %swap3A_603 {strides = array<i32>} : memref<16x128xi32, #tpu.memory_space<vmem>>, vector<1x16xi32>,
    %get3A_604 = arith.constant 5 : i32
    %get3A_605 = arith.index_cast %get3A_604 : i32 to index
    %get3A_606 = arith.constant 80 : index
    %get3A_607 = tpu.vector_load %arg5[%get3A_605, %get3A_606] {strides = array<i32>} : memref<16x128xi32, #tpu.memory_space<vmem>>, vector<1x16xi32>,
    %get3A_608 = vector.shape_cast %get3A_607 : vector<1x16xi32> to vector<16xi32>
    %add3A_609 = vector.broadcast %mul3A_20 : i32 to vector<16xi32>
    %add3A_610 = arith.addi %get3A_608, %add3A_609 : vector<16xi32>
    %swap3A_611 = arith.constant 5 : i32
    %swap3A_612 = arith.index_cast %swap3A_611 : i32 to index
    %swap3A_613 = arith.constant 80 : index
    %swap3A_614 = tpu.vector_load %arg5[%swap3A_612, %swap3A_613] {strides = array<i32>} : memref<16x128xi32, #tpu.memory_space<vmem>>, vector<1x16xi32>,
    %swap3A_615 = vector.shape_cast %swap3A_614 : vector<1x16xi32> to vector<16xi32>
    %swap3A_616 = vector.shape_cast %add3A_610 : vector<16xi32> to vector<1x16xi32>
    tpu.vector_store %arg5[%swap3A_612, %swap3A_613], %swap3A_616 {strides = array<i32>} : memref<16x128xi32, #tpu.memory_space<vmem>>, vector<1x16xi32>,
    %get3A_617 = arith.constant 5 : i32
    %get3A_618 = arith.index_cast %get3A_617 : i32 to index
    %get3A_619 = arith.constant 96 : index
    %get3A_620 = tpu.vector_load %arg5[%get3A_618, %get3A_619] {strides = array<i32>} : memref<16x128xi32, #tpu.memory_space<vmem>>, vector<1x16xi32>,
    %get3A_621 = vector.shape_cast %get3A_620 : vector<1x16xi32> to vector<16xi32>
    %add3A_622 = vector.broadcast %mul3A_20 : i32 to vector<16xi32>
    %add3A_623 = arith.addi %get3A_621, %add3A_622 : vector<16xi32>
    %swap3A_624 = arith.constant 5 : i32
    %swap3A_625 = arith.index_cast %swap3A_624 : i32 to index
    %swap3A_626 = arith.constant 96 : index
    %swap3A_627 = tpu.vector_load %arg5[%swap3A_625, %swap3A_626] {strides = array<i32>} : memref<16x128xi32, #tpu.memory_space<vmem>>, vector<1x16xi32>,
    %swap3A_628 = vector.shape_cast %swap3A_627 : vector<1x16xi32> to vector<16xi32>
    %swap3A_629 = vector.shape_cast %add3A_623 : vector<16xi32> to vector<1x16xi32>
    tpu.vector_store %arg5[%swap3A_625, %swap3A_626], %swap3A_629 {strides = array<i32>} : memref<16x128xi32, #tpu.memory_space<vmem>>, vector<1x16xi32>,
    %get3A_630 = arith.constant 5 : i32
    %get3A_631 = arith.index_cast %get3A_630 : i32 to index
    %get3A_632 = arith.constant 112 : index
    %get3A_633 = tpu.vector_load %arg5[%get3A_631, %get3A_632] {strides = array<i32>} : memref<16x128xi32, #tpu.memory_space<vmem>>, vector<1x16xi32>,
    %get3A_634 = vector.shape_cast %get3A_633 : vector<1x16xi32> to vector<16xi32>
    %add3A_635 = vector.broadcast %mul3A_20 : i32 to vector<16xi32>
    %add3A_636 = arith.addi %get3A_634, %add3A_635 : vector<16xi32>
    %swap3A_637 = arith.constant 5 : i32
    %swap3A_638 = arith.index_cast %swap3A_637 : i32 to index
    %swap3A_639 = arith.constant 112 : index
    %swap3A_640 = tpu.vector_load %arg5[%swap3A_638, %swap3A_639] {strides = array<i32>} : memref<16x128xi32, #tpu.memory_space<vmem>>, vector<1x16xi32>,
    %swap3A_641 = vector.shape_cast %swap3A_640 : vector<1x16xi32> to vector<16xi32>
    %swap3A_642 = vector.shape_cast %add3A_636 : vector<16xi32> to vector<1x16xi32>
    tpu.vector_store %arg5[%swap3A_638, %swap3A_639], %swap3A_642 {strides = array<i32>} : memref<16x128xi32, #tpu.memory_space<vmem>>, vector<1x16xi32>,
    %get3A_643 = arith.constant 6 : i32
    %get3A_644 = arith.index_cast %get3A_643 : i32 to index
    %get3A_645 = arith.constant 0 : index
    %get3A_646 = tpu.vector_load %arg5[%get3A_644, %get3A_645] {strides = array<i32>} : memref<16x128xi32, #tpu.memory_space<vmem>>, vector<1x16xi32>,
    %get3A_647 = vector.shape_cast %get3A_646 : vector<1x16xi32> to vector<16xi32>
    %add3A_648 = vector.broadcast %mul3A_20 : i32 to vector<16xi32>
    %add3A_649 = arith.addi %get3A_647, %add3A_648 : vector<16xi32>
    %swap3A_650 = arith.constant 6 : i32
    %swap3A_651 = arith.index_cast %swap3A_650 : i32 to index
    %swap3A_652 = arith.constant 0 : index
    %swap3A_653 = tpu.vector_load %arg5[%swap3A_651, %swap3A_652] {strides = array<i32>} : memref<16x128xi32, #tpu.memory_space<vmem>>, vector<1x16xi32>,
    %swap3A_654 = vector.shape_cast %swap3A_653 : vector<1x16xi32> to vector<16xi32>
    %swap3A_655 = vector.shape_cast %add3A_649 : vector<16xi32> to vector<1x16xi32>
    tpu.vector_store %arg5[%swap3A_651, %swap3A_652], %swap3A_655 {strides = array<i32>} : memref<16x128xi32, #tpu.memory_space<vmem>>, vector<1x16xi32>,
    %get3A_656 = arith.constant 6 : i32
    %get3A_657 = arith.index_cast %get3A_656 : i32 to index
    %get3A_658 = arith.constant 16 : index
    %get3A_659 = tpu.vector_load %arg5[%get3A_657, %get3A_658] {strides = array<i32>} : memref<16x128xi32, #tpu.memory_space<vmem>>, vector<1x16xi32>,
    %get3A_660 = vector.shape_cast %get3A_659 : vector<1x16xi32> to vector<16xi32>
    %add3A_661 = vector.broadcast %mul3A_20 : i32 to vector<16xi32>
    %add3A_662 = arith.addi %get3A_660, %add3A_661 : vector<16xi32>
    %swap3A_663 = arith.constant 6 : i32
    %swap3A_664 = arith.index_cast %swap3A_663 : i32 to index
    %swap3A_665 = arith.constant 16 : index
    %swap3A_666 = tpu.vector_load %arg5[%swap3A_664, %swap3A_665] {strides = array<i32>} : memref<16x128xi32, #tpu.memory_space<vmem>>, vector<1x16xi32>,
    %swap3A_667 = vector.shape_cast %swap3A_666 : vector<1x16xi32> to vector<16xi32>
    %swap3A_668 = vector.shape_cast %add3A_662 : vector<16xi32> to vector<1x16xi32>
    tpu.vector_store %arg5[%swap3A_664, %swap3A_665], %swap3A_668 {strides = array<i32>} : memref<16x128xi32, #tpu.memory_space<vmem>>, vector<1x16xi32>,
    %get3A_669 = arith.constant 6 : i32
    %get3A_670 = arith.index_cast %get3A_669 : i32 to index
    %get3A_671 = arith.constant 32 : index
    %get3A_672 = tpu.vector_load %arg5[%get3A_670, %get3A_671] {strides = array<i32>} : memref<16x128xi32, #tpu.memory_space<vmem>>, vector<1x16xi32>,
    %get3A_673 = vector.shape_cast %get3A_672 : vector<1x16xi32> to vector<16xi32>
    %add3A_674 = vector.broadcast %mul3A_20 : i32 to vector<16xi32>
    %add3A_675 = arith.addi %get3A_673, %add3A_674 : vector<16xi32>
    %swap3A_676 = arith.constant 6 : i32
    %swap3A_677 = arith.index_cast %swap3A_676 : i32 to index
    %swap3A_678 = arith.constant 32 : index
    %swap3A_679 = tpu.vector_load %arg5[%swap3A_677, %swap3A_678] {strides = array<i32>} : memref<16x128xi32, #tpu.memory_space<vmem>>, vector<1x16xi32>,
    %swap3A_680 = vector.shape_cast %swap3A_679 : vector<1x16xi32> to vector<16xi32>
    %swap3A_681 = vector.shape_cast %add3A_675 : vector<16xi32> to vector<1x16xi32>
    tpu.vector_store %arg5[%swap3A_677, %swap3A_678], %swap3A_681 {strides = array<i32>} : memref<16x128xi32, #tpu.memory_space<vmem>>, vector<1x16xi32>,
    %get3A_682 = arith.constant 6 : i32
    %get3A_683 = arith.index_cast %get3A_682 : i32 to index
    %get3A_684 = arith.constant 48 : index
    %get3A_685 = tpu.vector_load %arg5[%get3A_683, %get3A_684] {strides = array<i32>} : memref<16x128xi32, #tpu.memory_space<vmem>>, vector<1x16xi32>,
    %get3A_686 = vector.shape_cast %get3A_685 : vector<1x16xi32> to vector<16xi32>
    %add3A_687 = vector.broadcast %mul3A_20 : i32 to vector<16xi32>
    %add3A_688 = arith.addi %get3A_686, %add3A_687 : vector<16xi32>
    %swap3A_689 = arith.constant 6 : i32
    %swap3A_690 = arith.index_cast %swap3A_689 : i32 to index
    %swap3A_691 = arith.constant 48 : index
    %swap3A_692 = tpu.vector_load %arg5[%swap3A_690, %swap3A_691] {strides = array<i32>} : memref<16x128xi32, #tpu.memory_space<vmem>>, vector<1x16xi32>,
    %swap3A_693 = vector.shape_cast %swap3A_692 : vector<1x16xi32> to vector<16xi32>
    %swap3A_694 = vector.shape_cast %add3A_688 : vector<16xi32> to vector<1x16xi32>
    tpu.vector_store %arg5[%swap3A_690, %swap3A_691], %swap3A_694 {strides = array<i32>} : memref<16x128xi32, #tpu.memory_space<vmem>>, vector<1x16xi32>,
    %get3A_695 = arith.constant 6 : i32
    %get3A_696 = arith.index_cast %get3A_695 : i32 to index
    %get3A_697 = arith.constant 64 : index
    %get3A_698 = tpu.vector_load %arg5[%get3A_696, %get3A_697] {strides = array<i32>} : memref<16x128xi32, #tpu.memory_space<vmem>>, vector<1x16xi32>,
    %get3A_699 = vector.shape_cast %get3A_698 : vector<1x16xi32> to vector<16xi32>
    %add3A_700 = vector.broadcast %mul3A_20 : i32 to vector<16xi32>
    %add3A_701 = arith.addi %get3A_699, %add3A_700 : vector<16xi32>
    %swap3A_702 = arith.constant 6 : i32
    %swap3A_703 = arith.index_cast %swap3A_702 : i32 to index
    %swap3A_704 = arith.constant 64 : index
    %swap3A_705 = tpu.vector_load %arg5[%swap3A_703, %swap3A_704] {strides = array<i32>} : memref<16x128xi32, #tpu.memory_space<vmem>>, vector<1x16xi32>,
    %swap3A_706 = vector.shape_cast %swap3A_705 : vector<1x16xi32> to vector<16xi32>
    %swap3A_707 = vector.shape_cast %add3A_701 : vector<16xi32> to vector<1x16xi32>
    tpu.vector_store %arg5[%swap3A_703, %swap3A_704], %swap3A_707 {strides = array<i32>} : memref<16x128xi32, #tpu.memory_space<vmem>>, vector<1x16xi32>,
    %get3A_708 = arith.constant 6 : i32
    %get3A_709 = arith.index_cast %get3A_708 : i32 to index
    %get3A_710 = arith.constant 80 : index
    %get3A_711 = tpu.vector_load %arg5[%get3A_709, %get3A_710] {strides = array<i32>} : memref<16x128xi32, #tpu.memory_space<vmem>>, vector<1x16xi32>,
    %get3A_712 = vector.shape_cast %get3A_711 : vector<1x16xi32> to vector<16xi32>
    %add3A_713 = vector.broadcast %mul3A_20 : i32 to vector<16xi32>
    %add3A_714 = arith.addi %get3A_712, %add3A_713 : vector<16xi32>
    %swap3A_715 = arith.constant 6 : i32
    %swap3A_716 = arith.index_cast %swap3A_715 : i32 to index
    %swap3A_717 = arith.constant 80 : index
    %swap3A_718 = tpu.vector_load %arg5[%swap3A_716, %swap3A_717] {strides = array<i32>} : memref<16x128xi32, #tpu.memory_space<vmem>>, vector<1x16xi32>,
    %swap3A_719 = vector.shape_cast %swap3A_718 : vector<1x16xi32> to vector<16xi32>
    %swap3A_720 = vector.shape_cast %add3A_714 : vector<16xi32> to vector<1x16xi32>
    tpu.vector_store %arg5[%swap3A_716, %swap3A_717], %swap3A_720 {strides = array<i32>} : memref<16x128xi32, #tpu.memory_space<vmem>>, vector<1x16xi32>,
    %get3A_721 = arith.constant 6 : i32
    %get3A_722 = arith.index_cast %get3A_721 : i32 to index
    %get3A_723 = arith.constant 96 : index
    %get3A_724 = tpu.vector_load %arg5[%get3A_722, %get3A_723] {strides = array<i32>} : memref<16x128xi32, #tpu.memory_space<vmem>>, vector<1x16xi32>,
    %get3A_725 = vector.shape_cast %get3A_724 : vector<1x16xi32> to vector<16xi32>
    %add3A_726 = vector.broadcast %mul3A_20 : i32 to vector<16xi32>
    %add3A_727 = arith.addi %get3A_725, %add3A_726 : vector<16xi32>
    %swap3A_728 = arith.constant 6 : i32
    %swap3A_729 = arith.index_cast %swap3A_728 : i32 to index
    %swap3A_730 = arith.constant 96 : index
    %swap3A_731 = tpu.vector_load %arg5[%swap3A_729, %swap3A_730] {strides = array<i32>} : memref<16x128xi32, #tpu.memory_space<vmem>>, vector<1x16xi32>,
    %swap3A_732 = vector.shape_cast %swap3A_731 : vector<1x16xi32> to vector<16xi32>
    %swap3A_733 = vector.shape_cast %add3A_727 : vector<16xi32> to vector<1x16xi32>
    tpu.vector_store %arg5[%swap3A_729, %swap3A_730], %swap3A_733 {strides = array<i32>} : memref<16x128xi32, #tpu.memory_space<vmem>>, vector<1x16xi32>,
    %get3A_734 = arith.constant 6 : i32
    %get3A_735 = arith.index_cast %get3A_734 : i32 to index
    %get3A_736 = arith.constant 112 : index
    %get3A_737 = tpu.vector_load %arg5[%get3A_735, %get3A_736] {strides = array<i32>} : memref<16x128xi32, #tpu.memory_space<vmem>>, vector<1x16xi32>,
    %get3A_738 = vector.shape_cast %get3A_737 : vector<1x16xi32> to vector<16xi32>
    %add3A_739 = vector.broadcast %mul3A_20 : i32 to vector<16xi32>
    %add3A_740 = arith.addi %get3A_738, %add3A_739 : vector<16xi32>
    %swap3A_741 = arith.constant 6 : i32
    %swap3A_742 = arith.index_cast %swap3A_741 : i32 to index
    %swap3A_743 = arith.constant 112 : index
    %swap3A_744 = tpu.vector_load %arg5[%swap3A_742, %swap3A_743] {strides = array<i32>} : memref<16x128xi32, #tpu.memory_space<vmem>>, vector<1x16xi32>,
    %swap3A_745 = vector.shape_cast %swap3A_744 : vector<1x16xi32> to vector<16xi32>
    %swap3A_746 = vector.shape_cast %add3A_740 : vector<16xi32> to vector<1x16xi32>
    tpu.vector_store %arg5[%swap3A_742, %swap3A_743], %swap3A_746 {strides = array<i32>} : memref<16x128xi32, #tpu.memory_space<vmem>>, vector<1x16xi32>,
    %get3A_747 = arith.constant 7 : i32
    %get3A_748 = arith.index_cast %get3A_747 : i32 to index
    %get3A_749 = arith.constant 0 : index
    %get3A_750 = tpu.vector_load %arg5[%get3A_748, %get3A_749] {strides = array<i32>} : memref<16x128xi32, #tpu.memory_space<vmem>>, vector<1x16xi32>,
    %get3A_751 = vector.shape_cast %get3A_750 : vector<1x16xi32> to vector<16xi32>
    %add3A_752 = vector.broadcast %mul3A_20 : i32 to vector<16xi32>
    %add3A_753 = arith.addi %get3A_751, %add3A_752 : vector<16xi32>
    %swap3A_754 = arith.constant 7 : i32
    %swap3A_755 = arith.index_cast %swap3A_754 : i32 to index
    %swap3A_756 = arith.constant 0 : index
    %swap3A_757 = tpu.vector_load %arg5[%swap3A_755, %swap3A_756] {strides = array<i32>} : memref<16x128xi32, #tpu.memory_space<vmem>>, vector<1x16xi32>,
    %swap3A_758 = vector.shape_cast %swap3A_757 : vector<1x16xi32> to vector<16xi32>
    %swap3A_759 = vector.shape_cast %add3A_753 : vector<16xi32> to vector<1x16xi32>
    tpu.vector_store %arg5[%swap3A_755, %swap3A_756], %swap3A_759 {strides = array<i32>} : memref<16x128xi32, #tpu.memory_space<vmem>>, vector<1x16xi32>,
    %get3A_760 = arith.constant 7 : i32
    %get3A_761 = arith.index_cast %get3A_760 : i32 to index
    %get3A_762 = arith.constant 16 : index
    %get3A_763 = tpu.vector_load %arg5[%get3A_761, %get3A_762] {strides = array<i32>} : memref<16x128xi32, #tpu.memory_space<vmem>>, vector<1x16xi32>,
    %get3A_764 = vector.shape_cast %get3A_763 : vector<1x16xi32> to vector<16xi32>
    %add3A_765 = vector.broadcast %mul3A_20 : i32 to vector<16xi32>
    %add3A_766 = arith.addi %get3A_764, %add3A_765 : vector<16xi32>
    %swap3A_767 = arith.constant 7 : i32
    %swap3A_768 = arith.index_cast %swap3A_767 : i32 to index
    %swap3A_769 = arith.constant 16 : index
    %swap3A_770 = tpu.vector_load %arg5[%swap3A_768, %swap3A_769] {strides = array<i32>} : memref<16x128xi32, #tpu.memory_space<vmem>>, vector<1x16xi32>,
    %swap3A_771 = vector.shape_cast %swap3A_770 : vector<1x16xi32> to vector<16xi32>
    %swap3A_772 = vector.shape_cast %add3A_766 : vector<16xi32> to vector<1x16xi32>
    tpu.vector_store %arg5[%swap3A_768, %swap3A_769], %swap3A_772 {strides = array<i32>} : memref<16x128xi32, #tpu.memory_space<vmem>>, vector<1x16xi32>,
    %get3A_773 = arith.constant 7 : i32
    %get3A_774 = arith.index_cast %get3A_773 : i32 to index
    %get3A_775 = arith.constant 32 : index
    %get3A_776 = tpu.vector_load %arg5[%get3A_774, %get3A_775] {strides = array<i32>} : memref<16x128xi32, #tpu.memory_space<vmem>>, vector<1x16xi32>,
    %get3A_777 = vector.shape_cast %get3A_776 : vector<1x16xi32> to vector<16xi32>
    %add3A_778 = vector.broadcast %mul3A_20 : i32 to vector<16xi32>
    %add3A_779 = arith.addi %get3A_777, %add3A_778 : vector<16xi32>
    %swap3A_780 = arith.constant 7 : i32
    %swap3A_781 = arith.index_cast %swap3A_780 : i32 to index
    %swap3A_782 = arith.constant 32 : index
    %swap3A_783 = tpu.vector_load %arg5[%swap3A_781, %swap3A_782] {strides = array<i32>} : memref<16x128xi32, #tpu.memory_space<vmem>>, vector<1x16xi32>,
    %swap3A_784 = vector.shape_cast %swap3A_783 : vector<1x16xi32> to vector<16xi32>
    %swap3A_785 = vector.shape_cast %add3A_779 : vector<16xi32> to vector<1x16xi32>
    tpu.vector_store %arg5[%swap3A_781, %swap3A_782], %swap3A_785 {strides = array<i32>} : memref<16x128xi32, #tpu.memory_space<vmem>>, vector<1x16xi32>,
    %get3A_786 = arith.constant 7 : i32
    %get3A_787 = arith.index_cast %get3A_786 : i32 to index
    %get3A_788 = arith.constant 48 : index
    %get3A_789 = tpu.vector_load %arg5[%get3A_787, %get3A_788] {strides = array<i32>} : memref<16x128xi32, #tpu.memory_space<vmem>>, vector<1x16xi32>,
    %get3A_790 = vector.shape_cast %get3A_789 : vector<1x16xi32> to vector<16xi32>
    %add3A_791 = vector.broadcast %mul3A_20 : i32 to vector<16xi32>
    %add3A_792 = arith.addi %get3A_790, %add3A_791 : vector<16xi32>
    %swap3A_793 = arith.constant 7 : i32
    %swap3A_794 = arith.index_cast %swap3A_793 : i32 to index
    %swap3A_795 = arith.constant 48 : index
    %swap3A_796 = tpu.vector_load %arg5[%swap3A_794, %swap3A_795] {strides = array<i32>} : memref<16x128xi32, #tpu.memory_space<vmem>>, vector<1x16xi32>,
    %swap3A_797 = vector.shape_cast %swap3A_796 : vector<1x16xi32> to vector<16xi32>
    %swap3A_798 = vector.shape_cast %add3A_792 : vector<16xi32> to vector<1x16xi32>
    tpu.vector_store %arg5[%swap3A_794, %swap3A_795], %swap3A_798 {strides = array<i32>} : memref<16x128xi32, #tpu.memory_space<vmem>>, vector<1x16xi32>,
    %get3A_799 = arith.constant 7 : i32
    %get3A_800 = arith.index_cast %get3A_799 : i32 to index
    %get3A_801 = arith.constant 64 : index
    %get3A_802 = tpu.vector_load %arg5[%get3A_800, %get3A_801] {strides = array<i32>} : memref<16x128xi32, #tpu.memory_space<vmem>>, vector<1x16xi32>,
    %get3A_803 = vector.shape_cast %get3A_802 : vector<1x16xi32> to vector<16xi32>
    %add3A_804 = vector.broadcast %mul3A_20 : i32 to vector<16xi32>
    %add3A_805 = arith.addi %get3A_803, %add3A_804 : vector<16xi32>
    %swap3A_806 = arith.constant 7 : i32
    %swap3A_807 = arith.index_cast %swap3A_806 : i32 to index
    %swap3A_808 = arith.constant 64 : index
    %swap3A_809 = tpu.vector_load %arg5[%swap3A_807, %swap3A_808] {strides = array<i32>} : memref<16x128xi32, #tpu.memory_space<vmem>>, vector<1x16xi32>,
    %swap3A_810 = vector.shape_cast %swap3A_809 : vector<1x16xi32> to vector<16xi32>
    %swap3A_811 = vector.shape_cast %add3A_805 : vector<16xi32> to vector<1x16xi32>
    tpu.vector_store %arg5[%swap3A_807, %swap3A_808], %swap3A_811 {strides = array<i32>} : memref<16x128xi32, #tpu.memory_space<vmem>>, vector<1x16xi32>,
    %get3A_812 = arith.constant 7 : i32
    %get3A_813 = arith.index_cast %get3A_812 : i32 to index
    %get3A_814 = arith.constant 80 : index
    %get3A_815 = tpu.vector_load %arg5[%get3A_813, %get3A_814] {strides = array<i32>} : memref<16x128xi32, #tpu.memory_space<vmem>>, vector<1x16xi32>,
    %get3A_816 = vector.shape_cast %get3A_815 : vector<1x16xi32> to vector<16xi32>
    %add3A_817 = vector.broadcast %mul3A_20 : i32 to vector<16xi32>
    %add3A_818 = arith.addi %get3A_816, %add3A_817 : vector<16xi32>
    %swap3A_819 = arith.constant 7 : i32
    %swap3A_820 = arith.index_cast %swap3A_819 : i32 to index
    %swap3A_821 = arith.constant 80 : index
    %swap3A_822 = tpu.vector_load %arg5[%swap3A_820, %swap3A_821] {strides = array<i32>} : memref<16x128xi32, #tpu.memory_space<vmem>>, vector<1x16xi32>,
    %swap3A_823 = vector.shape_cast %swap3A_822 : vector<1x16xi32> to vector<16xi32>
    %swap3A_824 = vector.shape_cast %add3A_818 : vector<16xi32> to vector<1x16xi32>
    tpu.vector_store %arg5[%swap3A_820, %swap3A_821], %swap3A_824 {strides = array<i32>} : memref<16x128xi32, #tpu.memory_space<vmem>>, vector<1x16xi32>,
    %get3A_825 = arith.constant 7 : i32
    %get3A_826 = arith.index_cast %get3A_825 : i32 to index
    %get3A_827 = arith.constant 96 : index
    %get3A_828 = tpu.vector_load %arg5[%get3A_826, %get3A_827] {strides = array<i32>} : memref<16x128xi32, #tpu.memory_space<vmem>>, vector<1x16xi32>,
    %get3A_829 = vector.shape_cast %get3A_828 : vector<1x16xi32> to vector<16xi32>
    %add3A_830 = vector.broadcast %mul3A_20 : i32 to vector<16xi32>
    %add3A_831 = arith.addi %get3A_829, %add3A_830 : vector<16xi32>
    %swap3A_832 = arith.constant 7 : i32
    %swap3A_833 = arith.index_cast %swap3A_832 : i32 to index
    %swap3A_834 = arith.constant 96 : index
    %swap3A_835 = tpu.vector_load %arg5[%swap3A_833, %swap3A_834] {strides = array<i32>} : memref<16x128xi32, #tpu.memory_space<vmem>>, vector<1x16xi32>,
    %swap3A_836 = vector.shape_cast %swap3A_835 : vector<1x16xi32> to vector<16xi32>
    %swap3A_837 = vector.shape_cast %add3A_831 : vector<16xi32> to vector<1x16xi32>
    tpu.vector_store %arg5[%swap3A_833, %swap3A_834], %swap3A_837 {strides = array<i32>} : memref<16x128xi32, #tpu.memory_space<vmem>>, vector<1x16xi32>,
    %get3A_838 = arith.constant 7 : i32
    %get3A_839 = arith.index_cast %get3A_838 : i32 to index
    %get3A_840 = arith.constant 112 : index
    %get3A_841 = tpu.vector_load %arg5[%get3A_839, %get3A_840] {strides = array<i32>} : memref<16x128xi32, #tpu.memory_space<vmem>>, vector<1x16xi32>,
    %get3A_842 = vector.shape_cast %get3A_841 : vector<1x16xi32> to vector<16xi32>
    %add3A_843 = vector.broadcast %mul3A_20 : i32 to vector<16xi32>
    %add3A_844 = arith.addi %get3A_842, %add3A_843 : vector<16xi32>
    %swap3A_845 = arith.constant 7 : i32
    %swap3A_846 = arith.index_cast %swap3A_845 : i32 to index
    %swap3A_847 = arith.constant 112 : index
    %swap3A_848 = tpu.vector_load %arg5[%swap3A_846, %swap3A_847] {strides = array<i32>} : memref<16x128xi32, #tpu.memory_space<vmem>>, vector<1x16xi32>,
    %swap3A_849 = vector.shape_cast %swap3A_848 : vector<1x16xi32> to vector<16xi32>
    %swap3A_850 = vector.shape_cast %add3A_844 : vector<16xi32> to vector<1x16xi32>
    tpu.vector_store %arg5[%swap3A_846, %swap3A_847], %swap3A_850 {strides = array<i32>} : memref<16x128xi32, #tpu.memory_space<vmem>>, vector<1x16xi32>,
    %get3A_851 = arith.constant 8 : i32
    %get3A_852 = arith.index_cast %get3A_851 : i32 to index
    %get3A_853 = arith.constant 0 : index
    %get3A_854 = tpu.vector_load %arg5[%get3A_852, %get3A_853] {strides = array<i32>} : memref<16x128xi32, #tpu.memory_space<vmem>>, vector<1x16xi32>,
    %get3A_855 = vector.shape_cast %get3A_854 : vector<1x16xi32> to vector<16xi32>
    %add3A_856 = vector.broadcast %mul3A_20 : i32 to vector<16xi32>
    %add3A_857 = arith.addi %get3A_855, %add3A_856 : vector<16xi32>
    %swap3A_858 = arith.constant 8 : i32
    %swap3A_859 = arith.index_cast %swap3A_858 : i32 to index
    %swap3A_860 = arith.constant 0 : index
    %swap3A_861 = tpu.vector_load %arg5[%swap3A_859, %swap3A_860] {strides = array<i32>} : memref<16x128xi32, #tpu.memory_space<vmem>>, vector<1x16xi32>,
    %swap3A_862 = vector.shape_cast %swap3A_861 : vector<1x16xi32> to vector<16xi32>
    %swap3A_863 = vector.shape_cast %add3A_857 : vector<16xi32> to vector<1x16xi32>
    tpu.vector_store %arg5[%swap3A_859, %swap3A_860], %swap3A_863 {strides = array<i32>} : memref<16x128xi32, #tpu.memory_space<vmem>>, vector<1x16xi32>,
    %get3A_864 = arith.constant 8 : i32
    %get3A_865 = arith.index_cast %get3A_864 : i32 to index
    %get3A_866 = arith.constant 16 : index
    %get3A_867 = tpu.vector_load %arg5[%get3A_865, %get3A_866] {strides = array<i32>} : memref<16x128xi32, #tpu.memory_space<vmem>>, vector<1x16xi32>,
    %get3A_868 = vector.shape_cast %get3A_867 : vector<1x16xi32> to vector<16xi32>
    %add3A_869 = vector.broadcast %mul3A_20 : i32 to vector<16xi32>
    %add3A_870 = arith.addi %get3A_868, %add3A_869 : vector<16xi32>
    %swap3A_871 = arith.constant 8 : i32
    %swap3A_872 = arith.index_cast %swap3A_871 : i32 to index
    %swap3A_873 = arith.constant 16 : index
    %swap3A_874 = tpu.vector_load %arg5[%swap3A_872, %swap3A_873] {strides = array<i32>} : memref<16x128xi32, #tpu.memory_space<vmem>>, vector<1x16xi32>,
    %swap3A_875 = vector.shape_cast %swap3A_874 : vector<1x16xi32> to vector<16xi32>
    %swap3A_876 = vector.shape_cast %add3A_870 : vector<16xi32> to vector<1x16xi32>
    tpu.vector_store %arg5[%swap3A_872, %swap3A_873], %swap3A_876 {strides = array<i32>} : memref<16x128xi32, #tpu.memory_space<vmem>>, vector<1x16xi32>,
    %get3A_877 = arith.constant 8 : i32
    %get3A_878 = arith.index_cast %get3A_877 : i32 to index
    %get3A_879 = arith.constant 32 : index
    %get3A_880 = tpu.vector_load %arg5[%get3A_878, %get3A_879] {strides = array<i32>} : memref<16x128xi32, #tpu.memory_space<vmem>>, vector<1x16xi32>,
    %get3A_881 = vector.shape_cast %get3A_880 : vector<1x16xi32> to vector<16xi32>
    %add3A_882 = vector.broadcast %mul3A_20 : i32 to vector<16xi32>
    %add3A_883 = arith.addi %get3A_881, %add3A_882 : vector<16xi32>
    %swap3A_884 = arith.constant 8 : i32
    %swap3A_885 = arith.index_cast %swap3A_884 : i32 to index
    %swap3A_886 = arith.constant 32 : index
    %swap3A_887 = tpu.vector_load %arg5[%swap3A_885, %swap3A_886] {strides = array<i32>} : memref<16x128xi32, #tpu.memory_space<vmem>>, vector<1x16xi32>,
    %swap3A_888 = vector.shape_cast %swap3A_887 : vector<1x16xi32> to vector<16xi32>
    %swap3A_889 = vector.shape_cast %add3A_883 : vector<16xi32> to vector<1x16xi32>
    tpu.vector_store %arg5[%swap3A_885, %swap3A_886], %swap3A_889 {strides = array<i32>} : memref<16x128xi32, #tpu.memory_space<vmem>>, vector<1x16xi32>,
    %get3A_890 = arith.constant 8 : i32
    %get3A_891 = arith.index_cast %get3A_890 : i32 to index
    %get3A_892 = arith.constant 48 : index
    %get3A_893 = tpu.vector_load %arg5[%get3A_891, %get3A_892] {strides = array<i32>} : memref<16x128xi32, #tpu.memory_space<vmem>>, vector<1x16xi32>,
    %get3A_894 = vector.shape_cast %get3A_893 : vector<1x16xi32> to vector<16xi32>
    %add3A_895 = vector.broadcast %mul3A_20 : i32 to vector<16xi32>
    %add3A_896 = arith.addi %get3A_894, %add3A_895 : vector<16xi32>
    %swap3A_897 = arith.constant 8 : i32
    %swap3A_898 = arith.index_cast %swap3A_897 : i32 to index
    %swap3A_899 = arith.constant 48 : index
    %swap3A_900 = tpu.vector_load %arg5[%swap3A_898, %swap3A_899] {strides = array<i32>} : memref<16x128xi32, #tpu.memory_space<vmem>>, vector<1x16xi32>,
    %swap3A_901 = vector.shape_cast %swap3A_900 : vector<1x16xi32> to vector<16xi32>
    %swap3A_902 = vector.shape_cast %add3A_896 : vector<16xi32> to vector<1x16xi32>
    tpu.vector_store %arg5[%swap3A_898, %swap3A_899], %swap3A_902 {strides = array<i32>} : memref<16x128xi32, #tpu.memory_space<vmem>>, vector<1x16xi32>,
    %get3A_903 = arith.constant 8 : i32
    %get3A_904 = arith.index_cast %get3A_903 : i32 to index
    %get3A_905 = arith.constant 64 : index
    %get3A_906 = tpu.vector_load %arg5[%get3A_904, %get3A_905] {strides = array<i32>} : memref<16x128xi32, #tpu.memory_space<vmem>>, vector<1x16xi32>,
    %get3A_907 = vector.shape_cast %get3A_906 : vector<1x16xi32> to vector<16xi32>
    %add3A_908 = vector.broadcast %mul3A_20 : i32 to vector<16xi32>
    %add3A_909 = arith.addi %get3A_907, %add3A_908 : vector<16xi32>
    %swap3A_910 = arith.constant 8 : i32
    %swap3A_911 = arith.index_cast %swap3A_910 : i32 to index
    %swap3A_912 = arith.constant 64 : index
    %swap3A_913 = tpu.vector_load %arg5[%swap3A_911, %swap3A_912] {strides = array<i32>} : memref<16x128xi32, #tpu.memory_space<vmem>>, vector<1x16xi32>,
    %swap3A_914 = vector.shape_cast %swap3A_913 : vector<1x16xi32> to vector<16xi32>
    %swap3A_915 = vector.shape_cast %add3A_909 : vector<16xi32> to vector<1x16xi32>
    tpu.vector_store %arg5[%swap3A_911, %swap3A_912], %swap3A_915 {strides = array<i32>} : memref<16x128xi32, #tpu.memory_space<vmem>>, vector<1x16xi32>,
    %get3A_916 = arith.constant 8 : i32
    %get3A_917 = arith.index_cast %get3A_916 : i32 to index
    %get3A_918 = arith.constant 80 : index
    %get3A_919 = tpu.vector_load %arg5[%get3A_917, %get3A_918] {strides = array<i32>} : memref<16x128xi32, #tpu.memory_space<vmem>>, vector<1x16xi32>,
    %get3A_920 = vector.shape_cast %get3A_919 : vector<1x16xi32> to vector<16xi32>
    %add3A_921 = vector.broadcast %mul3A_20 : i32 to vector<16xi32>
    %add3A_922 = arith.addi %get3A_920, %add3A_921 : vector<16xi32>
    %swap3A_923 = arith.constant 8 : i32
    %swap3A_924 = arith.index_cast %swap3A_923 : i32 to index
    %swap3A_925 = arith.constant 80 : index
    %swap3A_926 = tpu.vector_load %arg5[%swap3A_924, %swap3A_925] {strides = array<i32>} : memref<16x128xi32, #tpu.memory_space<vmem>>, vector<1x16xi32>,
    %swap3A_927 = vector.shape_cast %swap3A_926 : vector<1x16xi32> to vector<16xi32>
    %swap3A_928 = vector.shape_cast %add3A_922 : vector<16xi32> to vector<1x16xi32>
    tpu.vector_store %arg5[%swap3A_924, %swap3A_925], %swap3A_928 {strides = array<i32>} : memref<16x128xi32, #tpu.memory_space<vmem>>, vector<1x16xi32>,
    %get3A_929 = arith.constant 8 : i32
    %get3A_930 = arith.index_cast %get3A_929 : i32 to index
    %get3A_931 = arith.constant 96 : index
    %get3A_932 = tpu.vector_load %arg5[%get3A_930, %get3A_931] {strides = array<i32>} : memref<16x128xi32, #tpu.memory_space<vmem>>, vector<1x16xi32>,
    %get3A_933 = vector.shape_cast %get3A_932 : vector<1x16xi32> to vector<16xi32>
    %add3A_934 = vector.broadcast %mul3A_20 : i32 to vector<16xi32>
    %add3A_935 = arith.addi %get3A_933, %add3A_934 : vector<16xi32>
    %swap3A_936 = arith.constant 8 : i32
    %swap3A_937 = arith.index_cast %swap3A_936 : i32 to index
    %swap3A_938 = arith.constant 96 : index
    %swap3A_939 = tpu.vector_load %arg5[%swap3A_937, %swap3A_938] {strides = array<i32>} : memref<16x128xi32, #tpu.memory_space<vmem>>, vector<1x16xi32>,
    %swap3A_940 = vector.shape_cast %swap3A_939 : vector<1x16xi32> to vector<16xi32>
    %swap3A_941 = vector.shape_cast %add3A_935 : vector<16xi32> to vector<1x16xi32>
    tpu.vector_store %arg5[%swap3A_937, %swap3A_938], %swap3A_941 {strides = array<i32>} : memref<16x128xi32, #tpu.memory_space<vmem>>, vector<1x16xi32>,
    %get3A_942 = arith.constant 8 : i32
    %get3A_943 = arith.index_cast %get3A_942 : i32 to index
    %get3A_944 = arith.constant 112 : index
    %get3A_945 = tpu.vector_load %arg5[%get3A_943, %get3A_944] {strides = array<i32>} : memref<16x128xi32, #tpu.memory_space<vmem>>, vector<1x16xi32>,
    %get3A_946 = vector.shape_cast %get3A_945 : vector<1x16xi32> to vector<16xi32>
    %add3A_947 = vector.broadcast %mul3A_20 : i32 to vector<16xi32>
    %add3A_948 = arith.addi %get3A_946, %add3A_947 : vector<16xi32>
    %swap3A_949 = arith.constant 8 : i32
    %swap3A_950 = arith.index_cast %swap3A_949 : i32 to index
    %swap3A_951 = arith.constant 112 : index
    %swap3A_952 = tpu.vector_load %arg5[%swap3A_950, %swap3A_951] {strides = array<i32>} : memref<16x128xi32, #tpu.memory_space<vmem>>, vector<1x16xi32>,
    %swap3A_953 = vector.shape_cast %swap3A_952 : vector<1x16xi32> to vector<16xi32>
    %swap3A_954 = vector.shape_cast %add3A_948 : vector<16xi32> to vector<1x16xi32>
    tpu.vector_store %arg5[%swap3A_950, %swap3A_951], %swap3A_954 {strides = array<i32>} : memref<16x128xi32, #tpu.memory_space<vmem>>, vector<1x16xi32>,
    %get3A_955 = arith.constant 9 : i32
    %get3A_956 = arith.index_cast %get3A_955 : i32 to index
    %get3A_957 = arith.constant 0 : index
    %get3A_958 = tpu.vector_load %arg5[%get3A_956, %get3A_957] {strides = array<i32>} : memref<16x128xi32, #tpu.memory_space<vmem>>, vector<1x16xi32>,
    %get3A_959 = vector.shape_cast %get3A_958 : vector<1x16xi32> to vector<16xi32>
    %add3A_960 = vector.broadcast %mul3A_20 : i32 to vector<16xi32>
    %add3A_961 = arith.addi %get3A_959, %add3A_960 : vector<16xi32>
    %swap3A_962 = arith.constant 9 : i32
    %swap3A_963 = arith.index_cast %swap3A_962 : i32 to index
    %swap3A_964 = arith.constant 0 : index
    %swap3A_965 = tpu.vector_load %arg5[%swap3A_963, %swap3A_964] {strides = array<i32>} : memref<16x128xi32, #tpu.memory_space<vmem>>, vector<1x16xi32>,
    %swap3A_966 = vector.shape_cast %swap3A_965 : vector<1x16xi32> to vector<16xi32>
    %swap3A_967 = vector.shape_cast %add3A_961 : vector<16xi32> to vector<1x16xi32>
    tpu.vector_store %arg5[%swap3A_963, %swap3A_964], %swap3A_967 {strides = array<i32>} : memref<16x128xi32, #tpu.memory_space<vmem>>, vector<1x16xi32>,
    %get3A_968 = arith.constant 9 : i32
    %get3A_969 = arith.index_cast %get3A_968 : i32 to index
    %get3A_970 = arith.constant 16 : index
    %get3A_971 = tpu.vector_load %arg5[%get3A_969, %get3A_970] {strides = array<i32>} : memref<16x128xi32, #tpu.memory_space<vmem>>, vector<1x16xi32>,
    %get3A_972 = vector.shape_cast %get3A_971 : vector<1x16xi32> to vector<16xi32>
    %add3A_973 = vector.broadcast %mul3A_20 : i32 to vector<16xi32>
    %add3A_974 = arith.addi %get3A_972, %add3A_973 : vector<16xi32>
    %swap3A_975 = arith.constant 9 : i32
    %swap3A_976 = arith.index_cast %swap3A_975 : i32 to index
    %swap3A_977 = arith.constant 16 : index
    %swap3A_978 = tpu.vector_load %arg5[%swap3A_976, %swap3A_977] {strides = array<i32>} : memref<16x128xi32, #tpu.memory_space<vmem>>, vector<1x16xi32>,
    %swap3A_979 = vector.shape_cast %swap3A_978 : vector<1x16xi32> to vector<16xi32>
    %swap3A_980 = vector.shape_cast %add3A_974 : vector<16xi32> to vector<1x16xi32>
    tpu.vector_store %arg5[%swap3A_976, %swap3A_977], %swap3A_980 {strides = array<i32>} : memref<16x128xi32, #tpu.memory_space<vmem>>, vector<1x16xi32>,
    %get3A_981 = arith.constant 9 : i32
    %get3A_982 = arith.index_cast %get3A_981 : i32 to index
    %get3A_983 = arith.constant 32 : index
    %get3A_984 = tpu.vector_load %arg5[%get3A_982, %get3A_983] {strides = array<i32>} : memref<16x128xi32, #tpu.memory_space<vmem>>, vector<1x16xi32>,
    %get3A_985 = vector.shape_cast %get3A_984 : vector<1x16xi32> to vector<16xi32>
    %add3A_986 = vector.broadcast %mul3A_20 : i32 to vector<16xi32>
    %add3A_987 = arith.addi %get3A_985, %add3A_986 : vector<16xi32>
    %swap3A_988 = arith.constant 9 : i32
    %swap3A_989 = arith.index_cast %swap3A_988 : i32 to index
    %swap3A_990 = arith.constant 32 : index
    %swap3A_991 = tpu.vector_load %arg5[%swap3A_989, %swap3A_990] {strides = array<i32>} : memref<16x128xi32, #tpu.memory_space<vmem>>, vector<1x16xi32>,
    %swap3A_992 = vector.shape_cast %swap3A_991 : vector<1x16xi32> to vector<16xi32>
    %swap3A_993 = vector.shape_cast %add3A_987 : vector<16xi32> to vector<1x16xi32>
    tpu.vector_store %arg5[%swap3A_989, %swap3A_990], %swap3A_993 {strides = array<i32>} : memref<16x128xi32, #tpu.memory_space<vmem>>, vector<1x16xi32>,
    %get3A_994 = arith.constant 9 : i32
    %get3A_995 = arith.index_cast %get3A_994 : i32 to index
    %get3A_996 = arith.constant 48 : index
    %get3A_997 = tpu.vector_load %arg5[%get3A_995, %get3A_996] {strides = array<i32>} : memref<16x128xi32, #tpu.memory_space<vmem>>, vector<1x16xi32>,
    %get3A_998 = vector.shape_cast %get3A_997 : vector<1x16xi32> to vector<16xi32>
    %add3A_999 = vector.broadcast %mul3A_20 : i32 to vector<16xi32>
    %add3A_1000 = arith.addi %get3A_998, %add3A_999 : vector<16xi32>
    %swap3A_1001 = arith.constant 9 : i32
    %swap3A_1002 = arith.index_cast %swap3A_1001 : i32 to index
    %swap3A_1003 = arith.constant 48 : index
    %swap3A_1004 = tpu.vector_load %arg5[%swap3A_1002, %swap3A_1003] {strides = array<i32>} : memref<16x128xi32, #tpu.memory_space<vmem>>, vector<1x16xi32>,
    %swap3A_1005 = vector.shape_cast %swap3A_1004 : vector<1x16xi32> to vector<16xi32>
    %swap3A_1006 = vector.shape_cast %add3A_1000 : vector<16xi32> to vector<1x16xi32>
    tpu.vector_store %arg5[%swap3A_1002, %swap3A_1003], %swap3A_1006 {strides = array<i32>} : memref<16x128xi32, #tpu.memory_space<vmem>>, vector<1x16xi32>,
    %get3A_1007 = arith.constant 9 : i32
    %get3A_1008 = arith.index_cast %get3A_1007 : i32 to index
    %get3A_1009 = arith.constant 64 : index
    %get3A_1010 = tpu.vector_load %arg5[%get3A_1008, %get3A_1009] {strides = array<i32>} : memref<16x128xi32, #tpu.memory_space<vmem>>, vector<1x16xi32>,
    %get3A_1011 = vector.shape_cast %get3A_1010 : vector<1x16xi32> to vector<16xi32>
    %add3A_1012 = vector.broadcast %mul3A_20 : i32 to vector<16xi32>
    %add3A_1013 = arith.addi %get3A_1011, %add3A_1012 : vector<16xi32>
    %swap3A_1014 = arith.constant 9 : i32
    %swap3A_1015 = arith.index_cast %swap3A_1014 : i32 to index
    %swap3A_1016 = arith.constant 64 : index
    %swap3A_1017 = tpu.vector_load %arg5[%swap3A_1015, %swap3A_1016] {strides = array<i32>} : memref<16x128xi32, #tpu.memory_space<vmem>>, vector<1x16xi32>,
    %swap3A_1018 = vector.shape_cast %swap3A_1017 : vector<1x16xi32> to vector<16xi32>
    %swap3A_1019 = vector.shape_cast %add3A_1013 : vector<16xi32> to vector<1x16xi32>
    tpu.vector_store %arg5[%swap3A_1015, %swap3A_1016], %swap3A_1019 {strides = array<i32>} : memref<16x128xi32, #tpu.memory_space<vmem>>, vector<1x16xi32>,
    %get3A_1020 = arith.constant 9 : i32
    %get3A_1021 = arith.index_cast %get3A_1020 : i32 to index
    %get3A_1022 = arith.constant 80 : index
    %get3A_1023 = tpu.vector_load %arg5[%get3A_1021, %get3A_1022] {strides = array<i32>} : memref<16x128xi32, #tpu.memory_space<vmem>>, vector<1x16xi32>,
    %get3A_1024 = vector.shape_cast %get3A_1023 : vector<1x16xi32> to vector<16xi32>
    %add3A_1025 = vector.broadcast %mul3A_20 : i32 to vector<16xi32>
    %add3A_1026 = arith.addi %get3A_1024, %add3A_1025 : vector<16xi32>
    %swap3A_1027 = arith.constant 9 : i32
    %swap3A_1028 = arith.index_cast %swap3A_1027 : i32 to index
    %swap3A_1029 = arith.constant 80 : index
    %swap3A_1030 = tpu.vector_load %arg5[%swap3A_1028, %swap3A_1029] {strides = array<i32>} : memref<16x128xi32, #tpu.memory_space<vmem>>, vector<1x16xi32>,
    %swap3A_1031 = vector.shape_cast %swap3A_1030 : vector<1x16xi32> to vector<16xi32>
    %swap3A_1032 = vector.shape_cast %add3A_1026 : vector<16xi32> to vector<1x16xi32>
    tpu.vector_store %arg5[%swap3A_1028, %swap3A_1029], %swap3A_1032 {strides = array<i32>} : memref<16x128xi32, #tpu.memory_space<vmem>>, vector<1x16xi32>,
    %get3A_1033 = arith.constant 9 : i32
    %get3A_1034 = arith.index_cast %get3A_1033 : i32 to index
    %get3A_1035 = arith.constant 96 : index
    %get3A_1036 = tpu.vector_load %arg5[%get3A_1034, %get3A_1035] {strides = array<i32>} : memref<16x128xi32, #tpu.memory_space<vmem>>, vector<1x16xi32>,
    %get3A_1037 = vector.shape_cast %get3A_1036 : vector<1x16xi32> to vector<16xi32>
    %add3A_1038 = vector.broadcast %mul3A_20 : i32 to vector<16xi32>
    %add3A_1039 = arith.addi %get3A_1037, %add3A_1038 : vector<16xi32>
    %swap3A_1040 = arith.constant 9 : i32
    %swap3A_1041 = arith.index_cast %swap3A_1040 : i32 to index
    %swap3A_1042 = arith.constant 96 : index
    %swap3A_1043 = tpu.vector_load %arg5[%swap3A_1041, %swap3A_1042] {strides = array<i32>} : memref<16x128xi32, #tpu.memory_space<vmem>>, vector<1x16xi32>,
    %swap3A_1044 = vector.shape_cast %swap3A_1043 : vector<1x16xi32> to vector<16xi32>
    %swap3A_1045 = vector.shape_cast %add3A_1039 : vector<16xi32> to vector<1x16xi32>
    tpu.vector_store %arg5[%swap3A_1041, %swap3A_1042], %swap3A_1045 {strides = array<i32>} : memref<16x128xi32, #tpu.memory_space<vmem>>, vector<1x16xi32>,
    %get3A_1046 = arith.constant 9 : i32
    %get3A_1047 = arith.index_cast %get3A_1046 : i32 to index
    %get3A_1048 = arith.constant 112 : index
    %get3A_1049 = tpu.vector_load %arg5[%get3A_1047, %get3A_1048] {strides = array<i32>} : memref<16x128xi32, #tpu.memory_space<vmem>>, vector<1x16xi32>,
    %get3A_1050 = vector.shape_cast %get3A_1049 : vector<1x16xi32> to vector<16xi32>
    %add3A_1051 = vector.broadcast %mul3A_20 : i32 to vector<16xi32>
    %add3A_1052 = arith.addi %get3A_1050, %add3A_1051 : vector<16xi32>
    %swap3A_1053 = arith.constant 9 : i32
    %swap3A_1054 = arith.index_cast %swap3A_1053 : i32 to index
    %swap3A_1055 = arith.constant 112 : index
    %swap3A_1056 = tpu.vector_load %arg5[%swap3A_1054, %swap3A_1055] {strides = array<i32>} : memref<16x128xi32, #tpu.memory_space<vmem>>, vector<1x16xi32>,
    %swap3A_1057 = vector.shape_cast %swap3A_1056 : vector<1x16xi32> to vector<16xi32>
    %swap3A_1058 = vector.shape_cast %add3A_1052 : vector<16xi32> to vector<1x16xi32>
    tpu.vector_store %arg5[%swap3A_1054, %swap3A_1055], %swap3A_1058 {strides = array<i32>} : memref<16x128xi32, #tpu.memory_space<vmem>>, vector<1x16xi32>,
    %get3A_1059 = arith.constant 10 : i32
    %get3A_1060 = arith.index_cast %get3A_1059 : i32 to index
    %get3A_1061 = arith.constant 0 : index
    %get3A_1062 = tpu.vector_load %arg5[%get3A_1060, %get3A_1061] {strides = array<i32>} : memref<16x128xi32, #tpu.memory_space<vmem>>, vector<1x16xi32>,
    %get3A_1063 = vector.shape_cast %get3A_1062 : vector<1x16xi32> to vector<16xi32>
    %add3A_1064 = vector.broadcast %mul3A_20 : i32 to vector<16xi32>
    %add3A_1065 = arith.addi %get3A_1063, %add3A_1064 : vector<16xi32>
    %swap3A_1066 = arith.constant 10 : i32
    %swap3A_1067 = arith.index_cast %swap3A_1066 : i32 to index
    %swap3A_1068 = arith.constant 0 : index
    %swap3A_1069 = tpu.vector_load %arg5[%swap3A_1067, %swap3A_1068] {strides = array<i32>} : memref<16x128xi32, #tpu.memory_space<vmem>>, vector<1x16xi32>,
    %swap3A_1070 = vector.shape_cast %swap3A_1069 : vector<1x16xi32> to vector<16xi32>
    %swap3A_1071 = vector.shape_cast %add3A_1065 : vector<16xi32> to vector<1x16xi32>
    tpu.vector_store %arg5[%swap3A_1067, %swap3A_1068], %swap3A_1071 {strides = array<i32>} : memref<16x128xi32, #tpu.memory_space<vmem>>, vector<1x16xi32>,
    %get3A_1072 = arith.constant 10 : i32
    %get3A_1073 = arith.index_cast %get3A_1072 : i32 to index
    %get3A_1074 = arith.constant 16 : index
    %get3A_1075 = tpu.vector_load %arg5[%get3A_1073, %get3A_1074] {strides = array<i32>} : memref<16x128xi32, #tpu.memory_space<vmem>>, vector<1x16xi32>,
    %get3A_1076 = vector.shape_cast %get3A_1075 : vector<1x16xi32> to vector<16xi32>
    %add3A_1077 = vector.broadcast %mul3A_20 : i32 to vector<16xi32>
    %add3A_1078 = arith.addi %get3A_1076, %add3A_1077 : vector<16xi32>
    %swap3A_1079 = arith.constant 10 : i32
    %swap3A_1080 = arith.index_cast %swap3A_1079 : i32 to index
    %swap3A_1081 = arith.constant 16 : index
    %swap3A_1082 = tpu.vector_load %arg5[%swap3A_1080, %swap3A_1081] {strides = array<i32>} : memref<16x128xi32, #tpu.memory_space<vmem>>, vector<1x16xi32>,
    %swap3A_1083 = vector.shape_cast %swap3A_1082 : vector<1x16xi32> to vector<16xi32>
    %swap3A_1084 = vector.shape_cast %add3A_1078 : vector<16xi32> to vector<1x16xi32>
    tpu.vector_store %arg5[%swap3A_1080, %swap3A_1081], %swap3A_1084 {strides = array<i32>} : memref<16x128xi32, #tpu.memory_space<vmem>>, vector<1x16xi32>,
    %get3A_1085 = arith.constant 10 : i32
    %get3A_1086 = arith.index_cast %get3A_1085 : i32 to index
    %get3A_1087 = arith.constant 32 : index
    %get3A_1088 = tpu.vector_load %arg5[%get3A_1086, %get3A_1087] {strides = array<i32>} : memref<16x128xi32, #tpu.memory_space<vmem>>, vector<1x16xi32>,
    %get3A_1089 = vector.shape_cast %get3A_1088 : vector<1x16xi32> to vector<16xi32>
    %add3A_1090 = vector.broadcast %mul3A_20 : i32 to vector<16xi32>
    %add3A_1091 = arith.addi %get3A_1089, %add3A_1090 : vector<16xi32>
    %swap3A_1092 = arith.constant 10 : i32
    %swap3A_1093 = arith.index_cast %swap3A_1092 : i32 to index
    %swap3A_1094 = arith.constant 32 : index
    %swap3A_1095 = tpu.vector_load %arg5[%swap3A_1093, %swap3A_1094] {strides = array<i32>} : memref<16x128xi32, #tpu.memory_space<vmem>>, vector<1x16xi32>,
    %swap3A_1096 = vector.shape_cast %swap3A_1095 : vector<1x16xi32> to vector<16xi32>
    %swap3A_1097 = vector.shape_cast %add3A_1091 : vector<16xi32> to vector<1x16xi32>
    tpu.vector_store %arg5[%swap3A_1093, %swap3A_1094], %swap3A_1097 {strides = array<i32>} : memref<16x128xi32, #tpu.memory_space<vmem>>, vector<1x16xi32>,
    %get3A_1098 = arith.constant 10 : i32
    %get3A_1099 = arith.index_cast %get3A_1098 : i32 to index
    %get3A_1100 = arith.constant 48 : index
    %get3A_1101 = tpu.vector_load %arg5[%get3A_1099, %get3A_1100] {strides = array<i32>} : memref<16x128xi32, #tpu.memory_space<vmem>>, vector<1x16xi32>,
    %get3A_1102 = vector.shape_cast %get3A_1101 : vector<1x16xi32> to vector<16xi32>
    %add3A_1103 = vector.broadcast %mul3A_20 : i32 to vector<16xi32>
    %add3A_1104 = arith.addi %get3A_1102, %add3A_1103 : vector<16xi32>
    %swap3A_1105 = arith.constant 10 : i32
    %swap3A_1106 = arith.index_cast %swap3A_1105 : i32 to index
    %swap3A_1107 = arith.constant 48 : index
    %swap3A_1108 = tpu.vector_load %arg5[%swap3A_1106, %swap3A_1107] {strides = array<i32>} : memref<16x128xi32, #tpu.memory_space<vmem>>, vector<1x16xi32>,
    %swap3A_1109 = vector.shape_cast %swap3A_1108 : vector<1x16xi32> to vector<16xi32>
    %swap3A_1110 = vector.shape_cast %add3A_1104 : vector<16xi32> to vector<1x16xi32>
    tpu.vector_store %arg5[%swap3A_1106, %swap3A_1107], %swap3A_1110 {strides = array<i32>} : memref<16x128xi32, #tpu.memory_space<vmem>>, vector<1x16xi32>,
    %get3A_1111 = arith.constant 10 : i32
    %get3A_1112 = arith.index_cast %get3A_1111 : i32 to index
    %get3A_1113 = arith.constant 64 : index
    %get3A_1114 = tpu.vector_load %arg5[%get3A_1112, %get3A_1113] {strides = array<i32>} : memref<16x128xi32, #tpu.memory_space<vmem>>, vector<1x16xi32>,
    %get3A_1115 = vector.shape_cast %get3A_1114 : vector<1x16xi32> to vector<16xi32>
    %add3A_1116 = vector.broadcast %mul3A_20 : i32 to vector<16xi32>
    %add3A_1117 = arith.addi %get3A_1115, %add3A_1116 : vector<16xi32>
    %swap3A_1118 = arith.constant 10 : i32
    %swap3A_1119 = arith.index_cast %swap3A_1118 : i32 to index
    %swap3A_1120 = arith.constant 64 : index
    %swap3A_1121 = tpu.vector_load %arg5[%swap3A_1119, %swap3A_1120] {strides = array<i32>} : memref<16x128xi32, #tpu.memory_space<vmem>>, vector<1x16xi32>,
    %swap3A_1122 = vector.shape_cast %swap3A_1121 : vector<1x16xi32> to vector<16xi32>
    %swap3A_1123 = vector.shape_cast %add3A_1117 : vector<16xi32> to vector<1x16xi32>
    tpu.vector_store %arg5[%swap3A_1119, %swap3A_1120], %swap3A_1123 {strides = array<i32>} : memref<16x128xi32, #tpu.memory_space<vmem>>, vector<1x16xi32>,
    %get3A_1124 = arith.constant 10 : i32
    %get3A_1125 = arith.index_cast %get3A_1124 : i32 to index
    %get3A_1126 = arith.constant 80 : index
    %get3A_1127 = tpu.vector_load %arg5[%get3A_1125, %get3A_1126] {strides = array<i32>} : memref<16x128xi32, #tpu.memory_space<vmem>>, vector<1x16xi32>,
    %get3A_1128 = vector.shape_cast %get3A_1127 : vector<1x16xi32> to vector<16xi32>
    %add3A_1129 = vector.broadcast %mul3A_20 : i32 to vector<16xi32>
    %add3A_1130 = arith.addi %get3A_1128, %add3A_1129 : vector<16xi32>
    %swap3A_1131 = arith.constant 10 : i32
    %swap3A_1132 = arith.index_cast %swap3A_1131 : i32 to index
    %swap3A_1133 = arith.constant 80 : index
    %swap3A_1134 = tpu.vector_load %arg5[%swap3A_1132, %swap3A_1133] {strides = array<i32>} : memref<16x128xi32, #tpu.memory_space<vmem>>, vector<1x16xi32>,
    %swap3A_1135 = vector.shape_cast %swap3A_1134 : vector<1x16xi32> to vector<16xi32>
    %swap3A_1136 = vector.shape_cast %add3A_1130 : vector<16xi32> to vector<1x16xi32>
    tpu.vector_store %arg5[%swap3A_1132, %swap3A_1133], %swap3A_1136 {strides = array<i32>} : memref<16x128xi32, #tpu.memory_space<vmem>>, vector<1x16xi32>,
    %get3A_1137 = arith.constant 10 : i32
    %get3A_1138 = arith.index_cast %get3A_1137 : i32 to index
    %get3A_1139 = arith.constant 96 : index
    %get3A_1140 = tpu.vector_load %arg5[%get3A_1138, %get3A_1139] {strides = array<i32>} : memref<16x128xi32, #tpu.memory_space<vmem>>, vector<1x16xi32>,
    %get3A_1141 = vector.shape_cast %get3A_1140 : vector<1x16xi32> to vector<16xi32>
    %add3A_1142 = vector.broadcast %mul3A_20 : i32 to vector<16xi32>
    %add3A_1143 = arith.addi %get3A_1141, %add3A_1142 : vector<16xi32>
    %swap3A_1144 = arith.constant 10 : i32
    %swap3A_1145 = arith.index_cast %swap3A_1144 : i32 to index
    %swap3A_1146 = arith.constant 96 : index
    %swap3A_1147 = tpu.vector_load %arg5[%swap3A_1145, %swap3A_1146] {strides = array<i32>} : memref<16x128xi32, #tpu.memory_space<vmem>>, vector<1x16xi32>,
    %swap3A_1148 = vector.shape_cast %swap3A_1147 : vector<1x16xi32> to vector<16xi32>
    %swap3A_1149 = vector.shape_cast %add3A_1143 : vector<16xi32> to vector<1x16xi32>
    tpu.vector_store %arg5[%swap3A_1145, %swap3A_1146], %swap3A_1149 {strides = array<i32>} : memref<16x128xi32, #tpu.memory_space<vmem>>, vector<1x16xi32>,
    %get3A_1150 = arith.constant 10 : i32
    %get3A_1151 = arith.index_cast %get3A_1150 : i32 to index
    %get3A_1152 = arith.constant 112 : index
    %get3A_1153 = tpu.vector_load %arg5[%get3A_1151, %get3A_1152] {strides = array<i32>} : memref<16x128xi32, #tpu.memory_space<vmem>>, vector<1x16xi32>,
    %get3A_1154 = vector.shape_cast %get3A_1153 : vector<1x16xi32> to vector<16xi32>
    %add3A_1155 = vector.broadcast %mul3A_20 : i32 to vector<16xi32>
    %add3A_1156 = arith.addi %get3A_1154, %add3A_1155 : vector<16xi32>
    %swap3A_1157 = arith.constant 10 : i32
    %swap3A_1158 = arith.index_cast %swap3A_1157 : i32 to index
    %swap3A_1159 = arith.constant 112 : index
    %swap3A_1160 = tpu.vector_load %arg5[%swap3A_1158, %swap3A_1159] {strides = array<i32>} : memref<16x128xi32, #tpu.memory_space<vmem>>, vector<1x16xi32>,
    %swap3A_1161 = vector.shape_cast %swap3A_1160 : vector<1x16xi32> to vector<16xi32>
    %swap3A_1162 = vector.shape_cast %add3A_1156 : vector<16xi32> to vector<1x16xi32>
    tpu.vector_store %arg5[%swap3A_1158, %swap3A_1159], %swap3A_1162 {strides = array<i32>} : memref<16x128xi32, #tpu.memory_space<vmem>>, vector<1x16xi32>,
    %get3A_1163 = arith.constant 11 : i32
    %get3A_1164 = arith.index_cast %get3A_1163 : i32 to index
    %get3A_1165 = arith.constant 0 : index
    %get3A_1166 = tpu.vector_load %arg5[%get3A_1164, %get3A_1165] {strides = array<i32>} : memref<16x128xi32, #tpu.memory_space<vmem>>, vector<1x16xi32>,
    %get3A_1167 = vector.shape_cast %get3A_1166 : vector<1x16xi32> to vector<16xi32>
    %add3A_1168 = vector.broadcast %mul3A_20 : i32 to vector<16xi32>
    %add3A_1169 = arith.addi %get3A_1167, %add3A_1168 : vector<16xi32>
    %swap3A_1170 = arith.constant 11 : i32
    %swap3A_1171 = arith.index_cast %swap3A_1170 : i32 to index
    %swap3A_1172 = arith.constant 0 : index
    %swap3A_1173 = tpu.vector_load %arg5[%swap3A_1171, %swap3A_1172] {strides = array<i32>} : memref<16x128xi32, #tpu.memory_space<vmem>>, vector<1x16xi32>,
    %swap3A_1174 = vector.shape_cast %swap3A_1173 : vector<1x16xi32> to vector<16xi32>
    %swap3A_1175 = vector.shape_cast %add3A_1169 : vector<16xi32> to vector<1x16xi32>
    tpu.vector_store %arg5[%swap3A_1171, %swap3A_1172], %swap3A_1175 {strides = array<i32>} : memref<16x128xi32, #tpu.memory_space<vmem>>, vector<1x16xi32>,
    %get3A_1176 = arith.constant 11 : i32
    %get3A_1177 = arith.index_cast %get3A_1176 : i32 to index
    %get3A_1178 = arith.constant 16 : index
    %get3A_1179 = tpu.vector_load %arg5[%get3A_1177, %get3A_1178] {strides = array<i32>} : memref<16x128xi32, #tpu.memory_space<vmem>>, vector<1x16xi32>,
    %get3A_1180 = vector.shape_cast %get3A_1179 : vector<1x16xi32> to vector<16xi32>
    %add3A_1181 = vector.broadcast %mul3A_20 : i32 to vector<16xi32>
    %add3A_1182 = arith.addi %get3A_1180, %add3A_1181 : vector<16xi32>
    %swap3A_1183 = arith.constant 11 : i32
    %swap3A_1184 = arith.index_cast %swap3A_1183 : i32 to index
    %swap3A_1185 = arith.constant 16 : index
    %swap3A_1186 = tpu.vector_load %arg5[%swap3A_1184, %swap3A_1185] {strides = array<i32>} : memref<16x128xi32, #tpu.memory_space<vmem>>, vector<1x16xi32>,
    %swap3A_1187 = vector.shape_cast %swap3A_1186 : vector<1x16xi32> to vector<16xi32>
    %swap3A_1188 = vector.shape_cast %add3A_1182 : vector<16xi32> to vector<1x16xi32>
    tpu.vector_store %arg5[%swap3A_1184, %swap3A_1185], %swap3A_1188 {strides = array<i32>} : memref<16x128xi32, #tpu.memory_space<vmem>>, vector<1x16xi32>,
    %get3A_1189 = arith.constant 11 : i32
    %get3A_1190 = arith.index_cast %get3A_1189 : i32 to index
    %get3A_1191 = arith.constant 32 : index
    %get3A_1192 = tpu.vector_load %arg5[%get3A_1190, %get3A_1191] {strides = array<i32>} : memref<16x128xi32, #tpu.memory_space<vmem>>, vector<1x16xi32>,
    %get3A_1193 = vector.shape_cast %get3A_1192 : vector<1x16xi32> to vector<16xi32>
    %add3A_1194 = vector.broadcast %mul3A_20 : i32 to vector<16xi32>
    %add3A_1195 = arith.addi %get3A_1193, %add3A_1194 : vector<16xi32>
    %swap3A_1196 = arith.constant 11 : i32
    %swap3A_1197 = arith.index_cast %swap3A_1196 : i32 to index
    %swap3A_1198 = arith.constant 32 : index
    %swap3A_1199 = tpu.vector_load %arg5[%swap3A_1197, %swap3A_1198] {strides = array<i32>} : memref<16x128xi32, #tpu.memory_space<vmem>>, vector<1x16xi32>,
    %swap3A_1200 = vector.shape_cast %swap3A_1199 : vector<1x16xi32> to vector<16xi32>
    %swap3A_1201 = vector.shape_cast %add3A_1195 : vector<16xi32> to vector<1x16xi32>
    tpu.vector_store %arg5[%swap3A_1197, %swap3A_1198], %swap3A_1201 {strides = array<i32>} : memref<16x128xi32, #tpu.memory_space<vmem>>, vector<1x16xi32>,
    %get3A_1202 = arith.constant 11 : i32
    %get3A_1203 = arith.index_cast %get3A_1202 : i32 to index
    %get3A_1204 = arith.constant 48 : index
    %get3A_1205 = tpu.vector_load %arg5[%get3A_1203, %get3A_1204] {strides = array<i32>} : memref<16x128xi32, #tpu.memory_space<vmem>>, vector<1x16xi32>,
    %get3A_1206 = vector.shape_cast %get3A_1205 : vector<1x16xi32> to vector<16xi32>
    %add3A_1207 = vector.broadcast %mul3A_20 : i32 to vector<16xi32>
    %add3A_1208 = arith.addi %get3A_1206, %add3A_1207 : vector<16xi32>
    %swap3A_1209 = arith.constant 11 : i32
    %swap3A_1210 = arith.index_cast %swap3A_1209 : i32 to index
    %swap3A_1211 = arith.constant 48 : index
    %swap3A_1212 = tpu.vector_load %arg5[%swap3A_1210, %swap3A_1211] {strides = array<i32>} : memref<16x128xi32, #tpu.memory_space<vmem>>, vector<1x16xi32>,
    %swap3A_1213 = vector.shape_cast %swap3A_1212 : vector<1x16xi32> to vector<16xi32>
    %swap3A_1214 = vector.shape_cast %add3A_1208 : vector<16xi32> to vector<1x16xi32>
    tpu.vector_store %arg5[%swap3A_1210, %swap3A_1211], %swap3A_1214 {strides = array<i32>} : memref<16x128xi32, #tpu.memory_space<vmem>>, vector<1x16xi32>,
    %get3A_1215 = arith.constant 11 : i32
    %get3A_1216 = arith.index_cast %get3A_1215 : i32 to index
    %get3A_1217 = arith.constant 64 : index
    %get3A_1218 = tpu.vector_load %arg5[%get3A_1216, %get3A_1217] {strides = array<i32>} : memref<16x128xi32, #tpu.memory_space<vmem>>, vector<1x16xi32>,
    %get3A_1219 = vector.shape_cast %get3A_1218 : vector<1x16xi32> to vector<16xi32>
    %add3A_1220 = vector.broadcast %mul3A_20 : i32 to vector<16xi32>
    %add3A_1221 = arith.addi %get3A_1219, %add3A_1220 : vector<16xi32>
    %swap3A_1222 = arith.constant 11 : i32
    %swap3A_1223 = arith.index_cast %swap3A_1222 : i32 to index
    %swap3A_1224 = arith.constant 64 : index
    %swap3A_1225 = tpu.vector_load %arg5[%swap3A_1223, %swap3A_1224] {strides = array<i32>} : memref<16x128xi32, #tpu.memory_space<vmem>>, vector<1x16xi32>,
    %swap3A_1226 = vector.shape_cast %swap3A_1225 : vector<1x16xi32> to vector<16xi32>
    %swap3A_1227 = vector.shape_cast %add3A_1221 : vector<16xi32> to vector<1x16xi32>
    tpu.vector_store %arg5[%swap3A_1223, %swap3A_1224], %swap3A_1227 {strides = array<i32>} : memref<16x128xi32, #tpu.memory_space<vmem>>, vector<1x16xi32>,
    %get3A_1228 = arith.constant 11 : i32
    %get3A_1229 = arith.index_cast %get3A_1228 : i32 to index
    %get3A_1230 = arith.constant 80 : index
    %get3A_1231 = tpu.vector_load %arg5[%get3A_1229, %get3A_1230] {strides = array<i32>} : memref<16x128xi32, #tpu.memory_space<vmem>>, vector<1x16xi32>,
    %get3A_1232 = vector.shape_cast %get3A_1231 : vector<1x16xi32> to vector<16xi32>
    %add3A_1233 = vector.broadcast %mul3A_20 : i32 to vector<16xi32>
    %add3A_1234 = arith.addi %get3A_1232, %add3A_1233 : vector<16xi32>
    %swap3A_1235 = arith.constant 11 : i32
    %swap3A_1236 = arith.index_cast %swap3A_1235 : i32 to index
    %swap3A_1237 = arith.constant 80 : index
    %swap3A_1238 = tpu.vector_load %arg5[%swap3A_1236, %swap3A_1237] {strides = array<i32>} : memref<16x128xi32, #tpu.memory_space<vmem>>, vector<1x16xi32>,
    %swap3A_1239 = vector.shape_cast %swap3A_1238 : vector<1x16xi32> to vector<16xi32>
    %swap3A_1240 = vector.shape_cast %add3A_1234 : vector<16xi32> to vector<1x16xi32>
    tpu.vector_store %arg5[%swap3A_1236, %swap3A_1237], %swap3A_1240 {strides = array<i32>} : memref<16x128xi32, #tpu.memory_space<vmem>>, vector<1x16xi32>,
    %get3A_1241 = arith.constant 11 : i32
    %get3A_1242 = arith.index_cast %get3A_1241 : i32 to index
    %get3A_1243 = arith.constant 96 : index
    %get3A_1244 = tpu.vector_load %arg5[%get3A_1242, %get3A_1243] {strides = array<i32>} : memref<16x128xi32, #tpu.memory_space<vmem>>, vector<1x16xi32>,
    %get3A_1245 = vector.shape_cast %get3A_1244 : vector<1x16xi32> to vector<16xi32>
    %add3A_1246 = vector.broadcast %mul3A_20 : i32 to vector<16xi32>
    %add3A_1247 = arith.addi %get3A_1245, %add3A_1246 : vector<16xi32>
    %swap3A_1248 = arith.constant 11 : i32
    %swap3A_1249 = arith.index_cast %swap3A_1248 : i32 to index
    %swap3A_1250 = arith.constant 96 : index
    %swap3A_1251 = tpu.vector_load %arg5[%swap3A_1249, %swap3A_1250] {strides = array<i32>} : memref<16x128xi32, #tpu.memory_space<vmem>>, vector<1x16xi32>,
    %swap3A_1252 = vector.shape_cast %swap3A_1251 : vector<1x16xi32> to vector<16xi32>
    %swap3A_1253 = vector.shape_cast %add3A_1247 : vector<16xi32> to vector<1x16xi32>
    tpu.vector_store %arg5[%swap3A_1249, %swap3A_1250], %swap3A_1253 {strides = array<i32>} : memref<16x128xi32, #tpu.memory_space<vmem>>, vector<1x16xi32>,
    %get3A_1254 = arith.constant 11 : i32
    %get3A_1255 = arith.index_cast %get3A_1254 : i32 to index
    %get3A_1256 = arith.constant 112 : index
    %get3A_1257 = tpu.vector_load %arg5[%get3A_1255, %get3A_1256] {strides = array<i32>} : memref<16x128xi32, #tpu.memory_space<vmem>>, vector<1x16xi32>,
    %get3A_1258 = vector.shape_cast %get3A_1257 : vector<1x16xi32> to vector<16xi32>
    %add3A_1259 = vector.broadcast %mul3A_20 : i32 to vector<16xi32>
    %add3A_1260 = arith.addi %get3A_1258, %add3A_1259 : vector<16xi32>
    %swap3A_1261 = arith.constant 11 : i32
    %swap3A_1262 = arith.index_cast %swap3A_1261 : i32 to index
    %swap3A_1263 = arith.constant 112 : index
    %swap3A_1264 = tpu.vector_load %arg5[%swap3A_1262, %swap3A_1263] {strides = array<i32>} : memref<16x128xi32, #tpu.memory_space<vmem>>, vector<1x16xi32>,
    %swap3A_1265 = vector.shape_cast %swap3A_1264 : vector<1x16xi32> to vector<16xi32>
    %swap3A_1266 = vector.shape_cast %add3A_1260 : vector<16xi32> to vector<1x16xi32>
    tpu.vector_store %arg5[%swap3A_1262, %swap3A_1263], %swap3A_1266 {strides = array<i32>} : memref<16x128xi32, #tpu.memory_space<vmem>>, vector<1x16xi32>,
    %get3A_1267 = arith.constant 12 : i32
    %get3A_1268 = arith.index_cast %get3A_1267 : i32 to index
    %get3A_1269 = arith.constant 0 : index
    %get3A_1270 = tpu.vector_load %arg5[%get3A_1268, %get3A_1269] {strides = array<i32>} : memref<16x128xi32, #tpu.memory_space<vmem>>, vector<1x16xi32>,
    %get3A_1271 = vector.shape_cast %get3A_1270 : vector<1x16xi32> to vector<16xi32>
    %add3A_1272 = vector.broadcast %mul3A_20 : i32 to vector<16xi32>
    %add3A_1273 = arith.addi %get3A_1271, %add3A_1272 : vector<16xi32>
    %swap3A_1274 = arith.constant 12 : i32
    %swap3A_1275 = arith.index_cast %swap3A_1274 : i32 to index
    %swap3A_1276 = arith.constant 0 : index
    %swap3A_1277 = tpu.vector_load %arg5[%swap3A_1275, %swap3A_1276] {strides = array<i32>} : memref<16x128xi32, #tpu.memory_space<vmem>>, vector<1x16xi32>,
    %swap3A_1278 = vector.shape_cast %swap3A_1277 : vector<1x16xi32> to vector<16xi32>
    %swap3A_1279 = vector.shape_cast %add3A_1273 : vector<16xi32> to vector<1x16xi32>
    tpu.vector_store %arg5[%swap3A_1275, %swap3A_1276], %swap3A_1279 {strides = array<i32>} : memref<16x128xi32, #tpu.memory_space<vmem>>, vector<1x16xi32>,
    %get3A_1280 = arith.constant 12 : i32
    %get3A_1281 = arith.index_cast %get3A_1280 : i32 to index
    %get3A_1282 = arith.constant 16 : index
    %get3A_1283 = tpu.vector_load %arg5[%get3A_1281, %get3A_1282] {strides = array<i32>} : memref<16x128xi32, #tpu.memory_space<vmem>>, vector<1x16xi32>,
    %get3A_1284 = vector.shape_cast %get3A_1283 : vector<1x16xi32> to vector<16xi32>
    %add3A_1285 = vector.broadcast %mul3A_20 : i32 to vector<16xi32>
    %add3A_1286 = arith.addi %get3A_1284, %add3A_1285 : vector<16xi32>
    %swap3A_1287 = arith.constant 12 : i32
    %swap3A_1288 = arith.index_cast %swap3A_1287 : i32 to index
    %swap3A_1289 = arith.constant 16 : index
    %swap3A_1290 = tpu.vector_load %arg5[%swap3A_1288, %swap3A_1289] {strides = array<i32>} : memref<16x128xi32, #tpu.memory_space<vmem>>, vector<1x16xi32>,
    %swap3A_1291 = vector.shape_cast %swap3A_1290 : vector<1x16xi32> to vector<16xi32>
    %swap3A_1292 = vector.shape_cast %add3A_1286 : vector<16xi32> to vector<1x16xi32>
    tpu.vector_store %arg5[%swap3A_1288, %swap3A_1289], %swap3A_1292 {strides = array<i32>} : memref<16x128xi32, #tpu.memory_space<vmem>>, vector<1x16xi32>,
    %get3A_1293 = arith.constant 12 : i32
    %get3A_1294 = arith.index_cast %get3A_1293 : i32 to index
    %get3A_1295 = arith.constant 32 : index
    %get3A_1296 = tpu.vector_load %arg5[%get3A_1294, %get3A_1295] {strides = array<i32>} : memref<16x128xi32, #tpu.memory_space<vmem>>, vector<1x16xi32>,
    %get3A_1297 = vector.shape_cast %get3A_1296 : vector<1x16xi32> to vector<16xi32>
    %add3A_1298 = vector.broadcast %mul3A_20 : i32 to vector<16xi32>
    %add3A_1299 = arith.addi %get3A_1297, %add3A_1298 : vector<16xi32>
    %swap3A_1300 = arith.constant 12 : i32
    %swap3A_1301 = arith.index_cast %swap3A_1300 : i32 to index
    %swap3A_1302 = arith.constant 32 : index
    %swap3A_1303 = tpu.vector_load %arg5[%swap3A_1301, %swap3A_1302] {strides = array<i32>} : memref<16x128xi32, #tpu.memory_space<vmem>>, vector<1x16xi32>,
    %swap3A_1304 = vector.shape_cast %swap3A_1303 : vector<1x16xi32> to vector<16xi32>
    %swap3A_1305 = vector.shape_cast %add3A_1299 : vector<16xi32> to vector<1x16xi32>
    tpu.vector_store %arg5[%swap3A_1301, %swap3A_1302], %swap3A_1305 {strides = array<i32>} : memref<16x128xi32, #tpu.memory_space<vmem>>, vector<1x16xi32>,
    %get3A_1306 = arith.constant 12 : i32
    %get3A_1307 = arith.index_cast %get3A_1306 : i32 to index
    %get3A_1308 = arith.constant 48 : index
    %get3A_1309 = tpu.vector_load %arg5[%get3A_1307, %get3A_1308] {strides = array<i32>} : memref<16x128xi32, #tpu.memory_space<vmem>>, vector<1x16xi32>,
    %get3A_1310 = vector.shape_cast %get3A_1309 : vector<1x16xi32> to vector<16xi32>
    %add3A_1311 = vector.broadcast %mul3A_20 : i32 to vector<16xi32>
    %add3A_1312 = arith.addi %get3A_1310, %add3A_1311 : vector<16xi32>
    %swap3A_1313 = arith.constant 12 : i32
    %swap3A_1314 = arith.index_cast %swap3A_1313 : i32 to index
    %swap3A_1315 = arith.constant 48 : index
    %swap3A_1316 = tpu.vector_load %arg5[%swap3A_1314, %swap3A_1315] {strides = array<i32>} : memref<16x128xi32, #tpu.memory_space<vmem>>, vector<1x16xi32>,
    %swap3A_1317 = vector.shape_cast %swap3A_1316 : vector<1x16xi32> to vector<16xi32>
    %swap3A_1318 = vector.shape_cast %add3A_1312 : vector<16xi32> to vector<1x16xi32>
    tpu.vector_store %arg5[%swap3A_1314, %swap3A_1315], %swap3A_1318 {strides = array<i32>} : memref<16x128xi32, #tpu.memory_space<vmem>>, vector<1x16xi32>,
    %get3A_1319 = arith.constant 12 : i32
    %get3A_1320 = arith.index_cast %get3A_1319 : i32 to index
    %get3A_1321 = arith.constant 64 : index
    %get3A_1322 = tpu.vector_load %arg5[%get3A_1320, %get3A_1321] {strides = array<i32>} : memref<16x128xi32, #tpu.memory_space<vmem>>, vector<1x16xi32>,
    %get3A_1323 = vector.shape_cast %get3A_1322 : vector<1x16xi32> to vector<16xi32>
    %add3A_1324 = vector.broadcast %mul3A_20 : i32 to vector<16xi32>
    %add3A_1325 = arith.addi %get3A_1323, %add3A_1324 : vector<16xi32>
    %swap3A_1326 = arith.constant 12 : i32
    %swap3A_1327 = arith.index_cast %swap3A_1326 : i32 to index
    %swap3A_1328 = arith.constant 64 : index
    %swap3A_1329 = tpu.vector_load %arg5[%swap3A_1327, %swap3A_1328] {strides = array<i32>} : memref<16x128xi32, #tpu.memory_space<vmem>>, vector<1x16xi32>,
    %swap3A_1330 = vector.shape_cast %swap3A_1329 : vector<1x16xi32> to vector<16xi32>
    %swap3A_1331 = vector.shape_cast %add3A_1325 : vector<16xi32> to vector<1x16xi32>
    tpu.vector_store %arg5[%swap3A_1327, %swap3A_1328], %swap3A_1331 {strides = array<i32>} : memref<16x128xi32, #tpu.memory_space<vmem>>, vector<1x16xi32>,
    %get3A_1332 = arith.constant 12 : i32
    %get3A_1333 = arith.index_cast %get3A_1332 : i32 to index
    %get3A_1334 = arith.constant 80 : index
    %get3A_1335 = tpu.vector_load %arg5[%get3A_1333, %get3A_1334] {strides = array<i32>} : memref<16x128xi32, #tpu.memory_space<vmem>>, vector<1x16xi32>,
    %get3A_1336 = vector.shape_cast %get3A_1335 : vector<1x16xi32> to vector<16xi32>
    %add3A_1337 = vector.broadcast %mul3A_20 : i32 to vector<16xi32>
    %add3A_1338 = arith.addi %get3A_1336, %add3A_1337 : vector<16xi32>
    %swap3A_1339 = arith.constant 12 : i32
    %swap3A_1340 = arith.index_cast %swap3A_1339 : i32 to index
    %swap3A_1341 = arith.constant 80 : index
    %swap3A_1342 = tpu.vector_load %arg5[%swap3A_1340, %swap3A_1341] {strides = array<i32>} : memref<16x128xi32, #tpu.memory_space<vmem>>, vector<1x16xi32>,
    %swap3A_1343 = vector.shape_cast %swap3A_1342 : vector<1x16xi32> to vector<16xi32>
    %swap3A_1344 = vector.shape_cast %add3A_1338 : vector<16xi32> to vector<1x16xi32>
    tpu.vector_store %arg5[%swap3A_1340, %swap3A_1341], %swap3A_1344 {strides = array<i32>} : memref<16x128xi32, #tpu.memory_space<vmem>>, vector<1x16xi32>,
    %get3A_1345 = arith.constant 12 : i32
    %get3A_1346 = arith.index_cast %get3A_1345 : i32 to index
    %get3A_1347 = arith.constant 96 : index
    %get3A_1348 = tpu.vector_load %arg5[%get3A_1346, %get3A_1347] {strides = array<i32>} : memref<16x128xi32, #tpu.memory_space<vmem>>, vector<1x16xi32>,
    %get3A_1349 = vector.shape_cast %get3A_1348 : vector<1x16xi32> to vector<16xi32>
    %add3A_1350 = vector.broadcast %mul3A_20 : i32 to vector<16xi32>
    %add3A_1351 = arith.addi %get3A_1349, %add3A_1350 : vector<16xi32>
    %swap3A_1352 = arith.constant 12 : i32
    %swap3A_1353 = arith.index_cast %swap3A_1352 : i32 to index
    %swap3A_1354 = arith.constant 96 : index
    %swap3A_1355 = tpu.vector_load %arg5[%swap3A_1353, %swap3A_1354] {strides = array<i32>} : memref<16x128xi32, #tpu.memory_space<vmem>>, vector<1x16xi32>,
    %swap3A_1356 = vector.shape_cast %swap3A_1355 : vector<1x16xi32> to vector<16xi32>
    %swap3A_1357 = vector.shape_cast %add3A_1351 : vector<16xi32> to vector<1x16xi32>
    tpu.vector_store %arg5[%swap3A_1353, %swap3A_1354], %swap3A_1357 {strides = array<i32>} : memref<16x128xi32, #tpu.memory_space<vmem>>, vector<1x16xi32>,
    %get3A_1358 = arith.constant 12 : i32
    %get3A_1359 = arith.index_cast %get3A_1358 : i32 to index
    %get3A_1360 = arith.constant 112 : index
    %get3A_1361 = tpu.vector_load %arg5[%get3A_1359, %get3A_1360] {strides = array<i32>} : memref<16x128xi32, #tpu.memory_space<vmem>>, vector<1x16xi32>,
    %get3A_1362 = vector.shape_cast %get3A_1361 : vector<1x16xi32> to vector<16xi32>
    %add3A_1363 = vector.broadcast %mul3A_20 : i32 to vector<16xi32>
    %add3A_1364 = arith.addi %get3A_1362, %add3A_1363 : vector<16xi32>
    %swap3A_1365 = arith.constant 12 : i32
    %swap3A_1366 = arith.index_cast %swap3A_1365 : i32 to index
    %swap3A_1367 = arith.constant 112 : index
    %swap3A_1368 = tpu.vector_load %arg5[%swap3A_1366, %swap3A_1367] {strides = array<i32>} : memref<16x128xi32, #tpu.memory_space<vmem>>, vector<1x16xi32>,
    %swap3A_1369 = vector.shape_cast %swap3A_1368 : vector<1x16xi32> to vector<16xi32>
    %swap3A_1370 = vector.shape_cast %add3A_1364 : vector<16xi32> to vector<1x16xi32>
    tpu.vector_store %arg5[%swap3A_1366, %swap3A_1367], %swap3A_1370 {strides = array<i32>} : memref<16x128xi32, #tpu.memory_space<vmem>>, vector<1x16xi32>,
    %get3A_1371 = arith.constant 13 : i32
    %get3A_1372 = arith.index_cast %get3A_1371 : i32 to index
    %get3A_1373 = arith.constant 0 : index
    %get3A_1374 = tpu.vector_load %arg5[%get3A_1372, %get3A_1373] {strides = array<i32>} : memref<16x128xi32, #tpu.memory_space<vmem>>, vector<1x16xi32>,
    %get3A_1375 = vector.shape_cast %get3A_1374 : vector<1x16xi32> to vector<16xi32>
    %add3A_1376 = vector.broadcast %mul3A_20 : i32 to vector<16xi32>
    %add3A_1377 = arith.addi %get3A_1375, %add3A_1376 : vector<16xi32>
    %swap3A_1378 = arith.constant 13 : i32
    %swap3A_1379 = arith.index_cast %swap3A_1378 : i32 to index
    %swap3A_1380 = arith.constant 0 : index
    %swap3A_1381 = tpu.vector_load %arg5[%swap3A_1379, %swap3A_1380] {strides = array<i32>} : memref<16x128xi32, #tpu.memory_space<vmem>>, vector<1x16xi32>,
    %swap3A_1382 = vector.shape_cast %swap3A_1381 : vector<1x16xi32> to vector<16xi32>
    %swap3A_1383 = vector.shape_cast %add3A_1377 : vector<16xi32> to vector<1x16xi32>
    tpu.vector_store %arg5[%swap3A_1379, %swap3A_1380], %swap3A_1383 {strides = array<i32>} : memref<16x128xi32, #tpu.memory_space<vmem>>, vector<1x16xi32>,
    %get3A_1384 = arith.constant 13 : i32
    %get3A_1385 = arith.index_cast %get3A_1384 : i32 to index
    %get3A_1386 = arith.constant 16 : index
    %get3A_1387 = tpu.vector_load %arg5[%get3A_1385, %get3A_1386] {strides = array<i32>} : memref<16x128xi32, #tpu.memory_space<vmem>>, vector<1x16xi32>,
    %get3A_1388 = vector.shape_cast %get3A_1387 : vector<1x16xi32> to vector<16xi32>
    %add3A_1389 = vector.broadcast %mul3A_20 : i32 to vector<16xi32>
    %add3A_1390 = arith.addi %get3A_1388, %add3A_1389 : vector<16xi32>
    %swap3A_1391 = arith.constant 13 : i32
    %swap3A_1392 = arith.index_cast %swap3A_1391 : i32 to index
    %swap3A_1393 = arith.constant 16 : index
    %swap3A_1394 = tpu.vector_load %arg5[%swap3A_1392, %swap3A_1393] {strides = array<i32>} : memref<16x128xi32, #tpu.memory_space<vmem>>, vector<1x16xi32>,
    %swap3A_1395 = vector.shape_cast %swap3A_1394 : vector<1x16xi32> to vector<16xi32>
    %swap3A_1396 = vector.shape_cast %add3A_1390 : vector<16xi32> to vector<1x16xi32>
    tpu.vector_store %arg5[%swap3A_1392, %swap3A_1393], %swap3A_1396 {strides = array<i32>} : memref<16x128xi32, #tpu.memory_space<vmem>>, vector<1x16xi32>,
    %get3A_1397 = arith.constant 13 : i32
    %get3A_1398 = arith.index_cast %get3A_1397 : i32 to index
    %get3A_1399 = arith.constant 32 : index
    %get3A_1400 = tpu.vector_load %arg5[%get3A_1398, %get3A_1399] {strides = array<i32>} : memref<16x128xi32, #tpu.memory_space<vmem>>, vector<1x16xi32>,
    %get3A_1401 = vector.shape_cast %get3A_1400 : vector<1x16xi32> to vector<16xi32>
    %add3A_1402 = vector.broadcast %mul3A_20 : i32 to vector<16xi32>
    %add3A_1403 = arith.addi %get3A_1401, %add3A_1402 : vector<16xi32>
    %swap3A_1404 = arith.constant 13 : i32
    %swap3A_1405 = arith.index_cast %swap3A_1404 : i32 to index
    %swap3A_1406 = arith.constant 32 : index
    %swap3A_1407 = tpu.vector_load %arg5[%swap3A_1405, %swap3A_1406] {strides = array<i32>} : memref<16x128xi32, #tpu.memory_space<vmem>>, vector<1x16xi32>,
    %swap3A_1408 = vector.shape_cast %swap3A_1407 : vector<1x16xi32> to vector<16xi32>
    %swap3A_1409 = vector.shape_cast %add3A_1403 : vector<16xi32> to vector<1x16xi32>
    tpu.vector_store %arg5[%swap3A_1405, %swap3A_1406], %swap3A_1409 {strides = array<i32>} : memref<16x128xi32, #tpu.memory_space<vmem>>, vector<1x16xi32>,
    %get3A_1410 = arith.constant 13 : i32
    %get3A_1411 = arith.index_cast %get3A_1410 : i32 to index
    %get3A_1412 = arith.constant 48 : index
    %get3A_1413 = tpu.vector_load %arg5[%get3A_1411, %get3A_1412] {strides = array<i32>} : memref<16x128xi32, #tpu.memory_space<vmem>>, vector<1x16xi32>,
    %get3A_1414 = vector.shape_cast %get3A_1413 : vector<1x16xi32> to vector<16xi32>
    %add3A_1415 = vector.broadcast %mul3A_20 : i32 to vector<16xi32>
    %add3A_1416 = arith.addi %get3A_1414, %add3A_1415 : vector<16xi32>
    %swap3A_1417 = arith.constant 13 : i32
    %swap3A_1418 = arith.index_cast %swap3A_1417 : i32 to index
    %swap3A_1419 = arith.constant 48 : index
    %swap3A_1420 = tpu.vector_load %arg5[%swap3A_1418, %swap3A_1419] {strides = array<i32>} : memref<16x128xi32, #tpu.memory_space<vmem>>, vector<1x16xi32>,
    %swap3A_1421 = vector.shape_cast %swap3A_1420 : vector<1x16xi32> to vector<16xi32>
    %swap3A_1422 = vector.shape_cast %add3A_1416 : vector<16xi32> to vector<1x16xi32>
    tpu.vector_store %arg5[%swap3A_1418, %swap3A_1419], %swap3A_1422 {strides = array<i32>} : memref<16x128xi32, #tpu.memory_space<vmem>>, vector<1x16xi32>,
    %get3A_1423 = arith.constant 13 : i32
    %get3A_1424 = arith.index_cast %get3A_1423 : i32 to index
    %get3A_1425 = arith.constant 64 : index
    %get3A_1426 = tpu.vector_load %arg5[%get3A_1424, %get3A_1425] {strides = array<i32>} : memref<16x128xi32, #tpu.memory_space<vmem>>, vector<1x16xi32>,
    %get3A_1427 = vector.shape_cast %get3A_1426 : vector<1x16xi32> to vector<16xi32>
    %add3A_1428 = vector.broadcast %mul3A_20 : i32 to vector<16xi32>
    %add3A_1429 = arith.addi %get3A_1427, %add3A_1428 : vector<16xi32>
    %swap3A_1430 = arith.constant 13 : i32
    %swap3A_1431 = arith.index_cast %swap3A_1430 : i32 to index
    %swap3A_1432 = arith.constant 64 : index
    %swap3A_1433 = tpu.vector_load %arg5[%swap3A_1431, %swap3A_1432] {strides = array<i32>} : memref<16x128xi32, #tpu.memory_space<vmem>>, vector<1x16xi32>,
    %swap3A_1434 = vector.shape_cast %swap3A_1433 : vector<1x16xi32> to vector<16xi32>
    %swap3A_1435 = vector.shape_cast %add3A_1429 : vector<16xi32> to vector<1x16xi32>
    tpu.vector_store %arg5[%swap3A_1431, %swap3A_1432], %swap3A_1435 {strides = array<i32>} : memref<16x128xi32, #tpu.memory_space<vmem>>, vector<1x16xi32>,
    %get3A_1436 = arith.constant 13 : i32
    %get3A_1437 = arith.index_cast %get3A_1436 : i32 to index
    %get3A_1438 = arith.constant 80 : index
    %get3A_1439 = tpu.vector_load %arg5[%get3A_1437, %get3A_1438] {strides = array<i32>} : memref<16x128xi32, #tpu.memory_space<vmem>>, vector<1x16xi32>,
    %get3A_1440 = vector.shape_cast %get3A_1439 : vector<1x16xi32> to vector<16xi32>
    %add3A_1441 = vector.broadcast %mul3A_20 : i32 to vector<16xi32>
    %add3A_1442 = arith.addi %get3A_1440, %add3A_1441 : vector<16xi32>
    %swap3A_1443 = arith.constant 13 : i32
    %swap3A_1444 = arith.index_cast %swap3A_1443 : i32 to index
    %swap3A_1445 = arith.constant 80 : index
    %swap3A_1446 = tpu.vector_load %arg5[%swap3A_1444, %swap3A_1445] {strides = array<i32>} : memref<16x128xi32, #tpu.memory_space<vmem>>, vector<1x16xi32>,
    %swap3A_1447 = vector.shape_cast %swap3A_1446 : vector<1x16xi32> to vector<16xi32>
    %swap3A_1448 = vector.shape_cast %add3A_1442 : vector<16xi32> to vector<1x16xi32>
    tpu.vector_store %arg5[%swap3A_1444, %swap3A_1445], %swap3A_1448 {strides = array<i32>} : memref<16x128xi32, #tpu.memory_space<vmem>>, vector<1x16xi32>,
    %get3A_1449 = arith.constant 13 : i32
    %get3A_1450 = arith.index_cast %get3A_1449 : i32 to index
    %get3A_1451 = arith.constant 96 : index
    %get3A_1452 = tpu.vector_load %arg5[%get3A_1450, %get3A_1451] {strides = array<i32>} : memref<16x128xi32, #tpu.memory_space<vmem>>, vector<1x16xi32>,
    %get3A_1453 = vector.shape_cast %get3A_1452 : vector<1x16xi32> to vector<16xi32>
    %add3A_1454 = vector.broadcast %mul3A_20 : i32 to vector<16xi32>
    %add3A_1455 = arith.addi %get3A_1453, %add3A_1454 : vector<16xi32>
    %swap3A_1456 = arith.constant 13 : i32
    %swap3A_1457 = arith.index_cast %swap3A_1456 : i32 to index
    %swap3A_1458 = arith.constant 96 : index
    %swap3A_1459 = tpu.vector_load %arg5[%swap3A_1457, %swap3A_1458] {strides = array<i32>} : memref<16x128xi32, #tpu.memory_space<vmem>>, vector<1x16xi32>,
    %swap3A_1460 = vector.shape_cast %swap3A_1459 : vector<1x16xi32> to vector<16xi32>
    %swap3A_1461 = vector.shape_cast %add3A_1455 : vector<16xi32> to vector<1x16xi32>
    tpu.vector_store %arg5[%swap3A_1457, %swap3A_1458], %swap3A_1461 {strides = array<i32>} : memref<16x128xi32, #tpu.memory_space<vmem>>, vector<1x16xi32>,
    %get3A_1462 = arith.constant 13 : i32
    %get3A_1463 = arith.index_cast %get3A_1462 : i32 to index
    %get3A_1464 = arith.constant 112 : index
    %get3A_1465 = tpu.vector_load %arg5[%get3A_1463, %get3A_1464] {strides = array<i32>} : memref<16x128xi32, #tpu.memory_space<vmem>>, vector<1x16xi32>,
    %get3A_1466 = vector.shape_cast %get3A_1465 : vector<1x16xi32> to vector<16xi32>
    %add3A_1467 = vector.broadcast %mul3A_20 : i32 to vector<16xi32>
    %add3A_1468 = arith.addi %get3A_1466, %add3A_1467 : vector<16xi32>
    %swap3A_1469 = arith.constant 13 : i32
    %swap3A_1470 = arith.index_cast %swap3A_1469 : i32 to index
    %swap3A_1471 = arith.constant 112 : index
    %swap3A_1472 = tpu.vector_load %arg5[%swap3A_1470, %swap3A_1471] {strides = array<i32>} : memref<16x128xi32, #tpu.memory_space<vmem>>, vector<1x16xi32>,
    %swap3A_1473 = vector.shape_cast %swap3A_1472 : vector<1x16xi32> to vector<16xi32>
    %swap3A_1474 = vector.shape_cast %add3A_1468 : vector<16xi32> to vector<1x16xi32>
    tpu.vector_store %arg5[%swap3A_1470, %swap3A_1471], %swap3A_1474 {strides = array<i32>} : memref<16x128xi32, #tpu.memory_space<vmem>>, vector<1x16xi32>,
    %get3A_1475 = arith.constant 14 : i32
    %get3A_1476 = arith.index_cast %get3A_1475 : i32 to index
    %get3A_1477 = arith.constant 0 : index
    %get3A_1478 = tpu.vector_load %arg5[%get3A_1476, %get3A_1477] {strides = array<i32>} : memref<16x128xi32, #tpu.memory_space<vmem>>, vector<1x16xi32>,
    %get3A_1479 = vector.shape_cast %get3A_1478 : vector<1x16xi32> to vector<16xi32>
    %add3A_1480 = vector.broadcast %mul3A_20 : i32 to vector<16xi32>
    %add3A_1481 = arith.addi %get3A_1479, %add3A_1480 : vector<16xi32>
    %swap3A_1482 = arith.constant 14 : i32
    %swap3A_1483 = arith.index_cast %swap3A_1482 : i32 to index
    %swap3A_1484 = arith.constant 0 : index
    %swap3A_1485 = tpu.vector_load %arg5[%swap3A_1483, %swap3A_1484] {strides = array<i32>} : memref<16x128xi32, #tpu.memory_space<vmem>>, vector<1x16xi32>,
    %swap3A_1486 = vector.shape_cast %swap3A_1485 : vector<1x16xi32> to vector<16xi32>
    %swap3A_1487 = vector.shape_cast %add3A_1481 : vector<16xi32> to vector<1x16xi32>
    tpu.vector_store %arg5[%swap3A_1483, %swap3A_1484], %swap3A_1487 {strides = array<i32>} : memref<16x128xi32, #tpu.memory_space<vmem>>, vector<1x16xi32>,
    %get3A_1488 = arith.constant 14 : i32
    %get3A_1489 = arith.index_cast %get3A_1488 : i32 to index
    %get3A_1490 = arith.constant 16 : index
    %get3A_1491 = tpu.vector_load %arg5[%get3A_1489, %get3A_1490] {strides = array<i32>} : memref<16x128xi32, #tpu.memory_space<vmem>>, vector<1x16xi32>,
    %get3A_1492 = vector.shape_cast %get3A_1491 : vector<1x16xi32> to vector<16xi32>
    %add3A_1493 = vector.broadcast %mul3A_20 : i32 to vector<16xi32>
    %add3A_1494 = arith.addi %get3A_1492, %add3A_1493 : vector<16xi32>
    %swap3A_1495 = arith.constant 14 : i32
    %swap3A_1496 = arith.index_cast %swap3A_1495 : i32 to index
    %swap3A_1497 = arith.constant 16 : index
    %swap3A_1498 = tpu.vector_load %arg5[%swap3A_1496, %swap3A_1497] {strides = array<i32>} : memref<16x128xi32, #tpu.memory_space<vmem>>, vector<1x16xi32>,
    %swap3A_1499 = vector.shape_cast %swap3A_1498 : vector<1x16xi32> to vector<16xi32>
    %swap3A_1500 = vector.shape_cast %add3A_1494 : vector<16xi32> to vector<1x16xi32>
    tpu.vector_store %arg5[%swap3A_1496, %swap3A_1497], %swap3A_1500 {strides = array<i32>} : memref<16x128xi32, #tpu.memory_space<vmem>>, vector<1x16xi32>,
    %get3A_1501 = arith.constant 14 : i32
    %get3A_1502 = arith.index_cast %get3A_1501 : i32 to index
    %get3A_1503 = arith.constant 32 : index
    %get3A_1504 = tpu.vector_load %arg5[%get3A_1502, %get3A_1503] {strides = array<i32>} : memref<16x128xi32, #tpu.memory_space<vmem>>, vector<1x16xi32>,
    %get3A_1505 = vector.shape_cast %get3A_1504 : vector<1x16xi32> to vector<16xi32>
    %add3A_1506 = vector.broadcast %mul3A_20 : i32 to vector<16xi32>
    %add3A_1507 = arith.addi %get3A_1505, %add3A_1506 : vector<16xi32>
    %swap3A_1508 = arith.constant 14 : i32
    %swap3A_1509 = arith.index_cast %swap3A_1508 : i32 to index
    %swap3A_1510 = arith.constant 32 : index
    %swap3A_1511 = tpu.vector_load %arg5[%swap3A_1509, %swap3A_1510] {strides = array<i32>} : memref<16x128xi32, #tpu.memory_space<vmem>>, vector<1x16xi32>,
    %swap3A_1512 = vector.shape_cast %swap3A_1511 : vector<1x16xi32> to vector<16xi32>
    %swap3A_1513 = vector.shape_cast %add3A_1507 : vector<16xi32> to vector<1x16xi32>
    tpu.vector_store %arg5[%swap3A_1509, %swap3A_1510], %swap3A_1513 {strides = array<i32>} : memref<16x128xi32, #tpu.memory_space<vmem>>, vector<1x16xi32>,
    %get3A_1514 = arith.constant 14 : i32
    %get3A_1515 = arith.index_cast %get3A_1514 : i32 to index
    %get3A_1516 = arith.constant 48 : index
    %get3A_1517 = tpu.vector_load %arg5[%get3A_1515, %get3A_1516] {strides = array<i32>} : memref<16x128xi32, #tpu.memory_space<vmem>>, vector<1x16xi32>,
    %get3A_1518 = vector.shape_cast %get3A_1517 : vector<1x16xi32> to vector<16xi32>
    %add3A_1519 = vector.broadcast %mul3A_20 : i32 to vector<16xi32>
    %add3A_1520 = arith.addi %get3A_1518, %add3A_1519 : vector<16xi32>
    %swap3A_1521 = arith.constant 14 : i32
    %swap3A_1522 = arith.index_cast %swap3A_1521 : i32 to index
    %swap3A_1523 = arith.constant 48 : index
    %swap3A_1524 = tpu.vector_load %arg5[%swap3A_1522, %swap3A_1523] {strides = array<i32>} : memref<16x128xi32, #tpu.memory_space<vmem>>, vector<1x16xi32>,
    %swap3A_1525 = vector.shape_cast %swap3A_1524 : vector<1x16xi32> to vector<16xi32>
    %swap3A_1526 = vector.shape_cast %add3A_1520 : vector<16xi32> to vector<1x16xi32>
    tpu.vector_store %arg5[%swap3A_1522, %swap3A_1523], %swap3A_1526 {strides = array<i32>} : memref<16x128xi32, #tpu.memory_space<vmem>>, vector<1x16xi32>,
    %get3A_1527 = arith.constant 14 : i32
    %get3A_1528 = arith.index_cast %get3A_1527 : i32 to index
    %get3A_1529 = arith.constant 64 : index
    %get3A_1530 = tpu.vector_load %arg5[%get3A_1528, %get3A_1529] {strides = array<i32>} : memref<16x128xi32, #tpu.memory_space<vmem>>, vector<1x16xi32>,
    %get3A_1531 = vector.shape_cast %get3A_1530 : vector<1x16xi32> to vector<16xi32>
    %add3A_1532 = vector.broadcast %mul3A_20 : i32 to vector<16xi32>
    %add3A_1533 = arith.addi %get3A_1531, %add3A_1532 : vector<16xi32>
    %swap3A_1534 = arith.constant 14 : i32
    %swap3A_1535 = arith.index_cast %swap3A_1534 : i32 to index
    %swap3A_1536 = arith.constant 64 : index
    %swap3A_1537 = tpu.vector_load %arg5[%swap3A_1535, %swap3A_1536] {strides = array<i32>} : memref<16x128xi32, #tpu.memory_space<vmem>>, vector<1x16xi32>,
    %swap3A_1538 = vector.shape_cast %swap3A_1537 : vector<1x16xi32> to vector<16xi32>
    %swap3A_1539 = vector.shape_cast %add3A_1533 : vector<16xi32> to vector<1x16xi32>
    tpu.vector_store %arg5[%swap3A_1535, %swap3A_1536], %swap3A_1539 {strides = array<i32>} : memref<16x128xi32, #tpu.memory_space<vmem>>, vector<1x16xi32>,
    %get3A_1540 = arith.constant 14 : i32
    %get3A_1541 = arith.index_cast %get3A_1540 : i32 to index
    %get3A_1542 = arith.constant 80 : index
    %get3A_1543 = tpu.vector_load %arg5[%get3A_1541, %get3A_1542] {strides = array<i32>} : memref<16x128xi32, #tpu.memory_space<vmem>>, vector<1x16xi32>,
    %get3A_1544 = vector.shape_cast %get3A_1543 : vector<1x16xi32> to vector<16xi32>
    %add3A_1545 = vector.broadcast %mul3A_20 : i32 to vector<16xi32>
    %add3A_1546 = arith.addi %get3A_1544, %add3A_1545 : vector<16xi32>
    %swap3A_1547 = arith.constant 14 : i32
    %swap3A_1548 = arith.index_cast %swap3A_1547 : i32 to index
    %swap3A_1549 = arith.constant 80 : index
    %swap3A_1550 = tpu.vector_load %arg5[%swap3A_1548, %swap3A_1549] {strides = array<i32>} : memref<16x128xi32, #tpu.memory_space<vmem>>, vector<1x16xi32>,
    %swap3A_1551 = vector.shape_cast %swap3A_1550 : vector<1x16xi32> to vector<16xi32>
    %swap3A_1552 = vector.shape_cast %add3A_1546 : vector<16xi32> to vector<1x16xi32>
    tpu.vector_store %arg5[%swap3A_1548, %swap3A_1549], %swap3A_1552 {strides = array<i32>} : memref<16x128xi32, #tpu.memory_space<vmem>>, vector<1x16xi32>,
    %get3A_1553 = arith.constant 14 : i32
    %get3A_1554 = arith.index_cast %get3A_1553 : i32 to index
    %get3A_1555 = arith.constant 96 : index
    %get3A_1556 = tpu.vector_load %arg5[%get3A_1554, %get3A_1555] {strides = array<i32>} : memref<16x128xi32, #tpu.memory_space<vmem>>, vector<1x16xi32>,
    %get3A_1557 = vector.shape_cast %get3A_1556 : vector<1x16xi32> to vector<16xi32>
    %add3A_1558 = vector.broadcast %mul3A_20 : i32 to vector<16xi32>
    %add3A_1559 = arith.addi %get3A_1557, %add3A_1558 : vector<16xi32>
    %swap3A_1560 = arith.constant 14 : i32
    %swap3A_1561 = arith.index_cast %swap3A_1560 : i32 to index
    %swap3A_1562 = arith.constant 96 : index
    %swap3A_1563 = tpu.vector_load %arg5[%swap3A_1561, %swap3A_1562] {strides = array<i32>} : memref<16x128xi32, #tpu.memory_space<vmem>>, vector<1x16xi32>,
    %swap3A_1564 = vector.shape_cast %swap3A_1563 : vector<1x16xi32> to vector<16xi32>
    %swap3A_1565 = vector.shape_cast %add3A_1559 : vector<16xi32> to vector<1x16xi32>
    tpu.vector_store %arg5[%swap3A_1561, %swap3A_1562], %swap3A_1565 {strides = array<i32>} : memref<16x128xi32, #tpu.memory_space<vmem>>, vector<1x16xi32>,
    %get3A_1566 = arith.constant 14 : i32
    %get3A_1567 = arith.index_cast %get3A_1566 : i32 to index
    %get3A_1568 = arith.constant 112 : index
    %get3A_1569 = tpu.vector_load %arg5[%get3A_1567, %get3A_1568] {strides = array<i32>} : memref<16x128xi32, #tpu.memory_space<vmem>>, vector<1x16xi32>,
    %get3A_1570 = vector.shape_cast %get3A_1569 : vector<1x16xi32> to vector<16xi32>
    %add3A_1571 = vector.broadcast %mul3A_20 : i32 to vector<16xi32>
    %add3A_1572 = arith.addi %get3A_1570, %add3A_1571 : vector<16xi32>
    %swap3A_1573 = arith.constant 14 : i32
    %swap3A_1574 = arith.index_cast %swap3A_1573 : i32 to index
    %swap3A_1575 = arith.constant 112 : index
    %swap3A_1576 = tpu.vector_load %arg5[%swap3A_1574, %swap3A_1575] {strides = array<i32>} : memref<16x128xi32, #tpu.memory_space<vmem>>, vector<1x16xi32>,
    %swap3A_1577 = vector.shape_cast %swap3A_1576 : vector<1x16xi32> to vector<16xi32>
    %swap3A_1578 = vector.shape_cast %add3A_1572 : vector<16xi32> to vector<1x16xi32>
    tpu.vector_store %arg5[%swap3A_1574, %swap3A_1575], %swap3A_1578 {strides = array<i32>} : memref<16x128xi32, #tpu.memory_space<vmem>>, vector<1x16xi32>,
    %get3A_1579 = arith.constant 15 : i32
    %get3A_1580 = arith.index_cast %get3A_1579 : i32 to index
    %get3A_1581 = arith.constant 0 : index
    %get3A_1582 = tpu.vector_load %arg5[%get3A_1580, %get3A_1581] {strides = array<i32>} : memref<16x128xi32, #tpu.memory_space<vmem>>, vector<1x16xi32>,
    %get3A_1583 = vector.shape_cast %get3A_1582 : vector<1x16xi32> to vector<16xi32>
    %add3A_1584 = vector.broadcast %mul3A_20 : i32 to vector<16xi32>
    %add3A_1585 = arith.addi %get3A_1583, %add3A_1584 : vector<16xi32>
    %swap3A_1586 = arith.constant 15 : i32
    %swap3A_1587 = arith.index_cast %swap3A_1586 : i32 to index
    %swap3A_1588 = arith.constant 0 : index
    %swap3A_1589 = tpu.vector_load %arg5[%swap3A_1587, %swap3A_1588] {strides = array<i32>} : memref<16x128xi32, #tpu.memory_space<vmem>>, vector<1x16xi32>,
    %swap3A_1590 = vector.shape_cast %swap3A_1589 : vector<1x16xi32> to vector<16xi32>
    %swap3A_1591 = vector.shape_cast %add3A_1585 : vector<16xi32> to vector<1x16xi32>
    tpu.vector_store %arg5[%swap3A_1587, %swap3A_1588], %swap3A_1591 {strides = array<i32>} : memref<16x128xi32, #tpu.memory_space<vmem>>, vector<1x16xi32>,
    %get3A_1592 = arith.constant 15 : i32
    %get3A_1593 = arith.index_cast %get3A_1592 : i32 to index
    %get3A_1594 = arith.constant 16 : index
    %get3A_1595 = tpu.vector_load %arg5[%get3A_1593, %get3A_1594] {strides = array<i32>} : memref<16x128xi32, #tpu.memory_space<vmem>>, vector<1x16xi32>,
    %get3A_1596 = vector.shape_cast %get3A_1595 : vector<1x16xi32> to vector<16xi32>
    %add3A_1597 = vector.broadcast %mul3A_20 : i32 to vector<16xi32>
    %add3A_1598 = arith.addi %get3A_1596, %add3A_1597 : vector<16xi32>
    %swap3A_1599 = arith.constant 15 : i32
    %swap3A_1600 = arith.index_cast %swap3A_1599 : i32 to index
    %swap3A_1601 = arith.constant 16 : index
    %swap3A_1602 = tpu.vector_load %arg5[%swap3A_1600, %swap3A_1601] {strides = array<i32>} : memref<16x128xi32, #tpu.memory_space<vmem>>, vector<1x16xi32>,
    %swap3A_1603 = vector.shape_cast %swap3A_1602 : vector<1x16xi32> to vector<16xi32>
    %swap3A_1604 = vector.shape_cast %add3A_1598 : vector<16xi32> to vector<1x16xi32>
    tpu.vector_store %arg5[%swap3A_1600, %swap3A_1601], %swap3A_1604 {strides = array<i32>} : memref<16x128xi32, #tpu.memory_space<vmem>>, vector<1x16xi32>,
    %get3A_1605 = arith.constant 15 : i32
    %get3A_1606 = arith.index_cast %get3A_1605 : i32 to index
    %get3A_1607 = arith.constant 32 : index
    %get3A_1608 = tpu.vector_load %arg5[%get3A_1606, %get3A_1607] {strides = array<i32>} : memref<16x128xi32, #tpu.memory_space<vmem>>, vector<1x16xi32>,
    %get3A_1609 = vector.shape_cast %get3A_1608 : vector<1x16xi32> to vector<16xi32>
    %add3A_1610 = vector.broadcast %mul3A_20 : i32 to vector<16xi32>
    %add3A_1611 = arith.addi %get3A_1609, %add3A_1610 : vector<16xi32>
    %swap3A_1612 = arith.constant 15 : i32
    %swap3A_1613 = arith.index_cast %swap3A_1612 : i32 to index
    %swap3A_1614 = arith.constant 32 : index
    %swap3A_1615 = tpu.vector_load %arg5[%swap3A_1613, %swap3A_1614] {strides = array<i32>} : memref<16x128xi32, #tpu.memory_space<vmem>>, vector<1x16xi32>,
    %swap3A_1616 = vector.shape_cast %swap3A_1615 : vector<1x16xi32> to vector<16xi32>
    %swap3A_1617 = vector.shape_cast %add3A_1611 : vector<16xi32> to vector<1x16xi32>
    tpu.vector_store %arg5[%swap3A_1613, %swap3A_1614], %swap3A_1617 {strides = array<i32>} : memref<16x128xi32, #tpu.memory_space<vmem>>, vector<1x16xi32>,
    %get3A_1618 = arith.constant 15 : i32
    %get3A_1619 = arith.index_cast %get3A_1618 : i32 to index
    %get3A_1620 = arith.constant 48 : index
    %get3A_1621 = tpu.vector_load %arg5[%get3A_1619, %get3A_1620] {strides = array<i32>} : memref<16x128xi32, #tpu.memory_space<vmem>>, vector<1x16xi32>,
    %get3A_1622 = vector.shape_cast %get3A_1621 : vector<1x16xi32> to vector<16xi32>
    %add3A_1623 = vector.broadcast %mul3A_20 : i32 to vector<16xi32>
    %add3A_1624 = arith.addi %get3A_1622, %add3A_1623 : vector<16xi32>
    %swap3A_1625 = arith.constant 15 : i32
    %swap3A_1626 = arith.index_cast %swap3A_1625 : i32 to index
    %swap3A_1627 = arith.constant 48 : index
    %swap3A_1628 = tpu.vector_load %arg5[%swap3A_1626, %swap3A_1627] {strides = array<i32>} : memref<16x128xi32, #tpu.memory_space<vmem>>, vector<1x16xi32>,
    %swap3A_1629 = vector.shape_cast %swap3A_1628 : vector<1x16xi32> to vector<16xi32>
    %swap3A_1630 = vector.shape_cast %add3A_1624 : vector<16xi32> to vector<1x16xi32>
    tpu.vector_store %arg5[%swap3A_1626, %swap3A_1627], %swap3A_1630 {strides = array<i32>} : memref<16x128xi32, #tpu.memory_space<vmem>>, vector<1x16xi32>,
    %get3A_1631 = arith.constant 15 : i32
    %get3A_1632 = arith.index_cast %get3A_1631 : i32 to index
    %get3A_1633 = arith.constant 64 : index
    %get3A_1634 = tpu.vector_load %arg5[%get3A_1632, %get3A_1633] {strides = array<i32>} : memref<16x128xi32, #tpu.memory_space<vmem>>, vector<1x16xi32>,
    %get3A_1635 = vector.shape_cast %get3A_1634 : vector<1x16xi32> to vector<16xi32>
    %add3A_1636 = vector.broadcast %mul3A_20 : i32 to vector<16xi32>
    %add3A_1637 = arith.addi %get3A_1635, %add3A_1636 : vector<16xi32>
    %swap3A_1638 = arith.constant 15 : i32
    %swap3A_1639 = arith.index_cast %swap3A_1638 : i32 to index
    %swap3A_1640 = arith.constant 64 : index
    %swap3A_1641 = tpu.vector_load %arg5[%swap3A_1639, %swap3A_1640] {strides = array<i32>} : memref<16x128xi32, #tpu.memory_space<vmem>>, vector<1x16xi32>,
    %swap3A_1642 = vector.shape_cast %swap3A_1641 : vector<1x16xi32> to vector<16xi32>
    %swap3A_1643 = vector.shape_cast %add3A_1637 : vector<16xi32> to vector<1x16xi32>
    tpu.vector_store %arg5[%swap3A_1639, %swap3A_1640], %swap3A_1643 {strides = array<i32>} : memref<16x128xi32, #tpu.memory_space<vmem>>, vector<1x16xi32>,
    %get3A_1644 = arith.constant 15 : i32
    %get3A_1645 = arith.index_cast %get3A_1644 : i32 to index
    %get3A_1646 = arith.constant 80 : index
    %get3A_1647 = tpu.vector_load %arg5[%get3A_1645, %get3A_1646] {strides = array<i32>} : memref<16x128xi32, #tpu.memory_space<vmem>>, vector<1x16xi32>,
    %get3A_1648 = vector.shape_cast %get3A_1647 : vector<1x16xi32> to vector<16xi32>
    %add3A_1649 = vector.broadcast %mul3A_20 : i32 to vector<16xi32>
    %add3A_1650 = arith.addi %get3A_1648, %add3A_1649 : vector<16xi32>
    %swap3A_1651 = arith.constant 15 : i32
    %swap3A_1652 = arith.index_cast %swap3A_1651 : i32 to index
    %swap3A_1653 = arith.constant 80 : index
    %swap3A_1654 = tpu.vector_load %arg5[%swap3A_1652, %swap3A_1653] {strides = array<i32>} : memref<16x128xi32, #tpu.memory_space<vmem>>, vector<1x16xi32>,
    %swap3A_1655 = vector.shape_cast %swap3A_1654 : vector<1x16xi32> to vector<16xi32>
    %swap3A_1656 = vector.shape_cast %add3A_1650 : vector<16xi32> to vector<1x16xi32>
    tpu.vector_store %arg5[%swap3A_1652, %swap3A_1653], %swap3A_1656 {strides = array<i32>} : memref<16x128xi32, #tpu.memory_space<vmem>>, vector<1x16xi32>,
    %get3A_1657 = arith.constant 15 : i32
    %get3A_1658 = arith.index_cast %get3A_1657 : i32 to index
    %get3A_1659 = arith.constant 96 : index
    %get3A_1660 = tpu.vector_load %arg5[%get3A_1658, %get3A_1659] {strides = array<i32>} : memref<16x128xi32, #tpu.memory_space<vmem>>, vector<1x16xi32>,
    %get3A_1661 = vector.shape_cast %get3A_1660 : vector<1x16xi32> to vector<16xi32>
    %add3A_1662 = vector.broadcast %mul3A_20 : i32 to vector<16xi32>
    %add3A_1663 = arith.addi %get3A_1661, %add3A_1662 : vector<16xi32>
    %swap3A_1664 = arith.constant 15 : i32
    %swap3A_1665 = arith.index_cast %swap3A_1664 : i32 to index
    %swap3A_1666 = arith.constant 96 : index
    %swap3A_1667 = tpu.vector_load %arg5[%swap3A_1665, %swap3A_1666] {strides = array<i32>} : memref<16x128xi32, #tpu.memory_space<vmem>>, vector<1x16xi32>,
    %swap3A_1668 = vector.shape_cast %swap3A_1667 : vector<1x16xi32> to vector<16xi32>
    %swap3A_1669 = vector.shape_cast %add3A_1663 : vector<16xi32> to vector<1x16xi32>
    tpu.vector_store %arg5[%swap3A_1665, %swap3A_1666], %swap3A_1669 {strides = array<i32>} : memref<16x128xi32, #tpu.memory_space<vmem>>, vector<1x16xi32>,
    %get3A_1670 = arith.constant 15 : i32
    %get3A_1671 = arith.index_cast %get3A_1670 : i32 to index
    %get3A_1672 = arith.constant 112 : index
    %get3A_1673 = tpu.vector_load %arg5[%get3A_1671, %get3A_1672] {strides = array<i32>} : memref<16x128xi32, #tpu.memory_space<vmem>>, vector<1x16xi32>,
    %get3A_1674 = vector.shape_cast %get3A_1673 : vector<1x16xi32> to vector<16xi32>
    %add3A_1675 = vector.broadcast %mul3A_20 : i32 to vector<16xi32>
    %add3A_1676 = arith.addi %get3A_1674, %add3A_1675 : vector<16xi32>
    %swap3A_1677 = arith.constant 15 : i32
    %swap3A_1678 = arith.index_cast %swap3A_1677 : i32 to index
    %swap3A_1679 = arith.constant 112 : index
    %swap3A_1680 = tpu.vector_load %arg5[%swap3A_1678, %swap3A_1679] {strides = array<i32>} : memref<16x128xi32, #tpu.memory_space<vmem>>, vector<1x16xi32>,
    %swap3A_1681 = vector.shape_cast %swap3A_1680 : vector<1x16xi32> to vector<16xi32>
    %swap3A_1682 = vector.shape_cast %add3A_1676 : vector<16xi32> to vector<1x16xi32>
    tpu.vector_store %arg5[%swap3A_1678, %swap3A_1679], %swap3A_1682 {strides = array<i32>} : memref<16x128xi32, #tpu.memory_space<vmem>>, vector<1x16xi32>,
    %dma_start3A = arith.constant 0 : i32
    %dma_start3A_1683 = arith.constant 0 : i32
    %dma_start3A_1684 = arith.constant 0 : i32
    %dma_start3A_1685 = arith.constant 0 : i32
    %dma_start3A_1686 = tpu.memref_slice %arg6[%dma_start3A_1683, %dma_start3A_1684, %dma_start3A_1685] : memref<16x128x8xf32, #tpu.memory_space<vmem>> -> memref<1x128x8xf32, #tpu.memory_space<vmem>>
    %dma_start3A_1687 = tpu.memref_squeeze %dma_start3A_1686 : memref<1x128x8xf32, #tpu.memory_space<vmem>> -> memref<128x8xf32, #tpu.memory_space<vmem>>
    %dma_start3A_1688 = arith.constant 0 : i32
    %dma_start3A_1689 = tpu.memref_slice %arg5[%dma_start3A, %dma_start3A_1688] : memref<16x128xi32, #tpu.memory_space<vmem>> -> memref<1x128xi32, #tpu.memory_space<vmem>>
    %dma_start3A_1690 = tpu.memref_squeeze %dma_start3A_1689 : memref<1x128xi32, #tpu.memory_space<vmem>> -> memref<128xi32, #tpu.memory_space<vmem>>
    %dma_start3A_1691 = arith.constant 0 : i32
    %dma_start3A_1692 = arith.constant 0 : i32
    %dma_start3A_1693 = tpu.memref_slice %arg2[%dma_start3A_1691, %dma_start3A_1692] : memref<32768x8xf32, #tpu.memory_space<hbm>> -> memref<32768x8xf32, #tpu.memory_space<hbm>>
    tpu.enqueue_indirect_dma source(%dma_start3A_1693 : memref<32768x8xf32, #tpu.memory_space<hbm>>) target(%dma_start3A_1687 : memref<128x8xf32, #tpu.memory_space<vmem>>) offsets(%dma_start3A_1690 : memref<128xi32, #tpu.memory_space<vmem>>) semaphore(%arg7 : memref<!tpu.dma_semaphore, #tpu.memory_space<semaphore_mem>>)
    %dma_start3A_1694 = arith.constant 1 : i32
    %dma_start3A_1695 = arith.constant 1 : i32
    %dma_start3A_1696 = arith.constant 0 : i32
    %dma_start3A_1697 = arith.constant 0 : i32
    %dma_start3A_1698 = tpu.memref_slice %arg6[%dma_start3A_1695, %dma_start3A_1696, %dma_start3A_1697] : memref<16x128x8xf32, #tpu.memory_space<vmem>> -> memref<1x128x8xf32, #tpu.memory_space<vmem>>
    %dma_start3A_1699 = tpu.memref_squeeze %dma_start3A_1698 : memref<1x128x8xf32, #tpu.memory_space<vmem>> -> memref<128x8xf32, #tpu.memory_space<vmem>>
    %dma_start3A_1700 = arith.constant 0 : i32
    %dma_start3A_1701 = tpu.memref_slice %arg5[%dma_start3A_1694, %dma_start3A_1700] : memref<16x128xi32, #tpu.memory_space<vmem>> -> memref<1x128xi32, #tpu.memory_space<vmem>>
    %dma_start3A_1702 = tpu.memref_squeeze %dma_start3A_1701 : memref<1x128xi32, #tpu.memory_space<vmem>> -> memref<128xi32, #tpu.memory_space<vmem>>
    %dma_start3A_1703 = arith.constant 0 : i32
    %dma_start3A_1704 = arith.constant 0 : i32
    %dma_start3A_1705 = tpu.memref_slice %arg2[%dma_start3A_1703, %dma_start3A_1704] : memref<32768x8xf32, #tpu.memory_space<hbm>> -> memref<32768x8xf32, #tpu.memory_space<hbm>>
    tpu.enqueue_indirect_dma source(%dma_start3A_1705 : memref<32768x8xf32, #tpu.memory_space<hbm>>) target(%dma_start3A_1699 : memref<128x8xf32, #tpu.memory_space<vmem>>) offsets(%dma_start3A_1702 : memref<128xi32, #tpu.memory_space<vmem>>) semaphore(%arg7 : memref<!tpu.dma_semaphore, #tpu.memory_space<semaphore_mem>>)
    %dma_start3A_1706 = arith.constant 2 : i32
    %dma_start3A_1707 = arith.constant 2 : i32
    %dma_start3A_1708 = arith.constant 0 : i32
    %dma_start3A_1709 = arith.constant 0 : i32
    %dma_start3A_1710 = tpu.memref_slice %arg6[%dma_start3A_1707, %dma_start3A_1708, %dma_start3A_1709] : memref<16x128x8xf32, #tpu.memory_space<vmem>> -> memref<1x128x8xf32, #tpu.memory_space<vmem>>
    %dma_start3A_1711 = tpu.memref_squeeze %dma_start3A_1710 : memref<1x128x8xf32, #tpu.memory_space<vmem>> -> memref<128x8xf32, #tpu.memory_space<vmem>>
    %dma_start3A_1712 = arith.constant 0 : i32
    %dma_start3A_1713 = tpu.memref_slice %arg5[%dma_start3A_1706, %dma_start3A_1712] : memref<16x128xi32, #tpu.memory_space<vmem>> -> memref<1x128xi32, #tpu.memory_space<vmem>>
    %dma_start3A_1714 = tpu.memref_squeeze %dma_start3A_1713 : memref<1x128xi32, #tpu.memory_space<vmem>> -> memref<128xi32, #tpu.memory_space<vmem>>
    %dma_start3A_1715 = arith.constant 0 : i32
    %dma_start3A_1716 = arith.constant 0 : i32
    %dma_start3A_1717 = tpu.memref_slice %arg2[%dma_start3A_1715, %dma_start3A_1716] : memref<32768x8xf32, #tpu.memory_space<hbm>> -> memref<32768x8xf32, #tpu.memory_space<hbm>>
    tpu.enqueue_indirect_dma source(%dma_start3A_1717 : memref<32768x8xf32, #tpu.memory_space<hbm>>) target(%dma_start3A_1711 : memref<128x8xf32, #tpu.memory_space<vmem>>) offsets(%dma_start3A_1714 : memref<128xi32, #tpu.memory_space<vmem>>) semaphore(%arg7 : memref<!tpu.dma_semaphore, #tpu.memory_space<semaphore_mem>>)
    %dma_start3A_1718 = arith.constant 3 : i32
    %dma_start3A_1719 = arith.constant 3 : i32
    %dma_start3A_1720 = arith.constant 0 : i32
    %dma_start3A_1721 = arith.constant 0 : i32
    %dma_start3A_1722 = tpu.memref_slice %arg6[%dma_start3A_1719, %dma_start3A_1720, %dma_start3A_1721] : memref<16x128x8xf32, #tpu.memory_space<vmem>> -> memref<1x128x8xf32, #tpu.memory_space<vmem>>
    %dma_start3A_1723 = tpu.memref_squeeze %dma_start3A_1722 : memref<1x128x8xf32, #tpu.memory_space<vmem>> -> memref<128x8xf32, #tpu.memory_space<vmem>>
    %dma_start3A_1724 = arith.constant 0 : i32
    %dma_start3A_1725 = tpu.memref_slice %arg5[%dma_start3A_1718, %dma_start3A_1724] : memref<16x128xi32, #tpu.memory_space<vmem>> -> memref<1x128xi32, #tpu.memory_space<vmem>>
    %dma_start3A_1726 = tpu.memref_squeeze %dma_start3A_1725 : memref<1x128xi32, #tpu.memory_space<vmem>> -> memref<128xi32, #tpu.memory_space<vmem>>
    %dma_start3A_1727 = arith.constant 0 : i32
    %dma_start3A_1728 = arith.constant 0 : i32
    %dma_start3A_1729 = tpu.memref_slice %arg2[%dma_start3A_1727, %dma_start3A_1728] : memref<32768x8xf32, #tpu.memory_space<hbm>> -> memref<32768x8xf32, #tpu.memory_space<hbm>>
    tpu.enqueue_indirect_dma source(%dma_start3A_1729 : memref<32768x8xf32, #tpu.memory_space<hbm>>) target(%dma_start3A_1723 : memref<128x8xf32, #tpu.memory_space<vmem>>) offsets(%dma_start3A_1726 : memref<128xi32, #tpu.memory_space<vmem>>) semaphore(%arg7 : memref<!tpu.dma_semaphore, #tpu.memory_space<semaphore_mem>>)
    %dma_start3A_1730 = arith.constant 4 : i32
    %dma_start3A_1731 = arith.constant 4 : i32
    %dma_start3A_1732 = arith.constant 0 : i32
    %dma_start3A_1733 = arith.constant 0 : i32
    %dma_start3A_1734 = tpu.memref_slice %arg6[%dma_start3A_1731, %dma_start3A_1732, %dma_start3A_1733] : memref<16x128x8xf32, #tpu.memory_space<vmem>> -> memref<1x128x8xf32, #tpu.memory_space<vmem>>
    %dma_start3A_1735 = tpu.memref_squeeze %dma_start3A_1734 : memref<1x128x8xf32, #tpu.memory_space<vmem>> -> memref<128x8xf32, #tpu.memory_space<vmem>>
    %dma_start3A_1736 = arith.constant 0 : i32
    %dma_start3A_1737 = tpu.memref_slice %arg5[%dma_start3A_1730, %dma_start3A_1736] : memref<16x128xi32, #tpu.memory_space<vmem>> -> memref<1x128xi32, #tpu.memory_space<vmem>>
    %dma_start3A_1738 = tpu.memref_squeeze %dma_start3A_1737 : memref<1x128xi32, #tpu.memory_space<vmem>> -> memref<128xi32, #tpu.memory_space<vmem>>
    %dma_start3A_1739 = arith.constant 0 : i32
    %dma_start3A_1740 = arith.constant 0 : i32
    %dma_start3A_1741 = tpu.memref_slice %arg2[%dma_start3A_1739, %dma_start3A_1740] : memref<32768x8xf32, #tpu.memory_space<hbm>> -> memref<32768x8xf32, #tpu.memory_space<hbm>>
    tpu.enqueue_indirect_dma source(%dma_start3A_1741 : memref<32768x8xf32, #tpu.memory_space<hbm>>) target(%dma_start3A_1735 : memref<128x8xf32, #tpu.memory_space<vmem>>) offsets(%dma_start3A_1738 : memref<128xi32, #tpu.memory_space<vmem>>) semaphore(%arg7 : memref<!tpu.dma_semaphore, #tpu.memory_space<semaphore_mem>>)
    %dma_start3A_1742 = arith.constant 5 : i32
    %dma_start3A_1743 = arith.constant 5 : i32
    %dma_start3A_1744 = arith.constant 0 : i32
    %dma_start3A_1745 = arith.constant 0 : i32
    %dma_start3A_1746 = tpu.memref_slice %arg6[%dma_start3A_1743, %dma_start3A_1744, %dma_start3A_1745] : memref<16x128x8xf32, #tpu.memory_space<vmem>> -> memref<1x128x8xf32, #tpu.memory_space<vmem>>
    %dma_start3A_1747 = tpu.memref_squeeze %dma_start3A_1746 : memref<1x128x8xf32, #tpu.memory_space<vmem>> -> memref<128x8xf32, #tpu.memory_space<vmem>>
    %dma_start3A_1748 = arith.constant 0 : i32
    %dma_start3A_1749 = tpu.memref_slice %arg5[%dma_start3A_1742, %dma_start3A_1748] : memref<16x128xi32, #tpu.memory_space<vmem>> -> memref<1x128xi32, #tpu.memory_space<vmem>>
    %dma_start3A_1750 = tpu.memref_squeeze %dma_start3A_1749 : memref<1x128xi32, #tpu.memory_space<vmem>> -> memref<128xi32, #tpu.memory_space<vmem>>
    %dma_start3A_1751 = arith.constant 0 : i32
    %dma_start3A_1752 = arith.constant 0 : i32
    %dma_start3A_1753 = tpu.memref_slice %arg2[%dma_start3A_1751, %dma_start3A_1752] : memref<32768x8xf32, #tpu.memory_space<hbm>> -> memref<32768x8xf32, #tpu.memory_space<hbm>>
    tpu.enqueue_indirect_dma source(%dma_start3A_1753 : memref<32768x8xf32, #tpu.memory_space<hbm>>) target(%dma_start3A_1747 : memref<128x8xf32, #tpu.memory_space<vmem>>) offsets(%dma_start3A_1750 : memref<128xi32, #tpu.memory_space<vmem>>) semaphore(%arg7 : memref<!tpu.dma_semaphore, #tpu.memory_space<semaphore_mem>>)
    %dma_start3A_1754 = arith.constant 6 : i32
    %dma_start3A_1755 = arith.constant 6 : i32
    %dma_start3A_1756 = arith.constant 0 : i32
    %dma_start3A_1757 = arith.constant 0 : i32
    %dma_start3A_1758 = tpu.memref_slice %arg6[%dma_start3A_1755, %dma_start3A_1756, %dma_start3A_1757] : memref<16x128x8xf32, #tpu.memory_space<vmem>> -> memref<1x128x8xf32, #tpu.memory_space<vmem>>
    %dma_start3A_1759 = tpu.memref_squeeze %dma_start3A_1758 : memref<1x128x8xf32, #tpu.memory_space<vmem>> -> memref<128x8xf32, #tpu.memory_space<vmem>>
    %dma_start3A_1760 = arith.constant 0 : i32
    %dma_start3A_1761 = tpu.memref_slice %arg5[%dma_start3A_1754, %dma_start3A_1760] : memref<16x128xi32, #tpu.memory_space<vmem>> -> memref<1x128xi32, #tpu.memory_space<vmem>>
    %dma_start3A_1762 = tpu.memref_squeeze %dma_start3A_1761 : memref<1x128xi32, #tpu.memory_space<vmem>> -> memref<128xi32, #tpu.memory_space<vmem>>
    %dma_start3A_1763 = arith.constant 0 : i32
    %dma_start3A_1764 = arith.constant 0 : i32
    %dma_start3A_1765 = tpu.memref_slice %arg2[%dma_start3A_1763, %dma_start3A_1764] : memref<32768x8xf32, #tpu.memory_space<hbm>> -> memref<32768x8xf32, #tpu.memory_space<hbm>>
    tpu.enqueue_indirect_dma source(%dma_start3A_1765 : memref<32768x8xf32, #tpu.memory_space<hbm>>) target(%dma_start3A_1759 : memref<128x8xf32, #tpu.memory_space<vmem>>) offsets(%dma_start3A_1762 : memref<128xi32, #tpu.memory_space<vmem>>) semaphore(%arg7 : memref<!tpu.dma_semaphore, #tpu.memory_space<semaphore_mem>>)
    %dma_start3A_1766 = arith.constant 7 : i32
    %dma_start3A_1767 = arith.constant 7 : i32
    %dma_start3A_1768 = arith.constant 0 : i32
    %dma_start3A_1769 = arith.constant 0 : i32
    %dma_start3A_1770 = tpu.memref_slice %arg6[%dma_start3A_1767, %dma_start3A_1768, %dma_start3A_1769] : memref<16x128x8xf32, #tpu.memory_space<vmem>> -> memref<1x128x8xf32, #tpu.memory_space<vmem>>
    %dma_start3A_1771 = tpu.memref_squeeze %dma_start3A_1770 : memref<1x128x8xf32, #tpu.memory_space<vmem>> -> memref<128x8xf32, #tpu.memory_space<vmem>>
    %dma_start3A_1772 = arith.constant 0 : i32
    %dma_start3A_1773 = tpu.memref_slice %arg5[%dma_start3A_1766, %dma_start3A_1772] : memref<16x128xi32, #tpu.memory_space<vmem>> -> memref<1x128xi32, #tpu.memory_space<vmem>>
    %dma_start3A_1774 = tpu.memref_squeeze %dma_start3A_1773 : memref<1x128xi32, #tpu.memory_space<vmem>> -> memref<128xi32, #tpu.memory_space<vmem>>
    %dma_start3A_1775 = arith.constant 0 : i32
    %dma_start3A_1776 = arith.constant 0 : i32
    %dma_start3A_1777 = tpu.memref_slice %arg2[%dma_start3A_1775, %dma_start3A_1776] : memref<32768x8xf32, #tpu.memory_space<hbm>> -> memref<32768x8xf32, #tpu.memory_space<hbm>>
    tpu.enqueue_indirect_dma source(%dma_start3A_1777 : memref<32768x8xf32, #tpu.memory_space<hbm>>) target(%dma_start3A_1771 : memref<128x8xf32, #tpu.memory_space<vmem>>) offsets(%dma_start3A_1774 : memref<128xi32, #tpu.memory_space<vmem>>) semaphore(%arg7 : memref<!tpu.dma_semaphore, #tpu.memory_space<semaphore_mem>>)
    %dma_start3A_1778 = arith.constant 8 : i32
    %dma_start3A_1779 = arith.constant 8 : i32
    %dma_start3A_1780 = arith.constant 0 : i32
    %dma_start3A_1781 = arith.constant 0 : i32
    %dma_start3A_1782 = tpu.memref_slice %arg6[%dma_start3A_1779, %dma_start3A_1780, %dma_start3A_1781] : memref<16x128x8xf32, #tpu.memory_space<vmem>> -> memref<1x128x8xf32, #tpu.memory_space<vmem>>
    %dma_start3A_1783 = tpu.memref_squeeze %dma_start3A_1782 : memref<1x128x8xf32, #tpu.memory_space<vmem>> -> memref<128x8xf32, #tpu.memory_space<vmem>>
    %dma_start3A_1784 = arith.constant 0 : i32
    %dma_start3A_1785 = tpu.memref_slice %arg5[%dma_start3A_1778, %dma_start3A_1784] : memref<16x128xi32, #tpu.memory_space<vmem>> -> memref<1x128xi32, #tpu.memory_space<vmem>>
    %dma_start3A_1786 = tpu.memref_squeeze %dma_start3A_1785 : memref<1x128xi32, #tpu.memory_space<vmem>> -> memref<128xi32, #tpu.memory_space<vmem>>
    %dma_start3A_1787 = arith.constant 0 : i32
    %dma_start3A_1788 = arith.constant 0 : i32
    %dma_start3A_1789 = tpu.memref_slice %arg2[%dma_start3A_1787, %dma_start3A_1788] : memref<32768x8xf32, #tpu.memory_space<hbm>> -> memref<32768x8xf32, #tpu.memory_space<hbm>>
    tpu.enqueue_indirect_dma source(%dma_start3A_1789 : memref<32768x8xf32, #tpu.memory_space<hbm>>) target(%dma_start3A_1783 : memref<128x8xf32, #tpu.memory_space<vmem>>) offsets(%dma_start3A_1786 : memref<128xi32, #tpu.memory_space<vmem>>) semaphore(%arg7 : memref<!tpu.dma_semaphore, #tpu.memory_space<semaphore_mem>>)
    %dma_start3A_1790 = arith.constant 9 : i32
    %dma_start3A_1791 = arith.constant 9 : i32
    %dma_start3A_1792 = arith.constant 0 : i32
    %dma_start3A_1793 = arith.constant 0 : i32
    %dma_start3A_1794 = tpu.memref_slice %arg6[%dma_start3A_1791, %dma_start3A_1792, %dma_start3A_1793] : memref<16x128x8xf32, #tpu.memory_space<vmem>> -> memref<1x128x8xf32, #tpu.memory_space<vmem>>
    %dma_start3A_1795 = tpu.memref_squeeze %dma_start3A_1794 : memref<1x128x8xf32, #tpu.memory_space<vmem>> -> memref<128x8xf32, #tpu.memory_space<vmem>>
    %dma_start3A_1796 = arith.constant 0 : i32
    %dma_start3A_1797 = tpu.memref_slice %arg5[%dma_start3A_1790, %dma_start3A_1796] : memref<16x128xi32, #tpu.memory_space<vmem>> -> memref<1x128xi32, #tpu.memory_space<vmem>>
    %dma_start3A_1798 = tpu.memref_squeeze %dma_start3A_1797 : memref<1x128xi32, #tpu.memory_space<vmem>> -> memref<128xi32, #tpu.memory_space<vmem>>
    %dma_start3A_1799 = arith.constant 0 : i32
    %dma_start3A_1800 = arith.constant 0 : i32
    %dma_start3A_1801 = tpu.memref_slice %arg2[%dma_start3A_1799, %dma_start3A_1800] : memref<32768x8xf32, #tpu.memory_space<hbm>> -> memref<32768x8xf32, #tpu.memory_space<hbm>>
    tpu.enqueue_indirect_dma source(%dma_start3A_1801 : memref<32768x8xf32, #tpu.memory_space<hbm>>) target(%dma_start3A_1795 : memref<128x8xf32, #tpu.memory_space<vmem>>) offsets(%dma_start3A_1798 : memref<128xi32, #tpu.memory_space<vmem>>) semaphore(%arg7 : memref<!tpu.dma_semaphore, #tpu.memory_space<semaphore_mem>>)
    %dma_start3A_1802 = arith.constant 10 : i32
    %dma_start3A_1803 = arith.constant 10 : i32
    %dma_start3A_1804 = arith.constant 0 : i32
    %dma_start3A_1805 = arith.constant 0 : i32
    %dma_start3A_1806 = tpu.memref_slice %arg6[%dma_start3A_1803, %dma_start3A_1804, %dma_start3A_1805] : memref<16x128x8xf32, #tpu.memory_space<vmem>> -> memref<1x128x8xf32, #tpu.memory_space<vmem>>
    %dma_start3A_1807 = tpu.memref_squeeze %dma_start3A_1806 : memref<1x128x8xf32, #tpu.memory_space<vmem>> -> memref<128x8xf32, #tpu.memory_space<vmem>>
    %dma_start3A_1808 = arith.constant 0 : i32
    %dma_start3A_1809 = tpu.memref_slice %arg5[%dma_start3A_1802, %dma_start3A_1808] : memref<16x128xi32, #tpu.memory_space<vmem>> -> memref<1x128xi32, #tpu.memory_space<vmem>>
    %dma_start3A_1810 = tpu.memref_squeeze %dma_start3A_1809 : memref<1x128xi32, #tpu.memory_space<vmem>> -> memref<128xi32, #tpu.memory_space<vmem>>
    %dma_start3A_1811 = arith.constant 0 : i32
    %dma_start3A_1812 = arith.constant 0 : i32
    %dma_start3A_1813 = tpu.memref_slice %arg2[%dma_start3A_1811, %dma_start3A_1812] : memref<32768x8xf32, #tpu.memory_space<hbm>> -> memref<32768x8xf32, #tpu.memory_space<hbm>>
    tpu.enqueue_indirect_dma source(%dma_start3A_1813 : memref<32768x8xf32, #tpu.memory_space<hbm>>) target(%dma_start3A_1807 : memref<128x8xf32, #tpu.memory_space<vmem>>) offsets(%dma_start3A_1810 : memref<128xi32, #tpu.memory_space<vmem>>) semaphore(%arg7 : memref<!tpu.dma_semaphore, #tpu.memory_space<semaphore_mem>>)
    %dma_start3A_1814 = arith.constant 11 : i32
    %dma_start3A_1815 = arith.constant 11 : i32
    %dma_start3A_1816 = arith.constant 0 : i32
    %dma_start3A_1817 = arith.constant 0 : i32
    %dma_start3A_1818 = tpu.memref_slice %arg6[%dma_start3A_1815, %dma_start3A_1816, %dma_start3A_1817] : memref<16x128x8xf32, #tpu.memory_space<vmem>> -> memref<1x128x8xf32, #tpu.memory_space<vmem>>
    %dma_start3A_1819 = tpu.memref_squeeze %dma_start3A_1818 : memref<1x128x8xf32, #tpu.memory_space<vmem>> -> memref<128x8xf32, #tpu.memory_space<vmem>>
    %dma_start3A_1820 = arith.constant 0 : i32
    %dma_start3A_1821 = tpu.memref_slice %arg5[%dma_start3A_1814, %dma_start3A_1820] : memref<16x128xi32, #tpu.memory_space<vmem>> -> memref<1x128xi32, #tpu.memory_space<vmem>>
    %dma_start3A_1822 = tpu.memref_squeeze %dma_start3A_1821 : memref<1x128xi32, #tpu.memory_space<vmem>> -> memref<128xi32, #tpu.memory_space<vmem>>
    %dma_start3A_1823 = arith.constant 0 : i32
    %dma_start3A_1824 = arith.constant 0 : i32
    %dma_start3A_1825 = tpu.memref_slice %arg2[%dma_start3A_1823, %dma_start3A_1824] : memref<32768x8xf32, #tpu.memory_space<hbm>> -> memref<32768x8xf32, #tpu.memory_space<hbm>>
    tpu.enqueue_indirect_dma source(%dma_start3A_1825 : memref<32768x8xf32, #tpu.memory_space<hbm>>) target(%dma_start3A_1819 : memref<128x8xf32, #tpu.memory_space<vmem>>) offsets(%dma_start3A_1822 : memref<128xi32, #tpu.memory_space<vmem>>) semaphore(%arg7 : memref<!tpu.dma_semaphore, #tpu.memory_space<semaphore_mem>>)
    %dma_start3A_1826 = arith.constant 12 : i32
    %dma_start3A_1827 = arith.constant 12 : i32
    %dma_start3A_1828 = arith.constant 0 : i32
    %dma_start3A_1829 = arith.constant 0 : i32
    %dma_start3A_1830 = tpu.memref_slice %arg6[%dma_start3A_1827, %dma_start3A_1828, %dma_start3A_1829] : memref<16x128x8xf32, #tpu.memory_space<vmem>> -> memref<1x128x8xf32, #tpu.memory_space<vmem>>
    %dma_start3A_1831 = tpu.memref_squeeze %dma_start3A_1830 : memref<1x128x8xf32, #tpu.memory_space<vmem>> -> memref<128x8xf32, #tpu.memory_space<vmem>>
    %dma_start3A_1832 = arith.constant 0 : i32
    %dma_start3A_1833 = tpu.memref_slice %arg5[%dma_start3A_1826, %dma_start3A_1832] : memref<16x128xi32, #tpu.memory_space<vmem>> -> memref<1x128xi32, #tpu.memory_space<vmem>>
    %dma_start3A_1834 = tpu.memref_squeeze %dma_start3A_1833 : memref<1x128xi32, #tpu.memory_space<vmem>> -> memref<128xi32, #tpu.memory_space<vmem>>
    %dma_start3A_1835 = arith.constant 0 : i32
    %dma_start3A_1836 = arith.constant 0 : i32
    %dma_start3A_1837 = tpu.memref_slice %arg2[%dma_start3A_1835, %dma_start3A_1836] : memref<32768x8xf32, #tpu.memory_space<hbm>> -> memref<32768x8xf32, #tpu.memory_space<hbm>>
    tpu.enqueue_indirect_dma source(%dma_start3A_1837 : memref<32768x8xf32, #tpu.memory_space<hbm>>) target(%dma_start3A_1831 : memref<128x8xf32, #tpu.memory_space<vmem>>) offsets(%dma_start3A_1834 : memref<128xi32, #tpu.memory_space<vmem>>) semaphore(%arg7 : memref<!tpu.dma_semaphore, #tpu.memory_space<semaphore_mem>>)
    %dma_start3A_1838 = arith.constant 13 : i32
    %dma_start3A_1839 = arith.constant 13 : i32
    %dma_start3A_1840 = arith.constant 0 : i32
    %dma_start3A_1841 = arith.constant 0 : i32
    %dma_start3A_1842 = tpu.memref_slice %arg6[%dma_start3A_1839, %dma_start3A_1840, %dma_start3A_1841] : memref<16x128x8xf32, #tpu.memory_space<vmem>> -> memref<1x128x8xf32, #tpu.memory_space<vmem>>
    %dma_start3A_1843 = tpu.memref_squeeze %dma_start3A_1842 : memref<1x128x8xf32, #tpu.memory_space<vmem>> -> memref<128x8xf32, #tpu.memory_space<vmem>>
    %dma_start3A_1844 = arith.constant 0 : i32
    %dma_start3A_1845 = tpu.memref_slice %arg5[%dma_start3A_1838, %dma_start3A_1844] : memref<16x128xi32, #tpu.memory_space<vmem>> -> memref<1x128xi32, #tpu.memory_space<vmem>>
    %dma_start3A_1846 = tpu.memref_squeeze %dma_start3A_1845 : memref<1x128xi32, #tpu.memory_space<vmem>> -> memref<128xi32, #tpu.memory_space<vmem>>
    %dma_start3A_1847 = arith.constant 0 : i32
    %dma_start3A_1848 = arith.constant 0 : i32
    %dma_start3A_1849 = tpu.memref_slice %arg2[%dma_start3A_1847, %dma_start3A_1848] : memref<32768x8xf32, #tpu.memory_space<hbm>> -> memref<32768x8xf32, #tpu.memory_space<hbm>>
    tpu.enqueue_indirect_dma source(%dma_start3A_1849 : memref<32768x8xf32, #tpu.memory_space<hbm>>) target(%dma_start3A_1843 : memref<128x8xf32, #tpu.memory_space<vmem>>) offsets(%dma_start3A_1846 : memref<128xi32, #tpu.memory_space<vmem>>) semaphore(%arg7 : memref<!tpu.dma_semaphore, #tpu.memory_space<semaphore_mem>>)
    %dma_start3A_1850 = arith.constant 14 : i32
    %dma_start3A_1851 = arith.constant 14 : i32
    %dma_start3A_1852 = arith.constant 0 : i32
    %dma_start3A_1853 = arith.constant 0 : i32
    %dma_start3A_1854 = tpu.memref_slice %arg6[%dma_start3A_1851, %dma_start3A_1852, %dma_start3A_1853] : memref<16x128x8xf32, #tpu.memory_space<vmem>> -> memref<1x128x8xf32, #tpu.memory_space<vmem>>
    %dma_start3A_1855 = tpu.memref_squeeze %dma_start3A_1854 : memref<1x128x8xf32, #tpu.memory_space<vmem>> -> memref<128x8xf32, #tpu.memory_space<vmem>>
    %dma_start3A_1856 = arith.constant 0 : i32
    %dma_start3A_1857 = tpu.memref_slice %arg5[%dma_start3A_1850, %dma_start3A_1856] : memref<16x128xi32, #tpu.memory_space<vmem>> -> memref<1x128xi32, #tpu.memory_space<vmem>>
    %dma_start3A_1858 = tpu.memref_squeeze %dma_start3A_1857 : memref<1x128xi32, #tpu.memory_space<vmem>> -> memref<128xi32, #tpu.memory_space<vmem>>
    %dma_start3A_1859 = arith.constant 0 : i32
    %dma_start3A_1860 = arith.constant 0 : i32
    %dma_start3A_1861 = tpu.memref_slice %arg2[%dma_start3A_1859, %dma_start3A_1860] : memref<32768x8xf32, #tpu.memory_space<hbm>> -> memref<32768x8xf32, #tpu.memory_space<hbm>>
    tpu.enqueue_indirect_dma source(%dma_start3A_1861 : memref<32768x8xf32, #tpu.memory_space<hbm>>) target(%dma_start3A_1855 : memref<128x8xf32, #tpu.memory_space<vmem>>) offsets(%dma_start3A_1858 : memref<128xi32, #tpu.memory_space<vmem>>) semaphore(%arg7 : memref<!tpu.dma_semaphore, #tpu.memory_space<semaphore_mem>>)
    %dma_start3A_1862 = arith.constant 15 : i32
    %dma_start3A_1863 = arith.constant 15 : i32
    %dma_start3A_1864 = arith.constant 0 : i32
    %dma_start3A_1865 = arith.constant 0 : i32
    %dma_start3A_1866 = tpu.memref_slice %arg6[%dma_start3A_1863, %dma_start3A_1864, %dma_start3A_1865] : memref<16x128x8xf32, #tpu.memory_space<vmem>> -> memref<1x128x8xf32, #tpu.memory_space<vmem>>
    %dma_start3A_1867 = tpu.memref_squeeze %dma_start3A_1866 : memref<1x128x8xf32, #tpu.memory_space<vmem>> -> memref<128x8xf32, #tpu.memory_space<vmem>>
    %dma_start3A_1868 = arith.constant 0 : i32
    %dma_start3A_1869 = tpu.memref_slice %arg5[%dma_start3A_1862, %dma_start3A_1868] : memref<16x128xi32, #tpu.memory_space<vmem>> -> memref<1x128xi32, #tpu.memory_space<vmem>>
    %dma_start3A_1870 = tpu.memref_squeeze %dma_start3A_1869 : memref<1x128xi32, #tpu.memory_space<vmem>> -> memref<128xi32, #tpu.memory_space<vmem>>
    %dma_start3A_1871 = arith.constant 0 : i32
    %dma_start3A_1872 = arith.constant 0 : i32
    %dma_start3A_1873 = tpu.memref_slice %arg2[%dma_start3A_1871, %dma_start3A_1872] : memref<32768x8xf32, #tpu.memory_space<hbm>> -> memref<32768x8xf32, #tpu.memory_space<hbm>>
    tpu.enqueue_indirect_dma source(%dma_start3A_1873 : memref<32768x8xf32, #tpu.memory_space<hbm>>) target(%dma_start3A_1867 : memref<128x8xf32, #tpu.memory_space<vmem>>) offsets(%dma_start3A_1870 : memref<128xi32, #tpu.memory_space<vmem>>) semaphore(%arg7 : memref<!tpu.dma_semaphore, #tpu.memory_space<semaphore_mem>>)
    %dma_wait3A = arith.constant 0 : i32
    %dma_wait3A_1874 = arith.constant 0 : i32
    %dma_wait3A_1875 = arith.constant 0 : i32
    %dma_wait3A_1876 = arith.constant 0 : i32
    %dma_wait3A_1877 = tpu.memref_slice %arg6[%dma_wait3A_1874, %dma_wait3A_1875, %dma_wait3A_1876] : memref<16x128x8xf32, #tpu.memory_space<vmem>> -> memref<1x128x8xf32, #tpu.memory_space<vmem>>
    %dma_wait3A_1878 = tpu.memref_squeeze %dma_wait3A_1877 : memref<1x128x8xf32, #tpu.memory_space<vmem>> -> memref<128x8xf32, #tpu.memory_space<vmem>>
    %dma_wait3A_1879 = arith.constant 0 : i32
    %dma_wait3A_1880 = tpu.memref_slice %arg5[%dma_wait3A, %dma_wait3A_1879] : memref<16x128xi32, #tpu.memory_space<vmem>> -> memref<1x128xi32, #tpu.memory_space<vmem>>
    %dma_wait3A_1881 = tpu.memref_squeeze %dma_wait3A_1880 : memref<1x128xi32, #tpu.memory_space<vmem>> -> memref<128xi32, #tpu.memory_space<vmem>>
    %dma_wait3A_1882 = arith.constant 0 : i32
    %dma_wait3A_1883 = arith.constant 0 : i32
    %dma_wait3A_1884 = tpu.memref_slice %arg2[%dma_wait3A_1882, %dma_wait3A_1883] : memref<32768x8xf32, #tpu.memory_space<hbm>> -> memref<32768x8xf32, #tpu.memory_space<hbm>>
    tpu.wait_indirect_dma semaphore(%arg7 : memref<!tpu.dma_semaphore, #tpu.memory_space<semaphore_mem>>) src(%dma_wait3A_1884 : memref<32768x8xf32, #tpu.memory_space<hbm>>) dst(%dma_wait3A_1878 : memref<128x8xf32, #tpu.memory_space<vmem>>)
    %dma_wait3A_1885 = arith.constant 1 : i32
    %dma_wait3A_1886 = arith.constant 1 : i32
    %dma_wait3A_1887 = arith.constant 0 : i32
    %dma_wait3A_1888 = arith.constant 0 : i32
    %dma_wait3A_1889 = tpu.memref_slice %arg6[%dma_wait3A_1886, %dma_wait3A_1887, %dma_wait3A_1888] : memref<16x128x8xf32, #tpu.memory_space<vmem>> -> memref<1x128x8xf32, #tpu.memory_space<vmem>>
    %dma_wait3A_1890 = tpu.memref_squeeze %dma_wait3A_1889 : memref<1x128x8xf32, #tpu.memory_space<vmem>> -> memref<128x8xf32, #tpu.memory_space<vmem>>
    %dma_wait3A_1891 = arith.constant 0 : i32
    %dma_wait3A_1892 = tpu.memref_slice %arg5[%dma_wait3A_1885, %dma_wait3A_1891] : memref<16x128xi32, #tpu.memory_space<vmem>> -> memref<1x128xi32, #tpu.memory_space<vmem>>
    %dma_wait3A_1893 = tpu.memref_squeeze %dma_wait3A_1892 : memref<1x128xi32, #tpu.memory_space<vmem>> -> memref<128xi32, #tpu.memory_space<vmem>>
    %dma_wait3A_1894 = arith.constant 0 : i32
    %dma_wait3A_1895 = arith.constant 0 : i32
    %dma_wait3A_1896 = tpu.memref_slice %arg2[%dma_wait3A_1894, %dma_wait3A_1895] : memref<32768x8xf32, #tpu.memory_space<hbm>> -> memref<32768x8xf32, #tpu.memory_space<hbm>>
    tpu.wait_indirect_dma semaphore(%arg7 : memref<!tpu.dma_semaphore, #tpu.memory_space<semaphore_mem>>) src(%dma_wait3A_1896 : memref<32768x8xf32, #tpu.memory_space<hbm>>) dst(%dma_wait3A_1890 : memref<128x8xf32, #tpu.memory_space<vmem>>)
    %dma_wait3A_1897 = arith.constant 2 : i32
    %dma_wait3A_1898 = arith.constant 2 : i32
    %dma_wait3A_1899 = arith.constant 0 : i32
    %dma_wait3A_1900 = arith.constant 0 : i32
    %dma_wait3A_1901 = tpu.memref_slice %arg6[%dma_wait3A_1898, %dma_wait3A_1899, %dma_wait3A_1900] : memref<16x128x8xf32, #tpu.memory_space<vmem>> -> memref<1x128x8xf32, #tpu.memory_space<vmem>>
    %dma_wait3A_1902 = tpu.memref_squeeze %dma_wait3A_1901 : memref<1x128x8xf32, #tpu.memory_space<vmem>> -> memref<128x8xf32, #tpu.memory_space<vmem>>
    %dma_wait3A_1903 = arith.constant 0 : i32
    %dma_wait3A_1904 = tpu.memref_slice %arg5[%dma_wait3A_1897, %dma_wait3A_1903] : memref<16x128xi32, #tpu.memory_space<vmem>> -> memref<1x128xi32, #tpu.memory_space<vmem>>
    %dma_wait3A_1905 = tpu.memref_squeeze %dma_wait3A_1904 : memref<1x128xi32, #tpu.memory_space<vmem>> -> memref<128xi32, #tpu.memory_space<vmem>>
    %dma_wait3A_1906 = arith.constant 0 : i32
    %dma_wait3A_1907 = arith.constant 0 : i32
    %dma_wait3A_1908 = tpu.memref_slice %arg2[%dma_wait3A_1906, %dma_wait3A_1907] : memref<32768x8xf32, #tpu.memory_space<hbm>> -> memref<32768x8xf32, #tpu.memory_space<hbm>>
    tpu.wait_indirect_dma semaphore(%arg7 : memref<!tpu.dma_semaphore, #tpu.memory_space<semaphore_mem>>) src(%dma_wait3A_1908 : memref<32768x8xf32, #tpu.memory_space<hbm>>) dst(%dma_wait3A_1902 : memref<128x8xf32, #tpu.memory_space<vmem>>)
    %dma_wait3A_1909 = arith.constant 3 : i32
    %dma_wait3A_1910 = arith.constant 3 : i32
    %dma_wait3A_1911 = arith.constant 0 : i32
    %dma_wait3A_1912 = arith.constant 0 : i32
    %dma_wait3A_1913 = tpu.memref_slice %arg6[%dma_wait3A_1910, %dma_wait3A_1911, %dma_wait3A_1912] : memref<16x128x8xf32, #tpu.memory_space<vmem>> -> memref<1x128x8xf32, #tpu.memory_space<vmem>>
    %dma_wait3A_1914 = tpu.memref_squeeze %dma_wait3A_1913 : memref<1x128x8xf32, #tpu.memory_space<vmem>> -> memref<128x8xf32, #tpu.memory_space<vmem>>
    %dma_wait3A_1915 = arith.constant 0 : i32
    %dma_wait3A_1916 = tpu.memref_slice %arg5[%dma_wait3A_1909, %dma_wait3A_1915] : memref<16x128xi32, #tpu.memory_space<vmem>> -> memref<1x128xi32, #tpu.memory_space<vmem>>
    %dma_wait3A_1917 = tpu.memref_squeeze %dma_wait3A_1916 : memref<1x128xi32, #tpu.memory_space<vmem>> -> memref<128xi32, #tpu.memory_space<vmem>>
    %dma_wait3A_1918 = arith.constant 0 : i32
    %dma_wait3A_1919 = arith.constant 0 : i32
    %dma_wait3A_1920 = tpu.memref_slice %arg2[%dma_wait3A_1918, %dma_wait3A_1919] : memref<32768x8xf32, #tpu.memory_space<hbm>> -> memref<32768x8xf32, #tpu.memory_space<hbm>>
    tpu.wait_indirect_dma semaphore(%arg7 : memref<!tpu.dma_semaphore, #tpu.memory_space<semaphore_mem>>) src(%dma_wait3A_1920 : memref<32768x8xf32, #tpu.memory_space<hbm>>) dst(%dma_wait3A_1914 : memref<128x8xf32, #tpu.memory_space<vmem>>)
    %dma_wait3A_1921 = arith.constant 4 : i32
    %dma_wait3A_1922 = arith.constant 4 : i32
    %dma_wait3A_1923 = arith.constant 0 : i32
    %dma_wait3A_1924 = arith.constant 0 : i32
    %dma_wait3A_1925 = tpu.memref_slice %arg6[%dma_wait3A_1922, %dma_wait3A_1923, %dma_wait3A_1924] : memref<16x128x8xf32, #tpu.memory_space<vmem>> -> memref<1x128x8xf32, #tpu.memory_space<vmem>>
    %dma_wait3A_1926 = tpu.memref_squeeze %dma_wait3A_1925 : memref<1x128x8xf32, #tpu.memory_space<vmem>> -> memref<128x8xf32, #tpu.memory_space<vmem>>
    %dma_wait3A_1927 = arith.constant 0 : i32
    %dma_wait3A_1928 = tpu.memref_slice %arg5[%dma_wait3A_1921, %dma_wait3A_1927] : memref<16x128xi32, #tpu.memory_space<vmem>> -> memref<1x128xi32, #tpu.memory_space<vmem>>
    %dma_wait3A_1929 = tpu.memref_squeeze %dma_wait3A_1928 : memref<1x128xi32, #tpu.memory_space<vmem>> -> memref<128xi32, #tpu.memory_space<vmem>>
    %dma_wait3A_1930 = arith.constant 0 : i32
    %dma_wait3A_1931 = arith.constant 0 : i32
    %dma_wait3A_1932 = tpu.memref_slice %arg2[%dma_wait3A_1930, %dma_wait3A_1931] : memref<32768x8xf32, #tpu.memory_space<hbm>> -> memref<32768x8xf32, #tpu.memory_space<hbm>>
    tpu.wait_indirect_dma semaphore(%arg7 : memref<!tpu.dma_semaphore, #tpu.memory_space<semaphore_mem>>) src(%dma_wait3A_1932 : memref<32768x8xf32, #tpu.memory_space<hbm>>) dst(%dma_wait3A_1926 : memref<128x8xf32, #tpu.memory_space<vmem>>)
    %dma_wait3A_1933 = arith.constant 5 : i32
    %dma_wait3A_1934 = arith.constant 5 : i32
    %dma_wait3A_1935 = arith.constant 0 : i32
    %dma_wait3A_1936 = arith.constant 0 : i32
    %dma_wait3A_1937 = tpu.memref_slice %arg6[%dma_wait3A_1934, %dma_wait3A_1935, %dma_wait3A_1936] : memref<16x128x8xf32, #tpu.memory_space<vmem>> -> memref<1x128x8xf32, #tpu.memory_space<vmem>>
    %dma_wait3A_1938 = tpu.memref_squeeze %dma_wait3A_1937 : memref<1x128x8xf32, #tpu.memory_space<vmem>> -> memref<128x8xf32, #tpu.memory_space<vmem>>
    %dma_wait3A_1939 = arith.constant 0 : i32
    %dma_wait3A_1940 = tpu.memref_slice %arg5[%dma_wait3A_1933, %dma_wait3A_1939] : memref<16x128xi32, #tpu.memory_space<vmem>> -> memref<1x128xi32, #tpu.memory_space<vmem>>
    %dma_wait3A_1941 = tpu.memref_squeeze %dma_wait3A_1940 : memref<1x128xi32, #tpu.memory_space<vmem>> -> memref<128xi32, #tpu.memory_space<vmem>>
    %dma_wait3A_1942 = arith.constant 0 : i32
    %dma_wait3A_1943 = arith.constant 0 : i32
    %dma_wait3A_1944 = tpu.memref_slice %arg2[%dma_wait3A_1942, %dma_wait3A_1943] : memref<32768x8xf32, #tpu.memory_space<hbm>> -> memref<32768x8xf32, #tpu.memory_space<hbm>>
    tpu.wait_indirect_dma semaphore(%arg7 : memref<!tpu.dma_semaphore, #tpu.memory_space<semaphore_mem>>) src(%dma_wait3A_1944 : memref<32768x8xf32, #tpu.memory_space<hbm>>) dst(%dma_wait3A_1938 : memref<128x8xf32, #tpu.memory_space<vmem>>)
    %dma_wait3A_1945 = arith.constant 6 : i32
    %dma_wait3A_1946 = arith.constant 6 : i32
    %dma_wait3A_1947 = arith.constant 0 : i32
    %dma_wait3A_1948 = arith.constant 0 : i32
    %dma_wait3A_1949 = tpu.memref_slice %arg6[%dma_wait3A_1946, %dma_wait3A_1947, %dma_wait3A_1948] : memref<16x128x8xf32, #tpu.memory_space<vmem>> -> memref<1x128x8xf32, #tpu.memory_space<vmem>>
    %dma_wait3A_1950 = tpu.memref_squeeze %dma_wait3A_1949 : memref<1x128x8xf32, #tpu.memory_space<vmem>> -> memref<128x8xf32, #tpu.memory_space<vmem>>
    %dma_wait3A_1951 = arith.constant 0 : i32
    %dma_wait3A_1952 = tpu.memref_slice %arg5[%dma_wait3A_1945, %dma_wait3A_1951] : memref<16x128xi32, #tpu.memory_space<vmem>> -> memref<1x128xi32, #tpu.memory_space<vmem>>
    %dma_wait3A_1953 = tpu.memref_squeeze %dma_wait3A_1952 : memref<1x128xi32, #tpu.memory_space<vmem>> -> memref<128xi32, #tpu.memory_space<vmem>>
    %dma_wait3A_1954 = arith.constant 0 : i32
    %dma_wait3A_1955 = arith.constant 0 : i32
    %dma_wait3A_1956 = tpu.memref_slice %arg2[%dma_wait3A_1954, %dma_wait3A_1955] : memref<32768x8xf32, #tpu.memory_space<hbm>> -> memref<32768x8xf32, #tpu.memory_space<hbm>>
    tpu.wait_indirect_dma semaphore(%arg7 : memref<!tpu.dma_semaphore, #tpu.memory_space<semaphore_mem>>) src(%dma_wait3A_1956 : memref<32768x8xf32, #tpu.memory_space<hbm>>) dst(%dma_wait3A_1950 : memref<128x8xf32, #tpu.memory_space<vmem>>)
    %dma_wait3A_1957 = arith.constant 7 : i32
    %dma_wait3A_1958 = arith.constant 7 : i32
    %dma_wait3A_1959 = arith.constant 0 : i32
    %dma_wait3A_1960 = arith.constant 0 : i32
    %dma_wait3A_1961 = tpu.memref_slice %arg6[%dma_wait3A_1958, %dma_wait3A_1959, %dma_wait3A_1960] : memref<16x128x8xf32, #tpu.memory_space<vmem>> -> memref<1x128x8xf32, #tpu.memory_space<vmem>>
    %dma_wait3A_1962 = tpu.memref_squeeze %dma_wait3A_1961 : memref<1x128x8xf32, #tpu.memory_space<vmem>> -> memref<128x8xf32, #tpu.memory_space<vmem>>
    %dma_wait3A_1963 = arith.constant 0 : i32
    %dma_wait3A_1964 = tpu.memref_slice %arg5[%dma_wait3A_1957, %dma_wait3A_1963] : memref<16x128xi32, #tpu.memory_space<vmem>> -> memref<1x128xi32, #tpu.memory_space<vmem>>
    %dma_wait3A_1965 = tpu.memref_squeeze %dma_wait3A_1964 : memref<1x128xi32, #tpu.memory_space<vmem>> -> memref<128xi32, #tpu.memory_space<vmem>>
    %dma_wait3A_1966 = arith.constant 0 : i32
    %dma_wait3A_1967 = arith.constant 0 : i32
    %dma_wait3A_1968 = tpu.memref_slice %arg2[%dma_wait3A_1966, %dma_wait3A_1967] : memref<32768x8xf32, #tpu.memory_space<hbm>> -> memref<32768x8xf32, #tpu.memory_space<hbm>>
    tpu.wait_indirect_dma semaphore(%arg7 : memref<!tpu.dma_semaphore, #tpu.memory_space<semaphore_mem>>) src(%dma_wait3A_1968 : memref<32768x8xf32, #tpu.memory_space<hbm>>) dst(%dma_wait3A_1962 : memref<128x8xf32, #tpu.memory_space<vmem>>)
    %dma_wait3A_1969 = arith.constant 8 : i32
    %dma_wait3A_1970 = arith.constant 8 : i32
    %dma_wait3A_1971 = arith.constant 0 : i32
    %dma_wait3A_1972 = arith.constant 0 : i32
    %dma_wait3A_1973 = tpu.memref_slice %arg6[%dma_wait3A_1970, %dma_wait3A_1971, %dma_wait3A_1972] : memref<16x128x8xf32, #tpu.memory_space<vmem>> -> memref<1x128x8xf32, #tpu.memory_space<vmem>>
    %dma_wait3A_1974 = tpu.memref_squeeze %dma_wait3A_1973 : memref<1x128x8xf32, #tpu.memory_space<vmem>> -> memref<128x8xf32, #tpu.memory_space<vmem>>
    %dma_wait3A_1975 = arith.constant 0 : i32
    %dma_wait3A_1976 = tpu.memref_slice %arg5[%dma_wait3A_1969, %dma_wait3A_1975] : memref<16x128xi32, #tpu.memory_space<vmem>> -> memref<1x128xi32, #tpu.memory_space<vmem>>
    %dma_wait3A_1977 = tpu.memref_squeeze %dma_wait3A_1976 : memref<1x128xi32, #tpu.memory_space<vmem>> -> memref<128xi32, #tpu.memory_space<vmem>>
    %dma_wait3A_1978 = arith.constant 0 : i32
    %dma_wait3A_1979 = arith.constant 0 : i32
    %dma_wait3A_1980 = tpu.memref_slice %arg2[%dma_wait3A_1978, %dma_wait3A_1979] : memref<32768x8xf32, #tpu.memory_space<hbm>> -> memref<32768x8xf32, #tpu.memory_space<hbm>>
    tpu.wait_indirect_dma semaphore(%arg7 : memref<!tpu.dma_semaphore, #tpu.memory_space<semaphore_mem>>) src(%dma_wait3A_1980 : memref<32768x8xf32, #tpu.memory_space<hbm>>) dst(%dma_wait3A_1974 : memref<128x8xf32, #tpu.memory_space<vmem>>)
    %dma_wait3A_1981 = arith.constant 9 : i32
    %dma_wait3A_1982 = arith.constant 9 : i32
    %dma_wait3A_1983 = arith.constant 0 : i32
    %dma_wait3A_1984 = arith.constant 0 : i32
    %dma_wait3A_1985 = tpu.memref_slice %arg6[%dma_wait3A_1982, %dma_wait3A_1983, %dma_wait3A_1984] : memref<16x128x8xf32, #tpu.memory_space<vmem>> -> memref<1x128x8xf32, #tpu.memory_space<vmem>>
    %dma_wait3A_1986 = tpu.memref_squeeze %dma_wait3A_1985 : memref<1x128x8xf32, #tpu.memory_space<vmem>> -> memref<128x8xf32, #tpu.memory_space<vmem>>
    %dma_wait3A_1987 = arith.constant 0 : i32
    %dma_wait3A_1988 = tpu.memref_slice %arg5[%dma_wait3A_1981, %dma_wait3A_1987] : memref<16x128xi32, #tpu.memory_space<vmem>> -> memref<1x128xi32, #tpu.memory_space<vmem>>
    %dma_wait3A_1989 = tpu.memref_squeeze %dma_wait3A_1988 : memref<1x128xi32, #tpu.memory_space<vmem>> -> memref<128xi32, #tpu.memory_space<vmem>>
    %dma_wait3A_1990 = arith.constant 0 : i32
    %dma_wait3A_1991 = arith.constant 0 : i32
    %dma_wait3A_1992 = tpu.memref_slice %arg2[%dma_wait3A_1990, %dma_wait3A_1991] : memref<32768x8xf32, #tpu.memory_space<hbm>> -> memref<32768x8xf32, #tpu.memory_space<hbm>>
    tpu.wait_indirect_dma semaphore(%arg7 : memref<!tpu.dma_semaphore, #tpu.memory_space<semaphore_mem>>) src(%dma_wait3A_1992 : memref<32768x8xf32, #tpu.memory_space<hbm>>) dst(%dma_wait3A_1986 : memref<128x8xf32, #tpu.memory_space<vmem>>)
    %dma_wait3A_1993 = arith.constant 10 : i32
    %dma_wait3A_1994 = arith.constant 10 : i32
    %dma_wait3A_1995 = arith.constant 0 : i32
    %dma_wait3A_1996 = arith.constant 0 : i32
    %dma_wait3A_1997 = tpu.memref_slice %arg6[%dma_wait3A_1994, %dma_wait3A_1995, %dma_wait3A_1996] : memref<16x128x8xf32, #tpu.memory_space<vmem>> -> memref<1x128x8xf32, #tpu.memory_space<vmem>>
    %dma_wait3A_1998 = tpu.memref_squeeze %dma_wait3A_1997 : memref<1x128x8xf32, #tpu.memory_space<vmem>> -> memref<128x8xf32, #tpu.memory_space<vmem>>
    %dma_wait3A_1999 = arith.constant 0 : i32
    %dma_wait3A_2000 = tpu.memref_slice %arg5[%dma_wait3A_1993, %dma_wait3A_1999] : memref<16x128xi32, #tpu.memory_space<vmem>> -> memref<1x128xi32, #tpu.memory_space<vmem>>
    %dma_wait3A_2001 = tpu.memref_squeeze %dma_wait3A_2000 : memref<1x128xi32, #tpu.memory_space<vmem>> -> memref<128xi32, #tpu.memory_space<vmem>>
    %dma_wait3A_2002 = arith.constant 0 : i32
    %dma_wait3A_2003 = arith.constant 0 : i32
    %dma_wait3A_2004 = tpu.memref_slice %arg2[%dma_wait3A_2002, %dma_wait3A_2003] : memref<32768x8xf32, #tpu.memory_space<hbm>> -> memref<32768x8xf32, #tpu.memory_space<hbm>>
    tpu.wait_indirect_dma semaphore(%arg7 : memref<!tpu.dma_semaphore, #tpu.memory_space<semaphore_mem>>) src(%dma_wait3A_2004 : memref<32768x8xf32, #tpu.memory_space<hbm>>) dst(%dma_wait3A_1998 : memref<128x8xf32, #tpu.memory_space<vmem>>)
    %dma_wait3A_2005 = arith.constant 11 : i32
    %dma_wait3A_2006 = arith.constant 11 : i32
    %dma_wait3A_2007 = arith.constant 0 : i32
    %dma_wait3A_2008 = arith.constant 0 : i32
    %dma_wait3A_2009 = tpu.memref_slice %arg6[%dma_wait3A_2006, %dma_wait3A_2007, %dma_wait3A_2008] : memref<16x128x8xf32, #tpu.memory_space<vmem>> -> memref<1x128x8xf32, #tpu.memory_space<vmem>>
    %dma_wait3A_2010 = tpu.memref_squeeze %dma_wait3A_2009 : memref<1x128x8xf32, #tpu.memory_space<vmem>> -> memref<128x8xf32, #tpu.memory_space<vmem>>
    %dma_wait3A_2011 = arith.constant 0 : i32
    %dma_wait3A_2012 = tpu.memref_slice %arg5[%dma_wait3A_2005, %dma_wait3A_2011] : memref<16x128xi32, #tpu.memory_space<vmem>> -> memref<1x128xi32, #tpu.memory_space<vmem>>
    %dma_wait3A_2013 = tpu.memref_squeeze %dma_wait3A_2012 : memref<1x128xi32, #tpu.memory_space<vmem>> -> memref<128xi32, #tpu.memory_space<vmem>>
    %dma_wait3A_2014 = arith.constant 0 : i32
    %dma_wait3A_2015 = arith.constant 0 : i32
    %dma_wait3A_2016 = tpu.memref_slice %arg2[%dma_wait3A_2014, %dma_wait3A_2015] : memref<32768x8xf32, #tpu.memory_space<hbm>> -> memref<32768x8xf32, #tpu.memory_space<hbm>>
    tpu.wait_indirect_dma semaphore(%arg7 : memref<!tpu.dma_semaphore, #tpu.memory_space<semaphore_mem>>) src(%dma_wait3A_2016 : memref<32768x8xf32, #tpu.memory_space<hbm>>) dst(%dma_wait3A_2010 : memref<128x8xf32, #tpu.memory_space<vmem>>)
    %dma_wait3A_2017 = arith.constant 12 : i32
    %dma_wait3A_2018 = arith.constant 12 : i32
    %dma_wait3A_2019 = arith.constant 0 : i32
    %dma_wait3A_2020 = arith.constant 0 : i32
    %dma_wait3A_2021 = tpu.memref_slice %arg6[%dma_wait3A_2018, %dma_wait3A_2019, %dma_wait3A_2020] : memref<16x128x8xf32, #tpu.memory_space<vmem>> -> memref<1x128x8xf32, #tpu.memory_space<vmem>>
    %dma_wait3A_2022 = tpu.memref_squeeze %dma_wait3A_2021 : memref<1x128x8xf32, #tpu.memory_space<vmem>> -> memref<128x8xf32, #tpu.memory_space<vmem>>
    %dma_wait3A_2023 = arith.constant 0 : i32
    %dma_wait3A_2024 = tpu.memref_slice %arg5[%dma_wait3A_2017, %dma_wait3A_2023] : memref<16x128xi32, #tpu.memory_space<vmem>> -> memref<1x128xi32, #tpu.memory_space<vmem>>
    %dma_wait3A_2025 = tpu.memref_squeeze %dma_wait3A_2024 : memref<1x128xi32, #tpu.memory_space<vmem>> -> memref<128xi32, #tpu.memory_space<vmem>>
    %dma_wait3A_2026 = arith.constant 0 : i32
    %dma_wait3A_2027 = arith.constant 0 : i32
    %dma_wait3A_2028 = tpu.memref_slice %arg2[%dma_wait3A_2026, %dma_wait3A_2027] : memref<32768x8xf32, #tpu.memory_space<hbm>> -> memref<32768x8xf32, #tpu.memory_space<hbm>>
    tpu.wait_indirect_dma semaphore(%arg7 : memref<!tpu.dma_semaphore, #tpu.memory_space<semaphore_mem>>) src(%dma_wait3A_2028 : memref<32768x8xf32, #tpu.memory_space<hbm>>) dst(%dma_wait3A_2022 : memref<128x8xf32, #tpu.memory_space<vmem>>)
    %dma_wait3A_2029 = arith.constant 13 : i32
    %dma_wait3A_2030 = arith.constant 13 : i32
    %dma_wait3A_2031 = arith.constant 0 : i32
    %dma_wait3A_2032 = arith.constant 0 : i32
    %dma_wait3A_2033 = tpu.memref_slice %arg6[%dma_wait3A_2030, %dma_wait3A_2031, %dma_wait3A_2032] : memref<16x128x8xf32, #tpu.memory_space<vmem>> -> memref<1x128x8xf32, #tpu.memory_space<vmem>>
    %dma_wait3A_2034 = tpu.memref_squeeze %dma_wait3A_2033 : memref<1x128x8xf32, #tpu.memory_space<vmem>> -> memref<128x8xf32, #tpu.memory_space<vmem>>
    %dma_wait3A_2035 = arith.constant 0 : i32
    %dma_wait3A_2036 = tpu.memref_slice %arg5[%dma_wait3A_2029, %dma_wait3A_2035] : memref<16x128xi32, #tpu.memory_space<vmem>> -> memref<1x128xi32, #tpu.memory_space<vmem>>
    %dma_wait3A_2037 = tpu.memref_squeeze %dma_wait3A_2036 : memref<1x128xi32, #tpu.memory_space<vmem>> -> memref<128xi32, #tpu.memory_space<vmem>>
    %dma_wait3A_2038 = arith.constant 0 : i32
    %dma_wait3A_2039 = arith.constant 0 : i32
    %dma_wait3A_2040 = tpu.memref_slice %arg2[%dma_wait3A_2038, %dma_wait3A_2039] : memref<32768x8xf32, #tpu.memory_space<hbm>> -> memref<32768x8xf32, #tpu.memory_space<hbm>>
    tpu.wait_indirect_dma semaphore(%arg7 : memref<!tpu.dma_semaphore, #tpu.memory_space<semaphore_mem>>) src(%dma_wait3A_2040 : memref<32768x8xf32, #tpu.memory_space<hbm>>) dst(%dma_wait3A_2034 : memref<128x8xf32, #tpu.memory_space<vmem>>)
    %dma_wait3A_2041 = arith.constant 14 : i32
    %dma_wait3A_2042 = arith.constant 14 : i32
    %dma_wait3A_2043 = arith.constant 0 : i32
    %dma_wait3A_2044 = arith.constant 0 : i32
    %dma_wait3A_2045 = tpu.memref_slice %arg6[%dma_wait3A_2042, %dma_wait3A_2043, %dma_wait3A_2044] : memref<16x128x8xf32, #tpu.memory_space<vmem>> -> memref<1x128x8xf32, #tpu.memory_space<vmem>>
    %dma_wait3A_2046 = tpu.memref_squeeze %dma_wait3A_2045 : memref<1x128x8xf32, #tpu.memory_space<vmem>> -> memref<128x8xf32, #tpu.memory_space<vmem>>
    %dma_wait3A_2047 = arith.constant 0 : i32
    %dma_wait3A_2048 = tpu.memref_slice %arg5[%dma_wait3A_2041, %dma_wait3A_2047] : memref<16x128xi32, #tpu.memory_space<vmem>> -> memref<1x128xi32, #tpu.memory_space<vmem>>
    %dma_wait3A_2049 = tpu.memref_squeeze %dma_wait3A_2048 : memref<1x128xi32, #tpu.memory_space<vmem>> -> memref<128xi32, #tpu.memory_space<vmem>>
    %dma_wait3A_2050 = arith.constant 0 : i32
    %dma_wait3A_2051 = arith.constant 0 : i32
    %dma_wait3A_2052 = tpu.memref_slice %arg2[%dma_wait3A_2050, %dma_wait3A_2051] : memref<32768x8xf32, #tpu.memory_space<hbm>> -> memref<32768x8xf32, #tpu.memory_space<hbm>>
    tpu.wait_indirect_dma semaphore(%arg7 : memref<!tpu.dma_semaphore, #tpu.memory_space<semaphore_mem>>) src(%dma_wait3A_2052 : memref<32768x8xf32, #tpu.memory_space<hbm>>) dst(%dma_wait3A_2046 : memref<128x8xf32, #tpu.memory_space<vmem>>)
    %dma_wait3A_2053 = arith.constant 15 : i32
    %dma_wait3A_2054 = arith.constant 15 : i32
    %dma_wait3A_2055 = arith.constant 0 : i32
    %dma_wait3A_2056 = arith.constant 0 : i32
    %dma_wait3A_2057 = tpu.memref_slice %arg6[%dma_wait3A_2054, %dma_wait3A_2055, %dma_wait3A_2056] : memref<16x128x8xf32, #tpu.memory_space<vmem>> -> memref<1x128x8xf32, #tpu.memory_space<vmem>>
    %dma_wait3A_2058 = tpu.memref_squeeze %dma_wait3A_2057 : memref<1x128x8xf32, #tpu.memory_space<vmem>> -> memref<128x8xf32, #tpu.memory_space<vmem>>
    %dma_wait3A_2059 = arith.constant 0 : i32
    %dma_wait3A_2060 = tpu.memref_slice %arg5[%dma_wait3A_2053, %dma_wait3A_2059] : memref<16x128xi32, #tpu.memory_space<vmem>> -> memref<1x128xi32, #tpu.memory_space<vmem>>
    %dma_wait3A_2061 = tpu.memref_squeeze %dma_wait3A_2060 : memref<1x128xi32, #tpu.memory_space<vmem>> -> memref<128xi32, #tpu.memory_space<vmem>>
    %dma_wait3A_2062 = arith.constant 0 : i32
    %dma_wait3A_2063 = arith.constant 0 : i32
    %dma_wait3A_2064 = tpu.memref_slice %arg2[%dma_wait3A_2062, %dma_wait3A_2063] : memref<32768x8xf32, #tpu.memory_space<hbm>> -> memref<32768x8xf32, #tpu.memory_space<hbm>>
    tpu.wait_indirect_dma semaphore(%arg7 : memref<!tpu.dma_semaphore, #tpu.memory_space<semaphore_mem>>) src(%dma_wait3A_2064 : memref<32768x8xf32, #tpu.memory_space<hbm>>) dst(%dma_wait3A_2058 : memref<128x8xf32, #tpu.memory_space<vmem>>)
    "tpu.region"() ({
      %run_scoped3A = tpu.sem_alloc : memref<!tpu.dma_semaphore, #tpu.memory_space<semaphore_mem>>
      %dma_start3A_2065 = arith.constant 0 : i32
      %dma_start3A_2066 = arith.constant 0 : i32
      %dma_start3A_2067 = tpu.memref_slice %arg4[%mul3A_2, %dma_start3A_2065, %dma_start3A_2066] : memref<512x128x8xf32, #tpu.memory_space<hbm>> -> memref<16x128x8xf32, #tpu.memory_space<hbm>>
      %dma_start3A_2068 = arith.constant 0 : i32
      %dma_start3A_2069 = arith.constant 0 : i32
      %dma_start3A_2070 = tpu.memref_slice %arg4[%mul3A_2, %dma_start3A_2068, %dma_start3A_2069] : memref<512x128x8xf32, #tpu.memory_space<hbm>> -> memref<16x128x8xf32, #tpu.memory_space<hbm>>
      tpu.enqueue_dma source(%arg6 : memref<16x128x8xf32, #tpu.memory_space<vmem>>) target(%dma_start3A_2070 : memref<16x128x8xf32, #tpu.memory_space<hbm>>) target_semaphore(%run_scoped3A : memref<!tpu.dma_semaphore, #tpu.memory_space<semaphore_mem>>)
      %dma_wait3A_2071 = arith.constant 0 : i32
      %dma_wait3A_2072 = arith.constant 0 : i32
      %dma_wait3A_2073 = tpu.memref_slice %arg4[%mul3A_2, %dma_wait3A_2071, %dma_wait3A_2072] : memref<512x128x8xf32, #tpu.memory_space<hbm>> -> memref<16x128x8xf32, #tpu.memory_space<hbm>>
      %dma_wait3A_2074 = arith.constant 0 : i32
      %dma_wait3A_2075 = arith.constant 0 : i32
      %dma_wait3A_2076 = tpu.memref_slice %arg4[%mul3A_2, %dma_wait3A_2074, %dma_wait3A_2075] : memref<512x128x8xf32, #tpu.memory_space<hbm>> -> memref<16x128x8xf32, #tpu.memory_space<hbm>>
      tpu.wait_dma2 semaphore(%run_scoped3A : memref<!tpu.dma_semaphore, #tpu.memory_space<semaphore_mem>>) src(%arg6 : memref<16x128x8xf32, #tpu.memory_space<vmem>>) dst(%dma_wait3A_2076 : memref<16x128x8xf32, #tpu.memory_space<hbm>>)
      tpu.yield
    }) : () -> ()
    return
  }
}

module attributes {stable_mosaic.version = 14 : i64} {
  func.func @_fps_body(%arg0: memref<4x3x8x1024xf32, #tpu.memory_space<vmem>>, %arg1: memref<1024x4xi32, #tpu.memory_space<vmem>>, %arg2: memref<1024x4x3xf32, #tpu.memory_space<vmem>>) attributes {dimension_semantics = [], scalar_prefetch = 0 : i64, scratch_operands = 0 : i64, tpu.core_type = #tpu.core_type<tc>} {
    %get3A = arith.constant 0 : index
    %get3A_0 = arith.constant 0 : index
    %get3A_1 = arith.constant 0 : index
    %get3A_2 = arith.constant 0 : index
    %get3A_3 = vector.load %arg0[%get3A, %get3A_0, %get3A_1, %get3A_2] : memref<4x3x8x1024xf32, #tpu.memory_space<vmem>>, vector<4x3x8x1024xf32>
    %iota3A = tpu.iota {dimensions = array<i32: 0>} : vector<8x1024xi32>
    %mul3A = arith.constant 1024 : i32
    %mul3A_4 = vector.broadcast %mul3A : i32 to vector<8x1024xi32>
    %mul3A_5 = arith.muli %iota3A, %mul3A_4 : vector<8x1024xi32>
    %iota3A_6 = tpu.iota {dimensions = array<i32: 1>} : vector<8x1024xi32>
    %add3A = arith.addi %mul3A_5, %iota3A_6 : vector<8x1024xi32>
    %broadcast_in_dim3A = arith.constant 0 : i32
    %broadcast_in_dim3A_7 = vector.broadcast %broadcast_in_dim3A : i32 to vector<1x4xi32>
    %swap3A = arith.constant 0 : index
    %swap3A_8 = arith.constant 0 : index
    %swap3A_9 = vector.load %arg1[%swap3A, %swap3A_8] : memref<1024x4xi32, #tpu.memory_space<vmem>>, vector<1x4xi32>
    tpu.vector_store %arg1[%swap3A, %swap3A_8], %broadcast_in_dim3A_7 {strides = array<i32>} : memref<1024x4xi32, #tpu.memory_space<vmem>>, vector<1x4xi32>,
    %broadcast_in_dim3A_10 = arith.constant 1.000000e+10 : f32
    %broadcast_in_dim3A_11 = vector.broadcast %broadcast_in_dim3A_10 : f32 to vector<4x8x1024xf32>
    %broadcast_in_dim3A_12 = arith.constant 0 : i32
    %broadcast_in_dim3A_13 = vector.broadcast %broadcast_in_dim3A_12 : i32 to vector<4xi32>
    %scan3A = arith.constant 1 : i32
    %scan3A_14 = arith.constant 1023 : i32
    %scan3A_15 = arith.addi %scan3A, %scan3A_14 : i32
    %scan3A_16 = arith.constant 1 : i32
    %scan3A_17:2 = scf.for %scan3A_33 = %scan3A to %scan3A_15 step %scan3A_16 iter_args(%scan3A_34 = %broadcast_in_dim3A_11, %scan3A_35 = %broadcast_in_dim3A_13) -> (vector<4x8x1024xf32>, vector<4xi32>)  : i32 {
      %broadcast_in_dim3A_36 = vector.shape_cast %add3A : vector<8x1024xi32> to vector<1x8x1024xi32>
      %broadcast_in_dim3A_37 = vector.shape_cast %scan3A_35 : vector<4xi32> to vector<4x1x1xi32>
      %eq3A_38 = vector.broadcast %broadcast_in_dim3A_36 : vector<1x8x1024xi32> to vector<4x8x1024xi32>
      %eq3A_39 = vector.broadcast %broadcast_in_dim3A_37 : vector<4x1x1xi32> to vector<4x8x1024xi32>
      %eq3A_40 = arith.cmpi eq, %eq3A_38, %eq3A_39 : vector<4x8x1024xi32>
      %broadcast_in_dim3A_41 = vector.shape_cast %eq3A_40 : vector<4x8x1024xi1> to vector<4x1x8x1024xi1>
      %jit3A_42 = arith.constant 0.000000e+00 : f32
      %broadcast_in_dim3A_43 = vector.shape_cast %broadcast_in_dim3A_41 : vector<4x1x8x1024xi1> to vector<4x1x8x1024xi1>
      %broadcast_in_dim3A_44 = vector.broadcast %broadcast_in_dim3A_43 : vector<4x1x8x1024xi1> to vector<4x3x8x1024xi1>
      %broadcast_in_dim3A_45 = vector.broadcast %jit3A_42 : f32 to vector<4x3x8x1024xf32>
      %select_n3A_46 = arith.select %broadcast_in_dim3A_44, %get3A_3, %broadcast_in_dim3A_45 : vector<4x3x8x1024xi1>, vector<4x3x8x1024xf32>
      %reduce_sum3A_47 = arith.constant dense<0.000000e+00> : vector<4x3xf32>
      %reduce_sum3A_48 = vector.multi_reduction <add>, %select_n3A_46, %reduce_sum3A_47 [2, 3] : vector<4x3x8x1024xf32> to vector<4x3xf32>
      %broadcast_in_dim3A_49 = vector.shape_cast %reduce_sum3A_48 : vector<4x3xf32> to vector<1x4x3xf32>
      %sub3A = arith.constant 1 : i32
      %sub3A_50 = arith.subi %scan3A_33, %sub3A : i32
      %swap3A_51 = arith.index_cast %sub3A_50 : i32 to index
      %swap3A_52 = arith.constant 0 : index
      %swap3A_53 = arith.constant 0 : index
      %swap3A_54 = vector.load %arg2[%swap3A_51, %swap3A_52, %swap3A_53] : memref<1024x4x3xf32, #tpu.memory_space<vmem>>, vector<1x4x3xf32>
      tpu.vector_store %arg2[%swap3A_51, %swap3A_52, %swap3A_53], %broadcast_in_dim3A_49 {strides = array<i32>} : memref<1024x4x3xf32, #tpu.memory_space<vmem>>, vector<1x4x3xf32>,
      %slice3A = vector.extract_strided_slice %get3A_3 {offsets = [0, 0, 0, 0], sizes = [4, 1, 8, 1024], strides = [1, 1, 1, 1]} : vector<4x3x8x1024xf32> to vector<4x1x8x1024xf32>
      %squeeze3A = vector.shape_cast %slice3A : vector<4x1x8x1024xf32> to vector<4x8x1024xf32>
      %slice3A_55 = vector.extract_strided_slice %reduce_sum3A_48 {offsets = [0, 0], sizes = [4, 1], strides = [1, 1]} : vector<4x3xf32> to vector<4x1xf32>
      %squeeze3A_56 = vector.shape_cast %slice3A_55 : vector<4x1xf32> to vector<4xf32>
      %broadcast_in_dim3A_57 = vector.shape_cast %squeeze3A_56 : vector<4xf32> to vector<4x1x1xf32>
      %sub3A_58 = vector.broadcast %broadcast_in_dim3A_57 : vector<4x1x1xf32> to vector<4x8x1024xf32>
      %sub3A_59 = arith.subf %squeeze3A, %sub3A_58 : vector<4x8x1024xf32>
      %slice3A_60 = vector.extract_strided_slice %get3A_3 {offsets = [0, 1, 0, 0], sizes = [4, 1, 8, 1024], strides = [1, 1, 1, 1]} : vector<4x3x8x1024xf32> to vector<4x1x8x1024xf32>
      %squeeze3A_61 = vector.shape_cast %slice3A_60 : vector<4x1x8x1024xf32> to vector<4x8x1024xf32>
      %slice3A_62 = vector.extract_strided_slice %reduce_sum3A_48 {offsets = [0, 1], sizes = [4, 1], strides = [1, 1]} : vector<4x3xf32> to vector<4x1xf32>
      %squeeze3A_63 = vector.shape_cast %slice3A_62 : vector<4x1xf32> to vector<4xf32>
      %broadcast_in_dim3A_64 = vector.shape_cast %squeeze3A_63 : vector<4xf32> to vector<4x1x1xf32>
      %sub3A_65 = vector.broadcast %broadcast_in_dim3A_64 : vector<4x1x1xf32> to vector<4x8x1024xf32>
      %sub3A_66 = arith.subf %squeeze3A_61, %sub3A_65 : vector<4x8x1024xf32>
      %slice3A_67 = vector.extract_strided_slice %get3A_3 {offsets = [0, 2, 0, 0], sizes = [4, 1, 8, 1024], strides = [1, 1, 1, 1]} : vector<4x3x8x1024xf32> to vector<4x1x8x1024xf32>
      %squeeze3A_68 = vector.shape_cast %slice3A_67 : vector<4x1x8x1024xf32> to vector<4x8x1024xf32>
      %slice3A_69 = vector.extract_strided_slice %reduce_sum3A_48 {offsets = [0, 2], sizes = [4, 1], strides = [1, 1]} : vector<4x3xf32> to vector<4x1xf32>
      %squeeze3A_70 = vector.shape_cast %slice3A_69 : vector<4x1xf32> to vector<4xf32>
      %broadcast_in_dim3A_71 = vector.shape_cast %squeeze3A_70 : vector<4xf32> to vector<4x1x1xf32>
      %sub3A_72 = vector.broadcast %broadcast_in_dim3A_71 : vector<4x1x1xf32> to vector<4x8x1024xf32>
      %sub3A_73 = arith.subf %squeeze3A_68, %sub3A_72 : vector<4x8x1024xf32>
      %mul3A_74 = arith.mulf %sub3A_59, %sub3A_59 : vector<4x8x1024xf32>
      %mul3A_75 = arith.mulf %sub3A_66, %sub3A_66 : vector<4x8x1024xf32>
      %add3A_76 = arith.addf %mul3A_74, %mul3A_75 : vector<4x8x1024xf32>
      %mul3A_77 = arith.mulf %sub3A_73, %sub3A_73 : vector<4x8x1024xf32>
      %add3A_78 = arith.addf %add3A_76, %mul3A_77 : vector<4x8x1024xf32>
      %min3A = arith.minimumf %scan3A_34, %add3A_78 : vector<4x8x1024xf32>
      %reduce_max3A = arith.constant dense<0xFF800000> : vector<4xf32>
      %reduce_max3A_79 = vector.multi_reduction <maximumf>, %min3A, %reduce_max3A [1, 2] : vector<4x8x1024xf32> to vector<4xf32>
      %broadcast_in_dim3A_80 = vector.shape_cast %reduce_max3A_79 : vector<4xf32> to vector<4x1x1xf32>
      %eq3A_81 = vector.broadcast %broadcast_in_dim3A_80 : vector<4x1x1xf32> to vector<4x8x1024xf32>
      %eq3A_82 = arith.cmpf oeq, %min3A, %eq3A_81 : vector<4x8x1024xf32>
      %broadcast_in_dim3A_83 = vector.shape_cast %add3A : vector<8x1024xi32> to vector<1x8x1024xi32>
      %jit3A_84 = arith.constant 8192 : i32
      %broadcast_in_dim3A_85 = vector.shape_cast %broadcast_in_dim3A_83 : vector<1x8x1024xi32> to vector<1x8x1024xi32>
      %broadcast_in_dim3A_86 = vector.broadcast %broadcast_in_dim3A_85 : vector<1x8x1024xi32> to vector<4x8x1024xi32>
      %broadcast_in_dim3A_87 = vector.broadcast %jit3A_84 : i32 to vector<4x8x1024xi32>
      %select_n3A_88 = arith.select %eq3A_82, %broadcast_in_dim3A_86, %broadcast_in_dim3A_87 : vector<4x8x1024xi1>, vector<4x8x1024xi32>
      %reduce_min3A = arith.constant dense<2147483647> : vector<4xi32>
      %reduce_min3A_89 = vector.multi_reduction <minsi>, %select_n3A_88, %reduce_min3A [1, 2] : vector<4x8x1024xi32> to vector<4xi32>
      %broadcast_in_dim3A_90 = vector.shape_cast %reduce_min3A_89 : vector<4xi32> to vector<1x4xi32>
      %swap3A_91 = arith.index_cast %scan3A_33 : i32 to index
      %swap3A_92 = arith.constant 0 : index
      %swap3A_93 = vector.load %arg1[%swap3A_91, %swap3A_92] : memref<1024x4xi32, #tpu.memory_space<vmem>>, vector<1x4xi32>
      tpu.vector_store %arg1[%swap3A_91, %swap3A_92], %broadcast_in_dim3A_90 {strides = array<i32>} : memref<1024x4xi32, #tpu.memory_space<vmem>>, vector<1x4xi32>,
      scf.yield %min3A, %reduce_min3A_89 : vector<4x8x1024xf32>, vector<4xi32>
    }
    %scan3A_18 = arith.constant 1023 : i32
    %broadcast_in_dim3A_19 = vector.shape_cast %add3A : vector<8x1024xi32> to vector<1x8x1024xi32>
    %broadcast_in_dim3A_20 = vector.shape_cast %scan3A_17#1 : vector<4xi32> to vector<4x1x1xi32>
    %eq3A = vector.broadcast %broadcast_in_dim3A_19 : vector<1x8x1024xi32> to vector<4x8x1024xi32>
    %eq3A_21 = vector.broadcast %broadcast_in_dim3A_20 : vector<4x1x1xi32> to vector<4x8x1024xi32>
    %eq3A_22 = arith.cmpi eq, %eq3A, %eq3A_21 : vector<4x8x1024xi32>
    %broadcast_in_dim3A_23 = vector.shape_cast %eq3A_22 : vector<4x8x1024xi1> to vector<4x1x8x1024xi1>
    %jit3A = arith.constant 0.000000e+00 : f32
    %broadcast_in_dim3A_24 = vector.shape_cast %broadcast_in_dim3A_23 : vector<4x1x8x1024xi1> to vector<4x1x8x1024xi1>
    %broadcast_in_dim3A_25 = vector.broadcast %broadcast_in_dim3A_24 : vector<4x1x8x1024xi1> to vector<4x3x8x1024xi1>
    %broadcast_in_dim3A_26 = vector.broadcast %jit3A : f32 to vector<4x3x8x1024xf32>
    %select_n3A = arith.select %broadcast_in_dim3A_25, %get3A_3, %broadcast_in_dim3A_26 : vector<4x3x8x1024xi1>, vector<4x3x8x1024xf32>
    %reduce_sum3A = arith.constant dense<0.000000e+00> : vector<4x3xf32>
    %reduce_sum3A_27 = vector.multi_reduction <add>, %select_n3A, %reduce_sum3A [2, 3] : vector<4x3x8x1024xf32> to vector<4x3xf32>
    %broadcast_in_dim3A_28 = vector.shape_cast %reduce_sum3A_27 : vector<4x3xf32> to vector<1x4x3xf32>
    %swap3A_29 = arith.constant 1023 : index
    %swap3A_30 = arith.constant 0 : index
    %swap3A_31 = arith.constant 0 : index
    %swap3A_32 = vector.load %arg2[%swap3A_29, %swap3A_30, %swap3A_31] : memref<1024x4x3xf32, #tpu.memory_space<vmem>>, vector<1x4x3xf32>
    tpu.vector_store %arg2[%swap3A_29, %swap3A_30, %swap3A_31], %broadcast_in_dim3A_28 {strides = array<i32>} : memref<1024x4x3xf32, #tpu.memory_space<vmem>>, vector<1x4x3xf32>,
    return
  }
}

module attributes {stable_mosaic.version = 14 : i64} {
  func.func @_ballq_body(%arg0: i32, %arg1: i32, %arg2: memref<1x3x8192xf32, #tpu.memory_space<vmem>>, %arg3: memref<1x256x3xf32, #tpu.memory_space<vmem>>, %arg4: memref<1x256x16xi32, #tpu.memory_space<vmem>>) attributes {dimension_semantics = [#tpu.dimension_semantics<arbitrary>, #tpu.dimension_semantics<arbitrary>], iteration_bounds = array<i64: 4, 4>, scalar_prefetch = 0 : i64, scratch_operands = 0 : i64, tpu.core_type = #tpu.core_type<tc>, window_params = [{transform_indices = @transform_0, window_bounds = array<i64: 1, 3, 8192>}, {transform_indices = @transform_1, window_bounds = array<i64: 1, 256, 3>}, {transform_indices = @transform_2, window_bounds = array<i64: 1, 256, 16>}]} {
    %get3A = arith.constant 0 : index
    %get3A_0 = arith.constant 0 : index
    %get3A_1 = arith.constant 0 : index
    %get3A_2 = vector.load %arg2[%get3A, %get3A_0, %get3A_1] : memref<1x3x8192xf32, #tpu.memory_space<vmem>>, vector<1x3x8192xf32>
    %get3A_3 = vector.shape_cast %get3A_2 : vector<1x3x8192xf32> to vector<3x8192xf32>
    %get3A_4 = arith.constant 0 : index
    %get3A_5 = arith.constant 0 : index
    %get3A_6 = arith.constant 0 : index
    %get3A_7 = vector.load %arg3[%get3A_4, %get3A_5, %get3A_6] : memref<1x256x3xf32, #tpu.memory_space<vmem>>, vector<1x256x3xf32>
    %get3A_8 = vector.shape_cast %get3A_7 : vector<1x256x3xf32> to vector<256x3xf32>
    %mul3A = arith.mulf %get3A_8, %get3A_8 : vector<256x3xf32>
    %reduce_sum3A = arith.constant dense<0.000000e+00> : vector<256xf32>
    %reduce_sum3A_9 = vector.multi_reduction <add>, %mul3A, %reduce_sum3A [1] : vector<256x3xf32> to vector<256xf32>
    %broadcast_in_dim3A = vector.shape_cast %reduce_sum3A_9 : vector<256xf32> to vector<256x1xf32>
    %mul3A_10 = arith.mulf %get3A_3, %get3A_3 : vector<3x8192xf32>
    %reduce_sum3A_11 = arith.constant dense<0.000000e+00> : vector<8192xf32>
    %reduce_sum3A_12 = vector.multi_reduction <add>, %mul3A_10, %reduce_sum3A_11 [0] : vector<3x8192xf32> to vector<8192xf32>
    %broadcast_in_dim3A_13 = vector.shape_cast %reduce_sum3A_12 : vector<8192xf32> to vector<1x8192xf32>
    %dot_general3A = arith.constant dense<0.000000e+00> : vector<256x8192xf32>
    %dot_general3A_14 = tpu.matmul %get3A_8, %get3A_3, %dot_general3A {dimension_numbers = #tpu.dot_dimension_numbers<[1], [0], [0], [1], [0, 0, 1, 1], [], []>, transpose_lhs_hint = false} : vector<256x3xf32>, vector<3x8192xf32>, vector<256x8192xf32> -> vector<256x8192xf32>
    %add3A = vector.broadcast %broadcast_in_dim3A : vector<256x1xf32> to vector<256x8192xf32>
    %add3A_15 = vector.broadcast %broadcast_in_dim3A_13 : vector<1x8192xf32> to vector<256x8192xf32>
    %add3A_16 = arith.addf %add3A, %add3A_15 : vector<256x8192xf32>
    %mul3A_17 = arith.constant 2.000000e+00 : f32
    %mul3A_18 = vector.broadcast %mul3A_17 : f32 to vector<256x8192xf32>
    %mul3A_19 = arith.mulf %mul3A_18, %dot_general3A_14 : vector<256x8192xf32>
    %sub3A = arith.subf %add3A_16, %mul3A_19 : vector<256x8192xf32>
    %max3A = arith.constant 0.000000e+00 : f32
    %max3A_20 = vector.broadcast %max3A : f32 to vector<256x8192xf32>
    %max3A_21 = arith.maximumf %sub3A, %max3A_20 : vector<256x8192xf32>
    %iota3A = tpu.iota {dimensions = array<i32: 1>} : vector<256x8192xi32>
    %lt3A = arith.constant 1.000000e+00 : f32
    %lt3A_22 = vector.broadcast %lt3A : f32 to vector<256x8192xf32>
    %lt3A_23 = arith.cmpf olt, %max3A_21, %lt3A_22 : vector<256x8192xf32>
    %jit3A = arith.constant 8192 : i32
    %broadcast_in_dim3A_24 = vector.broadcast %jit3A : i32 to vector<256x8192xi32>
    %select_n3A = arith.select %lt3A_23, %iota3A, %broadcast_in_dim3A_24 : vector<256x8192xi1>, vector<256x8192xi32>
    %reduce_min3A = arith.constant dense<2147483647> : vector<256xi32>
    %reduce_min3A_25 = vector.multi_reduction <minsi>, %select_n3A, %reduce_min3A [1] : vector<256x8192xi32> to vector<256xi32>
    %broadcast_in_dim3A_26 = vector.shape_cast %reduce_min3A_25 : vector<256xi32> to vector<256x1xi32>
    %broadcast_in_dim3A_27 = vector.shape_cast %reduce_min3A_25 : vector<256xi32> to vector<256x1xi32>
    %eq3A = vector.broadcast %broadcast_in_dim3A_27 : vector<256x1xi32> to vector<256x8192xi32>
    %eq3A_28 = arith.cmpi eq, %select_n3A, %eq3A : vector<256x8192xi32>
    %jit3A_29 = arith.constant 8192 : i32
    %broadcast_in_dim3A_30 = vector.broadcast %jit3A_29 : i32 to vector<256x8192xi32>
    %select_n3A_31 = arith.select %eq3A_28, %broadcast_in_dim3A_30, %select_n3A : vector<256x8192xi1>, vector<256x8192xi32>
    %reduce_min3A_32 = arith.constant dense<2147483647> : vector<256xi32>
    %reduce_min3A_33 = vector.multi_reduction <minsi>, %select_n3A_31, %reduce_min3A_32 [1] : vector<256x8192xi32> to vector<256xi32>
    %broadcast_in_dim3A_34 = vector.shape_cast %reduce_min3A_33 : vector<256xi32> to vector<256x1xi32>
    %broadcast_in_dim3A_35 = vector.shape_cast %reduce_min3A_33 : vector<256xi32> to vector<256x1xi32>
    %eq3A_36 = vector.broadcast %broadcast_in_dim3A_35 : vector<256x1xi32> to vector<256x8192xi32>
    %eq3A_37 = arith.cmpi eq, %select_n3A_31, %eq3A_36 : vector<256x8192xi32>
    %jit3A_38 = arith.constant 8192 : i32
    %broadcast_in_dim3A_39 = vector.broadcast %jit3A_38 : i32 to vector<256x8192xi32>
    %select_n3A_40 = arith.select %eq3A_37, %broadcast_in_dim3A_39, %select_n3A_31 : vector<256x8192xi1>, vector<256x8192xi32>
    %reduce_min3A_41 = arith.constant dense<2147483647> : vector<256xi32>
    %reduce_min3A_42 = vector.multi_reduction <minsi>, %select_n3A_40, %reduce_min3A_41 [1] : vector<256x8192xi32> to vector<256xi32>
    %broadcast_in_dim3A_43 = vector.shape_cast %reduce_min3A_42 : vector<256xi32> to vector<256x1xi32>
    %broadcast_in_dim3A_44 = vector.shape_cast %reduce_min3A_42 : vector<256xi32> to vector<256x1xi32>
    %eq3A_45 = vector.broadcast %broadcast_in_dim3A_44 : vector<256x1xi32> to vector<256x8192xi32>
    %eq3A_46 = arith.cmpi eq, %select_n3A_40, %eq3A_45 : vector<256x8192xi32>
    %jit3A_47 = arith.constant 8192 : i32
    %broadcast_in_dim3A_48 = vector.broadcast %jit3A_47 : i32 to vector<256x8192xi32>
    %select_n3A_49 = arith.select %eq3A_46, %broadcast_in_dim3A_48, %select_n3A_40 : vector<256x8192xi1>, vector<256x8192xi32>
    %reduce_min3A_50 = arith.constant dense<2147483647> : vector<256xi32>
    %reduce_min3A_51 = vector.multi_reduction <minsi>, %select_n3A_49, %reduce_min3A_50 [1] : vector<256x8192xi32> to vector<256xi32>
    %broadcast_in_dim3A_52 = vector.shape_cast %reduce_min3A_51 : vector<256xi32> to vector<256x1xi32>
    %broadcast_in_dim3A_53 = vector.shape_cast %reduce_min3A_51 : vector<256xi32> to vector<256x1xi32>
    %eq3A_54 = vector.broadcast %broadcast_in_dim3A_53 : vector<256x1xi32> to vector<256x8192xi32>
    %eq3A_55 = arith.cmpi eq, %select_n3A_49, %eq3A_54 : vector<256x8192xi32>
    %jit3A_56 = arith.constant 8192 : i32
    %broadcast_in_dim3A_57 = vector.broadcast %jit3A_56 : i32 to vector<256x8192xi32>
    %select_n3A_58 = arith.select %eq3A_55, %broadcast_in_dim3A_57, %select_n3A_49 : vector<256x8192xi1>, vector<256x8192xi32>
    %reduce_min3A_59 = arith.constant dense<2147483647> : vector<256xi32>
    %reduce_min3A_60 = vector.multi_reduction <minsi>, %select_n3A_58, %reduce_min3A_59 [1] : vector<256x8192xi32> to vector<256xi32>
    %broadcast_in_dim3A_61 = vector.shape_cast %reduce_min3A_60 : vector<256xi32> to vector<256x1xi32>
    %broadcast_in_dim3A_62 = vector.shape_cast %reduce_min3A_60 : vector<256xi32> to vector<256x1xi32>
    %eq3A_63 = vector.broadcast %broadcast_in_dim3A_62 : vector<256x1xi32> to vector<256x8192xi32>
    %eq3A_64 = arith.cmpi eq, %select_n3A_58, %eq3A_63 : vector<256x8192xi32>
    %jit3A_65 = arith.constant 8192 : i32
    %broadcast_in_dim3A_66 = vector.broadcast %jit3A_65 : i32 to vector<256x8192xi32>
    %select_n3A_67 = arith.select %eq3A_64, %broadcast_in_dim3A_66, %select_n3A_58 : vector<256x8192xi1>, vector<256x8192xi32>
    %reduce_min3A_68 = arith.constant dense<2147483647> : vector<256xi32>
    %reduce_min3A_69 = vector.multi_reduction <minsi>, %select_n3A_67, %reduce_min3A_68 [1] : vector<256x8192xi32> to vector<256xi32>
    %broadcast_in_dim3A_70 = vector.shape_cast %reduce_min3A_69 : vector<256xi32> to vector<256x1xi32>
    %broadcast_in_dim3A_71 = vector.shape_cast %reduce_min3A_69 : vector<256xi32> to vector<256x1xi32>
    %eq3A_72 = vector.broadcast %broadcast_in_dim3A_71 : vector<256x1xi32> to vector<256x8192xi32>
    %eq3A_73 = arith.cmpi eq, %select_n3A_67, %eq3A_72 : vector<256x8192xi32>
    %jit3A_74 = arith.constant 8192 : i32
    %broadcast_in_dim3A_75 = vector.broadcast %jit3A_74 : i32 to vector<256x8192xi32>
    %select_n3A_76 = arith.select %eq3A_73, %broadcast_in_dim3A_75, %select_n3A_67 : vector<256x8192xi1>, vector<256x8192xi32>
    %reduce_min3A_77 = arith.constant dense<2147483647> : vector<256xi32>
    %reduce_min3A_78 = vector.multi_reduction <minsi>, %select_n3A_76, %reduce_min3A_77 [1] : vector<256x8192xi32> to vector<256xi32>
    %broadcast_in_dim3A_79 = vector.shape_cast %reduce_min3A_78 : vector<256xi32> to vector<256x1xi32>
    %broadcast_in_dim3A_80 = vector.shape_cast %reduce_min3A_78 : vector<256xi32> to vector<256x1xi32>
    %eq3A_81 = vector.broadcast %broadcast_in_dim3A_80 : vector<256x1xi32> to vector<256x8192xi32>
    %eq3A_82 = arith.cmpi eq, %select_n3A_76, %eq3A_81 : vector<256x8192xi32>
    %jit3A_83 = arith.constant 8192 : i32
    %broadcast_in_dim3A_84 = vector.broadcast %jit3A_83 : i32 to vector<256x8192xi32>
    %select_n3A_85 = arith.select %eq3A_82, %broadcast_in_dim3A_84, %select_n3A_76 : vector<256x8192xi1>, vector<256x8192xi32>
    %reduce_min3A_86 = arith.constant dense<2147483647> : vector<256xi32>
    %reduce_min3A_87 = vector.multi_reduction <minsi>, %select_n3A_85, %reduce_min3A_86 [1] : vector<256x8192xi32> to vector<256xi32>
    %broadcast_in_dim3A_88 = vector.shape_cast %reduce_min3A_87 : vector<256xi32> to vector<256x1xi32>
    %broadcast_in_dim3A_89 = vector.shape_cast %reduce_min3A_87 : vector<256xi32> to vector<256x1xi32>
    %eq3A_90 = vector.broadcast %broadcast_in_dim3A_89 : vector<256x1xi32> to vector<256x8192xi32>
    %eq3A_91 = arith.cmpi eq, %select_n3A_85, %eq3A_90 : vector<256x8192xi32>
    %jit3A_92 = arith.constant 8192 : i32
    %broadcast_in_dim3A_93 = vector.broadcast %jit3A_92 : i32 to vector<256x8192xi32>
    %select_n3A_94 = arith.select %eq3A_91, %broadcast_in_dim3A_93, %select_n3A_85 : vector<256x8192xi1>, vector<256x8192xi32>
    %reduce_min3A_95 = arith.constant dense<2147483647> : vector<256xi32>
    %reduce_min3A_96 = vector.multi_reduction <minsi>, %select_n3A_94, %reduce_min3A_95 [1] : vector<256x8192xi32> to vector<256xi32>
    %broadcast_in_dim3A_97 = vector.shape_cast %reduce_min3A_96 : vector<256xi32> to vector<256x1xi32>
    %broadcast_in_dim3A_98 = vector.shape_cast %reduce_min3A_96 : vector<256xi32> to vector<256x1xi32>
    %eq3A_99 = vector.broadcast %broadcast_in_dim3A_98 : vector<256x1xi32> to vector<256x8192xi32>
    %eq3A_100 = arith.cmpi eq, %select_n3A_94, %eq3A_99 : vector<256x8192xi32>
    %jit3A_101 = arith.constant 8192 : i32
    %broadcast_in_dim3A_102 = vector.broadcast %jit3A_101 : i32 to vector<256x8192xi32>
    %select_n3A_103 = arith.select %eq3A_100, %broadcast_in_dim3A_102, %select_n3A_94 : vector<256x8192xi1>, vector<256x8192xi32>
    %reduce_min3A_104 = arith.constant dense<2147483647> : vector<256xi32>
    %reduce_min3A_105 = vector.multi_reduction <minsi>, %select_n3A_103, %reduce_min3A_104 [1] : vector<256x8192xi32> to vector<256xi32>
    %broadcast_in_dim3A_106 = vector.shape_cast %reduce_min3A_105 : vector<256xi32> to vector<256x1xi32>
    %broadcast_in_dim3A_107 = vector.shape_cast %reduce_min3A_105 : vector<256xi32> to vector<256x1xi32>
    %eq3A_108 = vector.broadcast %broadcast_in_dim3A_107 : vector<256x1xi32> to vector<256x8192xi32>
    %eq3A_109 = arith.cmpi eq, %select_n3A_103, %eq3A_108 : vector<256x8192xi32>
    %jit3A_110 = arith.constant 8192 : i32
    %broadcast_in_dim3A_111 = vector.broadcast %jit3A_110 : i32 to vector<256x8192xi32>
    %select_n3A_112 = arith.select %eq3A_109, %broadcast_in_dim3A_111, %select_n3A_103 : vector<256x8192xi1>, vector<256x8192xi32>
    %reduce_min3A_113 = arith.constant dense<2147483647> : vector<256xi32>
    %reduce_min3A_114 = vector.multi_reduction <minsi>, %select_n3A_112, %reduce_min3A_113 [1] : vector<256x8192xi32> to vector<256xi32>
    %broadcast_in_dim3A_115 = vector.shape_cast %reduce_min3A_114 : vector<256xi32> to vector<256x1xi32>
    %broadcast_in_dim3A_116 = vector.shape_cast %reduce_min3A_114 : vector<256xi32> to vector<256x1xi32>
    %eq3A_117 = vector.broadcast %broadcast_in_dim3A_116 : vector<256x1xi32> to vector<256x8192xi32>
    %eq3A_118 = arith.cmpi eq, %select_n3A_112, %eq3A_117 : vector<256x8192xi32>
    %jit3A_119 = arith.constant 8192 : i32
    %broadcast_in_dim3A_120 = vector.broadcast %jit3A_119 : i32 to vector<256x8192xi32>
    %select_n3A_121 = arith.select %eq3A_118, %broadcast_in_dim3A_120, %select_n3A_112 : vector<256x8192xi1>, vector<256x8192xi32>
    %reduce_min3A_122 = arith.constant dense<2147483647> : vector<256xi32>
    %reduce_min3A_123 = vector.multi_reduction <minsi>, %select_n3A_121, %reduce_min3A_122 [1] : vector<256x8192xi32> to vector<256xi32>
    %broadcast_in_dim3A_124 = vector.shape_cast %reduce_min3A_123 : vector<256xi32> to vector<256x1xi32>
    %broadcast_in_dim3A_125 = vector.shape_cast %reduce_min3A_123 : vector<256xi32> to vector<256x1xi32>
    %eq3A_126 = vector.broadcast %broadcast_in_dim3A_125 : vector<256x1xi32> to vector<256x8192xi32>
    %eq3A_127 = arith.cmpi eq, %select_n3A_121, %eq3A_126 : vector<256x8192xi32>
    %jit3A_128 = arith.constant 8192 : i32
    %broadcast_in_dim3A_129 = vector.broadcast %jit3A_128 : i32 to vector<256x8192xi32>
    %select_n3A_130 = arith.select %eq3A_127, %broadcast_in_dim3A_129, %select_n3A_121 : vector<256x8192xi1>, vector<256x8192xi32>
    %reduce_min3A_131 = arith.constant dense<2147483647> : vector<256xi32>
    %reduce_min3A_132 = vector.multi_reduction <minsi>, %select_n3A_130, %reduce_min3A_131 [1] : vector<256x8192xi32> to vector<256xi32>
    %broadcast_in_dim3A_133 = vector.shape_cast %reduce_min3A_132 : vector<256xi32> to vector<256x1xi32>
    %broadcast_in_dim3A_134 = vector.shape_cast %reduce_min3A_132 : vector<256xi32> to vector<256x1xi32>
    %eq3A_135 = vector.broadcast %broadcast_in_dim3A_134 : vector<256x1xi32> to vector<256x8192xi32>
    %eq3A_136 = arith.cmpi eq, %select_n3A_130, %eq3A_135 : vector<256x8192xi32>
    %jit3A_137 = arith.constant 8192 : i32
    %broadcast_in_dim3A_138 = vector.broadcast %jit3A_137 : i32 to vector<256x8192xi32>
    %select_n3A_139 = arith.select %eq3A_136, %broadcast_in_dim3A_138, %select_n3A_130 : vector<256x8192xi1>, vector<256x8192xi32>
    %reduce_min3A_140 = arith.constant dense<2147483647> : vector<256xi32>
    %reduce_min3A_141 = vector.multi_reduction <minsi>, %select_n3A_139, %reduce_min3A_140 [1] : vector<256x8192xi32> to vector<256xi32>
    %broadcast_in_dim3A_142 = vector.shape_cast %reduce_min3A_141 : vector<256xi32> to vector<256x1xi32>
    %broadcast_in_dim3A_143 = vector.shape_cast %reduce_min3A_141 : vector<256xi32> to vector<256x1xi32>
    %eq3A_144 = vector.broadcast %broadcast_in_dim3A_143 : vector<256x1xi32> to vector<256x8192xi32>
    %eq3A_145 = arith.cmpi eq, %select_n3A_139, %eq3A_144 : vector<256x8192xi32>
    %jit3A_146 = arith.constant 8192 : i32
    %broadcast_in_dim3A_147 = vector.broadcast %jit3A_146 : i32 to vector<256x8192xi32>
    %select_n3A_148 = arith.select %eq3A_145, %broadcast_in_dim3A_147, %select_n3A_139 : vector<256x8192xi1>, vector<256x8192xi32>
    %reduce_min3A_149 = arith.constant dense<2147483647> : vector<256xi32>
    %reduce_min3A_150 = vector.multi_reduction <minsi>, %select_n3A_148, %reduce_min3A_149 [1] : vector<256x8192xi32> to vector<256xi32>
    %broadcast_in_dim3A_151 = vector.shape_cast %reduce_min3A_150 : vector<256xi32> to vector<256x1xi32>
    %broadcast_in_dim3A_152 = vector.shape_cast %reduce_min3A_150 : vector<256xi32> to vector<256x1xi32>
    %eq3A_153 = vector.broadcast %broadcast_in_dim3A_152 : vector<256x1xi32> to vector<256x8192xi32>
    %eq3A_154 = arith.cmpi eq, %select_n3A_148, %eq3A_153 : vector<256x8192xi32>
    %jit3A_155 = arith.constant 8192 : i32
    %broadcast_in_dim3A_156 = vector.broadcast %jit3A_155 : i32 to vector<256x8192xi32>
    %select_n3A_157 = arith.select %eq3A_154, %broadcast_in_dim3A_156, %select_n3A_148 : vector<256x8192xi1>, vector<256x8192xi32>
    %reduce_min3A_158 = arith.constant dense<2147483647> : vector<256xi32>
    %reduce_min3A_159 = vector.multi_reduction <minsi>, %select_n3A_157, %reduce_min3A_158 [1] : vector<256x8192xi32> to vector<256xi32>
    %broadcast_in_dim3A_160 = vector.shape_cast %reduce_min3A_159 : vector<256xi32> to vector<256x1xi32>
    %concatenate3A = tpu.concatenate %broadcast_in_dim3A_26, %broadcast_in_dim3A_34, %broadcast_in_dim3A_43, %broadcast_in_dim3A_52, %broadcast_in_dim3A_61, %broadcast_in_dim3A_70, %broadcast_in_dim3A_79, %broadcast_in_dim3A_88, %broadcast_in_dim3A_97, %broadcast_in_dim3A_106, %broadcast_in_dim3A_115, %broadcast_in_dim3A_124, %broadcast_in_dim3A_133, %broadcast_in_dim3A_142, %broadcast_in_dim3A_151, %broadcast_in_dim3A_160 in 1 : vector<256x1xi32>, vector<256x1xi32>, vector<256x1xi32>, vector<256x1xi32>, vector<256x1xi32>, vector<256x1xi32>, vector<256x1xi32>, vector<256x1xi32>, vector<256x1xi32>, vector<256x1xi32>, vector<256x1xi32>, vector<256x1xi32>, vector<256x1xi32>, vector<256x1xi32>, vector<256x1xi32>, vector<256x1xi32> -> vector<256x16xi32>
    %slice3A = vector.extract_strided_slice %concatenate3A {offsets = [0, 0], sizes = [256, 1], strides = [1, 1]} : vector<256x16xi32> to vector<256x1xi32>
    %ge3A = arith.constant 8192 : i32
    %ge3A_161 = vector.broadcast %ge3A : i32 to vector<256x1xi32>
    %ge3A_162 = arith.cmpi sge, %slice3A, %ge3A_161 : vector<256x1xi32>
    %jit3A_163 = arith.constant 0 : i32
    %broadcast_in_dim3A_164 = vector.broadcast %jit3A_163 : i32 to vector<256x1xi32>
    %select_n3A_165 = arith.select %ge3A_162, %broadcast_in_dim3A_164, %slice3A : vector<256x1xi1>, vector<256x1xi32>
    %ge3A_166 = arith.constant 8192 : i32
    %ge3A_167 = vector.broadcast %ge3A_166 : i32 to vector<256x16xi32>
    %ge3A_168 = arith.cmpi sge, %concatenate3A, %ge3A_167 : vector<256x16xi32>
    %broadcast_in_dim3A_169 = vector.shape_cast %select_n3A_165 : vector<256x1xi32> to vector<256x1xi32>
    %broadcast_in_dim3A_170 = vector.broadcast %broadcast_in_dim3A_169 : vector<256x1xi32> to vector<256x16xi32>
    %select_n3A_171 = arith.select %ge3A_168, %broadcast_in_dim3A_170, %concatenate3A : vector<256x16xi1>, vector<256x16xi32>
    %swap3A = arith.constant 0 : index
    %swap3A_172 = arith.constant 0 : index
    %swap3A_173 = arith.constant 0 : index
    %swap3A_174 = vector.load %arg4[%swap3A, %swap3A_172, %swap3A_173] : memref<1x256x16xi32, #tpu.memory_space<vmem>>, vector<1x256x16xi32>
    %swap3A_175 = vector.shape_cast %swap3A_174 : vector<1x256x16xi32> to vector<256x16xi32>
    %swap3A_176 = vector.shape_cast %select_n3A_171 : vector<256x16xi32> to vector<1x256x16xi32>
    tpu.vector_store %arg4[%swap3A, %swap3A_172, %swap3A_173], %swap3A_176 {strides = array<i32>} : memref<1x256x16xi32, #tpu.memory_space<vmem>>, vector<1x256x16xi32>,
    return
  }
  func.func @transform_0(%arg0: i32, %arg1: i32) -> (i32, i32, i32) {
    %c0_i32 = arith.constant 0 : i32
    %c0_i32_0 = arith.constant 0 : i32
    %c0_i32_1 = arith.constant 0 : i32
    return %arg0, %c0_i32, %c0_i32_0 : i32, i32, i32
  }
  func.func @transform_1(%arg0: i32, %arg1: i32) -> (i32, i32, i32) {
    %c0_i32 = arith.constant 0 : i32
    %c0_i32_0 = arith.constant 0 : i32
    return %arg0, %arg1, %c0_i32 : i32, i32, i32
  }
  func.func @transform_2(%arg0: i32, %arg1: i32) -> (i32, i32, i32) {
    %c0_i32 = arith.constant 0 : i32
    %c0_i32_0 = arith.constant 0 : i32
    return %arg0, %arg1, %c0_i32 : i32, i32, i32
  }
}

module attributes {stable_mosaic.version = 14 : i64} {
  func.func @_mlp_body(%arg0: memref<4096x128xf32, #tpu.memory_space<vmem>>, %arg1: memref<4096x128xf32, #tpu.memory_space<vmem>>, %arg2: memref<128x512xf32, #tpu.memory_space<vmem>>, %arg3: memref<512x512xf32, #tpu.memory_space<vmem>>, %arg4: memref<512x1024xf32, #tpu.memory_space<vmem>>, %arg5: memref<3x1024xf32, #tpu.memory_space<vmem>>, %arg6: memref<3x1024xf32, #tpu.memory_space<vmem>>, %arg7: memref<3x1024xf32, #tpu.memory_space<vmem>>, %arg8: memref<4096x64xf32, #tpu.memory_space<vmem>>) attributes {dimension_semantics = [], scalar_prefetch = 0 : i64, scratch_operands = 0 : i64, tpu.core_type = #tpu.core_type<tc>} {
    %get3A = arith.constant 0 : index
    %get3A_0 = arith.constant 0 : index
    %get3A_1 = vector.load %arg0[%get3A, %get3A_0] : memref<4096x128xf32, #tpu.memory_space<vmem>>, vector<4096x128xf32>
    %get3A_2 = arith.constant 0 : index
    %get3A_3 = arith.constant 0 : index
    %get3A_4 = vector.load %arg1[%get3A_2, %get3A_3] : memref<4096x128xf32, #tpu.memory_space<vmem>>, vector<4096x128xf32>
    %sub3A = arith.subf %get3A_1, %get3A_4 : vector<4096x128xf32>
    %get3A_5 = arith.constant 0 : index
    %get3A_6 = arith.constant 0 : index
    %get3A_7 = vector.load %arg2[%get3A_5, %get3A_6] : memref<128x512xf32, #tpu.memory_space<vmem>>, vector<128x512xf32>
    %dot_general3A = arith.constant dense<0.000000e+00> : vector<4096x512xf32>
    %dot_general3A_8 = tpu.matmul %sub3A, %get3A_7, %dot_general3A {dimension_numbers = #tpu.dot_dimension_numbers<[1], [0], [0], [1], [0, 0, 1, 1], [], []>, transpose_lhs_hint = false} : vector<4096x128xf32>, vector<128x512xf32>, vector<4096x512xf32> -> vector<4096x512xf32>
    %get3A_9 = arith.constant 0 : index
    %get3A_10 = arith.constant 0 : index
    %get3A_11 = vector.load %arg5[%get3A_9, %get3A_10] : memref<3x1024xf32, #tpu.memory_space<vmem>>, vector<1x512xf32>
    %get3A_12 = vector.shape_cast %get3A_11 : vector<1x512xf32> to vector<512xf32>
    %broadcast_in_dim3A = vector.shape_cast %get3A_12 : vector<512xf32> to vector<1x512xf32>
    %add3A = vector.broadcast %broadcast_in_dim3A : vector<1x512xf32> to vector<4096x512xf32>
    %add3A_13 = arith.addf %dot_general3A_8, %add3A : vector<4096x512xf32>
    %broadcast_in_dim3A_14 = arith.constant 0.000000e+00 : f32
    %broadcast_in_dim3A_15 = vector.broadcast %broadcast_in_dim3A_14 : f32 to vector<1x32xf32>
    %broadcast_in_dim3A_16 = arith.constant 0.000000e+00 : f32
    %broadcast_in_dim3A_17 = vector.broadcast %broadcast_in_dim3A_16 : f32 to vector<1x32xf32>
    %slice3A = vector.extract_strided_slice %add3A_13 {offsets = [0, 0], sizes = [4096, 32], strides = [1, 1]} : vector<4096x512xf32> to vector<4096x32xf32>
    %reduce_sum3A = arith.constant dense<0.000000e+00> : vector<32xf32>
    %reduce_sum3A_18 = vector.multi_reduction <add>, %slice3A, %reduce_sum3A [0] : vector<4096x32xf32> to vector<32xf32>
    %broadcast_in_dim3A_19 = vector.shape_cast %reduce_sum3A_18 : vector<32xf32> to vector<1x32xf32>
    %add3A_20 = arith.addf %broadcast_in_dim3A_15, %broadcast_in_dim3A_19 : vector<1x32xf32>
    %mul3A = arith.mulf %slice3A, %slice3A : vector<4096x32xf32>
    %reduce_sum3A_21 = arith.constant dense<0.000000e+00> : vector<32xf32>
    %reduce_sum3A_22 = vector.multi_reduction <add>, %mul3A, %reduce_sum3A_21 [0] : vector<4096x32xf32> to vector<32xf32>
    %broadcast_in_dim3A_23 = vector.shape_cast %reduce_sum3A_22 : vector<32xf32> to vector<1x32xf32>
    %add3A_24 = arith.addf %broadcast_in_dim3A_17, %broadcast_in_dim3A_23 : vector<1x32xf32>
    %slice3A_25 = vector.extract_strided_slice %add3A_13 {offsets = [0, 32], sizes = [4096, 32], strides = [1, 1]} : vector<4096x512xf32> to vector<4096x32xf32>
    %reduce_sum3A_26 = arith.constant dense<0.000000e+00> : vector<32xf32>
    %reduce_sum3A_27 = vector.multi_reduction <add>, %slice3A_25, %reduce_sum3A_26 [0] : vector<4096x32xf32> to vector<32xf32>
    %broadcast_in_dim3A_28 = vector.shape_cast %reduce_sum3A_27 : vector<32xf32> to vector<1x32xf32>
    %add3A_29 = arith.addf %add3A_20, %broadcast_in_dim3A_28 : vector<1x32xf32>
    %mul3A_30 = arith.mulf %slice3A_25, %slice3A_25 : vector<4096x32xf32>
    %reduce_sum3A_31 = arith.constant dense<0.000000e+00> : vector<32xf32>
    %reduce_sum3A_32 = vector.multi_reduction <add>, %mul3A_30, %reduce_sum3A_31 [0] : vector<4096x32xf32> to vector<32xf32>
    %broadcast_in_dim3A_33 = vector.shape_cast %reduce_sum3A_32 : vector<32xf32> to vector<1x32xf32>
    %add3A_34 = arith.addf %add3A_24, %broadcast_in_dim3A_33 : vector<1x32xf32>
    %slice3A_35 = vector.extract_strided_slice %add3A_13 {offsets = [0, 64], sizes = [4096, 32], strides = [1, 1]} : vector<4096x512xf32> to vector<4096x32xf32>
    %reduce_sum3A_36 = arith.constant dense<0.000000e+00> : vector<32xf32>
    %reduce_sum3A_37 = vector.multi_reduction <add>, %slice3A_35, %reduce_sum3A_36 [0] : vector<4096x32xf32> to vector<32xf32>
    %broadcast_in_dim3A_38 = vector.shape_cast %reduce_sum3A_37 : vector<32xf32> to vector<1x32xf32>
    %add3A_39 = arith.addf %add3A_29, %broadcast_in_dim3A_38 : vector<1x32xf32>
    %mul3A_40 = arith.mulf %slice3A_35, %slice3A_35 : vector<4096x32xf32>
    %reduce_sum3A_41 = arith.constant dense<0.000000e+00> : vector<32xf32>
    %reduce_sum3A_42 = vector.multi_reduction <add>, %mul3A_40, %reduce_sum3A_41 [0] : vector<4096x32xf32> to vector<32xf32>
    %broadcast_in_dim3A_43 = vector.shape_cast %reduce_sum3A_42 : vector<32xf32> to vector<1x32xf32>
    %add3A_44 = arith.addf %add3A_34, %broadcast_in_dim3A_43 : vector<1x32xf32>
    %slice3A_45 = vector.extract_strided_slice %add3A_13 {offsets = [0, 96], sizes = [4096, 32], strides = [1, 1]} : vector<4096x512xf32> to vector<4096x32xf32>
    %reduce_sum3A_46 = arith.constant dense<0.000000e+00> : vector<32xf32>
    %reduce_sum3A_47 = vector.multi_reduction <add>, %slice3A_45, %reduce_sum3A_46 [0] : vector<4096x32xf32> to vector<32xf32>
    %broadcast_in_dim3A_48 = vector.shape_cast %reduce_sum3A_47 : vector<32xf32> to vector<1x32xf32>
    %add3A_49 = arith.addf %add3A_39, %broadcast_in_dim3A_48 : vector<1x32xf32>
    %mul3A_50 = arith.mulf %slice3A_45, %slice3A_45 : vector<4096x32xf32>
    %reduce_sum3A_51 = arith.constant dense<0.000000e+00> : vector<32xf32>
    %reduce_sum3A_52 = vector.multi_reduction <add>, %mul3A_50, %reduce_sum3A_51 [0] : vector<4096x32xf32> to vector<32xf32>
    %broadcast_in_dim3A_53 = vector.shape_cast %reduce_sum3A_52 : vector<32xf32> to vector<1x32xf32>
    %add3A_54 = arith.addf %add3A_44, %broadcast_in_dim3A_53 : vector<1x32xf32>
    %slice3A_55 = vector.extract_strided_slice %add3A_13 {offsets = [0, 128], sizes = [4096, 32], strides = [1, 1]} : vector<4096x512xf32> to vector<4096x32xf32>
    %reduce_sum3A_56 = arith.constant dense<0.000000e+00> : vector<32xf32>
    %reduce_sum3A_57 = vector.multi_reduction <add>, %slice3A_55, %reduce_sum3A_56 [0] : vector<4096x32xf32> to vector<32xf32>
    %broadcast_in_dim3A_58 = vector.shape_cast %reduce_sum3A_57 : vector<32xf32> to vector<1x32xf32>
    %add3A_59 = arith.addf %add3A_49, %broadcast_in_dim3A_58 : vector<1x32xf32>
    %mul3A_60 = arith.mulf %slice3A_55, %slice3A_55 : vector<4096x32xf32>
    %reduce_sum3A_61 = arith.constant dense<0.000000e+00> : vector<32xf32>
    %reduce_sum3A_62 = vector.multi_reduction <add>, %mul3A_60, %reduce_sum3A_61 [0] : vector<4096x32xf32> to vector<32xf32>
    %broadcast_in_dim3A_63 = vector.shape_cast %reduce_sum3A_62 : vector<32xf32> to vector<1x32xf32>
    %add3A_64 = arith.addf %add3A_54, %broadcast_in_dim3A_63 : vector<1x32xf32>
    %slice3A_65 = vector.extract_strided_slice %add3A_13 {offsets = [0, 160], sizes = [4096, 32], strides = [1, 1]} : vector<4096x512xf32> to vector<4096x32xf32>
    %reduce_sum3A_66 = arith.constant dense<0.000000e+00> : vector<32xf32>
    %reduce_sum3A_67 = vector.multi_reduction <add>, %slice3A_65, %reduce_sum3A_66 [0] : vector<4096x32xf32> to vector<32xf32>
    %broadcast_in_dim3A_68 = vector.shape_cast %reduce_sum3A_67 : vector<32xf32> to vector<1x32xf32>
    %add3A_69 = arith.addf %add3A_59, %broadcast_in_dim3A_68 : vector<1x32xf32>
    %mul3A_70 = arith.mulf %slice3A_65, %slice3A_65 : vector<4096x32xf32>
    %reduce_sum3A_71 = arith.constant dense<0.000000e+00> : vector<32xf32>
    %reduce_sum3A_72 = vector.multi_reduction <add>, %mul3A_70, %reduce_sum3A_71 [0] : vector<4096x32xf32> to vector<32xf32>
    %broadcast_in_dim3A_73 = vector.shape_cast %reduce_sum3A_72 : vector<32xf32> to vector<1x32xf32>
    %add3A_74 = arith.addf %add3A_64, %broadcast_in_dim3A_73 : vector<1x32xf32>
    %slice3A_75 = vector.extract_strided_slice %add3A_13 {offsets = [0, 192], sizes = [4096, 32], strides = [1, 1]} : vector<4096x512xf32> to vector<4096x32xf32>
    %reduce_sum3A_76 = arith.constant dense<0.000000e+00> : vector<32xf32>
    %reduce_sum3A_77 = vector.multi_reduction <add>, %slice3A_75, %reduce_sum3A_76 [0] : vector<4096x32xf32> to vector<32xf32>
    %broadcast_in_dim3A_78 = vector.shape_cast %reduce_sum3A_77 : vector<32xf32> to vector<1x32xf32>
    %add3A_79 = arith.addf %add3A_69, %broadcast_in_dim3A_78 : vector<1x32xf32>
    %mul3A_80 = arith.mulf %slice3A_75, %slice3A_75 : vector<4096x32xf32>
    %reduce_sum3A_81 = arith.constant dense<0.000000e+00> : vector<32xf32>
    %reduce_sum3A_82 = vector.multi_reduction <add>, %mul3A_80, %reduce_sum3A_81 [0] : vector<4096x32xf32> to vector<32xf32>
    %broadcast_in_dim3A_83 = vector.shape_cast %reduce_sum3A_82 : vector<32xf32> to vector<1x32xf32>
    %add3A_84 = arith.addf %add3A_74, %broadcast_in_dim3A_83 : vector<1x32xf32>
    %slice3A_85 = vector.extract_strided_slice %add3A_13 {offsets = [0, 224], sizes = [4096, 32], strides = [1, 1]} : vector<4096x512xf32> to vector<4096x32xf32>
    %reduce_sum3A_86 = arith.constant dense<0.000000e+00> : vector<32xf32>
    %reduce_sum3A_87 = vector.multi_reduction <add>, %slice3A_85, %reduce_sum3A_86 [0] : vector<4096x32xf32> to vector<32xf32>
    %broadcast_in_dim3A_88 = vector.shape_cast %reduce_sum3A_87 : vector<32xf32> to vector<1x32xf32>
    %add3A_89 = arith.addf %add3A_79, %broadcast_in_dim3A_88 : vector<1x32xf32>
    %mul3A_90 = arith.mulf %slice3A_85, %slice3A_85 : vector<4096x32xf32>
    %reduce_sum3A_91 = arith.constant dense<0.000000e+00> : vector<32xf32>
    %reduce_sum3A_92 = vector.multi_reduction <add>, %mul3A_90, %reduce_sum3A_91 [0] : vector<4096x32xf32> to vector<32xf32>
    %broadcast_in_dim3A_93 = vector.shape_cast %reduce_sum3A_92 : vector<32xf32> to vector<1x32xf32>
    %add3A_94 = arith.addf %add3A_84, %broadcast_in_dim3A_93 : vector<1x32xf32>
    %slice3A_95 = vector.extract_strided_slice %add3A_13 {offsets = [0, 256], sizes = [4096, 32], strides = [1, 1]} : vector<4096x512xf32> to vector<4096x32xf32>
    %reduce_sum3A_96 = arith.constant dense<0.000000e+00> : vector<32xf32>
    %reduce_sum3A_97 = vector.multi_reduction <add>, %slice3A_95, %reduce_sum3A_96 [0] : vector<4096x32xf32> to vector<32xf32>
    %broadcast_in_dim3A_98 = vector.shape_cast %reduce_sum3A_97 : vector<32xf32> to vector<1x32xf32>
    %add3A_99 = arith.addf %add3A_89, %broadcast_in_dim3A_98 : vector<1x32xf32>
    %mul3A_100 = arith.mulf %slice3A_95, %slice3A_95 : vector<4096x32xf32>
    %reduce_sum3A_101 = arith.constant dense<0.000000e+00> : vector<32xf32>
    %reduce_sum3A_102 = vector.multi_reduction <add>, %mul3A_100, %reduce_sum3A_101 [0] : vector<4096x32xf32> to vector<32xf32>
    %broadcast_in_dim3A_103 = vector.shape_cast %reduce_sum3A_102 : vector<32xf32> to vector<1x32xf32>
    %add3A_104 = arith.addf %add3A_94, %broadcast_in_dim3A_103 : vector<1x32xf32>
    %slice3A_105 = vector.extract_strided_slice %add3A_13 {offsets = [0, 288], sizes = [4096, 32], strides = [1, 1]} : vector<4096x512xf32> to vector<4096x32xf32>
    %reduce_sum3A_106 = arith.constant dense<0.000000e+00> : vector<32xf32>
    %reduce_sum3A_107 = vector.multi_reduction <add>, %slice3A_105, %reduce_sum3A_106 [0] : vector<4096x32xf32> to vector<32xf32>
    %broadcast_in_dim3A_108 = vector.shape_cast %reduce_sum3A_107 : vector<32xf32> to vector<1x32xf32>
    %add3A_109 = arith.addf %add3A_99, %broadcast_in_dim3A_108 : vector<1x32xf32>
    %mul3A_110 = arith.mulf %slice3A_105, %slice3A_105 : vector<4096x32xf32>
    %reduce_sum3A_111 = arith.constant dense<0.000000e+00> : vector<32xf32>
    %reduce_sum3A_112 = vector.multi_reduction <add>, %mul3A_110, %reduce_sum3A_111 [0] : vector<4096x32xf32> to vector<32xf32>
    %broadcast_in_dim3A_113 = vector.shape_cast %reduce_sum3A_112 : vector<32xf32> to vector<1x32xf32>
    %add3A_114 = arith.addf %add3A_104, %broadcast_in_dim3A_113 : vector<1x32xf32>
    %slice3A_115 = vector.extract_strided_slice %add3A_13 {offsets = [0, 320], sizes = [4096, 32], strides = [1, 1]} : vector<4096x512xf32> to vector<4096x32xf32>
    %reduce_sum3A_116 = arith.constant dense<0.000000e+00> : vector<32xf32>
    %reduce_sum3A_117 = vector.multi_reduction <add>, %slice3A_115, %reduce_sum3A_116 [0] : vector<4096x32xf32> to vector<32xf32>
    %broadcast_in_dim3A_118 = vector.shape_cast %reduce_sum3A_117 : vector<32xf32> to vector<1x32xf32>
    %add3A_119 = arith.addf %add3A_109, %broadcast_in_dim3A_118 : vector<1x32xf32>
    %mul3A_120 = arith.mulf %slice3A_115, %slice3A_115 : vector<4096x32xf32>
    %reduce_sum3A_121 = arith.constant dense<0.000000e+00> : vector<32xf32>
    %reduce_sum3A_122 = vector.multi_reduction <add>, %mul3A_120, %reduce_sum3A_121 [0] : vector<4096x32xf32> to vector<32xf32>
    %broadcast_in_dim3A_123 = vector.shape_cast %reduce_sum3A_122 : vector<32xf32> to vector<1x32xf32>
    %add3A_124 = arith.addf %add3A_114, %broadcast_in_dim3A_123 : vector<1x32xf32>
    %slice3A_125 = vector.extract_strided_slice %add3A_13 {offsets = [0, 352], sizes = [4096, 32], strides = [1, 1]} : vector<4096x512xf32> to vector<4096x32xf32>
    %reduce_sum3A_126 = arith.constant dense<0.000000e+00> : vector<32xf32>
    %reduce_sum3A_127 = vector.multi_reduction <add>, %slice3A_125, %reduce_sum3A_126 [0] : vector<4096x32xf32> to vector<32xf32>
    %broadcast_in_dim3A_128 = vector.shape_cast %reduce_sum3A_127 : vector<32xf32> to vector<1x32xf32>
    %add3A_129 = arith.addf %add3A_119, %broadcast_in_dim3A_128 : vector<1x32xf32>
    %mul3A_130 = arith.mulf %slice3A_125, %slice3A_125 : vector<4096x32xf32>
    %reduce_sum3A_131 = arith.constant dense<0.000000e+00> : vector<32xf32>
    %reduce_sum3A_132 = vector.multi_reduction <add>, %mul3A_130, %reduce_sum3A_131 [0] : vector<4096x32xf32> to vector<32xf32>
    %broadcast_in_dim3A_133 = vector.shape_cast %reduce_sum3A_132 : vector<32xf32> to vector<1x32xf32>
    %add3A_134 = arith.addf %add3A_124, %broadcast_in_dim3A_133 : vector<1x32xf32>
    %slice3A_135 = vector.extract_strided_slice %add3A_13 {offsets = [0, 384], sizes = [4096, 32], strides = [1, 1]} : vector<4096x512xf32> to vector<4096x32xf32>
    %reduce_sum3A_136 = arith.constant dense<0.000000e+00> : vector<32xf32>
    %reduce_sum3A_137 = vector.multi_reduction <add>, %slice3A_135, %reduce_sum3A_136 [0] : vector<4096x32xf32> to vector<32xf32>
    %broadcast_in_dim3A_138 = vector.shape_cast %reduce_sum3A_137 : vector<32xf32> to vector<1x32xf32>
    %add3A_139 = arith.addf %add3A_129, %broadcast_in_dim3A_138 : vector<1x32xf32>
    %mul3A_140 = arith.mulf %slice3A_135, %slice3A_135 : vector<4096x32xf32>
    %reduce_sum3A_141 = arith.constant dense<0.000000e+00> : vector<32xf32>
    %reduce_sum3A_142 = vector.multi_reduction <add>, %mul3A_140, %reduce_sum3A_141 [0] : vector<4096x32xf32> to vector<32xf32>
    %broadcast_in_dim3A_143 = vector.shape_cast %reduce_sum3A_142 : vector<32xf32> to vector<1x32xf32>
    %add3A_144 = arith.addf %add3A_134, %broadcast_in_dim3A_143 : vector<1x32xf32>
    %slice3A_145 = vector.extract_strided_slice %add3A_13 {offsets = [0, 416], sizes = [4096, 32], strides = [1, 1]} : vector<4096x512xf32> to vector<4096x32xf32>
    %reduce_sum3A_146 = arith.constant dense<0.000000e+00> : vector<32xf32>
    %reduce_sum3A_147 = vector.multi_reduction <add>, %slice3A_145, %reduce_sum3A_146 [0] : vector<4096x32xf32> to vector<32xf32>
    %broadcast_in_dim3A_148 = vector.shape_cast %reduce_sum3A_147 : vector<32xf32> to vector<1x32xf32>
    %add3A_149 = arith.addf %add3A_139, %broadcast_in_dim3A_148 : vector<1x32xf32>
    %mul3A_150 = arith.mulf %slice3A_145, %slice3A_145 : vector<4096x32xf32>
    %reduce_sum3A_151 = arith.constant dense<0.000000e+00> : vector<32xf32>
    %reduce_sum3A_152 = vector.multi_reduction <add>, %mul3A_150, %reduce_sum3A_151 [0] : vector<4096x32xf32> to vector<32xf32>
    %broadcast_in_dim3A_153 = vector.shape_cast %reduce_sum3A_152 : vector<32xf32> to vector<1x32xf32>
    %add3A_154 = arith.addf %add3A_144, %broadcast_in_dim3A_153 : vector<1x32xf32>
    %slice3A_155 = vector.extract_strided_slice %add3A_13 {offsets = [0, 448], sizes = [4096, 32], strides = [1, 1]} : vector<4096x512xf32> to vector<4096x32xf32>
    %reduce_sum3A_156 = arith.constant dense<0.000000e+00> : vector<32xf32>
    %reduce_sum3A_157 = vector.multi_reduction <add>, %slice3A_155, %reduce_sum3A_156 [0] : vector<4096x32xf32> to vector<32xf32>
    %broadcast_in_dim3A_158 = vector.shape_cast %reduce_sum3A_157 : vector<32xf32> to vector<1x32xf32>
    %add3A_159 = arith.addf %add3A_149, %broadcast_in_dim3A_158 : vector<1x32xf32>
    %mul3A_160 = arith.mulf %slice3A_155, %slice3A_155 : vector<4096x32xf32>
    %reduce_sum3A_161 = arith.constant dense<0.000000e+00> : vector<32xf32>
    %reduce_sum3A_162 = vector.multi_reduction <add>, %mul3A_160, %reduce_sum3A_161 [0] : vector<4096x32xf32> to vector<32xf32>
    %broadcast_in_dim3A_163 = vector.shape_cast %reduce_sum3A_162 : vector<32xf32> to vector<1x32xf32>
    %add3A_164 = arith.addf %add3A_154, %broadcast_in_dim3A_163 : vector<1x32xf32>
    %slice3A_165 = vector.extract_strided_slice %add3A_13 {offsets = [0, 480], sizes = [4096, 32], strides = [1, 1]} : vector<4096x512xf32> to vector<4096x32xf32>
    %reduce_sum3A_166 = arith.constant dense<0.000000e+00> : vector<32xf32>
    %reduce_sum3A_167 = vector.multi_reduction <add>, %slice3A_165, %reduce_sum3A_166 [0] : vector<4096x32xf32> to vector<32xf32>
    %broadcast_in_dim3A_168 = vector.shape_cast %reduce_sum3A_167 : vector<32xf32> to vector<1x32xf32>
    %add3A_169 = arith.addf %add3A_159, %broadcast_in_dim3A_168 : vector<1x32xf32>
    %mul3A_170 = arith.mulf %slice3A_165, %slice3A_165 : vector<4096x32xf32>
    %reduce_sum3A_171 = arith.constant dense<0.000000e+00> : vector<32xf32>
    %reduce_sum3A_172 = vector.multi_reduction <add>, %mul3A_170, %reduce_sum3A_171 [0] : vector<4096x32xf32> to vector<32xf32>
    %broadcast_in_dim3A_173 = vector.shape_cast %reduce_sum3A_172 : vector<32xf32> to vector<1x32xf32>
    %add3A_174 = arith.addf %add3A_164, %broadcast_in_dim3A_173 : vector<1x32xf32>
    %div3A = arith.constant 6.553600e+04 : f32
    %div3A_175 = vector.broadcast %div3A : f32 to vector<1x32xf32>
    %div3A_176 = arith.divf %add3A_169, %div3A_175 : vector<1x32xf32>
    %div3A_177 = arith.constant 6.553600e+04 : f32
    %div3A_178 = vector.broadcast %div3A_177 : f32 to vector<1x32xf32>
    %div3A_179 = arith.divf %add3A_174, %div3A_178 : vector<1x32xf32>
    %mul3A_180 = arith.mulf %div3A_176, %div3A_176 : vector<1x32xf32>
    %sub3A_181 = arith.subf %div3A_179, %mul3A_180 : vector<1x32xf32>
    %get3A_182 = arith.constant 1 : index
    %get3A_183 = arith.constant 0 : index
    %get3A_184 = vector.load %arg5[%get3A_182, %get3A_183] : memref<3x1024xf32, #tpu.memory_space<vmem>>, vector<1x1024xf32>
    %get3A_185 = vector.shape_cast %get3A_184 : vector<1x1024xf32> to vector<1024xf32>
    %slice3A_186 = vector.extract_strided_slice %get3A_185 {offsets = [0], sizes = [32], strides = [1]} : vector<1024xf32> to vector<32xf32>
    %broadcast_in_dim3A_187 = vector.shape_cast %slice3A_186 : vector<32xf32> to vector<1x32xf32>
    %add3A_188 = arith.constant 1.000000e-03 : f32
    %add3A_189 = vector.broadcast %add3A_188 : f32 to vector<1x32xf32>
    %add3A_190 = arith.addf %sub3A_181, %add3A_189 : vector<1x32xf32>
    %sqrt3A = math.sqrt %add3A_190 : vector<1x32xf32>
    %div3A_191 = arith.divf %broadcast_in_dim3A_187, %sqrt3A : vector<1x32xf32>
    %get3A_192 = arith.constant 2 : index
    %get3A_193 = arith.constant 0 : index
    %get3A_194 = vector.load %arg5[%get3A_192, %get3A_193] : memref<3x1024xf32, #tpu.memory_space<vmem>>, vector<1x1024xf32>
    %get3A_195 = vector.shape_cast %get3A_194 : vector<1x1024xf32> to vector<1024xf32>
    %slice3A_196 = vector.extract_strided_slice %get3A_195 {offsets = [0], sizes = [32], strides = [1]} : vector<1024xf32> to vector<32xf32>
    %broadcast_in_dim3A_197 = vector.shape_cast %slice3A_196 : vector<32xf32> to vector<1x32xf32>
    %mul3A_198 = arith.mulf %div3A_176, %div3A_191 : vector<1x32xf32>
    %sub3A_199 = arith.subf %broadcast_in_dim3A_197, %mul3A_198 : vector<1x32xf32>
    %slice3A_200 = vector.extract_strided_slice %add3A_13 {offsets = [0, 0], sizes = [4096, 32], strides = [1, 1]} : vector<4096x512xf32> to vector<4096x32xf32>
    %mul3A_201 = vector.broadcast %div3A_191 : vector<1x32xf32> to vector<4096x32xf32>
    %mul3A_202 = arith.mulf %slice3A_200, %mul3A_201 : vector<4096x32xf32>
    %add3A_203 = vector.broadcast %sub3A_199 : vector<1x32xf32> to vector<4096x32xf32>
    %add3A_204 = arith.addf %mul3A_202, %add3A_203 : vector<4096x32xf32>
    %max3A = arith.constant 0.000000e+00 : f32
    %max3A_205 = vector.broadcast %max3A : f32 to vector<4096x32xf32>
    %max3A_206 = arith.maximumf %add3A_204, %max3A_205 : vector<4096x32xf32>
    %slice3A_207 = vector.extract_strided_slice %add3A_13 {offsets = [0, 32], sizes = [4096, 32], strides = [1, 1]} : vector<4096x512xf32> to vector<4096x32xf32>
    %mul3A_208 = vector.broadcast %div3A_191 : vector<1x32xf32> to vector<4096x32xf32>
    %mul3A_209 = arith.mulf %slice3A_207, %mul3A_208 : vector<4096x32xf32>
    %add3A_210 = vector.broadcast %sub3A_199 : vector<1x32xf32> to vector<4096x32xf32>
    %add3A_211 = arith.addf %mul3A_209, %add3A_210 : vector<4096x32xf32>
    %max3A_212 = arith.constant 0.000000e+00 : f32
    %max3A_213 = vector.broadcast %max3A_212 : f32 to vector<4096x32xf32>
    %max3A_214 = arith.maximumf %add3A_211, %max3A_213 : vector<4096x32xf32>
    %slice3A_215 = vector.extract_strided_slice %add3A_13 {offsets = [0, 64], sizes = [4096, 32], strides = [1, 1]} : vector<4096x512xf32> to vector<4096x32xf32>
    %mul3A_216 = vector.broadcast %div3A_191 : vector<1x32xf32> to vector<4096x32xf32>
    %mul3A_217 = arith.mulf %slice3A_215, %mul3A_216 : vector<4096x32xf32>
    %add3A_218 = vector.broadcast %sub3A_199 : vector<1x32xf32> to vector<4096x32xf32>
    %add3A_219 = arith.addf %mul3A_217, %add3A_218 : vector<4096x32xf32>
    %max3A_220 = arith.constant 0.000000e+00 : f32
    %max3A_221 = vector.broadcast %max3A_220 : f32 to vector<4096x32xf32>
    %max3A_222 = arith.maximumf %add3A_219, %max3A_221 : vector<4096x32xf32>
    %slice3A_223 = vector.extract_strided_slice %add3A_13 {offsets = [0, 96], sizes = [4096, 32], strides = [1, 1]} : vector<4096x512xf32> to vector<4096x32xf32>
    %mul3A_224 = vector.broadcast %div3A_191 : vector<1x32xf32> to vector<4096x32xf32>
    %mul3A_225 = arith.mulf %slice3A_223, %mul3A_224 : vector<4096x32xf32>
    %add3A_226 = vector.broadcast %sub3A_199 : vector<1x32xf32> to vector<4096x32xf32>
    %add3A_227 = arith.addf %mul3A_225, %add3A_226 : vector<4096x32xf32>
    %max3A_228 = arith.constant 0.000000e+00 : f32
    %max3A_229 = vector.broadcast %max3A_228 : f32 to vector<4096x32xf32>
    %max3A_230 = arith.maximumf %add3A_227, %max3A_229 : vector<4096x32xf32>
    %slice3A_231 = vector.extract_strided_slice %add3A_13 {offsets = [0, 128], sizes = [4096, 32], strides = [1, 1]} : vector<4096x512xf32> to vector<4096x32xf32>
    %mul3A_232 = vector.broadcast %div3A_191 : vector<1x32xf32> to vector<4096x32xf32>
    %mul3A_233 = arith.mulf %slice3A_231, %mul3A_232 : vector<4096x32xf32>
    %add3A_234 = vector.broadcast %sub3A_199 : vector<1x32xf32> to vector<4096x32xf32>
    %add3A_235 = arith.addf %mul3A_233, %add3A_234 : vector<4096x32xf32>
    %max3A_236 = arith.constant 0.000000e+00 : f32
    %max3A_237 = vector.broadcast %max3A_236 : f32 to vector<4096x32xf32>
    %max3A_238 = arith.maximumf %add3A_235, %max3A_237 : vector<4096x32xf32>
    %slice3A_239 = vector.extract_strided_slice %add3A_13 {offsets = [0, 160], sizes = [4096, 32], strides = [1, 1]} : vector<4096x512xf32> to vector<4096x32xf32>
    %mul3A_240 = vector.broadcast %div3A_191 : vector<1x32xf32> to vector<4096x32xf32>
    %mul3A_241 = arith.mulf %slice3A_239, %mul3A_240 : vector<4096x32xf32>
    %add3A_242 = vector.broadcast %sub3A_199 : vector<1x32xf32> to vector<4096x32xf32>
    %add3A_243 = arith.addf %mul3A_241, %add3A_242 : vector<4096x32xf32>
    %max3A_244 = arith.constant 0.000000e+00 : f32
    %max3A_245 = vector.broadcast %max3A_244 : f32 to vector<4096x32xf32>
    %max3A_246 = arith.maximumf %add3A_243, %max3A_245 : vector<4096x32xf32>
    %slice3A_247 = vector.extract_strided_slice %add3A_13 {offsets = [0, 192], sizes = [4096, 32], strides = [1, 1]} : vector<4096x512xf32> to vector<4096x32xf32>
    %mul3A_248 = vector.broadcast %div3A_191 : vector<1x32xf32> to vector<4096x32xf32>
    %mul3A_249 = arith.mulf %slice3A_247, %mul3A_248 : vector<4096x32xf32>
    %add3A_250 = vector.broadcast %sub3A_199 : vector<1x32xf32> to vector<4096x32xf32>
    %add3A_251 = arith.addf %mul3A_249, %add3A_250 : vector<4096x32xf32>
    %max3A_252 = arith.constant 0.000000e+00 : f32
    %max3A_253 = vector.broadcast %max3A_252 : f32 to vector<4096x32xf32>
    %max3A_254 = arith.maximumf %add3A_251, %max3A_253 : vector<4096x32xf32>
    %slice3A_255 = vector.extract_strided_slice %add3A_13 {offsets = [0, 224], sizes = [4096, 32], strides = [1, 1]} : vector<4096x512xf32> to vector<4096x32xf32>
    %mul3A_256 = vector.broadcast %div3A_191 : vector<1x32xf32> to vector<4096x32xf32>
    %mul3A_257 = arith.mulf %slice3A_255, %mul3A_256 : vector<4096x32xf32>
    %add3A_258 = vector.broadcast %sub3A_199 : vector<1x32xf32> to vector<4096x32xf32>
    %add3A_259 = arith.addf %mul3A_257, %add3A_258 : vector<4096x32xf32>
    %max3A_260 = arith.constant 0.000000e+00 : f32
    %max3A_261 = vector.broadcast %max3A_260 : f32 to vector<4096x32xf32>
    %max3A_262 = arith.maximumf %add3A_259, %max3A_261 : vector<4096x32xf32>
    %slice3A_263 = vector.extract_strided_slice %add3A_13 {offsets = [0, 256], sizes = [4096, 32], strides = [1, 1]} : vector<4096x512xf32> to vector<4096x32xf32>
    %mul3A_264 = vector.broadcast %div3A_191 : vector<1x32xf32> to vector<4096x32xf32>
    %mul3A_265 = arith.mulf %slice3A_263, %mul3A_264 : vector<4096x32xf32>
    %add3A_266 = vector.broadcast %sub3A_199 : vector<1x32xf32> to vector<4096x32xf32>
    %add3A_267 = arith.addf %mul3A_265, %add3A_266 : vector<4096x32xf32>
    %max3A_268 = arith.constant 0.000000e+00 : f32
    %max3A_269 = vector.broadcast %max3A_268 : f32 to vector<4096x32xf32>
    %max3A_270 = arith.maximumf %add3A_267, %max3A_269 : vector<4096x32xf32>
    %slice3A_271 = vector.extract_strided_slice %add3A_13 {offsets = [0, 288], sizes = [4096, 32], strides = [1, 1]} : vector<4096x512xf32> to vector<4096x32xf32>
    %mul3A_272 = vector.broadcast %div3A_191 : vector<1x32xf32> to vector<4096x32xf32>
    %mul3A_273 = arith.mulf %slice3A_271, %mul3A_272 : vector<4096x32xf32>
    %add3A_274 = vector.broadcast %sub3A_199 : vector<1x32xf32> to vector<4096x32xf32>
    %add3A_275 = arith.addf %mul3A_273, %add3A_274 : vector<4096x32xf32>
    %max3A_276 = arith.constant 0.000000e+00 : f32
    %max3A_277 = vector.broadcast %max3A_276 : f32 to vector<4096x32xf32>
    %max3A_278 = arith.maximumf %add3A_275, %max3A_277 : vector<4096x32xf32>
    %slice3A_279 = vector.extract_strided_slice %add3A_13 {offsets = [0, 320], sizes = [4096, 32], strides = [1, 1]} : vector<4096x512xf32> to vector<4096x32xf32>
    %mul3A_280 = vector.broadcast %div3A_191 : vector<1x32xf32> to vector<4096x32xf32>
    %mul3A_281 = arith.mulf %slice3A_279, %mul3A_280 : vector<4096x32xf32>
    %add3A_282 = vector.broadcast %sub3A_199 : vector<1x32xf32> to vector<4096x32xf32>
    %add3A_283 = arith.addf %mul3A_281, %add3A_282 : vector<4096x32xf32>
    %max3A_284 = arith.constant 0.000000e+00 : f32
    %max3A_285 = vector.broadcast %max3A_284 : f32 to vector<4096x32xf32>
    %max3A_286 = arith.maximumf %add3A_283, %max3A_285 : vector<4096x32xf32>
    %slice3A_287 = vector.extract_strided_slice %add3A_13 {offsets = [0, 352], sizes = [4096, 32], strides = [1, 1]} : vector<4096x512xf32> to vector<4096x32xf32>
    %mul3A_288 = vector.broadcast %div3A_191 : vector<1x32xf32> to vector<4096x32xf32>
    %mul3A_289 = arith.mulf %slice3A_287, %mul3A_288 : vector<4096x32xf32>
    %add3A_290 = vector.broadcast %sub3A_199 : vector<1x32xf32> to vector<4096x32xf32>
    %add3A_291 = arith.addf %mul3A_289, %add3A_290 : vector<4096x32xf32>
    %max3A_292 = arith.constant 0.000000e+00 : f32
    %max3A_293 = vector.broadcast %max3A_292 : f32 to vector<4096x32xf32>
    %max3A_294 = arith.maximumf %add3A_291, %max3A_293 : vector<4096x32xf32>
    %slice3A_295 = vector.extract_strided_slice %add3A_13 {offsets = [0, 384], sizes = [4096, 32], strides = [1, 1]} : vector<4096x512xf32> to vector<4096x32xf32>
    %mul3A_296 = vector.broadcast %div3A_191 : vector<1x32xf32> to vector<4096x32xf32>
    %mul3A_297 = arith.mulf %slice3A_295, %mul3A_296 : vector<4096x32xf32>
    %add3A_298 = vector.broadcast %sub3A_199 : vector<1x32xf32> to vector<4096x32xf32>
    %add3A_299 = arith.addf %mul3A_297, %add3A_298 : vector<4096x32xf32>
    %max3A_300 = arith.constant 0.000000e+00 : f32
    %max3A_301 = vector.broadcast %max3A_300 : f32 to vector<4096x32xf32>
    %max3A_302 = arith.maximumf %add3A_299, %max3A_301 : vector<4096x32xf32>
    %slice3A_303 = vector.extract_strided_slice %add3A_13 {offsets = [0, 416], sizes = [4096, 32], strides = [1, 1]} : vector<4096x512xf32> to vector<4096x32xf32>
    %mul3A_304 = vector.broadcast %div3A_191 : vector<1x32xf32> to vector<4096x32xf32>
    %mul3A_305 = arith.mulf %slice3A_303, %mul3A_304 : vector<4096x32xf32>
    %add3A_306 = vector.broadcast %sub3A_199 : vector<1x32xf32> to vector<4096x32xf32>
    %add3A_307 = arith.addf %mul3A_305, %add3A_306 : vector<4096x32xf32>
    %max3A_308 = arith.constant 0.000000e+00 : f32
    %max3A_309 = vector.broadcast %max3A_308 : f32 to vector<4096x32xf32>
    %max3A_310 = arith.maximumf %add3A_307, %max3A_309 : vector<4096x32xf32>
    %slice3A_311 = vector.extract_strided_slice %add3A_13 {offsets = [0, 448], sizes = [4096, 32], strides = [1, 1]} : vector<4096x512xf32> to vector<4096x32xf32>
    %mul3A_312 = vector.broadcast %div3A_191 : vector<1x32xf32> to vector<4096x32xf32>
    %mul3A_313 = arith.mulf %slice3A_311, %mul3A_312 : vector<4096x32xf32>
    %add3A_314 = vector.broadcast %sub3A_199 : vector<1x32xf32> to vector<4096x32xf32>
    %add3A_315 = arith.addf %mul3A_313, %add3A_314 : vector<4096x32xf32>
    %max3A_316 = arith.constant 0.000000e+00 : f32
    %max3A_317 = vector.broadcast %max3A_316 : f32 to vector<4096x32xf32>
    %max3A_318 = arith.maximumf %add3A_315, %max3A_317 : vector<4096x32xf32>
    %slice3A_319 = vector.extract_strided_slice %add3A_13 {offsets = [0, 480], sizes = [4096, 32], strides = [1, 1]} : vector<4096x512xf32> to vector<4096x32xf32>
    %mul3A_320 = vector.broadcast %div3A_191 : vector<1x32xf32> to vector<4096x32xf32>
    %mul3A_321 = arith.mulf %slice3A_319, %mul3A_320 : vector<4096x32xf32>
    %add3A_322 = vector.broadcast %sub3A_199 : vector<1x32xf32> to vector<4096x32xf32>
    %add3A_323 = arith.addf %mul3A_321, %add3A_322 : vector<4096x32xf32>
    %max3A_324 = arith.constant 0.000000e+00 : f32
    %max3A_325 = vector.broadcast %max3A_324 : f32 to vector<4096x32xf32>
    %max3A_326 = arith.maximumf %add3A_323, %max3A_325 : vector<4096x32xf32>
    %concatenate3A = tpu.concatenate %max3A_206, %max3A_214, %max3A_222, %max3A_230, %max3A_238, %max3A_246, %max3A_254, %max3A_262, %max3A_270, %max3A_278, %max3A_286, %max3A_294, %max3A_302, %max3A_310, %max3A_318, %max3A_326 in 1 : vector<4096x32xf32>, vector<4096x32xf32>, vector<4096x32xf32>, vector<4096x32xf32>, vector<4096x32xf32>, vector<4096x32xf32>, vector<4096x32xf32>, vector<4096x32xf32>, vector<4096x32xf32>, vector<4096x32xf32>, vector<4096x32xf32>, vector<4096x32xf32>, vector<4096x32xf32>, vector<4096x32xf32>, vector<4096x32xf32>, vector<4096x32xf32> -> vector<4096x512xf32>
    %get3A_327 = arith.constant 0 : index
    %get3A_328 = arith.constant 0 : index
    %get3A_329 = vector.load %arg3[%get3A_327, %get3A_328] : memref<512x512xf32, #tpu.memory_space<vmem>>, vector<512x512xf32>
    %dot_general3A_330 = arith.constant dense<0.000000e+00> : vector<4096x512xf32>
    %dot_general3A_331 = tpu.matmul %concatenate3A, %get3A_329, %dot_general3A_330 {dimension_numbers = #tpu.dot_dimension_numbers<[1], [0], [0], [1], [0, 0, 1, 1], [], []>, transpose_lhs_hint = false} : vector<4096x512xf32>, vector<512x512xf32>, vector<4096x512xf32> -> vector<4096x512xf32>
    %get3A_332 = arith.constant 0 : index
    %get3A_333 = arith.constant 0 : index
    %get3A_334 = vector.load %arg6[%get3A_332, %get3A_333] : memref<3x1024xf32, #tpu.memory_space<vmem>>, vector<1x512xf32>
    %get3A_335 = vector.shape_cast %get3A_334 : vector<1x512xf32> to vector<512xf32>
    %broadcast_in_dim3A_336 = vector.shape_cast %get3A_335 : vector<512xf32> to vector<1x512xf32>
    %add3A_337 = vector.broadcast %broadcast_in_dim3A_336 : vector<1x512xf32> to vector<4096x512xf32>
    %add3A_338 = arith.addf %dot_general3A_331, %add3A_337 : vector<4096x512xf32>
    %broadcast_in_dim3A_339 = arith.constant 0.000000e+00 : f32
    %broadcast_in_dim3A_340 = vector.broadcast %broadcast_in_dim3A_339 : f32 to vector<1x32xf32>
    %broadcast_in_dim3A_341 = arith.constant 0.000000e+00 : f32
    %broadcast_in_dim3A_342 = vector.broadcast %broadcast_in_dim3A_341 : f32 to vector<1x32xf32>
    %slice3A_343 = vector.extract_strided_slice %add3A_338 {offsets = [0, 0], sizes = [4096, 32], strides = [1, 1]} : vector<4096x512xf32> to vector<4096x32xf32>
    %reduce_sum3A_344 = arith.constant dense<0.000000e+00> : vector<32xf32>
    %reduce_sum3A_345 = vector.multi_reduction <add>, %slice3A_343, %reduce_sum3A_344 [0] : vector<4096x32xf32> to vector<32xf32>
    %broadcast_in_dim3A_346 = vector.shape_cast %reduce_sum3A_345 : vector<32xf32> to vector<1x32xf32>
    %add3A_347 = arith.addf %broadcast_in_dim3A_340, %broadcast_in_dim3A_346 : vector<1x32xf32>
    %mul3A_348 = arith.mulf %slice3A_343, %slice3A_343 : vector<4096x32xf32>
    %reduce_sum3A_349 = arith.constant dense<0.000000e+00> : vector<32xf32>
    %reduce_sum3A_350 = vector.multi_reduction <add>, %mul3A_348, %reduce_sum3A_349 [0] : vector<4096x32xf32> to vector<32xf32>
    %broadcast_in_dim3A_351 = vector.shape_cast %reduce_sum3A_350 : vector<32xf32> to vector<1x32xf32>
    %add3A_352 = arith.addf %broadcast_in_dim3A_342, %broadcast_in_dim3A_351 : vector<1x32xf32>
    %slice3A_353 = vector.extract_strided_slice %add3A_338 {offsets = [0, 32], sizes = [4096, 32], strides = [1, 1]} : vector<4096x512xf32> to vector<4096x32xf32>
    %reduce_sum3A_354 = arith.constant dense<0.000000e+00> : vector<32xf32>
    %reduce_sum3A_355 = vector.multi_reduction <add>, %slice3A_353, %reduce_sum3A_354 [0] : vector<4096x32xf32> to vector<32xf32>
    %broadcast_in_dim3A_356 = vector.shape_cast %reduce_sum3A_355 : vector<32xf32> to vector<1x32xf32>
    %add3A_357 = arith.addf %add3A_347, %broadcast_in_dim3A_356 : vector<1x32xf32>
    %mul3A_358 = arith.mulf %slice3A_353, %slice3A_353 : vector<4096x32xf32>
    %reduce_sum3A_359 = arith.constant dense<0.000000e+00> : vector<32xf32>
    %reduce_sum3A_360 = vector.multi_reduction <add>, %mul3A_358, %reduce_sum3A_359 [0] : vector<4096x32xf32> to vector<32xf32>
    %broadcast_in_dim3A_361 = vector.shape_cast %reduce_sum3A_360 : vector<32xf32> to vector<1x32xf32>
    %add3A_362 = arith.addf %add3A_352, %broadcast_in_dim3A_361 : vector<1x32xf32>
    %slice3A_363 = vector.extract_strided_slice %add3A_338 {offsets = [0, 64], sizes = [4096, 32], strides = [1, 1]} : vector<4096x512xf32> to vector<4096x32xf32>
    %reduce_sum3A_364 = arith.constant dense<0.000000e+00> : vector<32xf32>
    %reduce_sum3A_365 = vector.multi_reduction <add>, %slice3A_363, %reduce_sum3A_364 [0] : vector<4096x32xf32> to vector<32xf32>
    %broadcast_in_dim3A_366 = vector.shape_cast %reduce_sum3A_365 : vector<32xf32> to vector<1x32xf32>
    %add3A_367 = arith.addf %add3A_357, %broadcast_in_dim3A_366 : vector<1x32xf32>
    %mul3A_368 = arith.mulf %slice3A_363, %slice3A_363 : vector<4096x32xf32>
    %reduce_sum3A_369 = arith.constant dense<0.000000e+00> : vector<32xf32>
    %reduce_sum3A_370 = vector.multi_reduction <add>, %mul3A_368, %reduce_sum3A_369 [0] : vector<4096x32xf32> to vector<32xf32>
    %broadcast_in_dim3A_371 = vector.shape_cast %reduce_sum3A_370 : vector<32xf32> to vector<1x32xf32>
    %add3A_372 = arith.addf %add3A_362, %broadcast_in_dim3A_371 : vector<1x32xf32>
    %slice3A_373 = vector.extract_strided_slice %add3A_338 {offsets = [0, 96], sizes = [4096, 32], strides = [1, 1]} : vector<4096x512xf32> to vector<4096x32xf32>
    %reduce_sum3A_374 = arith.constant dense<0.000000e+00> : vector<32xf32>
    %reduce_sum3A_375 = vector.multi_reduction <add>, %slice3A_373, %reduce_sum3A_374 [0] : vector<4096x32xf32> to vector<32xf32>
    %broadcast_in_dim3A_376 = vector.shape_cast %reduce_sum3A_375 : vector<32xf32> to vector<1x32xf32>
    %add3A_377 = arith.addf %add3A_367, %broadcast_in_dim3A_376 : vector<1x32xf32>
    %mul3A_378 = arith.mulf %slice3A_373, %slice3A_373 : vector<4096x32xf32>
    %reduce_sum3A_379 = arith.constant dense<0.000000e+00> : vector<32xf32>
    %reduce_sum3A_380 = vector.multi_reduction <add>, %mul3A_378, %reduce_sum3A_379 [0] : vector<4096x32xf32> to vector<32xf32>
    %broadcast_in_dim3A_381 = vector.shape_cast %reduce_sum3A_380 : vector<32xf32> to vector<1x32xf32>
    %add3A_382 = arith.addf %add3A_372, %broadcast_in_dim3A_381 : vector<1x32xf32>
    %slice3A_383 = vector.extract_strided_slice %add3A_338 {offsets = [0, 128], sizes = [4096, 32], strides = [1, 1]} : vector<4096x512xf32> to vector<4096x32xf32>
    %reduce_sum3A_384 = arith.constant dense<0.000000e+00> : vector<32xf32>
    %reduce_sum3A_385 = vector.multi_reduction <add>, %slice3A_383, %reduce_sum3A_384 [0] : vector<4096x32xf32> to vector<32xf32>
    %broadcast_in_dim3A_386 = vector.shape_cast %reduce_sum3A_385 : vector<32xf32> to vector<1x32xf32>
    %add3A_387 = arith.addf %add3A_377, %broadcast_in_dim3A_386 : vector<1x32xf32>
    %mul3A_388 = arith.mulf %slice3A_383, %slice3A_383 : vector<4096x32xf32>
    %reduce_sum3A_389 = arith.constant dense<0.000000e+00> : vector<32xf32>
    %reduce_sum3A_390 = vector.multi_reduction <add>, %mul3A_388, %reduce_sum3A_389 [0] : vector<4096x32xf32> to vector<32xf32>
    %broadcast_in_dim3A_391 = vector.shape_cast %reduce_sum3A_390 : vector<32xf32> to vector<1x32xf32>
    %add3A_392 = arith.addf %add3A_382, %broadcast_in_dim3A_391 : vector<1x32xf32>
    %slice3A_393 = vector.extract_strided_slice %add3A_338 {offsets = [0, 160], sizes = [4096, 32], strides = [1, 1]} : vector<4096x512xf32> to vector<4096x32xf32>
    %reduce_sum3A_394 = arith.constant dense<0.000000e+00> : vector<32xf32>
    %reduce_sum3A_395 = vector.multi_reduction <add>, %slice3A_393, %reduce_sum3A_394 [0] : vector<4096x32xf32> to vector<32xf32>
    %broadcast_in_dim3A_396 = vector.shape_cast %reduce_sum3A_395 : vector<32xf32> to vector<1x32xf32>
    %add3A_397 = arith.addf %add3A_387, %broadcast_in_dim3A_396 : vector<1x32xf32>
    %mul3A_398 = arith.mulf %slice3A_393, %slice3A_393 : vector<4096x32xf32>
    %reduce_sum3A_399 = arith.constant dense<0.000000e+00> : vector<32xf32>
    %reduce_sum3A_400 = vector.multi_reduction <add>, %mul3A_398, %reduce_sum3A_399 [0] : vector<4096x32xf32> to vector<32xf32>
    %broadcast_in_dim3A_401 = vector.shape_cast %reduce_sum3A_400 : vector<32xf32> to vector<1x32xf32>
    %add3A_402 = arith.addf %add3A_392, %broadcast_in_dim3A_401 : vector<1x32xf32>
    %slice3A_403 = vector.extract_strided_slice %add3A_338 {offsets = [0, 192], sizes = [4096, 32], strides = [1, 1]} : vector<4096x512xf32> to vector<4096x32xf32>
    %reduce_sum3A_404 = arith.constant dense<0.000000e+00> : vector<32xf32>
    %reduce_sum3A_405 = vector.multi_reduction <add>, %slice3A_403, %reduce_sum3A_404 [0] : vector<4096x32xf32> to vector<32xf32>
    %broadcast_in_dim3A_406 = vector.shape_cast %reduce_sum3A_405 : vector<32xf32> to vector<1x32xf32>
    %add3A_407 = arith.addf %add3A_397, %broadcast_in_dim3A_406 : vector<1x32xf32>
    %mul3A_408 = arith.mulf %slice3A_403, %slice3A_403 : vector<4096x32xf32>
    %reduce_sum3A_409 = arith.constant dense<0.000000e+00> : vector<32xf32>
    %reduce_sum3A_410 = vector.multi_reduction <add>, %mul3A_408, %reduce_sum3A_409 [0] : vector<4096x32xf32> to vector<32xf32>
    %broadcast_in_dim3A_411 = vector.shape_cast %reduce_sum3A_410 : vector<32xf32> to vector<1x32xf32>
    %add3A_412 = arith.addf %add3A_402, %broadcast_in_dim3A_411 : vector<1x32xf32>
    %slice3A_413 = vector.extract_strided_slice %add3A_338 {offsets = [0, 224], sizes = [4096, 32], strides = [1, 1]} : vector<4096x512xf32> to vector<4096x32xf32>
    %reduce_sum3A_414 = arith.constant dense<0.000000e+00> : vector<32xf32>
    %reduce_sum3A_415 = vector.multi_reduction <add>, %slice3A_413, %reduce_sum3A_414 [0] : vector<4096x32xf32> to vector<32xf32>
    %broadcast_in_dim3A_416 = vector.shape_cast %reduce_sum3A_415 : vector<32xf32> to vector<1x32xf32>
    %add3A_417 = arith.addf %add3A_407, %broadcast_in_dim3A_416 : vector<1x32xf32>
    %mul3A_418 = arith.mulf %slice3A_413, %slice3A_413 : vector<4096x32xf32>
    %reduce_sum3A_419 = arith.constant dense<0.000000e+00> : vector<32xf32>
    %reduce_sum3A_420 = vector.multi_reduction <add>, %mul3A_418, %reduce_sum3A_419 [0] : vector<4096x32xf32> to vector<32xf32>
    %broadcast_in_dim3A_421 = vector.shape_cast %reduce_sum3A_420 : vector<32xf32> to vector<1x32xf32>
    %add3A_422 = arith.addf %add3A_412, %broadcast_in_dim3A_421 : vector<1x32xf32>
    %slice3A_423 = vector.extract_strided_slice %add3A_338 {offsets = [0, 256], sizes = [4096, 32], strides = [1, 1]} : vector<4096x512xf32> to vector<4096x32xf32>
    %reduce_sum3A_424 = arith.constant dense<0.000000e+00> : vector<32xf32>
    %reduce_sum3A_425 = vector.multi_reduction <add>, %slice3A_423, %reduce_sum3A_424 [0] : vector<4096x32xf32> to vector<32xf32>
    %broadcast_in_dim3A_426 = vector.shape_cast %reduce_sum3A_425 : vector<32xf32> to vector<1x32xf32>
    %add3A_427 = arith.addf %add3A_417, %broadcast_in_dim3A_426 : vector<1x32xf32>
    %mul3A_428 = arith.mulf %slice3A_423, %slice3A_423 : vector<4096x32xf32>
    %reduce_sum3A_429 = arith.constant dense<0.000000e+00> : vector<32xf32>
    %reduce_sum3A_430 = vector.multi_reduction <add>, %mul3A_428, %reduce_sum3A_429 [0] : vector<4096x32xf32> to vector<32xf32>
    %broadcast_in_dim3A_431 = vector.shape_cast %reduce_sum3A_430 : vector<32xf32> to vector<1x32xf32>
    %add3A_432 = arith.addf %add3A_422, %broadcast_in_dim3A_431 : vector<1x32xf32>
    %slice3A_433 = vector.extract_strided_slice %add3A_338 {offsets = [0, 288], sizes = [4096, 32], strides = [1, 1]} : vector<4096x512xf32> to vector<4096x32xf32>
    %reduce_sum3A_434 = arith.constant dense<0.000000e+00> : vector<32xf32>
    %reduce_sum3A_435 = vector.multi_reduction <add>, %slice3A_433, %reduce_sum3A_434 [0] : vector<4096x32xf32> to vector<32xf32>
    %broadcast_in_dim3A_436 = vector.shape_cast %reduce_sum3A_435 : vector<32xf32> to vector<1x32xf32>
    %add3A_437 = arith.addf %add3A_427, %broadcast_in_dim3A_436 : vector<1x32xf32>
    %mul3A_438 = arith.mulf %slice3A_433, %slice3A_433 : vector<4096x32xf32>
    %reduce_sum3A_439 = arith.constant dense<0.000000e+00> : vector<32xf32>
    %reduce_sum3A_440 = vector.multi_reduction <add>, %mul3A_438, %reduce_sum3A_439 [0] : vector<4096x32xf32> to vector<32xf32>
    %broadcast_in_dim3A_441 = vector.shape_cast %reduce_sum3A_440 : vector<32xf32> to vector<1x32xf32>
    %add3A_442 = arith.addf %add3A_432, %broadcast_in_dim3A_441 : vector<1x32xf32>
    %slice3A_443 = vector.extract_strided_slice %add3A_338 {offsets = [0, 320], sizes = [4096, 32], strides = [1, 1]} : vector<4096x512xf32> to vector<4096x32xf32>
    %reduce_sum3A_444 = arith.constant dense<0.000000e+00> : vector<32xf32>
    %reduce_sum3A_445 = vector.multi_reduction <add>, %slice3A_443, %reduce_sum3A_444 [0] : vector<4096x32xf32> to vector<32xf32>
    %broadcast_in_dim3A_446 = vector.shape_cast %reduce_sum3A_445 : vector<32xf32> to vector<1x32xf32>
    %add3A_447 = arith.addf %add3A_437, %broadcast_in_dim3A_446 : vector<1x32xf32>
    %mul3A_448 = arith.mulf %slice3A_443, %slice3A_443 : vector<4096x32xf32>
    %reduce_sum3A_449 = arith.constant dense<0.000000e+00> : vector<32xf32>
    %reduce_sum3A_450 = vector.multi_reduction <add>, %mul3A_448, %reduce_sum3A_449 [0] : vector<4096x32xf32> to vector<32xf32>
    %broadcast_in_dim3A_451 = vector.shape_cast %reduce_sum3A_450 : vector<32xf32> to vector<1x32xf32>
    %add3A_452 = arith.addf %add3A_442, %broadcast_in_dim3A_451 : vector<1x32xf32>
    %slice3A_453 = vector.extract_strided_slice %add3A_338 {offsets = [0, 352], sizes = [4096, 32], strides = [1, 1]} : vector<4096x512xf32> to vector<4096x32xf32>
    %reduce_sum3A_454 = arith.constant dense<0.000000e+00> : vector<32xf32>
    %reduce_sum3A_455 = vector.multi_reduction <add>, %slice3A_453, %reduce_sum3A_454 [0] : vector<4096x32xf32> to vector<32xf32>
    %broadcast_in_dim3A_456 = vector.shape_cast %reduce_sum3A_455 : vector<32xf32> to vector<1x32xf32>
    %add3A_457 = arith.addf %add3A_447, %broadcast_in_dim3A_456 : vector<1x32xf32>
    %mul3A_458 = arith.mulf %slice3A_453, %slice3A_453 : vector<4096x32xf32>
    %reduce_sum3A_459 = arith.constant dense<0.000000e+00> : vector<32xf32>
    %reduce_sum3A_460 = vector.multi_reduction <add>, %mul3A_458, %reduce_sum3A_459 [0] : vector<4096x32xf32> to vector<32xf32>
    %broadcast_in_dim3A_461 = vector.shape_cast %reduce_sum3A_460 : vector<32xf32> to vector<1x32xf32>
    %add3A_462 = arith.addf %add3A_452, %broadcast_in_dim3A_461 : vector<1x32xf32>
    %slice3A_463 = vector.extract_strided_slice %add3A_338 {offsets = [0, 384], sizes = [4096, 32], strides = [1, 1]} : vector<4096x512xf32> to vector<4096x32xf32>
    %reduce_sum3A_464 = arith.constant dense<0.000000e+00> : vector<32xf32>
    %reduce_sum3A_465 = vector.multi_reduction <add>, %slice3A_463, %reduce_sum3A_464 [0] : vector<4096x32xf32> to vector<32xf32>
    %broadcast_in_dim3A_466 = vector.shape_cast %reduce_sum3A_465 : vector<32xf32> to vector<1x32xf32>
    %add3A_467 = arith.addf %add3A_457, %broadcast_in_dim3A_466 : vector<1x32xf32>
    %mul3A_468 = arith.mulf %slice3A_463, %slice3A_463 : vector<4096x32xf32>
    %reduce_sum3A_469 = arith.constant dense<0.000000e+00> : vector<32xf32>
    %reduce_sum3A_470 = vector.multi_reduction <add>, %mul3A_468, %reduce_sum3A_469 [0] : vector<4096x32xf32> to vector<32xf32>
    %broadcast_in_dim3A_471 = vector.shape_cast %reduce_sum3A_470 : vector<32xf32> to vector<1x32xf32>
    %add3A_472 = arith.addf %add3A_462, %broadcast_in_dim3A_471 : vector<1x32xf32>
    %slice3A_473 = vector.extract_strided_slice %add3A_338 {offsets = [0, 416], sizes = [4096, 32], strides = [1, 1]} : vector<4096x512xf32> to vector<4096x32xf32>
    %reduce_sum3A_474 = arith.constant dense<0.000000e+00> : vector<32xf32>
    %reduce_sum3A_475 = vector.multi_reduction <add>, %slice3A_473, %reduce_sum3A_474 [0] : vector<4096x32xf32> to vector<32xf32>
    %broadcast_in_dim3A_476 = vector.shape_cast %reduce_sum3A_475 : vector<32xf32> to vector<1x32xf32>
    %add3A_477 = arith.addf %add3A_467, %broadcast_in_dim3A_476 : vector<1x32xf32>
    %mul3A_478 = arith.mulf %slice3A_473, %slice3A_473 : vector<4096x32xf32>
    %reduce_sum3A_479 = arith.constant dense<0.000000e+00> : vector<32xf32>
    %reduce_sum3A_480 = vector.multi_reduction <add>, %mul3A_478, %reduce_sum3A_479 [0] : vector<4096x32xf32> to vector<32xf32>
    %broadcast_in_dim3A_481 = vector.shape_cast %reduce_sum3A_480 : vector<32xf32> to vector<1x32xf32>
    %add3A_482 = arith.addf %add3A_472, %broadcast_in_dim3A_481 : vector<1x32xf32>
    %slice3A_483 = vector.extract_strided_slice %add3A_338 {offsets = [0, 448], sizes = [4096, 32], strides = [1, 1]} : vector<4096x512xf32> to vector<4096x32xf32>
    %reduce_sum3A_484 = arith.constant dense<0.000000e+00> : vector<32xf32>
    %reduce_sum3A_485 = vector.multi_reduction <add>, %slice3A_483, %reduce_sum3A_484 [0] : vector<4096x32xf32> to vector<32xf32>
    %broadcast_in_dim3A_486 = vector.shape_cast %reduce_sum3A_485 : vector<32xf32> to vector<1x32xf32>
    %add3A_487 = arith.addf %add3A_477, %broadcast_in_dim3A_486 : vector<1x32xf32>
    %mul3A_488 = arith.mulf %slice3A_483, %slice3A_483 : vector<4096x32xf32>
    %reduce_sum3A_489 = arith.constant dense<0.000000e+00> : vector<32xf32>
    %reduce_sum3A_490 = vector.multi_reduction <add>, %mul3A_488, %reduce_sum3A_489 [0] : vector<4096x32xf32> to vector<32xf32>
    %broadcast_in_dim3A_491 = vector.shape_cast %reduce_sum3A_490 : vector<32xf32> to vector<1x32xf32>
    %add3A_492 = arith.addf %add3A_482, %broadcast_in_dim3A_491 : vector<1x32xf32>
    %slice3A_493 = vector.extract_strided_slice %add3A_338 {offsets = [0, 480], sizes = [4096, 32], strides = [1, 1]} : vector<4096x512xf32> to vector<4096x32xf32>
    %reduce_sum3A_494 = arith.constant dense<0.000000e+00> : vector<32xf32>
    %reduce_sum3A_495 = vector.multi_reduction <add>, %slice3A_493, %reduce_sum3A_494 [0] : vector<4096x32xf32> to vector<32xf32>
    %broadcast_in_dim3A_496 = vector.shape_cast %reduce_sum3A_495 : vector<32xf32> to vector<1x32xf32>
    %add3A_497 = arith.addf %add3A_487, %broadcast_in_dim3A_496 : vector<1x32xf32>
    %mul3A_498 = arith.mulf %slice3A_493, %slice3A_493 : vector<4096x32xf32>
    %reduce_sum3A_499 = arith.constant dense<0.000000e+00> : vector<32xf32>
    %reduce_sum3A_500 = vector.multi_reduction <add>, %mul3A_498, %reduce_sum3A_499 [0] : vector<4096x32xf32> to vector<32xf32>
    %broadcast_in_dim3A_501 = vector.shape_cast %reduce_sum3A_500 : vector<32xf32> to vector<1x32xf32>
    %add3A_502 = arith.addf %add3A_492, %broadcast_in_dim3A_501 : vector<1x32xf32>
    %div3A_503 = arith.constant 6.553600e+04 : f32
    %div3A_504 = vector.broadcast %div3A_503 : f32 to vector<1x32xf32>
    %div3A_505 = arith.divf %add3A_497, %div3A_504 : vector<1x32xf32>
    %div3A_506 = arith.constant 6.553600e+04 : f32
    %div3A_507 = vector.broadcast %div3A_506 : f32 to vector<1x32xf32>
    %div3A_508 = arith.divf %add3A_502, %div3A_507 : vector<1x32xf32>
    %mul3A_509 = arith.mulf %div3A_505, %div3A_505 : vector<1x32xf32>
    %sub3A_510 = arith.subf %div3A_508, %mul3A_509 : vector<1x32xf32>
    %get3A_511 = arith.constant 1 : index
    %get3A_512 = arith.constant 0 : index
    %get3A_513 = vector.load %arg6[%get3A_511, %get3A_512] : memref<3x1024xf32, #tpu.memory_space<vmem>>, vector<1x1024xf32>
    %get3A_514 = vector.shape_cast %get3A_513 : vector<1x1024xf32> to vector<1024xf32>
    %slice3A_515 = vector.extract_strided_slice %get3A_514 {offsets = [0], sizes = [32], strides = [1]} : vector<1024xf32> to vector<32xf32>
    %broadcast_in_dim3A_516 = vector.shape_cast %slice3A_515 : vector<32xf32> to vector<1x32xf32>
    %add3A_517 = arith.constant 1.000000e-03 : f32
    %add3A_518 = vector.broadcast %add3A_517 : f32 to vector<1x32xf32>
    %add3A_519 = arith.addf %sub3A_510, %add3A_518 : vector<1x32xf32>
    %sqrt3A_520 = math.sqrt %add3A_519 : vector<1x32xf32>
    %div3A_521 = arith.divf %broadcast_in_dim3A_516, %sqrt3A_520 : vector<1x32xf32>
    %get3A_522 = arith.constant 2 : index
    %get3A_523 = arith.constant 0 : index
    %get3A_524 = vector.load %arg6[%get3A_522, %get3A_523] : memref<3x1024xf32, #tpu.memory_space<vmem>>, vector<1x1024xf32>
    %get3A_525 = vector.shape_cast %get3A_524 : vector<1x1024xf32> to vector<1024xf32>
    %slice3A_526 = vector.extract_strided_slice %get3A_525 {offsets = [0], sizes = [32], strides = [1]} : vector<1024xf32> to vector<32xf32>
    %broadcast_in_dim3A_527 = vector.shape_cast %slice3A_526 : vector<32xf32> to vector<1x32xf32>
    %mul3A_528 = arith.mulf %div3A_505, %div3A_521 : vector<1x32xf32>
    %sub3A_529 = arith.subf %broadcast_in_dim3A_527, %mul3A_528 : vector<1x32xf32>
    %slice3A_530 = vector.extract_strided_slice %add3A_338 {offsets = [0, 0], sizes = [4096, 32], strides = [1, 1]} : vector<4096x512xf32> to vector<4096x32xf32>
    %mul3A_531 = vector.broadcast %div3A_521 : vector<1x32xf32> to vector<4096x32xf32>
    %mul3A_532 = arith.mulf %slice3A_530, %mul3A_531 : vector<4096x32xf32>
    %add3A_533 = vector.broadcast %sub3A_529 : vector<1x32xf32> to vector<4096x32xf32>
    %add3A_534 = arith.addf %mul3A_532, %add3A_533 : vector<4096x32xf32>
    %max3A_535 = arith.constant 0.000000e+00 : f32
    %max3A_536 = vector.broadcast %max3A_535 : f32 to vector<4096x32xf32>
    %max3A_537 = arith.maximumf %add3A_534, %max3A_536 : vector<4096x32xf32>
    %slice3A_538 = vector.extract_strided_slice %add3A_338 {offsets = [0, 32], sizes = [4096, 32], strides = [1, 1]} : vector<4096x512xf32> to vector<4096x32xf32>
    %mul3A_539 = vector.broadcast %div3A_521 : vector<1x32xf32> to vector<4096x32xf32>
    %mul3A_540 = arith.mulf %slice3A_538, %mul3A_539 : vector<4096x32xf32>
    %add3A_541 = vector.broadcast %sub3A_529 : vector<1x32xf32> to vector<4096x32xf32>
    %add3A_542 = arith.addf %mul3A_540, %add3A_541 : vector<4096x32xf32>
    %max3A_543 = arith.constant 0.000000e+00 : f32
    %max3A_544 = vector.broadcast %max3A_543 : f32 to vector<4096x32xf32>
    %max3A_545 = arith.maximumf %add3A_542, %max3A_544 : vector<4096x32xf32>
    %slice3A_546 = vector.extract_strided_slice %add3A_338 {offsets = [0, 64], sizes = [4096, 32], strides = [1, 1]} : vector<4096x512xf32> to vector<4096x32xf32>
    %mul3A_547 = vector.broadcast %div3A_521 : vector<1x32xf32> to vector<4096x32xf32>
    %mul3A_548 = arith.mulf %slice3A_546, %mul3A_547 : vector<4096x32xf32>
    %add3A_549 = vector.broadcast %sub3A_529 : vector<1x32xf32> to vector<4096x32xf32>
    %add3A_550 = arith.addf %mul3A_548, %add3A_549 : vector<4096x32xf32>
    %max3A_551 = arith.constant 0.000000e+00 : f32
    %max3A_552 = vector.broadcast %max3A_551 : f32 to vector<4096x32xf32>
    %max3A_553 = arith.maximumf %add3A_550, %max3A_552 : vector<4096x32xf32>
    %slice3A_554 = vector.extract_strided_slice %add3A_338 {offsets = [0, 96], sizes = [4096, 32], strides = [1, 1]} : vector<4096x512xf32> to vector<4096x32xf32>
    %mul3A_555 = vector.broadcast %div3A_521 : vector<1x32xf32> to vector<4096x32xf32>
    %mul3A_556 = arith.mulf %slice3A_554, %mul3A_555 : vector<4096x32xf32>
    %add3A_557 = vector.broadcast %sub3A_529 : vector<1x32xf32> to vector<4096x32xf32>
    %add3A_558 = arith.addf %mul3A_556, %add3A_557 : vector<4096x32xf32>
    %max3A_559 = arith.constant 0.000000e+00 : f32
    %max3A_560 = vector.broadcast %max3A_559 : f32 to vector<4096x32xf32>
    %max3A_561 = arith.maximumf %add3A_558, %max3A_560 : vector<4096x32xf32>
    %slice3A_562 = vector.extract_strided_slice %add3A_338 {offsets = [0, 128], sizes = [4096, 32], strides = [1, 1]} : vector<4096x512xf32> to vector<4096x32xf32>
    %mul3A_563 = vector.broadcast %div3A_521 : vector<1x32xf32> to vector<4096x32xf32>
    %mul3A_564 = arith.mulf %slice3A_562, %mul3A_563 : vector<4096x32xf32>
    %add3A_565 = vector.broadcast %sub3A_529 : vector<1x32xf32> to vector<4096x32xf32>
    %add3A_566 = arith.addf %mul3A_564, %add3A_565 : vector<4096x32xf32>
    %max3A_567 = arith.constant 0.000000e+00 : f32
    %max3A_568 = vector.broadcast %max3A_567 : f32 to vector<4096x32xf32>
    %max3A_569 = arith.maximumf %add3A_566, %max3A_568 : vector<4096x32xf32>
    %slice3A_570 = vector.extract_strided_slice %add3A_338 {offsets = [0, 160], sizes = [4096, 32], strides = [1, 1]} : vector<4096x512xf32> to vector<4096x32xf32>
    %mul3A_571 = vector.broadcast %div3A_521 : vector<1x32xf32> to vector<4096x32xf32>
    %mul3A_572 = arith.mulf %slice3A_570, %mul3A_571 : vector<4096x32xf32>
    %add3A_573 = vector.broadcast %sub3A_529 : vector<1x32xf32> to vector<4096x32xf32>
    %add3A_574 = arith.addf %mul3A_572, %add3A_573 : vector<4096x32xf32>
    %max3A_575 = arith.constant 0.000000e+00 : f32
    %max3A_576 = vector.broadcast %max3A_575 : f32 to vector<4096x32xf32>
    %max3A_577 = arith.maximumf %add3A_574, %max3A_576 : vector<4096x32xf32>
    %slice3A_578 = vector.extract_strided_slice %add3A_338 {offsets = [0, 192], sizes = [4096, 32], strides = [1, 1]} : vector<4096x512xf32> to vector<4096x32xf32>
    %mul3A_579 = vector.broadcast %div3A_521 : vector<1x32xf32> to vector<4096x32xf32>
    %mul3A_580 = arith.mulf %slice3A_578, %mul3A_579 : vector<4096x32xf32>
    %add3A_581 = vector.broadcast %sub3A_529 : vector<1x32xf32> to vector<4096x32xf32>
    %add3A_582 = arith.addf %mul3A_580, %add3A_581 : vector<4096x32xf32>
    %max3A_583 = arith.constant 0.000000e+00 : f32
    %max3A_584 = vector.broadcast %max3A_583 : f32 to vector<4096x32xf32>
    %max3A_585 = arith.maximumf %add3A_582, %max3A_584 : vector<4096x32xf32>
    %slice3A_586 = vector.extract_strided_slice %add3A_338 {offsets = [0, 224], sizes = [4096, 32], strides = [1, 1]} : vector<4096x512xf32> to vector<4096x32xf32>
    %mul3A_587 = vector.broadcast %div3A_521 : vector<1x32xf32> to vector<4096x32xf32>
    %mul3A_588 = arith.mulf %slice3A_586, %mul3A_587 : vector<4096x32xf32>
    %add3A_589 = vector.broadcast %sub3A_529 : vector<1x32xf32> to vector<4096x32xf32>
    %add3A_590 = arith.addf %mul3A_588, %add3A_589 : vector<4096x32xf32>
    %max3A_591 = arith.constant 0.000000e+00 : f32
    %max3A_592 = vector.broadcast %max3A_591 : f32 to vector<4096x32xf32>
    %max3A_593 = arith.maximumf %add3A_590, %max3A_592 : vector<4096x32xf32>
    %slice3A_594 = vector.extract_strided_slice %add3A_338 {offsets = [0, 256], sizes = [4096, 32], strides = [1, 1]} : vector<4096x512xf32> to vector<4096x32xf32>
    %mul3A_595 = vector.broadcast %div3A_521 : vector<1x32xf32> to vector<4096x32xf32>
    %mul3A_596 = arith.mulf %slice3A_594, %mul3A_595 : vector<4096x32xf32>
    %add3A_597 = vector.broadcast %sub3A_529 : vector<1x32xf32> to vector<4096x32xf32>
    %add3A_598 = arith.addf %mul3A_596, %add3A_597 : vector<4096x32xf32>
    %max3A_599 = arith.constant 0.000000e+00 : f32
    %max3A_600 = vector.broadcast %max3A_599 : f32 to vector<4096x32xf32>
    %max3A_601 = arith.maximumf %add3A_598, %max3A_600 : vector<4096x32xf32>
    %slice3A_602 = vector.extract_strided_slice %add3A_338 {offsets = [0, 288], sizes = [4096, 32], strides = [1, 1]} : vector<4096x512xf32> to vector<4096x32xf32>
    %mul3A_603 = vector.broadcast %div3A_521 : vector<1x32xf32> to vector<4096x32xf32>
    %mul3A_604 = arith.mulf %slice3A_602, %mul3A_603 : vector<4096x32xf32>
    %add3A_605 = vector.broadcast %sub3A_529 : vector<1x32xf32> to vector<4096x32xf32>
    %add3A_606 = arith.addf %mul3A_604, %add3A_605 : vector<4096x32xf32>
    %max3A_607 = arith.constant 0.000000e+00 : f32
    %max3A_608 = vector.broadcast %max3A_607 : f32 to vector<4096x32xf32>
    %max3A_609 = arith.maximumf %add3A_606, %max3A_608 : vector<4096x32xf32>
    %slice3A_610 = vector.extract_strided_slice %add3A_338 {offsets = [0, 320], sizes = [4096, 32], strides = [1, 1]} : vector<4096x512xf32> to vector<4096x32xf32>
    %mul3A_611 = vector.broadcast %div3A_521 : vector<1x32xf32> to vector<4096x32xf32>
    %mul3A_612 = arith.mulf %slice3A_610, %mul3A_611 : vector<4096x32xf32>
    %add3A_613 = vector.broadcast %sub3A_529 : vector<1x32xf32> to vector<4096x32xf32>
    %add3A_614 = arith.addf %mul3A_612, %add3A_613 : vector<4096x32xf32>
    %max3A_615 = arith.constant 0.000000e+00 : f32
    %max3A_616 = vector.broadcast %max3A_615 : f32 to vector<4096x32xf32>
    %max3A_617 = arith.maximumf %add3A_614, %max3A_616 : vector<4096x32xf32>
    %slice3A_618 = vector.extract_strided_slice %add3A_338 {offsets = [0, 352], sizes = [4096, 32], strides = [1, 1]} : vector<4096x512xf32> to vector<4096x32xf32>
    %mul3A_619 = vector.broadcast %div3A_521 : vector<1x32xf32> to vector<4096x32xf32>
    %mul3A_620 = arith.mulf %slice3A_618, %mul3A_619 : vector<4096x32xf32>
    %add3A_621 = vector.broadcast %sub3A_529 : vector<1x32xf32> to vector<4096x32xf32>
    %add3A_622 = arith.addf %mul3A_620, %add3A_621 : vector<4096x32xf32>
    %max3A_623 = arith.constant 0.000000e+00 : f32
    %max3A_624 = vector.broadcast %max3A_623 : f32 to vector<4096x32xf32>
    %max3A_625 = arith.maximumf %add3A_622, %max3A_624 : vector<4096x32xf32>
    %slice3A_626 = vector.extract_strided_slice %add3A_338 {offsets = [0, 384], sizes = [4096, 32], strides = [1, 1]} : vector<4096x512xf32> to vector<4096x32xf32>
    %mul3A_627 = vector.broadcast %div3A_521 : vector<1x32xf32> to vector<4096x32xf32>
    %mul3A_628 = arith.mulf %slice3A_626, %mul3A_627 : vector<4096x32xf32>
    %add3A_629 = vector.broadcast %sub3A_529 : vector<1x32xf32> to vector<4096x32xf32>
    %add3A_630 = arith.addf %mul3A_628, %add3A_629 : vector<4096x32xf32>
    %max3A_631 = arith.constant 0.000000e+00 : f32
    %max3A_632 = vector.broadcast %max3A_631 : f32 to vector<4096x32xf32>
    %max3A_633 = arith.maximumf %add3A_630, %max3A_632 : vector<4096x32xf32>
    %slice3A_634 = vector.extract_strided_slice %add3A_338 {offsets = [0, 416], sizes = [4096, 32], strides = [1, 1]} : vector<4096x512xf32> to vector<4096x32xf32>
    %mul3A_635 = vector.broadcast %div3A_521 : vector<1x32xf32> to vector<4096x32xf32>
    %mul3A_636 = arith.mulf %slice3A_634, %mul3A_635 : vector<4096x32xf32>
    %add3A_637 = vector.broadcast %sub3A_529 : vector<1x32xf32> to vector<4096x32xf32>
    %add3A_638 = arith.addf %mul3A_636, %add3A_637 : vector<4096x32xf32>
    %max3A_639 = arith.constant 0.000000e+00 : f32
    %max3A_640 = vector.broadcast %max3A_639 : f32 to vector<4096x32xf32>
    %max3A_641 = arith.maximumf %add3A_638, %max3A_640 : vector<4096x32xf32>
    %slice3A_642 = vector.extract_strided_slice %add3A_338 {offsets = [0, 448], sizes = [4096, 32], strides = [1, 1]} : vector<4096x512xf32> to vector<4096x32xf32>
    %mul3A_643 = vector.broadcast %div3A_521 : vector<1x32xf32> to vector<4096x32xf32>
    %mul3A_644 = arith.mulf %slice3A_642, %mul3A_643 : vector<4096x32xf32>
    %add3A_645 = vector.broadcast %sub3A_529 : vector<1x32xf32> to vector<4096x32xf32>
    %add3A_646 = arith.addf %mul3A_644, %add3A_645 : vector<4096x32xf32>
    %max3A_647 = arith.constant 0.000000e+00 : f32
    %max3A_648 = vector.broadcast %max3A_647 : f32 to vector<4096x32xf32>
    %max3A_649 = arith.maximumf %add3A_646, %max3A_648 : vector<4096x32xf32>
    %slice3A_650 = vector.extract_strided_slice %add3A_338 {offsets = [0, 480], sizes = [4096, 32], strides = [1, 1]} : vector<4096x512xf32> to vector<4096x32xf32>
    %mul3A_651 = vector.broadcast %div3A_521 : vector<1x32xf32> to vector<4096x32xf32>
    %mul3A_652 = arith.mulf %slice3A_650, %mul3A_651 : vector<4096x32xf32>
    %add3A_653 = vector.broadcast %sub3A_529 : vector<1x32xf32> to vector<4096x32xf32>
    %add3A_654 = arith.addf %mul3A_652, %add3A_653 : vector<4096x32xf32>
    %max3A_655 = arith.constant 0.000000e+00 : f32
    %max3A_656 = vector.broadcast %max3A_655 : f32 to vector<4096x32xf32>
    %max3A_657 = arith.maximumf %add3A_654, %max3A_656 : vector<4096x32xf32>
    %concatenate3A_658 = tpu.concatenate %max3A_537, %max3A_545, %max3A_553, %max3A_561, %max3A_569, %max3A_577, %max3A_585, %max3A_593, %max3A_601, %max3A_609, %max3A_617, %max3A_625, %max3A_633, %max3A_641, %max3A_649, %max3A_657 in 1 : vector<4096x32xf32>, vector<4096x32xf32>, vector<4096x32xf32>, vector<4096x32xf32>, vector<4096x32xf32>, vector<4096x32xf32>, vector<4096x32xf32>, vector<4096x32xf32>, vector<4096x32xf32>, vector<4096x32xf32>, vector<4096x32xf32>, vector<4096x32xf32>, vector<4096x32xf32>, vector<4096x32xf32>, vector<4096x32xf32>, vector<4096x32xf32> -> vector<4096x512xf32>
    %get3A_659 = arith.constant 0 : index
    %get3A_660 = arith.constant 0 : index
    %get3A_661 = vector.load %arg4[%get3A_659, %get3A_660] : memref<512x1024xf32, #tpu.memory_space<vmem>>, vector<512x1024xf32>
    %dot_general3A_662 = arith.constant dense<0.000000e+00> : vector<4096x1024xf32>
    %dot_general3A_663 = tpu.matmul %concatenate3A_658, %get3A_661, %dot_general3A_662 {dimension_numbers = #tpu.dot_dimension_numbers<[1], [0], [0], [1], [0, 0, 1, 1], [], []>, transpose_lhs_hint = false} : vector<4096x512xf32>, vector<512x1024xf32>, vector<4096x1024xf32> -> vector<4096x1024xf32>
    %get3A_664 = arith.constant 0 : index
    %get3A_665 = arith.constant 0 : index
    %get3A_666 = vector.load %arg7[%get3A_664, %get3A_665] : memref<3x1024xf32, #tpu.memory_space<vmem>>, vector<1x1024xf32>
    %get3A_667 = vector.shape_cast %get3A_666 : vector<1x1024xf32> to vector<1024xf32>
    %broadcast_in_dim3A_668 = vector.shape_cast %get3A_667 : vector<1024xf32> to vector<1x1024xf32>
    %add3A_669 = vector.broadcast %broadcast_in_dim3A_668 : vector<1x1024xf32> to vector<4096x1024xf32>
    %add3A_670 = arith.addf %dot_general3A_663, %add3A_669 : vector<4096x1024xf32>
    %broadcast_in_dim3A_671 = arith.constant 0.000000e+00 : f32
    %broadcast_in_dim3A_672 = vector.broadcast %broadcast_in_dim3A_671 : f32 to vector<1x64xf32>
    %broadcast_in_dim3A_673 = arith.constant 0.000000e+00 : f32
    %broadcast_in_dim3A_674 = vector.broadcast %broadcast_in_dim3A_673 : f32 to vector<1x64xf32>
    %slice3A_675 = vector.extract_strided_slice %add3A_670 {offsets = [0, 0], sizes = [4096, 64], strides = [1, 1]} : vector<4096x1024xf32> to vector<4096x64xf32>
    %reduce_sum3A_676 = arith.constant dense<0.000000e+00> : vector<64xf32>
    %reduce_sum3A_677 = vector.multi_reduction <add>, %slice3A_675, %reduce_sum3A_676 [0] : vector<4096x64xf32> to vector<64xf32>
    %broadcast_in_dim3A_678 = vector.shape_cast %reduce_sum3A_677 : vector<64xf32> to vector<1x64xf32>
    %add3A_679 = arith.addf %broadcast_in_dim3A_672, %broadcast_in_dim3A_678 : vector<1x64xf32>
    %mul3A_680 = arith.mulf %slice3A_675, %slice3A_675 : vector<4096x64xf32>
    %reduce_sum3A_681 = arith.constant dense<0.000000e+00> : vector<64xf32>
    %reduce_sum3A_682 = vector.multi_reduction <add>, %mul3A_680, %reduce_sum3A_681 [0] : vector<4096x64xf32> to vector<64xf32>
    %broadcast_in_dim3A_683 = vector.shape_cast %reduce_sum3A_682 : vector<64xf32> to vector<1x64xf32>
    %add3A_684 = arith.addf %broadcast_in_dim3A_674, %broadcast_in_dim3A_683 : vector<1x64xf32>
    %slice3A_685 = vector.extract_strided_slice %add3A_670 {offsets = [0, 64], sizes = [4096, 64], strides = [1, 1]} : vector<4096x1024xf32> to vector<4096x64xf32>
    %reduce_sum3A_686 = arith.constant dense<0.000000e+00> : vector<64xf32>
    %reduce_sum3A_687 = vector.multi_reduction <add>, %slice3A_685, %reduce_sum3A_686 [0] : vector<4096x64xf32> to vector<64xf32>
    %broadcast_in_dim3A_688 = vector.shape_cast %reduce_sum3A_687 : vector<64xf32> to vector<1x64xf32>
    %add3A_689 = arith.addf %add3A_679, %broadcast_in_dim3A_688 : vector<1x64xf32>
    %mul3A_690 = arith.mulf %slice3A_685, %slice3A_685 : vector<4096x64xf32>
    %reduce_sum3A_691 = arith.constant dense<0.000000e+00> : vector<64xf32>
    %reduce_sum3A_692 = vector.multi_reduction <add>, %mul3A_690, %reduce_sum3A_691 [0] : vector<4096x64xf32> to vector<64xf32>
    %broadcast_in_dim3A_693 = vector.shape_cast %reduce_sum3A_692 : vector<64xf32> to vector<1x64xf32>
    %add3A_694 = arith.addf %add3A_684, %broadcast_in_dim3A_693 : vector<1x64xf32>
    %slice3A_695 = vector.extract_strided_slice %add3A_670 {offsets = [0, 128], sizes = [4096, 64], strides = [1, 1]} : vector<4096x1024xf32> to vector<4096x64xf32>
    %reduce_sum3A_696 = arith.constant dense<0.000000e+00> : vector<64xf32>
    %reduce_sum3A_697 = vector.multi_reduction <add>, %slice3A_695, %reduce_sum3A_696 [0] : vector<4096x64xf32> to vector<64xf32>
    %broadcast_in_dim3A_698 = vector.shape_cast %reduce_sum3A_697 : vector<64xf32> to vector<1x64xf32>
    %add3A_699 = arith.addf %add3A_689, %broadcast_in_dim3A_698 : vector<1x64xf32>
    %mul3A_700 = arith.mulf %slice3A_695, %slice3A_695 : vector<4096x64xf32>
    %reduce_sum3A_701 = arith.constant dense<0.000000e+00> : vector<64xf32>
    %reduce_sum3A_702 = vector.multi_reduction <add>, %mul3A_700, %reduce_sum3A_701 [0] : vector<4096x64xf32> to vector<64xf32>
    %broadcast_in_dim3A_703 = vector.shape_cast %reduce_sum3A_702 : vector<64xf32> to vector<1x64xf32>
    %add3A_704 = arith.addf %add3A_694, %broadcast_in_dim3A_703 : vector<1x64xf32>
    %slice3A_705 = vector.extract_strided_slice %add3A_670 {offsets = [0, 192], sizes = [4096, 64], strides = [1, 1]} : vector<4096x1024xf32> to vector<4096x64xf32>
    %reduce_sum3A_706 = arith.constant dense<0.000000e+00> : vector<64xf32>
    %reduce_sum3A_707 = vector.multi_reduction <add>, %slice3A_705, %reduce_sum3A_706 [0] : vector<4096x64xf32> to vector<64xf32>
    %broadcast_in_dim3A_708 = vector.shape_cast %reduce_sum3A_707 : vector<64xf32> to vector<1x64xf32>
    %add3A_709 = arith.addf %add3A_699, %broadcast_in_dim3A_708 : vector<1x64xf32>
    %mul3A_710 = arith.mulf %slice3A_705, %slice3A_705 : vector<4096x64xf32>
    %reduce_sum3A_711 = arith.constant dense<0.000000e+00> : vector<64xf32>
    %reduce_sum3A_712 = vector.multi_reduction <add>, %mul3A_710, %reduce_sum3A_711 [0] : vector<4096x64xf32> to vector<64xf32>
    %broadcast_in_dim3A_713 = vector.shape_cast %reduce_sum3A_712 : vector<64xf32> to vector<1x64xf32>
    %add3A_714 = arith.addf %add3A_704, %broadcast_in_dim3A_713 : vector<1x64xf32>
    %slice3A_715 = vector.extract_strided_slice %add3A_670 {offsets = [0, 256], sizes = [4096, 64], strides = [1, 1]} : vector<4096x1024xf32> to vector<4096x64xf32>
    %reduce_sum3A_716 = arith.constant dense<0.000000e+00> : vector<64xf32>
    %reduce_sum3A_717 = vector.multi_reduction <add>, %slice3A_715, %reduce_sum3A_716 [0] : vector<4096x64xf32> to vector<64xf32>
    %broadcast_in_dim3A_718 = vector.shape_cast %reduce_sum3A_717 : vector<64xf32> to vector<1x64xf32>
    %add3A_719 = arith.addf %add3A_709, %broadcast_in_dim3A_718 : vector<1x64xf32>
    %mul3A_720 = arith.mulf %slice3A_715, %slice3A_715 : vector<4096x64xf32>
    %reduce_sum3A_721 = arith.constant dense<0.000000e+00> : vector<64xf32>
    %reduce_sum3A_722 = vector.multi_reduction <add>, %mul3A_720, %reduce_sum3A_721 [0] : vector<4096x64xf32> to vector<64xf32>
    %broadcast_in_dim3A_723 = vector.shape_cast %reduce_sum3A_722 : vector<64xf32> to vector<1x64xf32>
    %add3A_724 = arith.addf %add3A_714, %broadcast_in_dim3A_723 : vector<1x64xf32>
    %slice3A_725 = vector.extract_strided_slice %add3A_670 {offsets = [0, 320], sizes = [4096, 64], strides = [1, 1]} : vector<4096x1024xf32> to vector<4096x64xf32>
    %reduce_sum3A_726 = arith.constant dense<0.000000e+00> : vector<64xf32>
    %reduce_sum3A_727 = vector.multi_reduction <add>, %slice3A_725, %reduce_sum3A_726 [0] : vector<4096x64xf32> to vector<64xf32>
    %broadcast_in_dim3A_728 = vector.shape_cast %reduce_sum3A_727 : vector<64xf32> to vector<1x64xf32>
    %add3A_729 = arith.addf %add3A_719, %broadcast_in_dim3A_728 : vector<1x64xf32>
    %mul3A_730 = arith.mulf %slice3A_725, %slice3A_725 : vector<4096x64xf32>
    %reduce_sum3A_731 = arith.constant dense<0.000000e+00> : vector<64xf32>
    %reduce_sum3A_732 = vector.multi_reduction <add>, %mul3A_730, %reduce_sum3A_731 [0] : vector<4096x64xf32> to vector<64xf32>
    %broadcast_in_dim3A_733 = vector.shape_cast %reduce_sum3A_732 : vector<64xf32> to vector<1x64xf32>
    %add3A_734 = arith.addf %add3A_724, %broadcast_in_dim3A_733 : vector<1x64xf32>
    %slice3A_735 = vector.extract_strided_slice %add3A_670 {offsets = [0, 384], sizes = [4096, 64], strides = [1, 1]} : vector<4096x1024xf32> to vector<4096x64xf32>
    %reduce_sum3A_736 = arith.constant dense<0.000000e+00> : vector<64xf32>
    %reduce_sum3A_737 = vector.multi_reduction <add>, %slice3A_735, %reduce_sum3A_736 [0] : vector<4096x64xf32> to vector<64xf32>
    %broadcast_in_dim3A_738 = vector.shape_cast %reduce_sum3A_737 : vector<64xf32> to vector<1x64xf32>
    %add3A_739 = arith.addf %add3A_729, %broadcast_in_dim3A_738 : vector<1x64xf32>
    %mul3A_740 = arith.mulf %slice3A_735, %slice3A_735 : vector<4096x64xf32>
    %reduce_sum3A_741 = arith.constant dense<0.000000e+00> : vector<64xf32>
    %reduce_sum3A_742 = vector.multi_reduction <add>, %mul3A_740, %reduce_sum3A_741 [0] : vector<4096x64xf32> to vector<64xf32>
    %broadcast_in_dim3A_743 = vector.shape_cast %reduce_sum3A_742 : vector<64xf32> to vector<1x64xf32>
    %add3A_744 = arith.addf %add3A_734, %broadcast_in_dim3A_743 : vector<1x64xf32>
    %slice3A_745 = vector.extract_strided_slice %add3A_670 {offsets = [0, 448], sizes = [4096, 64], strides = [1, 1]} : vector<4096x1024xf32> to vector<4096x64xf32>
    %reduce_sum3A_746 = arith.constant dense<0.000000e+00> : vector<64xf32>
    %reduce_sum3A_747 = vector.multi_reduction <add>, %slice3A_745, %reduce_sum3A_746 [0] : vector<4096x64xf32> to vector<64xf32>
    %broadcast_in_dim3A_748 = vector.shape_cast %reduce_sum3A_747 : vector<64xf32> to vector<1x64xf32>
    %add3A_749 = arith.addf %add3A_739, %broadcast_in_dim3A_748 : vector<1x64xf32>
    %mul3A_750 = arith.mulf %slice3A_745, %slice3A_745 : vector<4096x64xf32>
    %reduce_sum3A_751 = arith.constant dense<0.000000e+00> : vector<64xf32>
    %reduce_sum3A_752 = vector.multi_reduction <add>, %mul3A_750, %reduce_sum3A_751 [0] : vector<4096x64xf32> to vector<64xf32>
    %broadcast_in_dim3A_753 = vector.shape_cast %reduce_sum3A_752 : vector<64xf32> to vector<1x64xf32>
    %add3A_754 = arith.addf %add3A_744, %broadcast_in_dim3A_753 : vector<1x64xf32>
    %slice3A_755 = vector.extract_strided_slice %add3A_670 {offsets = [0, 512], sizes = [4096, 64], strides = [1, 1]} : vector<4096x1024xf32> to vector<4096x64xf32>
    %reduce_sum3A_756 = arith.constant dense<0.000000e+00> : vector<64xf32>
    %reduce_sum3A_757 = vector.multi_reduction <add>, %slice3A_755, %reduce_sum3A_756 [0] : vector<4096x64xf32> to vector<64xf32>
    %broadcast_in_dim3A_758 = vector.shape_cast %reduce_sum3A_757 : vector<64xf32> to vector<1x64xf32>
    %add3A_759 = arith.addf %add3A_749, %broadcast_in_dim3A_758 : vector<1x64xf32>
    %mul3A_760 = arith.mulf %slice3A_755, %slice3A_755 : vector<4096x64xf32>
    %reduce_sum3A_761 = arith.constant dense<0.000000e+00> : vector<64xf32>
    %reduce_sum3A_762 = vector.multi_reduction <add>, %mul3A_760, %reduce_sum3A_761 [0] : vector<4096x64xf32> to vector<64xf32>
    %broadcast_in_dim3A_763 = vector.shape_cast %reduce_sum3A_762 : vector<64xf32> to vector<1x64xf32>
    %add3A_764 = arith.addf %add3A_754, %broadcast_in_dim3A_763 : vector<1x64xf32>
    %slice3A_765 = vector.extract_strided_slice %add3A_670 {offsets = [0, 576], sizes = [4096, 64], strides = [1, 1]} : vector<4096x1024xf32> to vector<4096x64xf32>
    %reduce_sum3A_766 = arith.constant dense<0.000000e+00> : vector<64xf32>
    %reduce_sum3A_767 = vector.multi_reduction <add>, %slice3A_765, %reduce_sum3A_766 [0] : vector<4096x64xf32> to vector<64xf32>
    %broadcast_in_dim3A_768 = vector.shape_cast %reduce_sum3A_767 : vector<64xf32> to vector<1x64xf32>
    %add3A_769 = arith.addf %add3A_759, %broadcast_in_dim3A_768 : vector<1x64xf32>
    %mul3A_770 = arith.mulf %slice3A_765, %slice3A_765 : vector<4096x64xf32>
    %reduce_sum3A_771 = arith.constant dense<0.000000e+00> : vector<64xf32>
    %reduce_sum3A_772 = vector.multi_reduction <add>, %mul3A_770, %reduce_sum3A_771 [0] : vector<4096x64xf32> to vector<64xf32>
    %broadcast_in_dim3A_773 = vector.shape_cast %reduce_sum3A_772 : vector<64xf32> to vector<1x64xf32>
    %add3A_774 = arith.addf %add3A_764, %broadcast_in_dim3A_773 : vector<1x64xf32>
    %slice3A_775 = vector.extract_strided_slice %add3A_670 {offsets = [0, 640], sizes = [4096, 64], strides = [1, 1]} : vector<4096x1024xf32> to vector<4096x64xf32>
    %reduce_sum3A_776 = arith.constant dense<0.000000e+00> : vector<64xf32>
    %reduce_sum3A_777 = vector.multi_reduction <add>, %slice3A_775, %reduce_sum3A_776 [0] : vector<4096x64xf32> to vector<64xf32>
    %broadcast_in_dim3A_778 = vector.shape_cast %reduce_sum3A_777 : vector<64xf32> to vector<1x64xf32>
    %add3A_779 = arith.addf %add3A_769, %broadcast_in_dim3A_778 : vector<1x64xf32>
    %mul3A_780 = arith.mulf %slice3A_775, %slice3A_775 : vector<4096x64xf32>
    %reduce_sum3A_781 = arith.constant dense<0.000000e+00> : vector<64xf32>
    %reduce_sum3A_782 = vector.multi_reduction <add>, %mul3A_780, %reduce_sum3A_781 [0] : vector<4096x64xf32> to vector<64xf32>
    %broadcast_in_dim3A_783 = vector.shape_cast %reduce_sum3A_782 : vector<64xf32> to vector<1x64xf32>
    %add3A_784 = arith.addf %add3A_774, %broadcast_in_dim3A_783 : vector<1x64xf32>
    %slice3A_785 = vector.extract_strided_slice %add3A_670 {offsets = [0, 704], sizes = [4096, 64], strides = [1, 1]} : vector<4096x1024xf32> to vector<4096x64xf32>
    %reduce_sum3A_786 = arith.constant dense<0.000000e+00> : vector<64xf32>
    %reduce_sum3A_787 = vector.multi_reduction <add>, %slice3A_785, %reduce_sum3A_786 [0] : vector<4096x64xf32> to vector<64xf32>
    %broadcast_in_dim3A_788 = vector.shape_cast %reduce_sum3A_787 : vector<64xf32> to vector<1x64xf32>
    %add3A_789 = arith.addf %add3A_779, %broadcast_in_dim3A_788 : vector<1x64xf32>
    %mul3A_790 = arith.mulf %slice3A_785, %slice3A_785 : vector<4096x64xf32>
    %reduce_sum3A_791 = arith.constant dense<0.000000e+00> : vector<64xf32>
    %reduce_sum3A_792 = vector.multi_reduction <add>, %mul3A_790, %reduce_sum3A_791 [0] : vector<4096x64xf32> to vector<64xf32>
    %broadcast_in_dim3A_793 = vector.shape_cast %reduce_sum3A_792 : vector<64xf32> to vector<1x64xf32>
    %add3A_794 = arith.addf %add3A_784, %broadcast_in_dim3A_793 : vector<1x64xf32>
    %slice3A_795 = vector.extract_strided_slice %add3A_670 {offsets = [0, 768], sizes = [4096, 64], strides = [1, 1]} : vector<4096x1024xf32> to vector<4096x64xf32>
    %reduce_sum3A_796 = arith.constant dense<0.000000e+00> : vector<64xf32>
    %reduce_sum3A_797 = vector.multi_reduction <add>, %slice3A_795, %reduce_sum3A_796 [0] : vector<4096x64xf32> to vector<64xf32>
    %broadcast_in_dim3A_798 = vector.shape_cast %reduce_sum3A_797 : vector<64xf32> to vector<1x64xf32>
    %add3A_799 = arith.addf %add3A_789, %broadcast_in_dim3A_798 : vector<1x64xf32>
    %mul3A_800 = arith.mulf %slice3A_795, %slice3A_795 : vector<4096x64xf32>
    %reduce_sum3A_801 = arith.constant dense<0.000000e+00> : vector<64xf32>
    %reduce_sum3A_802 = vector.multi_reduction <add>, %mul3A_800, %reduce_sum3A_801 [0] : vector<4096x64xf32> to vector<64xf32>
    %broadcast_in_dim3A_803 = vector.shape_cast %reduce_sum3A_802 : vector<64xf32> to vector<1x64xf32>
    %add3A_804 = arith.addf %add3A_794, %broadcast_in_dim3A_803 : vector<1x64xf32>
    %slice3A_805 = vector.extract_strided_slice %add3A_670 {offsets = [0, 832], sizes = [4096, 64], strides = [1, 1]} : vector<4096x1024xf32> to vector<4096x64xf32>
    %reduce_sum3A_806 = arith.constant dense<0.000000e+00> : vector<64xf32>
    %reduce_sum3A_807 = vector.multi_reduction <add>, %slice3A_805, %reduce_sum3A_806 [0] : vector<4096x64xf32> to vector<64xf32>
    %broadcast_in_dim3A_808 = vector.shape_cast %reduce_sum3A_807 : vector<64xf32> to vector<1x64xf32>
    %add3A_809 = arith.addf %add3A_799, %broadcast_in_dim3A_808 : vector<1x64xf32>
    %mul3A_810 = arith.mulf %slice3A_805, %slice3A_805 : vector<4096x64xf32>
    %reduce_sum3A_811 = arith.constant dense<0.000000e+00> : vector<64xf32>
    %reduce_sum3A_812 = vector.multi_reduction <add>, %mul3A_810, %reduce_sum3A_811 [0] : vector<4096x64xf32> to vector<64xf32>
    %broadcast_in_dim3A_813 = vector.shape_cast %reduce_sum3A_812 : vector<64xf32> to vector<1x64xf32>
    %add3A_814 = arith.addf %add3A_804, %broadcast_in_dim3A_813 : vector<1x64xf32>
    %slice3A_815 = vector.extract_strided_slice %add3A_670 {offsets = [0, 896], sizes = [4096, 64], strides = [1, 1]} : vector<4096x1024xf32> to vector<4096x64xf32>
    %reduce_sum3A_816 = arith.constant dense<0.000000e+00> : vector<64xf32>
    %reduce_sum3A_817 = vector.multi_reduction <add>, %slice3A_815, %reduce_sum3A_816 [0] : vector<4096x64xf32> to vector<64xf32>
    %broadcast_in_dim3A_818 = vector.shape_cast %reduce_sum3A_817 : vector<64xf32> to vector<1x64xf32>
    %add3A_819 = arith.addf %add3A_809, %broadcast_in_dim3A_818 : vector<1x64xf32>
    %mul3A_820 = arith.mulf %slice3A_815, %slice3A_815 : vector<4096x64xf32>
    %reduce_sum3A_821 = arith.constant dense<0.000000e+00> : vector<64xf32>
    %reduce_sum3A_822 = vector.multi_reduction <add>, %mul3A_820, %reduce_sum3A_821 [0] : vector<4096x64xf32> to vector<64xf32>
    %broadcast_in_dim3A_823 = vector.shape_cast %reduce_sum3A_822 : vector<64xf32> to vector<1x64xf32>
    %add3A_824 = arith.addf %add3A_814, %broadcast_in_dim3A_823 : vector<1x64xf32>
    %slice3A_825 = vector.extract_strided_slice %add3A_670 {offsets = [0, 960], sizes = [4096, 64], strides = [1, 1]} : vector<4096x1024xf32> to vector<4096x64xf32>
    %reduce_sum3A_826 = arith.constant dense<0.000000e+00> : vector<64xf32>
    %reduce_sum3A_827 = vector.multi_reduction <add>, %slice3A_825, %reduce_sum3A_826 [0] : vector<4096x64xf32> to vector<64xf32>
    %broadcast_in_dim3A_828 = vector.shape_cast %reduce_sum3A_827 : vector<64xf32> to vector<1x64xf32>
    %add3A_829 = arith.addf %add3A_819, %broadcast_in_dim3A_828 : vector<1x64xf32>
    %mul3A_830 = arith.mulf %slice3A_825, %slice3A_825 : vector<4096x64xf32>
    %reduce_sum3A_831 = arith.constant dense<0.000000e+00> : vector<64xf32>
    %reduce_sum3A_832 = vector.multi_reduction <add>, %mul3A_830, %reduce_sum3A_831 [0] : vector<4096x64xf32> to vector<64xf32>
    %broadcast_in_dim3A_833 = vector.shape_cast %reduce_sum3A_832 : vector<64xf32> to vector<1x64xf32>
    %add3A_834 = arith.addf %add3A_824, %broadcast_in_dim3A_833 : vector<1x64xf32>
    %div3A_835 = arith.constant 6.553600e+04 : f32
    %div3A_836 = vector.broadcast %div3A_835 : f32 to vector<1x64xf32>
    %div3A_837 = arith.divf %add3A_829, %div3A_836 : vector<1x64xf32>
    %div3A_838 = arith.constant 6.553600e+04 : f32
    %div3A_839 = vector.broadcast %div3A_838 : f32 to vector<1x64xf32>
    %div3A_840 = arith.divf %add3A_834, %div3A_839 : vector<1x64xf32>
    %mul3A_841 = arith.mulf %div3A_837, %div3A_837 : vector<1x64xf32>
    %sub3A_842 = arith.subf %div3A_840, %mul3A_841 : vector<1x64xf32>
    %get3A_843 = arith.constant 1 : index
    %get3A_844 = arith.constant 0 : index
    %get3A_845 = vector.load %arg7[%get3A_843, %get3A_844] : memref<3x1024xf32, #tpu.memory_space<vmem>>, vector<1x1024xf32>
    %get3A_846 = vector.shape_cast %get3A_845 : vector<1x1024xf32> to vector<1024xf32>
    %slice3A_847 = vector.extract_strided_slice %get3A_846 {offsets = [0], sizes = [64], strides = [1]} : vector<1024xf32> to vector<64xf32>
    %broadcast_in_dim3A_848 = vector.shape_cast %slice3A_847 : vector<64xf32> to vector<1x64xf32>
    %add3A_849 = arith.constant 1.000000e-03 : f32
    %add3A_850 = vector.broadcast %add3A_849 : f32 to vector<1x64xf32>
    %add3A_851 = arith.addf %sub3A_842, %add3A_850 : vector<1x64xf32>
    %sqrt3A_852 = math.sqrt %add3A_851 : vector<1x64xf32>
    %div3A_853 = arith.divf %broadcast_in_dim3A_848, %sqrt3A_852 : vector<1x64xf32>
    %get3A_854 = arith.constant 2 : index
    %get3A_855 = arith.constant 0 : index
    %get3A_856 = vector.load %arg7[%get3A_854, %get3A_855] : memref<3x1024xf32, #tpu.memory_space<vmem>>, vector<1x1024xf32>
    %get3A_857 = vector.shape_cast %get3A_856 : vector<1x1024xf32> to vector<1024xf32>
    %slice3A_858 = vector.extract_strided_slice %get3A_857 {offsets = [0], sizes = [64], strides = [1]} : vector<1024xf32> to vector<64xf32>
    %broadcast_in_dim3A_859 = vector.shape_cast %slice3A_858 : vector<64xf32> to vector<1x64xf32>
    %mul3A_860 = arith.mulf %div3A_837, %div3A_853 : vector<1x64xf32>
    %sub3A_861 = arith.subf %broadcast_in_dim3A_859, %mul3A_860 : vector<1x64xf32>
    %slice3A_862 = vector.extract_strided_slice %add3A_670 {offsets = [0, 0], sizes = [4096, 64], strides = [1, 1]} : vector<4096x1024xf32> to vector<4096x64xf32>
    %mul3A_863 = vector.broadcast %div3A_853 : vector<1x64xf32> to vector<4096x64xf32>
    %mul3A_864 = arith.mulf %slice3A_862, %mul3A_863 : vector<4096x64xf32>
    %add3A_865 = vector.broadcast %sub3A_861 : vector<1x64xf32> to vector<4096x64xf32>
    %add3A_866 = arith.addf %mul3A_864, %add3A_865 : vector<4096x64xf32>
    %max3A_867 = arith.constant 0.000000e+00 : f32
    %max3A_868 = vector.broadcast %max3A_867 : f32 to vector<4096x64xf32>
    %max3A_869 = arith.maximumf %add3A_866, %max3A_868 : vector<4096x64xf32>
    %slice3A_870 = vector.extract_strided_slice %add3A_670 {offsets = [0, 64], sizes = [4096, 64], strides = [1, 1]} : vector<4096x1024xf32> to vector<4096x64xf32>
    %mul3A_871 = vector.broadcast %div3A_853 : vector<1x64xf32> to vector<4096x64xf32>
    %mul3A_872 = arith.mulf %slice3A_870, %mul3A_871 : vector<4096x64xf32>
    %add3A_873 = vector.broadcast %sub3A_861 : vector<1x64xf32> to vector<4096x64xf32>
    %add3A_874 = arith.addf %mul3A_872, %add3A_873 : vector<4096x64xf32>
    %max3A_875 = arith.constant 0.000000e+00 : f32
    %max3A_876 = vector.broadcast %max3A_875 : f32 to vector<4096x64xf32>
    %max3A_877 = arith.maximumf %add3A_874, %max3A_876 : vector<4096x64xf32>
    %slice3A_878 = vector.extract_strided_slice %add3A_670 {offsets = [0, 128], sizes = [4096, 64], strides = [1, 1]} : vector<4096x1024xf32> to vector<4096x64xf32>
    %mul3A_879 = vector.broadcast %div3A_853 : vector<1x64xf32> to vector<4096x64xf32>
    %mul3A_880 = arith.mulf %slice3A_878, %mul3A_879 : vector<4096x64xf32>
    %add3A_881 = vector.broadcast %sub3A_861 : vector<1x64xf32> to vector<4096x64xf32>
    %add3A_882 = arith.addf %mul3A_880, %add3A_881 : vector<4096x64xf32>
    %max3A_883 = arith.constant 0.000000e+00 : f32
    %max3A_884 = vector.broadcast %max3A_883 : f32 to vector<4096x64xf32>
    %max3A_885 = arith.maximumf %add3A_882, %max3A_884 : vector<4096x64xf32>
    %slice3A_886 = vector.extract_strided_slice %add3A_670 {offsets = [0, 192], sizes = [4096, 64], strides = [1, 1]} : vector<4096x1024xf32> to vector<4096x64xf32>
    %mul3A_887 = vector.broadcast %div3A_853 : vector<1x64xf32> to vector<4096x64xf32>
    %mul3A_888 = arith.mulf %slice3A_886, %mul3A_887 : vector<4096x64xf32>
    %add3A_889 = vector.broadcast %sub3A_861 : vector<1x64xf32> to vector<4096x64xf32>
    %add3A_890 = arith.addf %mul3A_888, %add3A_889 : vector<4096x64xf32>
    %max3A_891 = arith.constant 0.000000e+00 : f32
    %max3A_892 = vector.broadcast %max3A_891 : f32 to vector<4096x64xf32>
    %max3A_893 = arith.maximumf %add3A_890, %max3A_892 : vector<4096x64xf32>
    %slice3A_894 = vector.extract_strided_slice %add3A_670 {offsets = [0, 256], sizes = [4096, 64], strides = [1, 1]} : vector<4096x1024xf32> to vector<4096x64xf32>
    %mul3A_895 = vector.broadcast %div3A_853 : vector<1x64xf32> to vector<4096x64xf32>
    %mul3A_896 = arith.mulf %slice3A_894, %mul3A_895 : vector<4096x64xf32>
    %add3A_897 = vector.broadcast %sub3A_861 : vector<1x64xf32> to vector<4096x64xf32>
    %add3A_898 = arith.addf %mul3A_896, %add3A_897 : vector<4096x64xf32>
    %max3A_899 = arith.constant 0.000000e+00 : f32
    %max3A_900 = vector.broadcast %max3A_899 : f32 to vector<4096x64xf32>
    %max3A_901 = arith.maximumf %add3A_898, %max3A_900 : vector<4096x64xf32>
    %slice3A_902 = vector.extract_strided_slice %add3A_670 {offsets = [0, 320], sizes = [4096, 64], strides = [1, 1]} : vector<4096x1024xf32> to vector<4096x64xf32>
    %mul3A_903 = vector.broadcast %div3A_853 : vector<1x64xf32> to vector<4096x64xf32>
    %mul3A_904 = arith.mulf %slice3A_902, %mul3A_903 : vector<4096x64xf32>
    %add3A_905 = vector.broadcast %sub3A_861 : vector<1x64xf32> to vector<4096x64xf32>
    %add3A_906 = arith.addf %mul3A_904, %add3A_905 : vector<4096x64xf32>
    %max3A_907 = arith.constant 0.000000e+00 : f32
    %max3A_908 = vector.broadcast %max3A_907 : f32 to vector<4096x64xf32>
    %max3A_909 = arith.maximumf %add3A_906, %max3A_908 : vector<4096x64xf32>
    %slice3A_910 = vector.extract_strided_slice %add3A_670 {offsets = [0, 384], sizes = [4096, 64], strides = [1, 1]} : vector<4096x1024xf32> to vector<4096x64xf32>
    %mul3A_911 = vector.broadcast %div3A_853 : vector<1x64xf32> to vector<4096x64xf32>
    %mul3A_912 = arith.mulf %slice3A_910, %mul3A_911 : vector<4096x64xf32>
    %add3A_913 = vector.broadcast %sub3A_861 : vector<1x64xf32> to vector<4096x64xf32>
    %add3A_914 = arith.addf %mul3A_912, %add3A_913 : vector<4096x64xf32>
    %max3A_915 = arith.constant 0.000000e+00 : f32
    %max3A_916 = vector.broadcast %max3A_915 : f32 to vector<4096x64xf32>
    %max3A_917 = arith.maximumf %add3A_914, %max3A_916 : vector<4096x64xf32>
    %slice3A_918 = vector.extract_strided_slice %add3A_670 {offsets = [0, 448], sizes = [4096, 64], strides = [1, 1]} : vector<4096x1024xf32> to vector<4096x64xf32>
    %mul3A_919 = vector.broadcast %div3A_853 : vector<1x64xf32> to vector<4096x64xf32>
    %mul3A_920 = arith.mulf %slice3A_918, %mul3A_919 : vector<4096x64xf32>
    %add3A_921 = vector.broadcast %sub3A_861 : vector<1x64xf32> to vector<4096x64xf32>
    %add3A_922 = arith.addf %mul3A_920, %add3A_921 : vector<4096x64xf32>
    %max3A_923 = arith.constant 0.000000e+00 : f32
    %max3A_924 = vector.broadcast %max3A_923 : f32 to vector<4096x64xf32>
    %max3A_925 = arith.maximumf %add3A_922, %max3A_924 : vector<4096x64xf32>
    %slice3A_926 = vector.extract_strided_slice %add3A_670 {offsets = [0, 512], sizes = [4096, 64], strides = [1, 1]} : vector<4096x1024xf32> to vector<4096x64xf32>
    %mul3A_927 = vector.broadcast %div3A_853 : vector<1x64xf32> to vector<4096x64xf32>
    %mul3A_928 = arith.mulf %slice3A_926, %mul3A_927 : vector<4096x64xf32>
    %add3A_929 = vector.broadcast %sub3A_861 : vector<1x64xf32> to vector<4096x64xf32>
    %add3A_930 = arith.addf %mul3A_928, %add3A_929 : vector<4096x64xf32>
    %max3A_931 = arith.constant 0.000000e+00 : f32
    %max3A_932 = vector.broadcast %max3A_931 : f32 to vector<4096x64xf32>
    %max3A_933 = arith.maximumf %add3A_930, %max3A_932 : vector<4096x64xf32>
    %slice3A_934 = vector.extract_strided_slice %add3A_670 {offsets = [0, 576], sizes = [4096, 64], strides = [1, 1]} : vector<4096x1024xf32> to vector<4096x64xf32>
    %mul3A_935 = vector.broadcast %div3A_853 : vector<1x64xf32> to vector<4096x64xf32>
    %mul3A_936 = arith.mulf %slice3A_934, %mul3A_935 : vector<4096x64xf32>
    %add3A_937 = vector.broadcast %sub3A_861 : vector<1x64xf32> to vector<4096x64xf32>
    %add3A_938 = arith.addf %mul3A_936, %add3A_937 : vector<4096x64xf32>
    %max3A_939 = arith.constant 0.000000e+00 : f32
    %max3A_940 = vector.broadcast %max3A_939 : f32 to vector<4096x64xf32>
    %max3A_941 = arith.maximumf %add3A_938, %max3A_940 : vector<4096x64xf32>
    %slice3A_942 = vector.extract_strided_slice %add3A_670 {offsets = [0, 640], sizes = [4096, 64], strides = [1, 1]} : vector<4096x1024xf32> to vector<4096x64xf32>
    %mul3A_943 = vector.broadcast %div3A_853 : vector<1x64xf32> to vector<4096x64xf32>
    %mul3A_944 = arith.mulf %slice3A_942, %mul3A_943 : vector<4096x64xf32>
    %add3A_945 = vector.broadcast %sub3A_861 : vector<1x64xf32> to vector<4096x64xf32>
    %add3A_946 = arith.addf %mul3A_944, %add3A_945 : vector<4096x64xf32>
    %max3A_947 = arith.constant 0.000000e+00 : f32
    %max3A_948 = vector.broadcast %max3A_947 : f32 to vector<4096x64xf32>
    %max3A_949 = arith.maximumf %add3A_946, %max3A_948 : vector<4096x64xf32>
    %slice3A_950 = vector.extract_strided_slice %add3A_670 {offsets = [0, 704], sizes = [4096, 64], strides = [1, 1]} : vector<4096x1024xf32> to vector<4096x64xf32>
    %mul3A_951 = vector.broadcast %div3A_853 : vector<1x64xf32> to vector<4096x64xf32>
    %mul3A_952 = arith.mulf %slice3A_950, %mul3A_951 : vector<4096x64xf32>
    %add3A_953 = vector.broadcast %sub3A_861 : vector<1x64xf32> to vector<4096x64xf32>
    %add3A_954 = arith.addf %mul3A_952, %add3A_953 : vector<4096x64xf32>
    %max3A_955 = arith.constant 0.000000e+00 : f32
    %max3A_956 = vector.broadcast %max3A_955 : f32 to vector<4096x64xf32>
    %max3A_957 = arith.maximumf %add3A_954, %max3A_956 : vector<4096x64xf32>
    %slice3A_958 = vector.extract_strided_slice %add3A_670 {offsets = [0, 768], sizes = [4096, 64], strides = [1, 1]} : vector<4096x1024xf32> to vector<4096x64xf32>
    %mul3A_959 = vector.broadcast %div3A_853 : vector<1x64xf32> to vector<4096x64xf32>
    %mul3A_960 = arith.mulf %slice3A_958, %mul3A_959 : vector<4096x64xf32>
    %add3A_961 = vector.broadcast %sub3A_861 : vector<1x64xf32> to vector<4096x64xf32>
    %add3A_962 = arith.addf %mul3A_960, %add3A_961 : vector<4096x64xf32>
    %max3A_963 = arith.constant 0.000000e+00 : f32
    %max3A_964 = vector.broadcast %max3A_963 : f32 to vector<4096x64xf32>
    %max3A_965 = arith.maximumf %add3A_962, %max3A_964 : vector<4096x64xf32>
    %slice3A_966 = vector.extract_strided_slice %add3A_670 {offsets = [0, 832], sizes = [4096, 64], strides = [1, 1]} : vector<4096x1024xf32> to vector<4096x64xf32>
    %mul3A_967 = vector.broadcast %div3A_853 : vector<1x64xf32> to vector<4096x64xf32>
    %mul3A_968 = arith.mulf %slice3A_966, %mul3A_967 : vector<4096x64xf32>
    %add3A_969 = vector.broadcast %sub3A_861 : vector<1x64xf32> to vector<4096x64xf32>
    %add3A_970 = arith.addf %mul3A_968, %add3A_969 : vector<4096x64xf32>
    %max3A_971 = arith.constant 0.000000e+00 : f32
    %max3A_972 = vector.broadcast %max3A_971 : f32 to vector<4096x64xf32>
    %max3A_973 = arith.maximumf %add3A_970, %max3A_972 : vector<4096x64xf32>
    %slice3A_974 = vector.extract_strided_slice %add3A_670 {offsets = [0, 896], sizes = [4096, 64], strides = [1, 1]} : vector<4096x1024xf32> to vector<4096x64xf32>
    %mul3A_975 = vector.broadcast %div3A_853 : vector<1x64xf32> to vector<4096x64xf32>
    %mul3A_976 = arith.mulf %slice3A_974, %mul3A_975 : vector<4096x64xf32>
    %add3A_977 = vector.broadcast %sub3A_861 : vector<1x64xf32> to vector<4096x64xf32>
    %add3A_978 = arith.addf %mul3A_976, %add3A_977 : vector<4096x64xf32>
    %max3A_979 = arith.constant 0.000000e+00 : f32
    %max3A_980 = vector.broadcast %max3A_979 : f32 to vector<4096x64xf32>
    %max3A_981 = arith.maximumf %add3A_978, %max3A_980 : vector<4096x64xf32>
    %slice3A_982 = vector.extract_strided_slice %add3A_670 {offsets = [0, 960], sizes = [4096, 64], strides = [1, 1]} : vector<4096x1024xf32> to vector<4096x64xf32>
    %mul3A_983 = vector.broadcast %div3A_853 : vector<1x64xf32> to vector<4096x64xf32>
    %mul3A_984 = arith.mulf %slice3A_982, %mul3A_983 : vector<4096x64xf32>
    %add3A_985 = vector.broadcast %sub3A_861 : vector<1x64xf32> to vector<4096x64xf32>
    %add3A_986 = arith.addf %mul3A_984, %add3A_985 : vector<4096x64xf32>
    %max3A_987 = arith.constant 0.000000e+00 : f32
    %max3A_988 = vector.broadcast %max3A_987 : f32 to vector<4096x64xf32>
    %max3A_989 = arith.maximumf %add3A_986, %max3A_988 : vector<4096x64xf32>
    %concatenate3A_990 = tpu.concatenate %max3A_869, %max3A_877, %max3A_885, %max3A_893, %max3A_901, %max3A_909, %max3A_917, %max3A_925, %max3A_933, %max3A_941, %max3A_949, %max3A_957, %max3A_965, %max3A_973, %max3A_981, %max3A_989 in 1 : vector<4096x64xf32>, vector<4096x64xf32>, vector<4096x64xf32>, vector<4096x64xf32>, vector<4096x64xf32>, vector<4096x64xf32>, vector<4096x64xf32>, vector<4096x64xf32>, vector<4096x64xf32>, vector<4096x64xf32>, vector<4096x64xf32>, vector<4096x64xf32>, vector<4096x64xf32>, vector<4096x64xf32>, vector<4096x64xf32>, vector<4096x64xf32> -> vector<4096x1024xf32>
    %slice3A_991 = vector.extract_strided_slice %concatenate3A_990 {offsets = [0, 0], sizes = [4096, 64], strides = [1, 1]} : vector<4096x1024xf32> to vector<4096x64xf32>
    %slice3A_992 = vector.extract_strided_slice %concatenate3A_990 {offsets = [0, 64], sizes = [4096, 64], strides = [1, 1]} : vector<4096x1024xf32> to vector<4096x64xf32>
    %max3A_993 = arith.maximumf %slice3A_991, %slice3A_992 : vector<4096x64xf32>
    %slice3A_994 = vector.extract_strided_slice %concatenate3A_990 {offsets = [0, 128], sizes = [4096, 64], strides = [1, 1]} : vector<4096x1024xf32> to vector<4096x64xf32>
    %max3A_995 = arith.maximumf %max3A_993, %slice3A_994 : vector<4096x64xf32>
    %slice3A_996 = vector.extract_strided_slice %concatenate3A_990 {offsets = [0, 192], sizes = [4096, 64], strides = [1, 1]} : vector<4096x1024xf32> to vector<4096x64xf32>
    %max3A_997 = arith.maximumf %max3A_995, %slice3A_996 : vector<4096x64xf32>
    %slice3A_998 = vector.extract_strided_slice %concatenate3A_990 {offsets = [0, 256], sizes = [4096, 64], strides = [1, 1]} : vector<4096x1024xf32> to vector<4096x64xf32>
    %max3A_999 = arith.maximumf %max3A_997, %slice3A_998 : vector<4096x64xf32>
    %slice3A_1000 = vector.extract_strided_slice %concatenate3A_990 {offsets = [0, 320], sizes = [4096, 64], strides = [1, 1]} : vector<4096x1024xf32> to vector<4096x64xf32>
    %max3A_1001 = arith.maximumf %max3A_999, %slice3A_1000 : vector<4096x64xf32>
    %slice3A_1002 = vector.extract_strided_slice %concatenate3A_990 {offsets = [0, 384], sizes = [4096, 64], strides = [1, 1]} : vector<4096x1024xf32> to vector<4096x64xf32>
    %max3A_1003 = arith.maximumf %max3A_1001, %slice3A_1002 : vector<4096x64xf32>
    %slice3A_1004 = vector.extract_strided_slice %concatenate3A_990 {offsets = [0, 448], sizes = [4096, 64], strides = [1, 1]} : vector<4096x1024xf32> to vector<4096x64xf32>
    %max3A_1005 = arith.maximumf %max3A_1003, %slice3A_1004 : vector<4096x64xf32>
    %slice3A_1006 = vector.extract_strided_slice %concatenate3A_990 {offsets = [0, 512], sizes = [4096, 64], strides = [1, 1]} : vector<4096x1024xf32> to vector<4096x64xf32>
    %max3A_1007 = arith.maximumf %max3A_1005, %slice3A_1006 : vector<4096x64xf32>
    %slice3A_1008 = vector.extract_strided_slice %concatenate3A_990 {offsets = [0, 576], sizes = [4096, 64], strides = [1, 1]} : vector<4096x1024xf32> to vector<4096x64xf32>
    %max3A_1009 = arith.maximumf %max3A_1007, %slice3A_1008 : vector<4096x64xf32>
    %slice3A_1010 = vector.extract_strided_slice %concatenate3A_990 {offsets = [0, 640], sizes = [4096, 64], strides = [1, 1]} : vector<4096x1024xf32> to vector<4096x64xf32>
    %max3A_1011 = arith.maximumf %max3A_1009, %slice3A_1010 : vector<4096x64xf32>
    %slice3A_1012 = vector.extract_strided_slice %concatenate3A_990 {offsets = [0, 704], sizes = [4096, 64], strides = [1, 1]} : vector<4096x1024xf32> to vector<4096x64xf32>
    %max3A_1013 = arith.maximumf %max3A_1011, %slice3A_1012 : vector<4096x64xf32>
    %slice3A_1014 = vector.extract_strided_slice %concatenate3A_990 {offsets = [0, 768], sizes = [4096, 64], strides = [1, 1]} : vector<4096x1024xf32> to vector<4096x64xf32>
    %max3A_1015 = arith.maximumf %max3A_1013, %slice3A_1014 : vector<4096x64xf32>
    %slice3A_1016 = vector.extract_strided_slice %concatenate3A_990 {offsets = [0, 832], sizes = [4096, 64], strides = [1, 1]} : vector<4096x1024xf32> to vector<4096x64xf32>
    %max3A_1017 = arith.maximumf %max3A_1015, %slice3A_1016 : vector<4096x64xf32>
    %slice3A_1018 = vector.extract_strided_slice %concatenate3A_990 {offsets = [0, 896], sizes = [4096, 64], strides = [1, 1]} : vector<4096x1024xf32> to vector<4096x64xf32>
    %max3A_1019 = arith.maximumf %max3A_1017, %slice3A_1018 : vector<4096x64xf32>
    %slice3A_1020 = vector.extract_strided_slice %concatenate3A_990 {offsets = [0, 960], sizes = [4096, 64], strides = [1, 1]} : vector<4096x1024xf32> to vector<4096x64xf32>
    %max3A_1021 = arith.maximumf %max3A_1019, %slice3A_1020 : vector<4096x64xf32>
    %swap3A = arith.constant 0 : index
    %swap3A_1022 = arith.constant 0 : index
    %swap3A_1023 = vector.load %arg8[%swap3A, %swap3A_1022] : memref<4096x64xf32, #tpu.memory_space<vmem>>, vector<4096x64xf32>
    tpu.vector_store %arg8[%swap3A, %swap3A_1022], %max3A_1021 {strides = array<i32>} : memref<4096x64xf32, #tpu.memory_space<vmem>>, vector<4096x64xf32>,
    return
  }
}

</mosaic_0001>

<sc_bundles>
// kernel: kernel.6.cloned.1.call-start
scs
__scs_entry_jumppad:
0x0: {  	(pc) =	sbr.rel $0x88, $3  }
0x1: {  	(tag) =	ssettag $0x0;
	lr =	simm.s32 $0x1  }
0x2: {  	[smem:$0x3F93] =	sst lr;
	_ =	strace $0xD0000000  }
0x3: {  	_ = 	snop  }
0x4: {  	_ = 	snop  }
0x5: {  	_ = 	snop  }
0x6: {  	_ = 	snop  }
0x7: {  	_ = 	snop  }
__scs_overlays_trampoline_lowered:
0x8: {  	[smem:$0x3FA2] =	sst s0  }
0x9: {  	[smem:$0x3FA3] =	sst s1  }
0xa: {  	[smem:$0x3FA4] =	sst s2  }
0xb: {  	[smem:$0x3FA5] =	sst s3  }
0xc: {  	[smem:$0x3FA6] =	sst s4  }
0xd: {  	[smem:$0x3FA7] =	sst s5  }
0xe: {  	[smem:$0x3FA8] =	sst s6  }
0xf: {  	[smem:$0x3FA9] =	sst s7  }
0x10: {  	[smem:$0x3FAA] =	sst s8  }
0x11: {  	[smem:$0x3FAB] =	sst s9;
	s0 =	simm.s32 @!p0 $0x0  }
0x12: {  	s1 =	sld [smem:$0x3F91];
	s0 =	simm.s32 @p0 $0x1  }
0x13: {  	[smem:$0x3FAC] =	sst s0;
	s0 =	simm.s32 @!p1 $0x0  }
0x14: {  	s2 =	sld [smem:$0x3F90];
	s0 =	simm.s32 @p1 $0x1  }
0x15: {  	[smem:$0x3FAD] =	sst s0;
	s0 =	simm.s32 @!p2 $0x0  }
0x16: {  	s3 =	sld [smem:$0x3FDB];
	s0 =	simm.s32 @p2 $0x1  }
0x17: {  	s4 =	simm.s32 $0x1BF5;
	[smem:$0x3FAF] =	sst s0  }
0x18: {  	s0 =	sld [smem:$0x3F92];
	_ =	swait.ge [sflag:s4], $0x0  }
0x19: {  	s7 =	sld [smem:$0x3F93]  }
0x1a: {  	s8 =	sadd.s32 $0xFFFFE003, lr  }
0x1b: {  	s9 =	sadd.s32 $0xFFFFFEF7, lr;
	s5 =	simm.s32 $0xFFFFFFFF;
	p2 =	slt.u32 s8, $0xFFFFF086  }
0x1c: {  	p1 =	slt.u32 s9, $0xF7A;
	s5 =	simm.s32 @!p2 $0x0  }
0x1d: {  	s5 =	simm.s32 @p1 $0x1;
	p0 =	seq.s32 s7, s2  }
0x1e: {  	s7 =	smul.u32 @!p0 $0xF7A, s2;
	p2 =	seq.s32 @!p0 s5, $0x0  }
0x1f: {  	s9 =	smul.u32 $0xF7A, s1;
	s8 =	simm.s32 @!p0 $0x1BF5;
	p2 =	por !p2, p0  }
0x20: {  	[sflag:s8] =	ssyncset.s32 @!p0 $0xFFFFF086;
	s6 =	sadd.s32 @!p0 s3, s7;
	s7 =	simm.s32 @!p0 $0x108  }
0x21: {  	s3 =	sadd.s32 s3, s9;
	s6 =	sadd.s32 @!p0 $0x88, s6;
	s7 =	simm.s32 @p2 $0x1082  }
0x22: {  	[simem:s7], [sflag:s8] =	dma.local @!p0 [hbm:s6], $0xF7A  }
0x23: {  	s9 =	sor.u32 $0xD0000000, s2;
	s6 =	simm.s32 $0x108;
	_ =	swait.ge @!p0 [sflag:s8], $0x0  }
0x24: {  	s3 =	sadd.s32 $0x88, s3;
	s6 =	simm.s32 @!p1 $0x1082;
	[sflag:s4] =	ssyncset.s32 $0xFFFFF086  }
0x25: {  	[simem:s6], [sflag:s4] =	dma.local [hbm:s3], $0xF7A  }
0x26: {  	[smem:$0x3F93] =	sst s1;
	(tag) =	ssettag s2;
	_ =	strace s9  }
0x27: {  	s1 =	sld [smem:$0x3FA3]  }
0x28: {  	s2 =	sld [smem:$0x3FA4]  }
0x29: {  	s4 =	sld [smem:$0x3FA6]  }
0x2a: {  	p0 =	seq.s32 s5, $0x0;
	s5 =	sld [smem:$0x3FA7]  }
0x2b: {  	s6 =	sld [smem:$0x3FA8]  }
0x2c: {  	s7 =	sld [smem:$0x3FA9]  }
0x2d: {  	s3 =	simm.s32 $0x108;
	s8 =	sld [smem:$0x3FAA]  }
0x2e: {  	s3 =	simm.s32 @!p0 $0x1082;
	s9 =	sld [smem:$0x3FAB]  }
0x2f: {  	lr =	sadd.s32 s0, s3;
	s0 =	sld [smem:$0x3FA2]  }
0x30: {  	s3 =	sld [smem:$0x3FA5]  }
0x31: {  	[smem:$0x3FAE] =	sst s10  }
0x32: {  	s10 =	sld [smem:$0x3FAC];
	_ =	sdelay $0x3  }
0x33: {  	p0 =	seq.s32 s10, $0x1;
	s10 =	sld [smem:$0x3FAE];
	_ =	sdelay $0x3  }
0x34: {  	[smem:$0x3FAE] =	sst s10  }
0x35: {  	s10 =	sld [smem:$0x3FAD];
	_ =	sdelay $0x3  }
0x36: {  	p1 =	seq.s32 s10, $0x1;
	s10 =	sld [smem:$0x3FAE];
	_ =	sdelay $0x3  }
0x37: {  	[smem:$0x3FAE] =	sst s10  }
0x38: {  	s10 =	sld [smem:$0x3FAF]  }
0x39: {  	_ = 	snop;
	(pc) =	sbr.ind lr, $3  }
0x3a: {  	_ = 	snop  }
0x3b: {  	_ = 	snop  }
0x3c: {  	p2 =	seq.s32 s10, $0x1;
	s10 =	sld [smem:$0x3FAE]  }
0x3d: {  	_ =	shalt  }
0x3e: {  	_ =	shalt  }
0x3f: {  	_ =	shalt  }
0x40: {  	_ =	shalt  }
0x41: {  	_ =	shalt  }
0x42: {  	_ =	shalt  }
0x43: {  	_ =	shalt  }
0x44: {  	_ =	shalt  }
0x45: {  	_ =	shalt  }
0x46: {  	_ =	shalt  }
0x47: {  	_ =	shalt  }
0x48: {  	_ =	shalt  }
0x49: {  	_ =	shalt  }
0x4a: {  	_ =	shalt  }
0x4b: {  	_ =	shalt  }
0x4c: {  	_ =	shalt  }
0x4d: {  	_ =	shalt  }
0x4e: {  	_ =	shalt  }
0x4f: {  	_ =	shalt  }
0x50: {  	_ =	shalt  }
0x51: {  	_ =	shalt  }
0x52: {  	_ =	shalt  }
0x53: {  	_ =	shalt  }
0x54: {  	_ =	shalt  }
0x55: {  	_ =	shalt  }
0x56: {  	_ =	shalt  }
0x57: {  	_ =	shalt  }
0x58: {  	_ =	shalt  }
0x59: {  	_ =	shalt  }
0x5a: {  	_ =	shalt  }
0x5b: {  	_ =	shalt  }
0x5c: {  	_ =	shalt  }
0x5d: {  	_ =	shalt  }
0x5e: {  	_ =	shalt  }
0x5f: {  	_ =	shalt  }
0x60: {  	_ =	shalt  }
0x61: {  	_ =	shalt  }
0x62: {  	_ =	shalt  }
0x63: {  	_ =	shalt  }
0x64: {  	_ =	shalt  }
0x65: {  	_ =	shalt  }
0x66: {  	_ =	shalt  }
0x67: {  	_ =	shalt  }
0x68: {  	_ =	shalt  }
0x69: {  	_ =	shalt  }
0x6a: {  	_ =	shalt  }
0x6b: {  	_ =	shalt  }
0x6c: {  	_ =	shalt  }
0x6d: {  	_ =	shalt  }
0x6e: {  	_ =	shalt  }
0x6f: {  	_ =	shalt  }
0x70: {  	_ =	shalt  }
0x71: {  	_ =	shalt  }
0x72: {  	_ =	shalt  }
0x73: {  	_ =	shalt  }
0x74: {  	_ =	shalt  }
0x75: {  	_ =	shalt  }
0x76: {  	_ =	shalt  }
0x77: {  	_ =	shalt  }
0x78: {  	_ =	shalt  }
0x79: {  	_ =	shalt  }
0x7a: {  	_ =	shalt  }
0x7b: {  	_ =	shalt  }
0x7c: {  	_ =	shalt  }
0x7d: {  	_ =	shalt  }
0x7e: {  	_ =	shalt  }
0x7f: {  	_ =	shalt  }
0x80: {  	_ =	shalt  }
0x81: {  	_ =	shalt  }
0x82: {  	_ =	shalt  }
0x83: {  	_ =	shalt  }
0x84: {  	_ =	shalt  }
0x85: {  	_ =	shalt  }
0x86: {  	_ =	shalt  }
0x87: {  	_ =	shalt  }
.Lfunc_end0:
.L_simem_size_0:
called_computation_lowered:
.L_overlay_start_0:
0x88: {  	s2 =	sld [smem:$0x3FD9]  }
0x89: {  	s3 =	sld [smem:$0x3FFE];
	_ =	sdelay $0x1  }
0x8a: {  	s1 =	srdreg.scid  }
0x8b: {  	s0 =	sand.u32 $0x1, s1  }
0x8c: {  	s14 =	sshll.u32 s0, $0xA;
	s2 =	sadd.s32 s3, s2  }
0x8d: {  	s2 =	sadd.s32 s2, s14  }
0x8e: {  	[smem:$0x3FBA] =	sst s2  }
0x8f: {  	_ = 	snop  }
0x90: {  	s2 =	sld [smem:$0x3FD0];
	_ =	sdelay $0x2  }
0x91: {  	s15 =	simm.s32 $0xA;
	s4 =	simm.s32 $0x10  }
0x92: {  	[smem:s4], [sflag:s15] =	dma.local [hbm:s2], $0x1  }
0x93: {  	_ =	swait.eq [sflag:s15], $0x1  }
0x94: {  	[sflag:s15] =	ssyncset.done $0x0  }
0x95: {  	[sflag:s15] =	ssyncadd.s32 $0xFFFFFFFF  }
0x96: {  	s16 =	sld [smem:$0x11];
	(tm) =	ssettm $0x1  }
0x97: {  	s17 =	sld [smem:$0x3FFB];
	_ =	sdelay $0x3  }
0x98: {  	_ =	strace s17  }
0x99: {  	s3 =	sld [smem:$0x3FFC];
	_ =	sdelay $0x3  }
0x9a: {  	_ =	strace s3  }
0x9b: {  	s3 =	sld [smem:$0x3FFD];
	_ =	sdelay $0x3  }
0x9c: {  	_ =	strace s3  }
0x9d: {  	_ =	strace $0x8FFFFFFF  }
0x9e: {  	s18 =	sld [smem:$0x3FDB];
	_ =	sdelay $0x1  }
0x9f: {  	s19 =	simm.s32 $_scs_section_size  }
0xa0: {  	s5 =	simm.s32 $_size__tile_overlayer_lowered;
	s6 =	simm.s32 $_tile_overlayer_lowered  }
0xa1: {  	s22 =	simm.s32 $0x1BFF;
	s21 =	sshll.u32 s6, $0x1;
	s3 =	sadd.s32 s19, s18  }
0xa2: {  	s7 =	simm.s32 $0x0;
	s20 =	sshll.u32 s5, $0x1;
	s5 =	sadd.s32 s21, s3  }
0xa3: {  	[timem:s7], [sflag:s22] =	dma.local [hbm:s5], s20  }
0xa4: {  	_ =	swait.ge [sflag:s22], s20  }
0xa5: {  	s4 =	ssub.s32 $0x0, s20;
	[sflag:s22] =	ssyncset.done $0x0  }
0xa6: {  	[sflag:s22] =	ssyncadd.s32 s4;
	_ =	sdelay $0x1  }
0xa7: {  	s23 =	simm.s32 $0x1B8B  }
0xa8: {  	_ =	swait.ge [sflag:s23], $0x1  }
0xa9: {  	[sflag:s23] =	ssyncset.done $0x0  }
0xaa: {  	s25 =	simm.s32 $0x1B8E;
	s24 =	sld [smem:$0x3FFE];
	[sflag:s23] =	ssyncadd.s32 $0xFFFFFFFF  }
0xab: {  	s26 =	simm.s32 $execute0_lowered;
	[smem:$0x3FD2] =	sst s25  }
0xac: {  	s5 =	sshll.u32 s26, $0x1;
	_ =	strace $0x80000046;
	[dreg:$0x1] =	wrdreg $0xFFFFFFFF  }
0xad: {  	s28 =	simm.s32 $_size_execute0_lowered;
	s3 =	sadd.s32 s3, s5;
	[dreg:$0x0] =	wrdreg $0x0  }
0xae: {  	s5 =	sshll.u32 s28, $0x1;
	[dreg:$0x2] =	wrdreg s3  }
0xaf: {  	[dreg:$0x3] =	wrdreg s5  }
0xb0: {  	[dreg:$0x4] =	wrdreg $0xC0  }
0xb1: {  	_ =	task [dreg:s7], $0x5FFFF  }
0xb2: {  	[dreg:$0x1] =	wrdreg $0xFFFFFFFF  }
0xb3: {  	[dreg:$0x0] =	wrdreg $0x60  }
0xb4: {  	[dreg:$0x2] =	wrdreg s16  }
0xb5: {  	[dreg:$0x3] =	wrdreg s24  }
0xb6: {  	[dreg:$0x4] =	wrdreg $0x9  }
0xb7: {  	_ =	task.clear_ibuf [dreg:s7], $0x5FFFF;
	_ =	strace $0x90000046  }
0xb8: {  	s29 =	simm.s32 $0x9;
	_ =	strace $0x80000048  }
0xb9: {  	_ =	swait.ge [sflag:s29], $0x1  }
0xba: {  	[sflag:s29] =	ssyncadd.s32 $0xFFFFFFFF  }
0xbb: {  	_ =	strace $0x90000048  }
0xbc: {  	_ =	sfence  }
0xbd: {  	s30 =	sld [smem:$0x0];
	_ =	sdelay $0x2  }
0xbe: {  	s31 =	sshll.u32 s1, $0xD;
	s1 =	sshrl.u32 s1, $0x2  }
0xbf: {  	s3 =	sand.u32 $0x4000, s31;
	s1 =	sadd.s32 s1, s30  }
0xc0: {  	s0 =	sor.u32 s3, s0;
	s1 =	sshll.u32 s1, $0x11  }
0xc1: {  	s0 =	sor.u32 s1, s0  }
0xc2: {  	s0 =	sadd.s32 $0x8F2B, s0  }
0xc3: {  	[sflag:s0] =	ssyncadd.remote.s32 $0x1  }
0xc4: {  	_ =	sfence.sel $0xFFFF  }
0xc5: {  	[dreg:$0x0] =	wrdreg $0xFFFFFFFF;
	(pc) =	sbr.abs _section_cstart, $3  }
0xc6: {  	[dreg:$0x1] =	wrdreg $0xFFFFFFFF  }
0xc7: {  	_ =	task.clear_ibuf [dreg:s7], $0x2FFFF;
	_ =	strace $0x9FFFFFFF  }
0xc8: {  	(tm) =	ssettm $0x7FFFFFFF  }
0xc9: {  	_ =	shalt  }
tec
execute0_lowered:
.L_overlay_start_1:
0x0: {  	(tag) =	ssettag $0x1  }
0x1: {  	s1 =	srdreg.scid  }
0x2: {  	s0 =	stileid.u32;
	s2 =	rddreg [dreg:$0x0]  }
0x3: {  	s4 =	rddreg [dreg:$0x1];
	s20 =	simm.s32 $0xC00;
	s21 =	simm.s32 $0x100  }
0x4: {  	s23 =	simm.s32 $0x1000;
	s24 =	simm.s32 $0x180;
	s25 =	simm.s32 $0x1400  }
0x5: {  	s26 =	simm.s32 $0x200;
	s7 =	simm.s32 $0x800;
	s11 =	simm.s32 $0x300  }
0x6: {  	s12 =	simm.s32 $0x2000;
	s13 =	simm.s32 $0x380;
	s14 =	simm.s32 $0x2400  }
0x7: {  	s15 =	simm.s32 $0x400;
	s16 =	simm.s32 $0x2800;
	s17 =	simm.s32 $0x480  }
0x8: {  	s28 =	simm.s32 $0x700;
	s1 =	sand.u32 $0x1, s1;
	s3 =	sshll.u32 s0, $0x1  }
0x9: {  	s29 =	simm.s32 $0x4000;
	s5 =	sor.u32 s1, s3;
	s3 =	simm.s32 $0x0  }
0xa: {  	s31 =	simm.s32 $0x4400;
	s22 =	sshll.u32 s0, $0xB;
	[smem:$0x7FF] =	sst s3  }
0xb: {  	s1 =	ssub.s32 $0x2, s1;
	_ =	strace $0x80000047;
	[dreg:$0x5] =	wrdreg s20  }
0xc: {  	s30 =	sand.u32 $0x6000, s22;
	s22 =	simm.s32 $0x3400;
	[dreg:$0x6] =	wrdreg s21  }
0xd: {  	s6 =	sshll.u32 s5, $0x8;
	s5 =	sshll.u32 s5, $0xB;
	[dreg:$0x7] =	wrdreg s23  }
0xe: {  	s19 =	sshrl.u32 s1, $0x1;
	v0 =	vmov s30;
	s30 =	simm.s32 $0x780;
	[dreg:$0x8] =	wrdreg s24  }
0xf: {  	s6 =	sadd.s32 s6, s4;
	s4 =	sadd.s32 s5, s4;
	[dreg:$0x9] =	wrdreg s25  }
0x10: {  	s1 =	ssub.s32 s1, s19;
	s5 =	simm.s32 $0x2;
	[dreg:$0xa] =	wrdreg s26  }
0x11: {  	s19 =	simm.s32 $0x500;
	s20 =	simm.s32 $0x3000;
	s21 =	simm.s32 $0x580  }
0x12: {  	s23 =	simm.s32 $0x600;
	s24 =	simm.s32 $0x3800;
	s18 =	sadd.s32 $0x2400, s6  }
0x13: {  	s25 =	simm.s32 $0x680;
	s4 =	sadd.s32 $0x4400, s4;
	[dreg:$0x3] =	wrdreg s18  }
0x14: {  	s26 =	simm.s32 $0x3C00;
	s6 =	simm.s32 $0x80;
	[dreg:$0x4] =	wrdreg s4  }
0x15: {  	s4 =	smax.u32 s1, $0x1;
	s18 =	simm.s32 $0x2C00;
	s1 =	simm.s32 $0x1  }
.LBB2_1:
0x16: {  	s0 =	rddreg [dreg:$0x3]  }
0x17: {  	[tilespmem:s3], [sflag:$0x2] =	stream.linear.gather [hbm4b:s0+s3], $0x800, $0x38;
	[tilespmem:$0x4800] =	vst v63  }
0x18: {  	_ =	swait.ge [sflag:s5], $0x800  }
0x19: {  	[sflag:s5] =	ssyncset.done $0x0  }
0x1a: {  	[sflag:s5] =	ssyncadd.s32 $0xFFFFF800  }
0x1b: {  	v1 =	vld [tilespmem:$0x0]  }
0x1c: {  	v2 =	vld [tilespmem:$0x10]  }
0x1d: {  	v3 =	vld [tilespmem:$0x20]  }
0x1e: {  	v4 =	vld [tilespmem:$0x30]  }
0x1f: {  	v5 =	vld [tilespmem:$0x40]  }
0x20: {  	v6 =	vld [tilespmem:$0x50];
	v1 =	vadd.s32 v0, v1  }
0x21: {  	[tilespmem:$0x0] =	vst v1;
	v1 =	vadd.s32 v0, v2;
	v2 =	vld [tilespmem:$0x60]  }
0x22: {  	[tilespmem:$0x10] =	vst v1;
	v1 =	vadd.s32 v0, v3;
	v3 =	vld [tilespmem:$0x70]  }
0x23: {  	v47 =	vld [tilespmem:$0x80];
	[tilespmem:$0x20] =	vst v1;
	v1 =	vadd.s32 v0, v4  }
0x24: {  	v48 =	vld [tilespmem:$0x90];
	[tilespmem:$0x30] =	vst v1;
	v1 =	vadd.s32 v0, v5  }
0x25: {  	v49 =	vld [tilespmem:$0xA0];
	[tilespmem:$0x40] =	vst v1;
	v1 =	vadd.s32 v0, v6  }
0x26: {  	[tilespmem:$0x50] =	vst v1;
	v1 =	vadd.s32 v0, v2;
	v2 =	vld [tilespmem:$0xB0]  }
0x27: {  	[tilespmem:$0x60] =	vst v1;
	v1 =	vadd.s32 v0, v3;
	v3 =	vld [tilespmem:$0xC0]  }
0x28: {  	v50 =	vld [tilespmem:$0xD0];
	[tilespmem:$0x70] =	vst v1;
	v1 =	vadd.s32 v0, v47  }
0x29: {  	v51 =	vld [tilespmem:$0xE0];
	[tilespmem:$0x80] =	vst v1;
	v1 =	vadd.s32 v0, v48  }
0x2a: {  	v52 =	vld [tilespmem:$0xF0];
	[tilespmem:$0x90] =	vst v1;
	v1 =	vadd.s32 v0, v49  }
0x2b: {  	[tilespmem:$0xA0] =	vst v1;
	v1 =	vadd.s32 v0, v2;
	v2 =	vld [tilespmem:$0x100]  }
0x2c: {  	[tilespmem:$0xB0] =	vst v1;
	v1 =	vadd.s32 v0, v3;
	v3 =	vld [tilespmem:$0x110]  }
0x2d: {  	v53 =	vld [tilespmem:$0x120];
	[tilespmem:$0xC0] =	vst v1;
	v1 =	vadd.s32 v0, v50  }
0x2e: {  	v54 =	vld [tilespmem:$0x130];
	[tilespmem:$0xD0] =	vst v1;
	v1 =	vadd.s32 v0, v51  }
0x2f: {  	v55 =	vld [tilespmem:$0x140];
	[tilespmem:$0xE0] =	vst v1;
	v1 =	vadd.s32 v0, v52  }
0x30: {  	[tilespmem:$0xF0] =	vst v1;
	v1 =	vadd.s32 v0, v2;
	v2 =	vld [tilespmem:$0x150]  }
0x31: {  	[tilespmem:$0x100] =	vst v1;
	v1 =	vadd.s32 v0, v3;
	v3 =	vld [tilespmem:$0x160]  }
0x32: {  	v56 =	vld [tilespmem:$0x170];
	[tilespmem:$0x110] =	vst v1;
	v1 =	vadd.s32 v0, v53  }
0x33: {  	v57 =	vld [tilespmem:$0x180];
	[tilespmem:$0x120] =	vst v1;
	v1 =	vadd.s32 v0, v54  }
0x34: {  	v58 =	vld [tilespmem:$0x190];
	[tilespmem:$0x130] =	vst v1;
	v1 =	vadd.s32 v0, v55  }
0x35: {  	[tilespmem:$0x140] =	vst v1;
	v1 =	vadd.s32 v0, v2;
	v2 =	vld [tilespmem:$0x1A0]  }
0x36: {  	[tilespmem:$0x150] =	vst v1;
	v1 =	vadd.s32 v0, v3;
	v3 =	vld [tilespmem:$0x1B0]  }
0x37: {  	v59 =	vld [tilespmem:$0x1C0];
	[tilespmem:$0x160] =	vst v1;
	v1 =	vadd.s32 v0, v56  }
0x38: {  	v60 =	vld [tilespmem:$0x1D0];
	[tilespmem:$0x170] =	vst v1;
	v1 =	vadd.s32 v0, v57  }
0x39: {  	v61 =	vld [tilespmem:$0x1E0];
	[tilespmem:$0x180] =	vst v1;
	v1 =	vadd.s32 v0, v58  }
0x3a: {  	[tilespmem:$0x190] =	vst v1;
	v1 =	vadd.s32 v0, v2;
	v2 =	vld [tilespmem:$0x1F0]  }
0x3b: {  	[tilespmem:$0x1A0] =	vst v1;
	v1 =	vadd.s32 v0, v3;
	v3 =	vld [tilespmem:$0x200]  }
0x3c: {  	v62 =	vld [tilespmem:$0x210];
	[tilespmem:$0x1B0] =	vst v1;
	v1 =	vadd.s32 v0, v59  }
0x3d: {  	v63 =	vld [tilespmem:$0x220];
	[tilespmem:$0x1C0] =	vst v1;
	v1 =	vadd.s32 v0, v60  }
0x3e: {  	v9 =	vld [tilespmem:$0x230];
	[tilespmem:$0x1D0] =	vst v1;
	v1 =	vadd.s32 v0, v61  }
0x3f: {  	[tilespmem:$0x1E0] =	vst v1;
	v1 =	vadd.s32 v0, v2;
	v2 =	vld [tilespmem:$0x240]  }
0x40: {  	[tilespmem:$0x1F0] =	vst v1;
	v1 =	vadd.s32 v0, v3;
	v3 =	vld [tilespmem:$0x250]  }
0x41: {  	v10 =	vld [tilespmem:$0x260];
	[tilespmem:$0x200] =	vst v1;
	v1 =	vadd.s32 v0, v62  }
0x42: {  	v11 =	vld [tilespmem:$0x270];
	[tilespmem:$0x210] =	vst v1;
	v1 =	vadd.s32 v0, v63  }
0x43: {  	v12 =	vld [tilespmem:$0x280];
	[tilespmem:$0x220] =	vst v1;
	v1 =	vadd.s32 v0, v9  }
0x44: {  	[tilespmem:$0x230] =	vst v1;
	v1 =	vadd.s32 v0, v2;
	v2 =	vld [tilespmem:$0x290]  }
0x45: {  	[tilespmem:$0x240] =	vst v1;
	v1 =	vadd.s32 v0, v3;
	v3 =	vld [tilespmem:$0x2A0]  }
0x46: {  	v13 =	vld [tilespmem:$0x2B0];
	[tilespmem:$0x250] =	vst v1;
	v1 =	vadd.s32 v0, v10  }
0x47: {  	v14 =	vld [tilespmem:$0x2C0];
	[tilespmem:$0x260] =	vst v1;
	v1 =	vadd.s32 v0, v11  }
0x48: {  	v15 =	vld [tilespmem:$0x2D0];
	[tilespmem:$0x270] =	vst v1;
	v1 =	vadd.s32 v0, v12  }
0x49: {  	[tilespmem:$0x280] =	vst v1;
	v1 =	vadd.s32 v0, v2;
	v2 =	vld [tilespmem:$0x2E0]  }
0x4a: {  	[tilespmem:$0x290] =	vst v1;
	v1 =	vadd.s32 v0, v3;
	v3 =	vld [tilespmem:$0x2F0]  }
0x4b: {  	v16 =	vld [tilespmem:$0x300];
	[tilespmem:$0x2A0] =	vst v1;
	v1 =	vadd.s32 v0, v13  }
0x4c: {  	v17 =	vld [tilespmem:$0x310];
	[tilespmem:$0x2B0] =	vst v1;
	v1 =	vadd.s32 v0, v14  }
0x4d: {  	v18 =	vld [tilespmem:$0x320];
	[tilespmem:$0x2C0] =	vst v1;
	v1 =	vadd.s32 v0, v15  }
0x4e: {  	[tilespmem:$0x2D0] =	vst v1;
	v1 =	vadd.s32 v0, v2;
	v2 =	vld [tilespmem:$0x330]  }
0x4f: {  	[tilespmem:$0x2E0] =	vst v1;
	v1 =	vadd.s32 v0, v3;
	v3 =	vld [tilespmem:$0x340]  }
0x50: {  	v19 =	vld [tilespmem:$0x350];
	[tilespmem:$0x2F0] =	vst v1;
	v1 =	vadd.s32 v0, v16  }
0x51: {  	v20 =	vld [tilespmem:$0x360];
	[tilespmem:$0x300] =	vst v1;
	v1 =	vadd.s32 v0, v17  }
0x52: {  	v21 =	vld [tilespmem:$0x370];
	[tilespmem:$0x310] =	vst v1;
	v1 =	vadd.s32 v0, v18  }
0x53: {  	[tilespmem:$0x320] =	vst v1;
	v1 =	vadd.s32 v0, v2;
	v2 =	vld [tilespmem:$0x380]  }
0x54: {  	[tilespmem:$0x330] =	vst v1;
	v1 =	vadd.s32 v0, v3;
	v3 =	vld [tilespmem:$0x390]  }
0x55: {  	v22 =	vld [tilespmem:$0x3A0];
	[tilespmem:$0x340] =	vst v1;
	v1 =	vadd.s32 v0, v19  }
0x56: {  	v23 =	vld [tilespmem:$0x3B0];
	[tilespmem:$0x350] =	vst v1;
	v1 =	vadd.s32 v0, v20  }
0x57: {  	v24 =	vld [tilespmem:$0x3C0];
	[tilespmem:$0x360] =	vst v1;
	v1 =	vadd.s32 v0, v21  }
0x58: {  	[tilespmem:$0x370] =	vst v1;
	v1 =	vadd.s32 v0, v2;
	v2 =	vld [tilespmem:$0x3D0]  }
0x59: {  	[tilespmem:$0x380] =	vst v1;
	v1 =	vadd.s32 v0, v3;
	v3 =	vld [tilespmem:$0x3E0]  }
0x5a: {  	v25 =	vld [tilespmem:$0x3F0];
	[tilespmem:$0x390] =	vst v1;
	v1 =	vadd.s32 v0, v22  }
0x5b: {  	v26 =	vld [tilespmem:$0x400];
	[tilespmem:$0x3A0] =	vst v1;
	v1 =	vadd.s32 v0, v23  }
0x5c: {  	v27 =	vld [tilespmem:$0x410];
	[tilespmem:$0x3B0] =	vst v1;
	v1 =	vadd.s32 v0, v24  }
0x5d: {  	[tilespmem:$0x3C0] =	vst v1;
	v1 =	vadd.s32 v0, v2;
	v2 =	vld [tilespmem:$0x420]  }
0x5e: {  	[tilespmem:$0x3D0] =	vst v1;
	v1 =	vadd.s32 v0, v3;
	v3 =	vld [tilespmem:$0x430]  }
0x5f: {  	v28 =	vld [tilespmem:$0x440];
	[tilespmem:$0x3E0] =	vst v1;
	v1 =	vadd.s32 v0, v25  }
0x60: {  	v29 =	vld [tilespmem:$0x450];
	[tilespmem:$0x3F0] =	vst v1;
	v1 =	vadd.s32 v0, v26  }
0x61: {  	v30 =	vld [tilespmem:$0x460];
	[tilespmem:$0x400] =	vst v1;
	v1 =	vadd.s32 v0, v27  }
0x62: {  	[tilespmem:$0x410] =	vst v1;
	v1 =	vadd.s32 v0, v2;
	v2 =	vld [tilespmem:$0x470]  }
0x63: {  	[tilespmem:$0x420] =	vst v1;
	v1 =	vadd.s32 v0, v3;
	v3 =	vld [tilespmem:$0x480]  }
0x64: {  	v31 =	vld [tilespmem:$0x490];
	[tilespmem:$0x430] =	vst v1;
	v1 =	vadd.s32 v0, v28  }
0x65: {  	v32 =	vld [tilespmem:$0x4A0];
	[tilespmem:$0x440] =	vst v1;
	v1 =	vadd.s32 v0, v29  }
0x66: {  	v33 =	vld [tilespmem:$0x4B0];
	[tilespmem:$0x450] =	vst v1;
	v1 =	vadd.s32 v0, v30  }
0x67: {  	[tilespmem:$0x460] =	vst v1;
	v1 =	vadd.s32 v0, v2;
	v2 =	vld [tilespmem:$0x4C0]  }
0x68: {  	[tilespmem:$0x470] =	vst v1;
	v1 =	vadd.s32 v0, v3;
	v3 =	vld [tilespmem:$0x4D0]  }
0x69: {  	v34 =	vld [tilespmem:$0x4E0];
	[tilespmem:$0x480] =	vst v1;
	v1 =	vadd.s32 v0, v31  }
0x6a: {  	v35 =	vld [tilespmem:$0x4F0];
	[tilespmem:$0x490] =	vst v1;
	v1 =	vadd.s32 v0, v32  }
0x6b: {  	v36 =	vld [tilespmem:$0x500];
	[tilespmem:$0x4A0] =	vst v1;
	v1 =	vadd.s32 v0, v33  }
0x6c: {  	[tilespmem:$0x4B0] =	vst v1;
	v1 =	vadd.s32 v0, v2;
	v2 =	vld [tilespmem:$0x510]  }
0x6d: {  	[tilespmem:$0x4C0] =	vst v1;
	v1 =	vadd.s32 v0, v3;
	v3 =	vld [tilespmem:$0x520]  }
0x6e: {  	v37 =	vld [tilespmem:$0x530];
	[tilespmem:$0x4D0] =	vst v1;
	v1 =	vadd.s32 v0, v34  }
0x6f: {  	v38 =	vld [tilespmem:$0x540];
	[tilespmem:$0x4E0] =	vst v1;
	v1 =	vadd.s32 v0, v35  }
0x70: {  	v39 =	vld [tilespmem:$0x550];
	[tilespmem:$0x4F0] =	vst v1;
	v1 =	vadd.s32 v0, v36  }
0x71: {  	[tilespmem:$0x500] =	vst v1;
	v1 =	vadd.s32 v0, v2;
	v2 =	vld [tilespmem:$0x560]  }
0x72: {  	[tilespmem:$0x510] =	vst v1;
	v1 =	vadd.s32 v0, v3;
	v3 =	vld [tilespmem:$0x570]  }
0x73: {  	v40 =	vld [tilespmem:$0x580];
	[tilespmem:$0x520] =	vst v1;
	v1 =	vadd.s32 v0, v37  }
0x74: {  	v41 =	vld [tilespmem:$0x590];
	[tilespmem:$0x530] =	vst v1;
	v1 =	vadd.s32 v0, v38  }
0x75: {  	v42 =	vld [tilespmem:$0x5A0];
	[tilespmem:$0x540] =	vst v1;
	v1 =	vadd.s32 v0, v39  }
0x76: {  	[tilespmem:$0x550] =	vst v1;
	v1 =	vadd.s32 v0, v2;
	v2 =	vld [tilespmem:$0x5B0]  }
0x77: {  	[tilespmem:$0x560] =	vst v1;
	v1 =	vadd.s32 v0, v3;
	v3 =	vld [tilespmem:$0x5C0]  }
0x78: {  	v43 =	vld [tilespmem:$0x5D0];
	[tilespmem:$0x570] =	vst v1;
	v1 =	vadd.s32 v0, v40  }
0x79: {  	v44 =	vld [tilespmem:$0x5E0];
	[tilespmem:$0x580] =	vst v1;
	v1 =	vadd.s32 v0, v41  }
0x7a: {  	v45 =	vld [tilespmem:$0x5F0];
	[tilespmem:$0x590] =	vst v1;
	v1 =	vadd.s32 v0, v42  }
0x7b: {  	[tilespmem:$0x5A0] =	vst v1;
	v1 =	vadd.s32 v0, v2;
	v2 =	vld [tilespmem:$0x600]  }
0x7c: {  	[tilespmem:$0x5B0] =	vst v1;
	v1 =	vadd.s32 v0, v3;
	v3 =	vld [tilespmem:$0x610]  }
0x7d: {  	v46 =	vld [tilespmem:$0x620];
	[tilespmem:$0x5C0] =	vst v1;
	v1 =	vadd.s32 v0, v43  }
0x7e: {  	v47 =	vld [tilespmem:$0x630];
	[tilespmem:$0x5D0] =	vst v1;
	v1 =	vadd.s32 v0, v44  }
0x7f: {  	v48 =	vld [tilespmem:$0x640];
	[tilespmem:$0x5E0] =	vst v1;
	v1 =	vadd.s32 v0, v45  }
0x80: {  	[tilespmem:$0x5F0] =	vst v1;
	v1 =	vadd.s32 v0, v2;
	v2 =	vld [tilespmem:$0x650]  }
0x81: {  	[tilespmem:$0x600] =	vst v1;
	v1 =	vadd.s32 v0, v3;
	v3 =	vld [tilespmem:$0x660]  }
0x82: {  	v49 =	vld [tilespmem:$0x670];
	[tilespmem:$0x610] =	vst v1;
	v1 =	vadd.s32 v0, v46  }
0x83: {  	v50 =	vld [tilespmem:$0x680];
	[tilespmem:$0x620] =	vst v1;
	v1 =	vadd.s32 v0, v47  }
0x84: {  	v51 =	vld [tilespmem:$0x690];
	[tilespmem:$0x630] =	vst v1;
	v1 =	vadd.s32 v0, v48  }
0x85: {  	[tilespmem:$0x640] =	vst v1;
	v1 =	vadd.s32 v0, v2;
	v2 =	vld [tilespmem:$0x6A0]  }
0x86: {  	[tilespmem:$0x650] =	vst v1;
	v1 =	vadd.s32 v0, v3;
	v3 =	vld [tilespmem:$0x6B0]  }
0x87: {  	v52 =	vld [tilespmem:$0x6C0];
	[tilespmem:$0x660] =	vst v1;
	v1 =	vadd.s32 v0, v49  }
0x88: {  	v53 =	vld [tilespmem:$0x6D0];
	[tilespmem:$0x670] =	vst v1;
	v1 =	vadd.s32 v0, v50  }
0x89: {  	v54 =	vld [tilespmem:$0x6E0];
	[tilespmem:$0x680] =	vst v1;
	v1 =	vadd.s32 v0, v51  }
0x8a: {  	[tilespmem:$0x690] =	vst v1;
	v1 =	vadd.s32 v0, v2;
	v2 =	vld [tilespmem:$0x6F0]  }
0x8b: {  	[tilespmem:$0x6A0] =	vst v1;
	v1 =	vadd.s32 v0, v3;
	v3 =	vld [tilespmem:$0x700]  }
0x8c: {  	v55 =	vld [tilespmem:$0x710];
	[tilespmem:$0x6B0] =	vst v1;
	v1 =	vadd.s32 v0, v52  }
0x8d: {  	v56 =	vld [tilespmem:$0x720];
	[tilespmem:$0x6C0] =	vst v1;
	v1 =	vadd.s32 v0, v53  }
0x8e: {  	v57 =	vld [tilespmem:$0x730];
	[tilespmem:$0x6D0] =	vst v1;
	v1 =	vadd.s32 v0, v54  }
0x8f: {  	[tilespmem:$0x6E0] =	vst v1;
	v1 =	vadd.s32 v0, v2;
	v2 =	vld [tilespmem:$0x740]  }
0x90: {  	[tilespmem:$0x6F0] =	vst v1;
	v1 =	vadd.s32 v0, v3;
	v3 =	vld [tilespmem:$0x750]  }
0x91: {  	v58 =	vld [tilespmem:$0x760];
	[tilespmem:$0x700] =	vst v1;
	v1 =	vadd.s32 v0, v55  }
0x92: {  	v59 =	vld [tilespmem:$0x770];
	[tilespmem:$0x710] =	vst v1;
	v1 =	vadd.s32 v0, v56  }
0x93: {  	v60 =	vld [tilespmem:$0x780];
	[tilespmem:$0x720] =	vst v1;
	v1 =	vadd.s32 v0, v57  }
0x94: {  	[tilespmem:$0x730] =	vst v1;
	v1 =	vadd.s32 v0, v2;
	v2 =	vld [tilespmem:$0x790]  }
0x95: {  	[tilespmem:$0x740] =	vst v1;
	v1 =	vadd.s32 v0, v3;
	v3 =	vld [tilespmem:$0x7A0]  }
0x96: {  	v61 =	vld [tilespmem:$0x7B0];
	[tilespmem:$0x750] =	vst v1;
	v1 =	vadd.s32 v0, v58  }
0x97: {  	v62 =	vld [tilespmem:$0x7C0];
	[tilespmem:$0x760] =	vst v1;
	v1 =	vadd.s32 v0, v59  }
0x98: {  	v63 =	vld [tilespmem:$0x7D0];
	[tilespmem:$0x770] =	vst v1;
	v1 =	vadd.s32 v0, v60  }
0x99: {  	[tilespmem:$0x780] =	vst v1;
	v1 =	vadd.s32 v0, v2;
	v2 =	vld [tilespmem:$0x7E0]  }
0x9a: {  	[tilespmem:$0x790] =	vst v1;
	v1 =	vadd.s32 v0, v3;
	v3 =	vld [tilespmem:$0x7F0]  }
0x9b: {  	[tilespmem:$0x7A0] =	vst v1;
	v1 =	vadd.s32 v0, v61  }
0x9c: {  	[tilespmem:$0x7B0] =	vst v1;
	v1 =	vadd.s32 v0, v62  }
0x9d: {  	[tilespmem:$0x7C0] =	vst v1;
	v1 =	vadd.s32 v0, v63  }
0x9e: {  	[tilespmem:$0x7D0] =	vst v1;
	v1 =	vadd.s32 v0, v2  }
0x9f: {  	s10 =	rddreg [dreg:$0x5];
	[tilespmem:$0x7E0] =	vst v1;
	v1 =	vadd.s32 v0, v3  }
0xa0: {  	s0 =	rddreg [dreg:$0x6];
	[tilespmem:$0x7F0] =	vst v1  }
0xa1: {  	[tilespmem:s7], [sflag:$0x1] =	stream.indirect.gather [hbm4b:s2+s6], $0x8, s3, s6, $0xb8;
	[tilespmem:$0x4800] =	vst v63  }
0xa2: {  	s8 =	rddreg [dreg:$0x7]  }
0xa3: {  	[tilespmem:s10], [sflag:$0x1] =	stream.indirect.gather [hbm4b:s2+s6], $0x8, s6, s6, $0xb8;
	[tilespmem:$0x4800] =	vst v63  }
0xa4: {  	s9 =	rddreg [dreg:$0x8]  }
0xa5: {  	[tilespmem:s8], [sflag:$0x1] =	stream.indirect.gather [hbm4b:s2+s6], $0x8, s0, s6, $0xb8;
	[tilespmem:$0x4800] =	vst v63  }
0xa6: {  	s10 =	rddreg [dreg:$0x9]  }
0xa7: {  	[tilespmem:s10], [sflag:$0x1] =	stream.indirect.gather [hbm4b:s2+s6], $0x8, s9, s6, $0xb8;
	[tilespmem:$0x4800] =	vst v63  }
0xa8: {  	s8 =	rddreg [dreg:$0xa];
	s10 =	simm.s32 $0x1800  }
0xa9: {  	[tilespmem:s10], [sflag:$0x1] =	stream.indirect.gather [hbm4b:s2+s6], $0x8, s8, s6, $0xb8;
	[tilespmem:$0x4800] =	vst v63  }
0xaa: {  	s9 =	simm.s32 $0x1C00;
	s8 =	simm.s32 $0x280  }
0xab: {  	[tilespmem:s9], [sflag:$0x1] =	stream.indirect.gather [hbm4b:s2+s6], $0x8, s8, s6, $0xb8;
	[tilespmem:$0x4800] =	vst v63  }
0xac: {  	_ = 	snop  }
0xad: {  	[tilespmem:s12], [sflag:$0x1] =	stream.indirect.gather [hbm4b:s2+s6], $0x8, s11, s6, $0xb8;
	[tilespmem:$0x4800] =	vst v63  }
0xae: {  	_ = 	snop  }
0xaf: {  	[tilespmem:s14], [sflag:$0x1] =	stream.indirect.gather [hbm4b:s2+s6], $0x8, s13, s6, $0xb8;
	[tilespmem:$0x4800] =	vst v63  }
0xb0: {  	_ = 	snop  }
0xb1: {  	[tilespmem:s16], [sflag:$0x1] =	stream.indirect.gather [hbm4b:s2+s6], $0x8, s15, s6, $0xb8;
	[tilespmem:$0x4800] =	vst v63  }
0xb2: {  	_ = 	snop  }
0xb3: {  	[tilespmem:s18], [sflag:$0x1] =	stream.indirect.gather [hbm4b:s2+s6], $0x8, s17, s6, $0xb8;
	[tilespmem:$0x4800] =	vst v63  }
0xb4: {  	_ = 	snop  }
0xb5: {  	[tilespmem:s20], [sflag:$0x1] =	stream.indirect.gather [hbm4b:s2+s6], $0x8, s19, s6, $0xb8;
	[tilespmem:$0x4800] =	vst v63  }
0xb6: {  	_ = 	snop  }
0xb7: {  	[tilespmem:s22], [sflag:$0x1] =	stream.indirect.gather [hbm4b:s2+s6], $0x8, s21, s6, $0xb8;
	[tilespmem:$0x4800] =	vst v63  }
0xb8: {  	_ = 	snop  }
0xb9: {  	[tilespmem:s24], [sflag:$0x1] =	stream.indirect.gather [hbm4b:s2+s6], $0x8, s23, s6, $0xb8;
	[tilespmem:$0x4800] =	vst v63  }
0xba: {  	_ = 	snop  }
0xbb: {  	[tilespmem:s26], [sflag:$0x1] =	stream.indirect.gather [hbm4b:s2+s6], $0x8, s25, s6, $0xb8;
	[tilespmem:$0x4800] =	vst v63  }
0xbc: {  	_ = 	snop  }
0xbd: {  	[tilespmem:s29], [sflag:$0x1] =	stream.indirect.gather [hbm4b:s2+s6], $0x8, s28, s6, $0xb8;
	[tilespmem:$0x4800] =	vst v63  }
0xbe: {  	_ = 	snop  }
0xbf: {  	[tilespmem:s31], [sflag:$0x1] =	stream.indirect.gather [hbm4b:s2+s6], $0x8, s30, s6, $0xb8;
	[tilespmem:$0x4800] =	vst v63  }
0xc0: {  	_ =	swait.ge [sflag:s1], $0x400  }
0xc1: {  	[sflag:s1] =	ssyncset.done $0x0  }
0xc2: {  	[sflag:s1] =	ssyncadd.s32 $0xFFFFFC00  }
0xc3: {  	_ =	swait.ge [sflag:s1], $0x400  }
0xc4: {  	[sflag:s1] =	ssyncset.done $0x0  }
0xc5: {  	[sflag:s1] =	ssyncadd.s32 $0xFFFFFC00  }
0xc6: {  	_ =	swait.ge [sflag:s1], $0x400  }
0xc7: {  	[sflag:s1] =	ssyncset.done $0x0  }
0xc8: {  	[sflag:s1] =	ssyncadd.s32 $0xFFFFFC00  }
0xc9: {  	_ =	swait.ge [sflag:s1], $0x400  }
0xca: {  	[sflag:s1] =	ssyncset.done $0x0  }
0xcb: {  	[sflag:s1] =	ssyncadd.s32 $0xFFFFFC00  }
0xcc: {  	_ =	swait.ge [sflag:s1], $0x400  }
0xcd: {  	[sflag:s1] =	ssyncset.done $0x0  }
0xce: {  	[sflag:s1] =	ssyncadd.s32 $0xFFFFFC00  }
0xcf: {  	_ =	swait.ge [sflag:s1], $0x400  }
0xd0: {  	[sflag:s1] =	ssyncset.done $0x0  }
0xd1: {  	[sflag:s1] =	ssyncadd.s32 $0xFFFFFC00  }
0xd2: {  	_ =	swait.ge [sflag:s1], $0x400  }
0xd3: {  	[sflag:s1] =	ssyncset.done $0x0  }
0xd4: {  	[sflag:s1] =	ssyncadd.s32 $0xFFFFFC00  }
0xd5: {  	_ =	swait.ge [sflag:s1], $0x400  }
0xd6: {  	[sflag:s1] =	ssyncset.done $0x0  }
0xd7: {  	[sflag:s1] =	ssyncadd.s32 $0xFFFFFC00  }
0xd8: {  	_ =	swait.ge [sflag:s1], $0x400  }
0xd9: {  	[sflag:s1] =	ssyncset.done $0x0  }
0xda: {  	[sflag:s1] =	ssyncadd.s32 $0xFFFFFC00  }
0xdb: {  	_ =	swait.ge [sflag:s1], $0x400  }
0xdc: {  	[sflag:s1] =	ssyncset.done $0x0  }
0xdd: {  	[sflag:s1] =	ssyncadd.s32 $0xFFFFFC00  }
0xde: {  	_ =	swait.ge [sflag:s1], $0x400  }
0xdf: {  	[sflag:s1] =	ssyncset.done $0x0  }
0xe0: {  	[sflag:s1] =	ssyncadd.s32 $0xFFFFFC00  }
0xe1: {  	_ =	swait.ge [sflag:s1], $0x400  }
0xe2: {  	[sflag:s1] =	ssyncset.done $0x0  }
0xe3: {  	[sflag:s1] =	ssyncadd.s32 $0xFFFFFC00  }
0xe4: {  	_ =	swait.ge [sflag:s1], $0x400  }
0xe5: {  	[sflag:s1] =	ssyncset.done $0x0  }
0xe6: {  	[sflag:s1] =	ssyncadd.s32 $0xFFFFFC00  }
0xe7: {  	_ =	swait.ge [sflag:s1], $0x400  }
0xe8: {  	[sflag:s1] =	ssyncset.done $0x0  }
0xe9: {  	[sflag:s1] =	ssyncadd.s32 $0xFFFFFC00  }
0xea: {  	_ =	swait.ge [sflag:s1], $0x400  }
0xeb: {  	[sflag:s1] =	ssyncset.done $0x0  }
0xec: {  	[sflag:s1] =	ssyncadd.s32 $0xFFFFFC00  }
0xed: {  	_ =	swait.ge [sflag:s1], $0x400  }
0xee: {  	p0 =	sne.s32 s4, $0x1;
	[sflag:s1] =	ssyncset.done $0x0  }
.Ltmp0:
0xef: {  	s10 =	rddreg [dreg:$0x4];
	[sflag:s1] =	ssyncadd.s32 $0xFFFFFC00;
	(pc) =	sbr.rel @p0 .LBB2_1-.Ltmp0, $4  }
0xf0: {  	[hbm4b:s10+s3] =	stream.linear.scatter [tilespmem:s7], [sflag:$0x2], $0x4000, $0x38;
	[tilespmem:$0x4800] =	vst v63  }
0xf1: {  	_ =	swait.ge [sflag:s5], $0x4000  }
0xf2: {  	[sflag:s5] =	ssyncset.done $0x0  }
0xf3: {  	s4 =	sadd.s32 $0xFFFFFFFF, s4;
	[sflag:s5] =	ssyncadd.s32 $0xFFFFC000  }
0xf4: {  	_ =	sfence.sel $0x180000  }
0xf5: {  	[bflag:$0x0] =	sbarrier.arrive $0xFFFF  }
0xf6: {  	_ =	strace $0x90000047  }
0xf7: {  	s0 =	stileid.u32;
	[bflag:$0x2] =	sbarrier.arrive $0xFFFF  }
0xf8: {  	p0 =	sne.s32 s0, $0x0;
	s0 =	rddreg [dreg:$0x2]  }
0xf9: {  	s0 =	sadd.s32 @!p0 $0x100000, s0  }
0xfa: {  	[sflag:s0] =	ssyncadd.tile.s32 @!p0 $0x1;
	_ =	shalt  }
.Lfunc_end2:
_tile_overlayer_lowered:
.L_overlay_start_2:
0xfb: {  	(tag) =	ssettag $0x2  }
0xfc: {  	s0 =	rddreg [dreg:$0x0];
	s2 =	stileid.u32  }
0xfd: {  	s1 =	rddreg [dreg:$0x1];
	p0 =	sne.s32 s2, $0x0  }
0xfe: {  	s3 =	rddreg [dreg:$0x2];
	[bflag:$0x3] =	sbarrier.arrive $0xFFFF;
	s2 =	simm.s32 @!p0 $0x1C02  }
0xff: {  	[timem:s3], [sflag:s2] =	dma.local @!p0 [hbm:s0], s1  }
0x100: {  	s0 =	simm.s32 @!p0 $0x2  }
0x101: {  	_ =	swait.ge @!p0 [sflag:s0], s1  }
0x102: {  	s1 =	ssub.s32 @!p0 $0x0, s1;
	[sflag:s0] =	ssyncset.done @!p0 $0x0  }
0x103: {  	[sflag:s0] =	ssyncadd.s32 @!p0 s1  }
0x104: {  	[bflag:$0x3] =	sbarrier.arrive $0xFFFF  }
0x105: {  	_ =	shalt  }

</sc_bundles>
